<compile_context>
chip_gen: v7x
topology: tpu7x:2x2x1
jax: 0.10.2.dev20260603
libtpu: 0.0.44.dev20260713+nightly
codegen_flags: <defaults>
</compile_context>

<pallas_src>
import functools

import jax
import jax.numpy as jnp
from jax import lax
from jax.experimental import pallas as pl
from jax.experimental.pallas import tpu as pltpu
from jax.experimental.pallas import tpu_sc as plsc

B, T, D = 4096, 200, 64
ROWS = B * T
NC, NS = 2, 16
NW = NC * NS
ROWS_PER_W = ROWS // NW
GATHER = 100
CHUNK = T
G_PER_CHUNK = CHUNK // GATHER
NCH = ROWS_PER_W // CHUNK
IDX_ROWS = ROWS // GATHER
IDX_PER_W = ROWS_PER_W // GATHER
NBUF = 4

_mesh = plsc.VectorSubcoreMesh(core_axis_name="c", subcore_axis_name="s")


@functools.partial(
    pl.kernel,
    out_type=jax.ShapeDtypeStruct((ROWS, D), jnp.float32),
    mesh=_mesh,
    scratch_types=[
        pltpu.VMEM((IDX_PER_W, GATHER), jnp.int32),
        pltpu.VMEM((NBUF, CHUNK, D), jnp.float32),
        pltpu.VMEM((T, D), jnp.float32),
        pltpu.SemaphoreType.DMA((NBUF,)),
        pltpu.SemaphoreType.DMA((NBUF,)),
    ],
    compiler_params=pltpu.CompilerParams(use_tc_tiling_on_sc=False),
)
def _sc_embed(idx_hbm, table_hbm, pos_hbm, out_hbm, idx_v, rows_v, pos_v,
              g_sem, w_sem):
    wid = lax.axis_index("s") * NC + lax.axis_index("c")
    pltpu.sync_copy(pos_hbm, pos_v)
    pltpu.sync_copy(idx_hbm.at[pl.ds(wid * IDX_PER_W, IDX_PER_W)], idx_v)
    out_base = wid * ROWS_PER_W

    def issue_gather(c, b):
        for j in range(G_PER_CHUNK):
            pltpu.async_copy(
                table_hbm.at[idx_v.at[c * G_PER_CHUNK + j]],
                rows_v.at[b, pl.ds(j * GATHER, GATHER)],
                g_sem.at[b],
            )

    def wait_gathers(b):
        pltpu.make_async_copy(
            out_hbm.at[pl.ds(0, CHUNK)], rows_v.at[b], g_sem.at[b]
        ).wait()

    def add_pos(b):
        @plsc.parallel_loop(0, T, 1, unroll=4)
        def _(r):
            for dd in range(D // 16):
                sl = pl.ds(dd * 16, 16)
                rows_v[b, r, sl] = rows_v[b, r, sl] + pos_v[r, sl]

    def issue_wb(c, b):
        pltpu.async_copy(
            rows_v.at[b], out_hbm.at[pl.ds(out_base + c * CHUNK, CHUNK)],
            w_sem.at[b],
        )

    def wait_wb(b):
        pltpu.make_async_copy(
            rows_v.at[b], out_hbm.at[pl.ds(0, CHUNK)], w_sem.at[b]
        ).wait()

    def finish(c, b):
        wait_gathers(b)
        add_pos(b)
        issue_wb(c, b)

    for c in range(NBUF - 1):
        issue_gather(c, c)
    finish(0, 0)
    issue_gather(NBUF - 1, NBUF - 1)
    for c in range(1, NBUF):
        finish(c, c % NBUF)
        wait_wb((c - 1) % NBUF)
        issue_gather(c + NBUF - 1, (c - 1) % NBUF)

    def outer(i, carry):
        for b2 in range(NBUF):
            c = i * NBUF + b2
            finish(c, b2)
            wait_wb((b2 + NBUF - 1) % NBUF)
            issue_gather(c + NBUF - 1, (b2 + NBUF - 1) % NBUF)
        return carry

    lax.fori_loop(1, NCH // NBUF - 1, outer, 0)

    c0 = NCH - NBUF
    finish(c0, c0 % NBUF)
    wait_wb((c0 - 1) % NBUF)
    issue_gather(NCH - 1, (c0 - 1) % NBUF)
    for c in range(c0 + 1, NCH):
        finish(c, c % NBUF)
    for b in range(NBUF):
        wait_wb(b)


def kernel(x, token_table, pos_table):
    idx = x.astype(jnp.int32).reshape(IDX_ROWS, GATHER)
    out = _sc_embed(idx, token_table, pos_table)
    return out.reshape(B, T, D)

# --- scband reference (transcript-rebuilt; emitter-appended) ---
"""Pipeline reference for scband-structure-information-81612968558798 (READ-ONLY COPY).

The authoritative reference and input builder live on the scoring server;
editing this copy changes nothing except your own understanding.
"""

import jax, jax.numpy as jnp
import numpy as np

MAX_SEQ_LEN = 200
BRAIN_SIZE = 64
CHEF_VOCAB_SIZE = 1000000
BATCH = 4096
SEQ = 200

def setup_inputs(seed: int = 0) -> dict:
    key = jax.random.key(seed)
    k1, k2, k3 = jax.random.split(key, 3)
    x = jax.random.randint(k1, (BATCH, SEQ), 0, CHEF_VOCAB_SIZE, dtype=jnp.int64 if jax.config.jax_enable_x64 else jnp.int32)
    token_table = jax.random.normal(k2, (CHEF_VOCAB_SIZE, BRAIN_SIZE), dtype=jnp.float32) * 0.02
    pos_table = jax.random.normal(k3, (MAX_SEQ_LEN, BRAIN_SIZE), dtype=jnp.float32) * 0.02
    return {"x": x, "token_table": token_table, "pos_table": pos_table}

def reference(x, token_table, pos_table):
    B, T = x.shape
    token_embeddings = jnp.take(token_table, x, axis=0)            # [B, T, D]
    position_embeddings = jnp.take(pos_table, jnp.arange(0, T), axis=0)  # [T, D]
    out = token_embeddings + position_embeddings[None, :, :]
    return out

if __name__ == "__main__":
    import jax
    _d = setup_inputs()
    print(jax.jit(kernel)(*tuple(_d.values())))

</pallas_src>

<mosaic_0001>
#map = affine_map<(d0, d1) -> (0, 0)>
module attributes {stable_mosaic.version = 14 : i64} {
  func.func @_sc_embed(%arg0: i32, %arg1: i32, %arg2: memref<8192x100xi32, #tpu.memory_space<hbm>>, %arg3: memref<1000000x64xf32, #tpu.memory_space<hbm>>, %arg4: memref<200x64xf32, #tpu.memory_space<hbm>>, %arg5: memref<819200x64xf32, #tpu.memory_space<hbm>>, %arg6: memref<256x100xi32, #tpu.memory_space<vmem>>, %arg7: memref<4x200x64xf32, #tpu.memory_space<vmem>>, %arg8: memref<200x64xf32, #tpu.memory_space<vmem>>, %arg9: memref<4x!tpu.dma_semaphore, #tpu.memory_space<semaphore_mem>>, %arg10: memref<4x!tpu.dma_semaphore, #tpu.memory_space<semaphore_mem>>) attributes {dimension_semantics = [#tpu.dimension_semantics<core_parallel>, #tpu.dimension_semantics<subcore_parallel>], iteration_bounds = array<i64: 2, 16>, scalar_prefetch = 0 : i64, scratch_operands = 5 : i64, tpu.core_type = #tpu.core_type<sc_vector_subcore>, window_params = [{transform_indices = #map}, {transform_indices = #map}, {transform_indices = #map}, {transform_indices = #map}]} {
    %mul3A = arith.constant 2 : i32
    %mul3A_0 = arith.muli %arg1, %mul3A : i32
    %add3A = arith.addi %mul3A_0, %arg0 : i32
    "tpu.region"() ({
      %run_scoped3A = tpu.sem_alloc : memref<!tpu.dma_semaphore, #tpu.memory_space<semaphore_mem>>
      tpu.enqueue_dma source(%arg4 : memref<200x64xf32, #tpu.memory_space<hbm>>) target(%arg8 : memref<200x64xf32, #tpu.memory_space<vmem>>) target_semaphore(%run_scoped3A : memref<!tpu.dma_semaphore, #tpu.memory_space<semaphore_mem>>)
      tpu.wait_dma2 semaphore(%run_scoped3A : memref<!tpu.dma_semaphore, #tpu.memory_space<semaphore_mem>>) src(%arg4 : memref<200x64xf32, #tpu.memory_space<hbm>>) dst(%arg8 : memref<200x64xf32, #tpu.memory_space<vmem>>)
      tpu.yield
    }) : () -> ()
    %mul3A_1 = arith.constant 256 : i32
    %mul3A_2 = arith.muli %add3A, %mul3A_1 : i32
    "tpu.region"() ({
      %run_scoped3A = tpu.sem_alloc : memref<!tpu.dma_semaphore, #tpu.memory_space<semaphore_mem>>
      %dma_start3A_703 = arith.constant 0 : i32
      %dma_start3A_704 = tpu.memref_slice %arg2[%mul3A_2, %dma_start3A_703] : memref<8192x100xi32, #tpu.memory_space<hbm>> -> memref<256x100xi32, #tpu.memory_space<hbm>>
      %dma_start3A_705 = arith.constant 0 : i32
      %dma_start3A_706 = tpu.memref_slice %arg2[%mul3A_2, %dma_start3A_705] : memref<8192x100xi32, #tpu.memory_space<hbm>> -> memref<256x100xi32, #tpu.memory_space<hbm>>
      tpu.enqueue_dma source(%dma_start3A_706 : memref<256x100xi32, #tpu.memory_space<hbm>>) target(%arg6 : memref<256x100xi32, #tpu.memory_space<vmem>>) target_semaphore(%run_scoped3A : memref<!tpu.dma_semaphore, #tpu.memory_space<semaphore_mem>>)
      %dma_wait3A_707 = arith.constant 0 : i32
      %dma_wait3A_708 = tpu.memref_slice %arg2[%mul3A_2, %dma_wait3A_707] : memref<8192x100xi32, #tpu.memory_space<hbm>> -> memref<256x100xi32, #tpu.memory_space<hbm>>
      %dma_wait3A_709 = arith.constant 0 : i32
      %dma_wait3A_710 = tpu.memref_slice %arg2[%mul3A_2, %dma_wait3A_709] : memref<8192x100xi32, #tpu.memory_space<hbm>> -> memref<256x100xi32, #tpu.memory_space<hbm>>
      tpu.wait_dma2 semaphore(%run_scoped3A : memref<!tpu.dma_semaphore, #tpu.memory_space<semaphore_mem>>) src(%dma_wait3A_710 : memref<256x100xi32, #tpu.memory_space<hbm>>) dst(%arg6 : memref<256x100xi32, #tpu.memory_space<vmem>>)
      tpu.yield
    }) : () -> ()
    %mul3A_3 = arith.constant 25600 : i32
    %mul3A_4 = arith.muli %add3A, %mul3A_3 : i32
    %dma_start3A = arith.constant 0 : i32
    %dma_start3A_5 = arith.constant 0 : i32
    %dma_start3A_6 = arith.constant 0 : i32
    %dma_start3A_7 = arith.constant 0 : i32
    %dma_start3A_8 = arith.constant 0 : i32
    %dma_start3A_9 = tpu.memref_slice %arg7[%dma_start3A_5, %dma_start3A_7, %dma_start3A_8] : memref<4x200x64xf32, #tpu.memory_space<vmem>> -> memref<1x100x64xf32, #tpu.memory_space<vmem>>
    %dma_start3A_10 = tpu.memref_squeeze %dma_start3A_9 : memref<1x100x64xf32, #tpu.memory_space<vmem>> -> memref<100x64xf32, #tpu.memory_space<vmem>>
    %dma_start3A_11 = arith.constant 0 : i32
    %dma_start3A_12 = tpu.memref_slice %arg6[%dma_start3A, %dma_start3A_11] : memref<256x100xi32, #tpu.memory_space<vmem>> -> memref<1x100xi32, #tpu.memory_space<vmem>>
    %dma_start3A_13 = tpu.memref_squeeze %dma_start3A_12 : memref<1x100xi32, #tpu.memory_space<vmem>> -> memref<100xi32, #tpu.memory_space<vmem>>
    %dma_start3A_14 = arith.constant 0 : i32
    %dma_start3A_15 = arith.constant 0 : i32
    %dma_start3A_16 = tpu.memref_slice %arg3[%dma_start3A_14, %dma_start3A_15] : memref<1000000x64xf32, #tpu.memory_space<hbm>> -> memref<1000000x64xf32, #tpu.memory_space<hbm>>
    %dma_start3A_17 = tpu.memref_slice %arg9[%dma_start3A_6] : memref<4x!tpu.dma_semaphore, #tpu.memory_space<semaphore_mem>> -> memref<1x!tpu.dma_semaphore, #tpu.memory_space<semaphore_mem>>
    %dma_start3A_18 = tpu.memref_squeeze %dma_start3A_17 : memref<1x!tpu.dma_semaphore, #tpu.memory_space<semaphore_mem>> -> memref<!tpu.dma_semaphore, #tpu.memory_space<semaphore_mem>>
    tpu.enqueue_indirect_dma source(%dma_start3A_16 : memref<1000000x64xf32, #tpu.memory_space<hbm>>) target(%dma_start3A_10 : memref<100x64xf32, #tpu.memory_space<vmem>>) offsets(%dma_start3A_13 : memref<100xi32, #tpu.memory_space<vmem>>) semaphore(%dma_start3A_18 : memref<!tpu.dma_semaphore, #tpu.memory_space<semaphore_mem>>)
    %dma_start3A_19 = arith.constant 1 : i32
    %dma_start3A_20 = arith.constant 0 : i32
    %dma_start3A_21 = arith.constant 0 : i32
    %dma_start3A_22 = arith.constant 100 : i32
    %dma_start3A_23 = arith.constant 0 : i32
    %dma_start3A_24 = tpu.memref_slice %arg7[%dma_start3A_20, %dma_start3A_22, %dma_start3A_23] : memref<4x200x64xf32, #tpu.memory_space<vmem>> -> memref<1x100x64xf32, #tpu.memory_space<vmem>>
    %dma_start3A_25 = tpu.memref_squeeze %dma_start3A_24 : memref<1x100x64xf32, #tpu.memory_space<vmem>> -> memref<100x64xf32, #tpu.memory_space<vmem>>
    %dma_start3A_26 = arith.constant 0 : i32
    %dma_start3A_27 = tpu.memref_slice %arg6[%dma_start3A_19, %dma_start3A_26] : memref<256x100xi32, #tpu.memory_space<vmem>> -> memref<1x100xi32, #tpu.memory_space<vmem>>
    %dma_start3A_28 = tpu.memref_squeeze %dma_start3A_27 : memref<1x100xi32, #tpu.memory_space<vmem>> -> memref<100xi32, #tpu.memory_space<vmem>>
    %dma_start3A_29 = arith.constant 0 : i32
    %dma_start3A_30 = arith.constant 0 : i32
    %dma_start3A_31 = tpu.memref_slice %arg3[%dma_start3A_29, %dma_start3A_30] : memref<1000000x64xf32, #tpu.memory_space<hbm>> -> memref<1000000x64xf32, #tpu.memory_space<hbm>>
    %dma_start3A_32 = tpu.memref_slice %arg9[%dma_start3A_21] : memref<4x!tpu.dma_semaphore, #tpu.memory_space<semaphore_mem>> -> memref<1x!tpu.dma_semaphore, #tpu.memory_space<semaphore_mem>>
    %dma_start3A_33 = tpu.memref_squeeze %dma_start3A_32 : memref<1x!tpu.dma_semaphore, #tpu.memory_space<semaphore_mem>> -> memref<!tpu.dma_semaphore, #tpu.memory_space<semaphore_mem>>
    tpu.enqueue_indirect_dma source(%dma_start3A_31 : memref<1000000x64xf32, #tpu.memory_space<hbm>>) target(%dma_start3A_25 : memref<100x64xf32, #tpu.memory_space<vmem>>) offsets(%dma_start3A_28 : memref<100xi32, #tpu.memory_space<vmem>>) semaphore(%dma_start3A_33 : memref<!tpu.dma_semaphore, #tpu.memory_space<semaphore_mem>>)
    %dma_start3A_34 = arith.constant 2 : i32
    %dma_start3A_35 = arith.constant 1 : i32
    %dma_start3A_36 = arith.constant 1 : i32
    %dma_start3A_37 = arith.constant 0 : i32
    %dma_start3A_38 = arith.constant 0 : i32
    %dma_start3A_39 = tpu.memref_slice %arg7[%dma_start3A_35, %dma_start3A_37, %dma_start3A_38] : memref<4x200x64xf32, #tpu.memory_space<vmem>> -> memref<1x100x64xf32, #tpu.memory_space<vmem>>
    %dma_start3A_40 = tpu.memref_squeeze %dma_start3A_39 : memref<1x100x64xf32, #tpu.memory_space<vmem>> -> memref<100x64xf32, #tpu.memory_space<vmem>>
    %dma_start3A_41 = arith.constant 0 : i32
    %dma_start3A_42 = tpu.memref_slice %arg6[%dma_start3A_34, %dma_start3A_41] : memref<256x100xi32, #tpu.memory_space<vmem>> -> memref<1x100xi32, #tpu.memory_space<vmem>>
    %dma_start3A_43 = tpu.memref_squeeze %dma_start3A_42 : memref<1x100xi32, #tpu.memory_space<vmem>> -> memref<100xi32, #tpu.memory_space<vmem>>
    %dma_start3A_44 = arith.constant 0 : i32
    %dma_start3A_45 = arith.constant 0 : i32
    %dma_start3A_46 = tpu.memref_slice %arg3[%dma_start3A_44, %dma_start3A_45] : memref<1000000x64xf32, #tpu.memory_space<hbm>> -> memref<1000000x64xf32, #tpu.memory_space<hbm>>
    %dma_start3A_47 = tpu.memref_slice %arg9[%dma_start3A_36] : memref<4x!tpu.dma_semaphore, #tpu.memory_space<semaphore_mem>> -> memref<1x!tpu.dma_semaphore, #tpu.memory_space<semaphore_mem>>
    %dma_start3A_48 = tpu.memref_squeeze %dma_start3A_47 : memref<1x!tpu.dma_semaphore, #tpu.memory_space<semaphore_mem>> -> memref<!tpu.dma_semaphore, #tpu.memory_space<semaphore_mem>>
    tpu.enqueue_indirect_dma source(%dma_start3A_46 : memref<1000000x64xf32, #tpu.memory_space<hbm>>) target(%dma_start3A_40 : memref<100x64xf32, #tpu.memory_space<vmem>>) offsets(%dma_start3A_43 : memref<100xi32, #tpu.memory_space<vmem>>) semaphore(%dma_start3A_48 : memref<!tpu.dma_semaphore, #tpu.memory_space<semaphore_mem>>)
    %dma_start3A_49 = arith.constant 3 : i32
    %dma_start3A_50 = arith.constant 1 : i32
    %dma_start3A_51 = arith.constant 1 : i32
    %dma_start3A_52 = arith.constant 100 : i32
    %dma_start3A_53 = arith.constant 0 : i32
    %dma_start3A_54 = tpu.memref_slice %arg7[%dma_start3A_50, %dma_start3A_52, %dma_start3A_53] : memref<4x200x64xf32, #tpu.memory_space<vmem>> -> memref<1x100x64xf32, #tpu.memory_space<vmem>>
    %dma_start3A_55 = tpu.memref_squeeze %dma_start3A_54 : memref<1x100x64xf32, #tpu.memory_space<vmem>> -> memref<100x64xf32, #tpu.memory_space<vmem>>
    %dma_start3A_56 = arith.constant 0 : i32
    %dma_start3A_57 = tpu.memref_slice %arg6[%dma_start3A_49, %dma_start3A_56] : memref<256x100xi32, #tpu.memory_space<vmem>> -> memref<1x100xi32, #tpu.memory_space<vmem>>
    %dma_start3A_58 = tpu.memref_squeeze %dma_start3A_57 : memref<1x100xi32, #tpu.memory_space<vmem>> -> memref<100xi32, #tpu.memory_space<vmem>>
    %dma_start3A_59 = arith.constant 0 : i32
    %dma_start3A_60 = arith.constant 0 : i32
    %dma_start3A_61 = tpu.memref_slice %arg3[%dma_start3A_59, %dma_start3A_60] : memref<1000000x64xf32, #tpu.memory_space<hbm>> -> memref<1000000x64xf32, #tpu.memory_space<hbm>>
    %dma_start3A_62 = tpu.memref_slice %arg9[%dma_start3A_51] : memref<4x!tpu.dma_semaphore, #tpu.memory_space<semaphore_mem>> -> memref<1x!tpu.dma_semaphore, #tpu.memory_space<semaphore_mem>>
    %dma_start3A_63 = tpu.memref_squeeze %dma_start3A_62 : memref<1x!tpu.dma_semaphore, #tpu.memory_space<semaphore_mem>> -> memref<!tpu.dma_semaphore, #tpu.memory_space<semaphore_mem>>
    tpu.enqueue_indirect_dma source(%dma_start3A_61 : memref<1000000x64xf32, #tpu.memory_space<hbm>>) target(%dma_start3A_55 : memref<100x64xf32, #tpu.memory_space<vmem>>) offsets(%dma_start3A_58 : memref<100xi32, #tpu.memory_space<vmem>>) semaphore(%dma_start3A_63 : memref<!tpu.dma_semaphore, #tpu.memory_space<semaphore_mem>>)
    %dma_start3A_64 = arith.constant 4 : i32
    %dma_start3A_65 = arith.constant 2 : i32
    %dma_start3A_66 = arith.constant 2 : i32
    %dma_start3A_67 = arith.constant 0 : i32
    %dma_start3A_68 = arith.constant 0 : i32
    %dma_start3A_69 = tpu.memref_slice %arg7[%dma_start3A_65, %dma_start3A_67, %dma_start3A_68] : memref<4x200x64xf32, #tpu.memory_space<vmem>> -> memref<1x100x64xf32, #tpu.memory_space<vmem>>
    %dma_start3A_70 = tpu.memref_squeeze %dma_start3A_69 : memref<1x100x64xf32, #tpu.memory_space<vmem>> -> memref<100x64xf32, #tpu.memory_space<vmem>>
    %dma_start3A_71 = arith.constant 0 : i32
    %dma_start3A_72 = tpu.memref_slice %arg6[%dma_start3A_64, %dma_start3A_71] : memref<256x100xi32, #tpu.memory_space<vmem>> -> memref<1x100xi32, #tpu.memory_space<vmem>>
    %dma_start3A_73 = tpu.memref_squeeze %dma_start3A_72 : memref<1x100xi32, #tpu.memory_space<vmem>> -> memref<100xi32, #tpu.memory_space<vmem>>
    %dma_start3A_74 = arith.constant 0 : i32
    %dma_start3A_75 = arith.constant 0 : i32
    %dma_start3A_76 = tpu.memref_slice %arg3[%dma_start3A_74, %dma_start3A_75] : memref<1000000x64xf32, #tpu.memory_space<hbm>> -> memref<1000000x64xf32, #tpu.memory_space<hbm>>
    %dma_start3A_77 = tpu.memref_slice %arg9[%dma_start3A_66] : memref<4x!tpu.dma_semaphore, #tpu.memory_space<semaphore_mem>> -> memref<1x!tpu.dma_semaphore, #tpu.memory_space<semaphore_mem>>
    %dma_start3A_78 = tpu.memref_squeeze %dma_start3A_77 : memref<1x!tpu.dma_semaphore, #tpu.memory_space<semaphore_mem>> -> memref<!tpu.dma_semaphore, #tpu.memory_space<semaphore_mem>>
    tpu.enqueue_indirect_dma source(%dma_start3A_76 : memref<1000000x64xf32, #tpu.memory_space<hbm>>) target(%dma_start3A_70 : memref<100x64xf32, #tpu.memory_space<vmem>>) offsets(%dma_start3A_73 : memref<100xi32, #tpu.memory_space<vmem>>) semaphore(%dma_start3A_78 : memref<!tpu.dma_semaphore, #tpu.memory_space<semaphore_mem>>)
    %dma_start3A_79 = arith.constant 5 : i32
    %dma_start3A_80 = arith.constant 2 : i32
    %dma_start3A_81 = arith.constant 2 : i32
    %dma_start3A_82 = arith.constant 100 : i32
    %dma_start3A_83 = arith.constant 0 : i32
    %dma_start3A_84 = tpu.memref_slice %arg7[%dma_start3A_80, %dma_start3A_82, %dma_start3A_83] : memref<4x200x64xf32, #tpu.memory_space<vmem>> -> memref<1x100x64xf32, #tpu.memory_space<vmem>>
    %dma_start3A_85 = tpu.memref_squeeze %dma_start3A_84 : memref<1x100x64xf32, #tpu.memory_space<vmem>> -> memref<100x64xf32, #tpu.memory_space<vmem>>
    %dma_start3A_86 = arith.constant 0 : i32
    %dma_start3A_87 = tpu.memref_slice %arg6[%dma_start3A_79, %dma_start3A_86] : memref<256x100xi32, #tpu.memory_space<vmem>> -> memref<1x100xi32, #tpu.memory_space<vmem>>
    %dma_start3A_88 = tpu.memref_squeeze %dma_start3A_87 : memref<1x100xi32, #tpu.memory_space<vmem>> -> memref<100xi32, #tpu.memory_space<vmem>>
    %dma_start3A_89 = arith.constant 0 : i32
    %dma_start3A_90 = arith.constant 0 : i32
    %dma_start3A_91 = tpu.memref_slice %arg3[%dma_start3A_89, %dma_start3A_90] : memref<1000000x64xf32, #tpu.memory_space<hbm>> -> memref<1000000x64xf32, #tpu.memory_space<hbm>>
    %dma_start3A_92 = tpu.memref_slice %arg9[%dma_start3A_81] : memref<4x!tpu.dma_semaphore, #tpu.memory_space<semaphore_mem>> -> memref<1x!tpu.dma_semaphore, #tpu.memory_space<semaphore_mem>>
    %dma_start3A_93 = tpu.memref_squeeze %dma_start3A_92 : memref<1x!tpu.dma_semaphore, #tpu.memory_space<semaphore_mem>> -> memref<!tpu.dma_semaphore, #tpu.memory_space<semaphore_mem>>
    tpu.enqueue_indirect_dma source(%dma_start3A_91 : memref<1000000x64xf32, #tpu.memory_space<hbm>>) target(%dma_start3A_85 : memref<100x64xf32, #tpu.memory_space<vmem>>) offsets(%dma_start3A_88 : memref<100xi32, #tpu.memory_space<vmem>>) semaphore(%dma_start3A_93 : memref<!tpu.dma_semaphore, #tpu.memory_space<semaphore_mem>>)
    %dma_wait3A = arith.constant 0 : i32
    %dma_wait3A_94 = arith.constant 0 : i32
    %dma_wait3A_95 = arith.constant 0 : i32
    %dma_wait3A_96 = arith.constant 0 : i32
    %dma_wait3A_97 = tpu.memref_slice %arg7[%dma_wait3A, %dma_wait3A_95, %dma_wait3A_96] : memref<4x200x64xf32, #tpu.memory_space<vmem>> -> memref<1x200x64xf32, #tpu.memory_space<vmem>>
    %dma_wait3A_98 = tpu.memref_squeeze %dma_wait3A_97 : memref<1x200x64xf32, #tpu.memory_space<vmem>> -> memref<200x64xf32, #tpu.memory_space<vmem>>
    %dma_wait3A_99 = arith.constant 0 : i32
    %dma_wait3A_100 = arith.constant 0 : i32
    %dma_wait3A_101 = tpu.memref_slice %arg5[%dma_wait3A_99, %dma_wait3A_100] : memref<819200x64xf32, #tpu.memory_space<hbm>> -> memref<200x64xf32, #tpu.memory_space<hbm>>
    %dma_wait3A_102 = tpu.memref_slice %arg9[%dma_wait3A_94] : memref<4x!tpu.dma_semaphore, #tpu.memory_space<semaphore_mem>> -> memref<1x!tpu.dma_semaphore, #tpu.memory_space<semaphore_mem>>
    %dma_wait3A_103 = tpu.memref_squeeze %dma_wait3A_102 : memref<1x!tpu.dma_semaphore, #tpu.memory_space<semaphore_mem>> -> memref<!tpu.dma_semaphore, #tpu.memory_space<semaphore_mem>>
    %dma_wait3A_104 = arith.constant 0 : i32
    %dma_wait3A_105 = arith.constant 0 : i32
    %dma_wait3A_106 = tpu.memref_slice %arg7[%dma_wait3A, %dma_wait3A_104, %dma_wait3A_105] : memref<4x200x64xf32, #tpu.memory_space<vmem>> -> memref<1x200x64xf32, #tpu.memory_space<vmem>>
    %dma_wait3A_107 = tpu.memref_squeeze %dma_wait3A_106 : memref<1x200x64xf32, #tpu.memory_space<vmem>> -> memref<200x64xf32, #tpu.memory_space<vmem>>
    %dma_wait3A_108 = arith.constant 0 : i32
    %dma_wait3A_109 = arith.constant 0 : i32
    %dma_wait3A_110 = tpu.memref_slice %arg5[%dma_wait3A_108, %dma_wait3A_109] : memref<819200x64xf32, #tpu.memory_space<hbm>> -> memref<200x64xf32, #tpu.memory_space<hbm>>
    tpu.wait_dma2 semaphore(%dma_wait3A_103 : memref<!tpu.dma_semaphore, #tpu.memory_space<semaphore_mem>>) src(%dma_wait3A_110 : memref<200x64xf32, #tpu.memory_space<hbm>>) dst(%dma_wait3A_107 : memref<200x64xf32, #tpu.memory_space<vmem>>)
    %parallel_loop3A = arith.constant 0 : i32
    %parallel_loop3A_111 = arith.constant 200 : i32
    %parallel_loop3A_112 = arith.constant 1 : i32
    scf.for %parallel_loop3A_703 = %parallel_loop3A to %parallel_loop3A_111 step %parallel_loop3A_112  : i32 {
      %parallel_loop3A_704 = arith.constant 0 : i32
      %parallel_loop3A_705 = arith.index_cast %parallel_loop3A_704 : i32 to index
      %parallel_loop3A_706 = arith.index_cast %parallel_loop3A_703 : i32 to index
      %parallel_loop3A_707 = arith.constant 0 : index
      %parallel_loop3A_708 = tpu.vector_load %arg7[%parallel_loop3A_705, %parallel_loop3A_706, %parallel_loop3A_707] {strides = array<i32>} : memref<4x200x64xf32, #tpu.memory_space<vmem>>, vector<1x1x16xf32>,
      %parallel_loop3A_709 = vector.shape_cast %parallel_loop3A_708 : vector<1x1x16xf32> to vector<16xf32>
      %parallel_loop3A_710 = arith.index_cast %parallel_loop3A_703 : i32 to index
      %parallel_loop3A_711 = arith.constant 0 : index
      %parallel_loop3A_712 = tpu.vector_load %arg8[%parallel_loop3A_710, %parallel_loop3A_711] {strides = array<i32>} : memref<200x64xf32, #tpu.memory_space<vmem>>, vector<1x16xf32>,
      %parallel_loop3A_713 = vector.shape_cast %parallel_loop3A_712 : vector<1x16xf32> to vector<16xf32>
      %parallel_loop3A_714 = arith.addf %parallel_loop3A_709, %parallel_loop3A_713 : vector<16xf32>
      %parallel_loop3A_715 = arith.constant 0 : i32
      %parallel_loop3A_716 = arith.index_cast %parallel_loop3A_715 : i32 to index
      %parallel_loop3A_717 = arith.index_cast %parallel_loop3A_703 : i32 to index
      %parallel_loop3A_718 = arith.constant 0 : index
      %parallel_loop3A_719 = tpu.vector_load %arg7[%parallel_loop3A_716, %parallel_loop3A_717, %parallel_loop3A_718] {strides = array<i32>} : memref<4x200x64xf32, #tpu.memory_space<vmem>>, vector<1x1x16xf32>,
      %parallel_loop3A_720 = vector.shape_cast %parallel_loop3A_719 : vector<1x1x16xf32> to vector<16xf32>
      %parallel_loop3A_721 = vector.shape_cast %parallel_loop3A_714 : vector<16xf32> to vector<1x1x16xf32>
      tpu.vector_store %arg7[%parallel_loop3A_716, %parallel_loop3A_717, %parallel_loop3A_718], %parallel_loop3A_721 {strides = array<i32>} : memref<4x200x64xf32, #tpu.memory_space<vmem>>, vector<1x1x16xf32>,
      %parallel_loop3A_722 = arith.constant 0 : i32
      %parallel_loop3A_723 = arith.index_cast %parallel_loop3A_722 : i32 to index
      %parallel_loop3A_724 = arith.index_cast %parallel_loop3A_703 : i32 to index
      %parallel_loop3A_725 = arith.constant 16 : index
      %parallel_loop3A_726 = tpu.vector_load %arg7[%parallel_loop3A_723, %parallel_loop3A_724, %parallel_loop3A_725] {strides = array<i32>} : memref<4x200x64xf32, #tpu.memory_space<vmem>>, vector<1x1x16xf32>,
      %parallel_loop3A_727 = vector.shape_cast %parallel_loop3A_726 : vector<1x1x16xf32> to vector<16xf32>
      %parallel_loop3A_728 = arith.index_cast %parallel_loop3A_703 : i32 to index
      %parallel_loop3A_729 = arith.constant 16 : index
      %parallel_loop3A_730 = tpu.vector_load %arg8[%parallel_loop3A_728, %parallel_loop3A_729] {strides = array<i32>} : memref<200x64xf32, #tpu.memory_space<vmem>>, vector<1x16xf32>,
      %parallel_loop3A_731 = vector.shape_cast %parallel_loop3A_730 : vector<1x16xf32> to vector<16xf32>
      %parallel_loop3A_732 = arith.addf %parallel_loop3A_727, %parallel_loop3A_731 : vector<16xf32>
      %parallel_loop3A_733 = arith.constant 0 : i32
      %parallel_loop3A_734 = arith.index_cast %parallel_loop3A_733 : i32 to index
      %parallel_loop3A_735 = arith.index_cast %parallel_loop3A_703 : i32 to index
      %parallel_loop3A_736 = arith.constant 16 : index
      %parallel_loop3A_737 = tpu.vector_load %arg7[%parallel_loop3A_734, %parallel_loop3A_735, %parallel_loop3A_736] {strides = array<i32>} : memref<4x200x64xf32, #tpu.memory_space<vmem>>, vector<1x1x16xf32>,
      %parallel_loop3A_738 = vector.shape_cast %parallel_loop3A_737 : vector<1x1x16xf32> to vector<16xf32>
      %parallel_loop3A_739 = vector.shape_cast %parallel_loop3A_732 : vector<16xf32> to vector<1x1x16xf32>
      tpu.vector_store %arg7[%parallel_loop3A_734, %parallel_loop3A_735, %parallel_loop3A_736], %parallel_loop3A_739 {strides = array<i32>} : memref<4x200x64xf32, #tpu.memory_space<vmem>>, vector<1x1x16xf32>,
      %parallel_loop3A_740 = arith.constant 0 : i32
      %parallel_loop3A_741 = arith.index_cast %parallel_loop3A_740 : i32 to index
      %parallel_loop3A_742 = arith.index_cast %parallel_loop3A_703 : i32 to index
      %parallel_loop3A_743 = arith.constant 32 : index
      %parallel_loop3A_744 = tpu.vector_load %arg7[%parallel_loop3A_741, %parallel_loop3A_742, %parallel_loop3A_743] {strides = array<i32>} : memref<4x200x64xf32, #tpu.memory_space<vmem>>, vector<1x1x16xf32>,
      %parallel_loop3A_745 = vector.shape_cast %parallel_loop3A_744 : vector<1x1x16xf32> to vector<16xf32>
      %parallel_loop3A_746 = arith.index_cast %parallel_loop3A_703 : i32 to index
      %parallel_loop3A_747 = arith.constant 32 : index
      %parallel_loop3A_748 = tpu.vector_load %arg8[%parallel_loop3A_746, %parallel_loop3A_747] {strides = array<i32>} : memref<200x64xf32, #tpu.memory_space<vmem>>, vector<1x16xf32>,
      %parallel_loop3A_749 = vector.shape_cast %parallel_loop3A_748 : vector<1x16xf32> to vector<16xf32>
      %parallel_loop3A_750 = arith.addf %parallel_loop3A_745, %parallel_loop3A_749 : vector<16xf32>
      %parallel_loop3A_751 = arith.constant 0 : i32
      %parallel_loop3A_752 = arith.index_cast %parallel_loop3A_751 : i32 to index
      %parallel_loop3A_753 = arith.index_cast %parallel_loop3A_703 : i32 to index
      %parallel_loop3A_754 = arith.constant 32 : index
      %parallel_loop3A_755 = tpu.vector_load %arg7[%parallel_loop3A_752, %parallel_loop3A_753, %parallel_loop3A_754] {strides = array<i32>} : memref<4x200x64xf32, #tpu.memory_space<vmem>>, vector<1x1x16xf32>,
      %parallel_loop3A_756 = vector.shape_cast %parallel_loop3A_755 : vector<1x1x16xf32> to vector<16xf32>
      %parallel_loop3A_757 = vector.shape_cast %parallel_loop3A_750 : vector<16xf32> to vector<1x1x16xf32>
      tpu.vector_store %arg7[%parallel_loop3A_752, %parallel_loop3A_753, %parallel_loop3A_754], %parallel_loop3A_757 {strides = array<i32>} : memref<4x200x64xf32, #tpu.memory_space<vmem>>, vector<1x1x16xf32>,
      %parallel_loop3A_758 = arith.constant 0 : i32
      %parallel_loop3A_759 = arith.index_cast %parallel_loop3A_758 : i32 to index
      %parallel_loop3A_760 = arith.index_cast %parallel_loop3A_703 : i32 to index
      %parallel_loop3A_761 = arith.constant 48 : index
      %parallel_loop3A_762 = tpu.vector_load %arg7[%parallel_loop3A_759, %parallel_loop3A_760, %parallel_loop3A_761] {strides = array<i32>} : memref<4x200x64xf32, #tpu.memory_space<vmem>>, vector<1x1x16xf32>,
      %parallel_loop3A_763 = vector.shape_cast %parallel_loop3A_762 : vector<1x1x16xf32> to vector<16xf32>
      %parallel_loop3A_764 = arith.index_cast %parallel_loop3A_703 : i32 to index
      %parallel_loop3A_765 = arith.constant 48 : index
      %parallel_loop3A_766 = tpu.vector_load %arg8[%parallel_loop3A_764, %parallel_loop3A_765] {strides = array<i32>} : memref<200x64xf32, #tpu.memory_space<vmem>>, vector<1x16xf32>,
      %parallel_loop3A_767 = vector.shape_cast %parallel_loop3A_766 : vector<1x16xf32> to vector<16xf32>
      %parallel_loop3A_768 = arith.addf %parallel_loop3A_763, %parallel_loop3A_767 : vector<16xf32>
      %parallel_loop3A_769 = arith.constant 0 : i32
      %parallel_loop3A_770 = arith.index_cast %parallel_loop3A_769 : i32 to index
      %parallel_loop3A_771 = arith.index_cast %parallel_loop3A_703 : i32 to index
      %parallel_loop3A_772 = arith.constant 48 : index
      %parallel_loop3A_773 = tpu.vector_load %arg7[%parallel_loop3A_770, %parallel_loop3A_771, %parallel_loop3A_772] {strides = array<i32>} : memref<4x200x64xf32, #tpu.memory_space<vmem>>, vector<1x1x16xf32>,
      %parallel_loop3A_774 = vector.shape_cast %parallel_loop3A_773 : vector<1x1x16xf32> to vector<16xf32>
      %parallel_loop3A_775 = vector.shape_cast %parallel_loop3A_768 : vector<16xf32> to vector<1x1x16xf32>
      tpu.vector_store %arg7[%parallel_loop3A_770, %parallel_loop3A_771, %parallel_loop3A_772], %parallel_loop3A_775 {strides = array<i32>} : memref<4x200x64xf32, #tpu.memory_space<vmem>>, vector<1x1x16xf32>,
    } {sc.loop_unroll_factor = 4 : i64, sc.parallel_access}
    %add3A_113 = arith.constant 0 : i32
    %add3A_114 = arith.addi %mul3A_4, %add3A_113 : i32
    %dma_start3A_115 = arith.constant 0 : i32
    %dma_start3A_116 = arith.constant 0 : i32
    %dma_start3A_117 = arith.constant 0 : i32
    %dma_start3A_118 = arith.constant 0 : i32
    %dma_start3A_119 = tpu.memref_slice %arg7[%dma_start3A_115, %dma_start3A_117, %dma_start3A_118] : memref<4x200x64xf32, #tpu.memory_space<vmem>> -> memref<1x200x64xf32, #tpu.memory_space<vmem>>
    %dma_start3A_120 = tpu.memref_squeeze %dma_start3A_119 : memref<1x200x64xf32, #tpu.memory_space<vmem>> -> memref<200x64xf32, #tpu.memory_space<vmem>>
    %dma_start3A_121 = arith.constant 0 : i32
    %dma_start3A_122 = tpu.memref_slice %arg5[%add3A_114, %dma_start3A_121] : memref<819200x64xf32, #tpu.memory_space<hbm>> -> memref<200x64xf32, #tpu.memory_space<hbm>>
    %dma_start3A_123 = tpu.memref_slice %arg10[%dma_start3A_116] : memref<4x!tpu.dma_semaphore, #tpu.memory_space<semaphore_mem>> -> memref<1x!tpu.dma_semaphore, #tpu.memory_space<semaphore_mem>>
    %dma_start3A_124 = tpu.memref_squeeze %dma_start3A_123 : memref<1x!tpu.dma_semaphore, #tpu.memory_space<semaphore_mem>> -> memref<!tpu.dma_semaphore, #tpu.memory_space<semaphore_mem>>
    %dma_start3A_125 = arith.constant 0 : i32
    %dma_start3A_126 = tpu.memref_slice %arg5[%add3A_114, %dma_start3A_125] : memref<819200x64xf32, #tpu.memory_space<hbm>> -> memref<200x64xf32, #tpu.memory_space<hbm>>
    %dma_start3A_127 = arith.constant 0 : i32
    %dma_start3A_128 = arith.constant 0 : i32
    %dma_start3A_129 = tpu.memref_slice %arg7[%dma_start3A_115, %dma_start3A_127, %dma_start3A_128] : memref<4x200x64xf32, #tpu.memory_space<vmem>> -> memref<1x200x64xf32, #tpu.memory_space<vmem>>
    %dma_start3A_130 = tpu.memref_squeeze %dma_start3A_129 : memref<1x200x64xf32, #tpu.memory_space<vmem>> -> memref<200x64xf32, #tpu.memory_space<vmem>>
    tpu.enqueue_dma source(%dma_start3A_130 : memref<200x64xf32, #tpu.memory_space<vmem>>) target(%dma_start3A_126 : memref<200x64xf32, #tpu.memory_space<hbm>>) target_semaphore(%dma_start3A_124 : memref<!tpu.dma_semaphore, #tpu.memory_space<semaphore_mem>>)
    %dma_start3A_131 = arith.constant 6 : i32
    %dma_start3A_132 = arith.constant 3 : i32
    %dma_start3A_133 = arith.constant 3 : i32
    %dma_start3A_134 = arith.constant 0 : i32
    %dma_start3A_135 = arith.constant 0 : i32
    %dma_start3A_136 = tpu.memref_slice %arg7[%dma_start3A_132, %dma_start3A_134, %dma_start3A_135] : memref<4x200x64xf32, #tpu.memory_space<vmem>> -> memref<1x100x64xf32, #tpu.memory_space<vmem>>
    %dma_start3A_137 = tpu.memref_squeeze %dma_start3A_136 : memref<1x100x64xf32, #tpu.memory_space<vmem>> -> memref<100x64xf32, #tpu.memory_space<vmem>>
    %dma_start3A_138 = arith.constant 0 : i32
    %dma_start3A_139 = tpu.memref_slice %arg6[%dma_start3A_131, %dma_start3A_138] : memref<256x100xi32, #tpu.memory_space<vmem>> -> memref<1x100xi32, #tpu.memory_space<vmem>>
    %dma_start3A_140 = tpu.memref_squeeze %dma_start3A_139 : memref<1x100xi32, #tpu.memory_space<vmem>> -> memref<100xi32, #tpu.memory_space<vmem>>
    %dma_start3A_141 = arith.constant 0 : i32
    %dma_start3A_142 = arith.constant 0 : i32
    %dma_start3A_143 = tpu.memref_slice %arg3[%dma_start3A_141, %dma_start3A_142] : memref<1000000x64xf32, #tpu.memory_space<hbm>> -> memref<1000000x64xf32, #tpu.memory_space<hbm>>
    %dma_start3A_144 = tpu.memref_slice %arg9[%dma_start3A_133] : memref<4x!tpu.dma_semaphore, #tpu.memory_space<semaphore_mem>> -> memref<1x!tpu.dma_semaphore, #tpu.memory_space<semaphore_mem>>
    %dma_start3A_145 = tpu.memref_squeeze %dma_start3A_144 : memref<1x!tpu.dma_semaphore, #tpu.memory_space<semaphore_mem>> -> memref<!tpu.dma_semaphore, #tpu.memory_space<semaphore_mem>>
    tpu.enqueue_indirect_dma source(%dma_start3A_143 : memref<1000000x64xf32, #tpu.memory_space<hbm>>) target(%dma_start3A_137 : memref<100x64xf32, #tpu.memory_space<vmem>>) offsets(%dma_start3A_140 : memref<100xi32, #tpu.memory_space<vmem>>) semaphore(%dma_start3A_145 : memref<!tpu.dma_semaphore, #tpu.memory_space<semaphore_mem>>)
    %dma_start3A_146 = arith.constant 7 : i32
    %dma_start3A_147 = arith.constant 3 : i32
    %dma_start3A_148 = arith.constant 3 : i32
    %dma_start3A_149 = arith.constant 100 : i32
    %dma_start3A_150 = arith.constant 0 : i32
    %dma_start3A_151 = tpu.memref_slice %arg7[%dma_start3A_147, %dma_start3A_149, %dma_start3A_150] : memref<4x200x64xf32, #tpu.memory_space<vmem>> -> memref<1x100x64xf32, #tpu.memory_space<vmem>>
    %dma_start3A_152 = tpu.memref_squeeze %dma_start3A_151 : memref<1x100x64xf32, #tpu.memory_space<vmem>> -> memref<100x64xf32, #tpu.memory_space<vmem>>
    %dma_start3A_153 = arith.constant 0 : i32
    %dma_start3A_154 = tpu.memref_slice %arg6[%dma_start3A_146, %dma_start3A_153] : memref<256x100xi32, #tpu.memory_space<vmem>> -> memref<1x100xi32, #tpu.memory_space<vmem>>
    %dma_start3A_155 = tpu.memref_squeeze %dma_start3A_154 : memref<1x100xi32, #tpu.memory_space<vmem>> -> memref<100xi32, #tpu.memory_space<vmem>>
    %dma_start3A_156 = arith.constant 0 : i32
    %dma_start3A_157 = arith.constant 0 : i32
    %dma_start3A_158 = tpu.memref_slice %arg3[%dma_start3A_156, %dma_start3A_157] : memref<1000000x64xf32, #tpu.memory_space<hbm>> -> memref<1000000x64xf32, #tpu.memory_space<hbm>>
    %dma_start3A_159 = tpu.memref_slice %arg9[%dma_start3A_148] : memref<4x!tpu.dma_semaphore, #tpu.memory_space<semaphore_mem>> -> memref<1x!tpu.dma_semaphore, #tpu.memory_space<semaphore_mem>>
    %dma_start3A_160 = tpu.memref_squeeze %dma_start3A_159 : memref<1x!tpu.dma_semaphore, #tpu.memory_space<semaphore_mem>> -> memref<!tpu.dma_semaphore, #tpu.memory_space<semaphore_mem>>
    tpu.enqueue_indirect_dma source(%dma_start3A_158 : memref<1000000x64xf32, #tpu.memory_space<hbm>>) target(%dma_start3A_152 : memref<100x64xf32, #tpu.memory_space<vmem>>) offsets(%dma_start3A_155 : memref<100xi32, #tpu.memory_space<vmem>>) semaphore(%dma_start3A_160 : memref<!tpu.dma_semaphore, #tpu.memory_space<semaphore_mem>>)
    %dma_wait3A_161 = arith.constant 1 : i32
    %dma_wait3A_162 = arith.constant 1 : i32
    %dma_wait3A_163 = arith.constant 0 : i32
    %dma_wait3A_164 = arith.constant 0 : i32
    %dma_wait3A_165 = tpu.memref_slice %arg7[%dma_wait3A_161, %dma_wait3A_163, %dma_wait3A_164] : memref<4x200x64xf32, #tpu.memory_space<vmem>> -> memref<1x200x64xf32, #tpu.memory_space<vmem>>
    %dma_wait3A_166 = tpu.memref_squeeze %dma_wait3A_165 : memref<1x200x64xf32, #tpu.memory_space<vmem>> -> memref<200x64xf32, #tpu.memory_space<vmem>>
    %dma_wait3A_167 = arith.constant 0 : i32
    %dma_wait3A_168 = arith.constant 0 : i32
    %dma_wait3A_169 = tpu.memref_slice %arg5[%dma_wait3A_167, %dma_wait3A_168] : memref<819200x64xf32, #tpu.memory_space<hbm>> -> memref<200x64xf32, #tpu.memory_space<hbm>>
    %dma_wait3A_170 = tpu.memref_slice %arg9[%dma_wait3A_162] : memref<4x!tpu.dma_semaphore, #tpu.memory_space<semaphore_mem>> -> memref<1x!tpu.dma_semaphore, #tpu.memory_space<semaphore_mem>>
    %dma_wait3A_171 = tpu.memref_squeeze %dma_wait3A_170 : memref<1x!tpu.dma_semaphore, #tpu.memory_space<semaphore_mem>> -> memref<!tpu.dma_semaphore, #tpu.memory_space<semaphore_mem>>
    %dma_wait3A_172 = arith.constant 0 : i32
    %dma_wait3A_173 = arith.constant 0 : i32
    %dma_wait3A_174 = tpu.memref_slice %arg7[%dma_wait3A_161, %dma_wait3A_172, %dma_wait3A_173] : memref<4x200x64xf32, #tpu.memory_space<vmem>> -> memref<1x200x64xf32, #tpu.memory_space<vmem>>
    %dma_wait3A_175 = tpu.memref_squeeze %dma_wait3A_174 : memref<1x200x64xf32, #tpu.memory_space<vmem>> -> memref<200x64xf32, #tpu.memory_space<vmem>>
    %dma_wait3A_176 = arith.constant 0 : i32
    %dma_wait3A_177 = arith.constant 0 : i32
    %dma_wait3A_178 = tpu.memref_slice %arg5[%dma_wait3A_176, %dma_wait3A_177] : memref<819200x64xf32, #tpu.memory_space<hbm>> -> memref<200x64xf32, #tpu.memory_space<hbm>>
    tpu.wait_dma2 semaphore(%dma_wait3A_171 : memref<!tpu.dma_semaphore, #tpu.memory_space<semaphore_mem>>) src(%dma_wait3A_178 : memref<200x64xf32, #tpu.memory_space<hbm>>) dst(%dma_wait3A_175 : memref<200x64xf32, #tpu.memory_space<vmem>>)
    %parallel_loop3A_179 = arith.constant 0 : i32
    %parallel_loop3A_180 = arith.constant 200 : i32
    %parallel_loop3A_181 = arith.constant 1 : i32
    scf.for %parallel_loop3A_703 = %parallel_loop3A_179 to %parallel_loop3A_180 step %parallel_loop3A_181  : i32 {
      %parallel_loop3A_704 = arith.constant 1 : i32
      %parallel_loop3A_705 = arith.index_cast %parallel_loop3A_704 : i32 to index
      %parallel_loop3A_706 = arith.index_cast %parallel_loop3A_703 : i32 to index
      %parallel_loop3A_707 = arith.constant 0 : index
      %parallel_loop3A_708 = tpu.vector_load %arg7[%parallel_loop3A_705, %parallel_loop3A_706, %parallel_loop3A_707] {strides = array<i32>} : memref<4x200x64xf32, #tpu.memory_space<vmem>>, vector<1x1x16xf32>,
      %parallel_loop3A_709 = vector.shape_cast %parallel_loop3A_708 : vector<1x1x16xf32> to vector<16xf32>
      %parallel_loop3A_710 = arith.index_cast %parallel_loop3A_703 : i32 to index
      %parallel_loop3A_711 = arith.constant 0 : index
      %parallel_loop3A_712 = tpu.vector_load %arg8[%parallel_loop3A_710, %parallel_loop3A_711] {strides = array<i32>} : memref<200x64xf32, #tpu.memory_space<vmem>>, vector<1x16xf32>,
      %parallel_loop3A_713 = vector.shape_cast %parallel_loop3A_712 : vector<1x16xf32> to vector<16xf32>
      %parallel_loop3A_714 = arith.addf %parallel_loop3A_709, %parallel_loop3A_713 : vector<16xf32>
      %parallel_loop3A_715 = arith.constant 1 : i32
      %parallel_loop3A_716 = arith.index_cast %parallel_loop3A_715 : i32 to index
      %parallel_loop3A_717 = arith.index_cast %parallel_loop3A_703 : i32 to index
      %parallel_loop3A_718 = arith.constant 0 : index
      %parallel_loop3A_719 = tpu.vector_load %arg7[%parallel_loop3A_716, %parallel_loop3A_717, %parallel_loop3A_718] {strides = array<i32>} : memref<4x200x64xf32, #tpu.memory_space<vmem>>, vector<1x1x16xf32>,
      %parallel_loop3A_720 = vector.shape_cast %parallel_loop3A_719 : vector<1x1x16xf32> to vector<16xf32>
      %parallel_loop3A_721 = vector.shape_cast %parallel_loop3A_714 : vector<16xf32> to vector<1x1x16xf32>
      tpu.vector_store %arg7[%parallel_loop3A_716, %parallel_loop3A_717, %parallel_loop3A_718], %parallel_loop3A_721 {strides = array<i32>} : memref<4x200x64xf32, #tpu.memory_space<vmem>>, vector<1x1x16xf32>,
      %parallel_loop3A_722 = arith.constant 1 : i32
      %parallel_loop3A_723 = arith.index_cast %parallel_loop3A_722 : i32 to index
      %parallel_loop3A_724 = arith.index_cast %parallel_loop3A_703 : i32 to index
      %parallel_loop3A_725 = arith.constant 16 : index
      %parallel_loop3A_726 = tpu.vector_load %arg7[%parallel_loop3A_723, %parallel_loop3A_724, %parallel_loop3A_725] {strides = array<i32>} : memref<4x200x64xf32, #tpu.memory_space<vmem>>, vector<1x1x16xf32>,
      %parallel_loop3A_727 = vector.shape_cast %parallel_loop3A_726 : vector<1x1x16xf32> to vector<16xf32>
      %parallel_loop3A_728 = arith.index_cast %parallel_loop3A_703 : i32 to index
      %parallel_loop3A_729 = arith.constant 16 : index
      %parallel_loop3A_730 = tpu.vector_load %arg8[%parallel_loop3A_728, %parallel_loop3A_729] {strides = array<i32>} : memref<200x64xf32, #tpu.memory_space<vmem>>, vector<1x16xf32>,
      %parallel_loop3A_731 = vector.shape_cast %parallel_loop3A_730 : vector<1x16xf32> to vector<16xf32>
      %parallel_loop3A_732 = arith.addf %parallel_loop3A_727, %parallel_loop3A_731 : vector<16xf32>
      %parallel_loop3A_733 = arith.constant 1 : i32
      %parallel_loop3A_734 = arith.index_cast %parallel_loop3A_733 : i32 to index
      %parallel_loop3A_735 = arith.index_cast %parallel_loop3A_703 : i32 to index
      %parallel_loop3A_736 = arith.constant 16 : index
      %parallel_loop3A_737 = tpu.vector_load %arg7[%parallel_loop3A_734, %parallel_loop3A_735, %parallel_loop3A_736] {strides = array<i32>} : memref<4x200x64xf32, #tpu.memory_space<vmem>>, vector<1x1x16xf32>,
      %parallel_loop3A_738 = vector.shape_cast %parallel_loop3A_737 : vector<1x1x16xf32> to vector<16xf32>
      %parallel_loop3A_739 = vector.shape_cast %parallel_loop3A_732 : vector<16xf32> to vector<1x1x16xf32>
      tpu.vector_store %arg7[%parallel_loop3A_734, %parallel_loop3A_735, %parallel_loop3A_736], %parallel_loop3A_739 {strides = array<i32>} : memref<4x200x64xf32, #tpu.memory_space<vmem>>, vector<1x1x16xf32>,
      %parallel_loop3A_740 = arith.constant 1 : i32
      %parallel_loop3A_741 = arith.index_cast %parallel_loop3A_740 : i32 to index
      %parallel_loop3A_742 = arith.index_cast %parallel_loop3A_703 : i32 to index
      %parallel_loop3A_743 = arith.constant 32 : index
      %parallel_loop3A_744 = tpu.vector_load %arg7[%parallel_loop3A_741, %parallel_loop3A_742, %parallel_loop3A_743] {strides = array<i32>} : memref<4x200x64xf32, #tpu.memory_space<vmem>>, vector<1x1x16xf32>,
      %parallel_loop3A_745 = vector.shape_cast %parallel_loop3A_744 : vector<1x1x16xf32> to vector<16xf32>
      %parallel_loop3A_746 = arith.index_cast %parallel_loop3A_703 : i32 to index
      %parallel_loop3A_747 = arith.constant 32 : index
      %parallel_loop3A_748 = tpu.vector_load %arg8[%parallel_loop3A_746, %parallel_loop3A_747] {strides = array<i32>} : memref<200x64xf32, #tpu.memory_space<vmem>>, vector<1x16xf32>,
      %parallel_loop3A_749 = vector.shape_cast %parallel_loop3A_748 : vector<1x16xf32> to vector<16xf32>
      %parallel_loop3A_750 = arith.addf %parallel_loop3A_745, %parallel_loop3A_749 : vector<16xf32>
      %parallel_loop3A_751 = arith.constant 1 : i32
      %parallel_loop3A_752 = arith.index_cast %parallel_loop3A_751 : i32 to index
      %parallel_loop3A_753 = arith.index_cast %parallel_loop3A_703 : i32 to index
      %parallel_loop3A_754 = arith.constant 32 : index
      %parallel_loop3A_755 = tpu.vector_load %arg7[%parallel_loop3A_752, %parallel_loop3A_753, %parallel_loop3A_754] {strides = array<i32>} : memref<4x200x64xf32, #tpu.memory_space<vmem>>, vector<1x1x16xf32>,
      %parallel_loop3A_756 = vector.shape_cast %parallel_loop3A_755 : vector<1x1x16xf32> to vector<16xf32>
      %parallel_loop3A_757 = vector.shape_cast %parallel_loop3A_750 : vector<16xf32> to vector<1x1x16xf32>
      tpu.vector_store %arg7[%parallel_loop3A_752, %parallel_loop3A_753, %parallel_loop3A_754], %parallel_loop3A_757 {strides = array<i32>} : memref<4x200x64xf32, #tpu.memory_space<vmem>>, vector<1x1x16xf32>,
      %parallel_loop3A_758 = arith.constant 1 : i32
      %parallel_loop3A_759 = arith.index_cast %parallel_loop3A_758 : i32 to index
      %parallel_loop3A_760 = arith.index_cast %parallel_loop3A_703 : i32 to index
      %parallel_loop3A_761 = arith.constant 48 : index
      %parallel_loop3A_762 = tpu.vector_load %arg7[%parallel_loop3A_759, %parallel_loop3A_760, %parallel_loop3A_761] {strides = array<i32>} : memref<4x200x64xf32, #tpu.memory_space<vmem>>, vector<1x1x16xf32>,
      %parallel_loop3A_763 = vector.shape_cast %parallel_loop3A_762 : vector<1x1x16xf32> to vector<16xf32>
      %parallel_loop3A_764 = arith.index_cast %parallel_loop3A_703 : i32 to index
      %parallel_loop3A_765 = arith.constant 48 : index
      %parallel_loop3A_766 = tpu.vector_load %arg8[%parallel_loop3A_764, %parallel_loop3A_765] {strides = array<i32>} : memref<200x64xf32, #tpu.memory_space<vmem>>, vector<1x16xf32>,
      %parallel_loop3A_767 = vector.shape_cast %parallel_loop3A_766 : vector<1x16xf32> to vector<16xf32>
      %parallel_loop3A_768 = arith.addf %parallel_loop3A_763, %parallel_loop3A_767 : vector<16xf32>
      %parallel_loop3A_769 = arith.constant 1 : i32
      %parallel_loop3A_770 = arith.index_cast %parallel_loop3A_769 : i32 to index
      %parallel_loop3A_771 = arith.index_cast %parallel_loop3A_703 : i32 to index
      %parallel_loop3A_772 = arith.constant 48 : index
      %parallel_loop3A_773 = tpu.vector_load %arg7[%parallel_loop3A_770, %parallel_loop3A_771, %parallel_loop3A_772] {strides = array<i32>} : memref<4x200x64xf32, #tpu.memory_space<vmem>>, vector<1x1x16xf32>,
      %parallel_loop3A_774 = vector.shape_cast %parallel_loop3A_773 : vector<1x1x16xf32> to vector<16xf32>
      %parallel_loop3A_775 = vector.shape_cast %parallel_loop3A_768 : vector<16xf32> to vector<1x1x16xf32>
      tpu.vector_store %arg7[%parallel_loop3A_770, %parallel_loop3A_771, %parallel_loop3A_772], %parallel_loop3A_775 {strides = array<i32>} : memref<4x200x64xf32, #tpu.memory_space<vmem>>, vector<1x1x16xf32>,
    } {sc.loop_unroll_factor = 4 : i64, sc.parallel_access}
    %add3A_182 = arith.constant 200 : i32
    %add3A_183 = arith.addi %mul3A_4, %add3A_182 : i32
    %dma_start3A_184 = arith.constant 1 : i32
    %dma_start3A_185 = arith.constant 1 : i32
    %dma_start3A_186 = arith.constant 0 : i32
    %dma_start3A_187 = arith.constant 0 : i32
    %dma_start3A_188 = tpu.memref_slice %arg7[%dma_start3A_184, %dma_start3A_186, %dma_start3A_187] : memref<4x200x64xf32, #tpu.memory_space<vmem>> -> memref<1x200x64xf32, #tpu.memory_space<vmem>>
    %dma_start3A_189 = tpu.memref_squeeze %dma_start3A_188 : memref<1x200x64xf32, #tpu.memory_space<vmem>> -> memref<200x64xf32, #tpu.memory_space<vmem>>
    %dma_start3A_190 = arith.constant 0 : i32
    %dma_start3A_191 = tpu.memref_slice %arg5[%add3A_183, %dma_start3A_190] : memref<819200x64xf32, #tpu.memory_space<hbm>> -> memref<200x64xf32, #tpu.memory_space<hbm>>
    %dma_start3A_192 = tpu.memref_slice %arg10[%dma_start3A_185] : memref<4x!tpu.dma_semaphore, #tpu.memory_space<semaphore_mem>> -> memref<1x!tpu.dma_semaphore, #tpu.memory_space<semaphore_mem>>
    %dma_start3A_193 = tpu.memref_squeeze %dma_start3A_192 : memref<1x!tpu.dma_semaphore, #tpu.memory_space<semaphore_mem>> -> memref<!tpu.dma_semaphore, #tpu.memory_space<semaphore_mem>>
    %dma_start3A_194 = arith.constant 0 : i32
    %dma_start3A_195 = tpu.memref_slice %arg5[%add3A_183, %dma_start3A_194] : memref<819200x64xf32, #tpu.memory_space<hbm>> -> memref<200x64xf32, #tpu.memory_space<hbm>>
    %dma_start3A_196 = arith.constant 0 : i32
    %dma_start3A_197 = arith.constant 0 : i32
    %dma_start3A_198 = tpu.memref_slice %arg7[%dma_start3A_184, %dma_start3A_196, %dma_start3A_197] : memref<4x200x64xf32, #tpu.memory_space<vmem>> -> memref<1x200x64xf32, #tpu.memory_space<vmem>>
    %dma_start3A_199 = tpu.memref_squeeze %dma_start3A_198 : memref<1x200x64xf32, #tpu.memory_space<vmem>> -> memref<200x64xf32, #tpu.memory_space<vmem>>
    tpu.enqueue_dma source(%dma_start3A_199 : memref<200x64xf32, #tpu.memory_space<vmem>>) target(%dma_start3A_195 : memref<200x64xf32, #tpu.memory_space<hbm>>) target_semaphore(%dma_start3A_193 : memref<!tpu.dma_semaphore, #tpu.memory_space<semaphore_mem>>)
    %dma_wait3A_200 = arith.constant 0 : i32
    %dma_wait3A_201 = arith.constant 0 : i32
    %dma_wait3A_202 = arith.constant 0 : i32
    %dma_wait3A_203 = arith.constant 0 : i32
    %dma_wait3A_204 = tpu.memref_slice %arg7[%dma_wait3A_200, %dma_wait3A_202, %dma_wait3A_203] : memref<4x200x64xf32, #tpu.memory_space<vmem>> -> memref<1x200x64xf32, #tpu.memory_space<vmem>>
    %dma_wait3A_205 = tpu.memref_squeeze %dma_wait3A_204 : memref<1x200x64xf32, #tpu.memory_space<vmem>> -> memref<200x64xf32, #tpu.memory_space<vmem>>
    %dma_wait3A_206 = arith.constant 0 : i32
    %dma_wait3A_207 = arith.constant 0 : i32
    %dma_wait3A_208 = tpu.memref_slice %arg5[%dma_wait3A_206, %dma_wait3A_207] : memref<819200x64xf32, #tpu.memory_space<hbm>> -> memref<200x64xf32, #tpu.memory_space<hbm>>
    %dma_wait3A_209 = tpu.memref_slice %arg10[%dma_wait3A_201] : memref<4x!tpu.dma_semaphore, #tpu.memory_space<semaphore_mem>> -> memref<1x!tpu.dma_semaphore, #tpu.memory_space<semaphore_mem>>
    %dma_wait3A_210 = tpu.memref_squeeze %dma_wait3A_209 : memref<1x!tpu.dma_semaphore, #tpu.memory_space<semaphore_mem>> -> memref<!tpu.dma_semaphore, #tpu.memory_space<semaphore_mem>>
    %dma_wait3A_211 = arith.constant 0 : i32
    %dma_wait3A_212 = arith.constant 0 : i32
    %dma_wait3A_213 = tpu.memref_slice %arg5[%dma_wait3A_211, %dma_wait3A_212] : memref<819200x64xf32, #tpu.memory_space<hbm>> -> memref<200x64xf32, #tpu.memory_space<hbm>>
    %dma_wait3A_214 = arith.constant 0 : i32
    %dma_wait3A_215 = arith.constant 0 : i32
    %dma_wait3A_216 = tpu.memref_slice %arg7[%dma_wait3A_200, %dma_wait3A_214, %dma_wait3A_215] : memref<4x200x64xf32, #tpu.memory_space<vmem>> -> memref<1x200x64xf32, #tpu.memory_space<vmem>>
    %dma_wait3A_217 = tpu.memref_squeeze %dma_wait3A_216 : memref<1x200x64xf32, #tpu.memory_space<vmem>> -> memref<200x64xf32, #tpu.memory_space<vmem>>
    tpu.wait_dma2 semaphore(%dma_wait3A_210 : memref<!tpu.dma_semaphore, #tpu.memory_space<semaphore_mem>>) src(%dma_wait3A_217 : memref<200x64xf32, #tpu.memory_space<vmem>>) dst(%dma_wait3A_213 : memref<200x64xf32, #tpu.memory_space<hbm>>)
    %dma_start3A_218 = arith.constant 8 : i32
    %dma_start3A_219 = arith.constant 0 : i32
    %dma_start3A_220 = arith.constant 0 : i32
    %dma_start3A_221 = arith.constant 0 : i32
    %dma_start3A_222 = arith.constant 0 : i32
    %dma_start3A_223 = tpu.memref_slice %arg7[%dma_start3A_219, %dma_start3A_221, %dma_start3A_222] : memref<4x200x64xf32, #tpu.memory_space<vmem>> -> memref<1x100x64xf32, #tpu.memory_space<vmem>>
    %dma_start3A_224 = tpu.memref_squeeze %dma_start3A_223 : memref<1x100x64xf32, #tpu.memory_space<vmem>> -> memref<100x64xf32, #tpu.memory_space<vmem>>
    %dma_start3A_225 = arith.constant 0 : i32
    %dma_start3A_226 = tpu.memref_slice %arg6[%dma_start3A_218, %dma_start3A_225] : memref<256x100xi32, #tpu.memory_space<vmem>> -> memref<1x100xi32, #tpu.memory_space<vmem>>
    %dma_start3A_227 = tpu.memref_squeeze %dma_start3A_226 : memref<1x100xi32, #tpu.memory_space<vmem>> -> memref<100xi32, #tpu.memory_space<vmem>>
    %dma_start3A_228 = arith.constant 0 : i32
    %dma_start3A_229 = arith.constant 0 : i32
    %dma_start3A_230 = tpu.memref_slice %arg3[%dma_start3A_228, %dma_start3A_229] : memref<1000000x64xf32, #tpu.memory_space<hbm>> -> memref<1000000x64xf32, #tpu.memory_space<hbm>>
    %dma_start3A_231 = tpu.memref_slice %arg9[%dma_start3A_220] : memref<4x!tpu.dma_semaphore, #tpu.memory_space<semaphore_mem>> -> memref<1x!tpu.dma_semaphore, #tpu.memory_space<semaphore_mem>>
    %dma_start3A_232 = tpu.memref_squeeze %dma_start3A_231 : memref<1x!tpu.dma_semaphore, #tpu.memory_space<semaphore_mem>> -> memref<!tpu.dma_semaphore, #tpu.memory_space<semaphore_mem>>
    tpu.enqueue_indirect_dma source(%dma_start3A_230 : memref<1000000x64xf32, #tpu.memory_space<hbm>>) target(%dma_start3A_224 : memref<100x64xf32, #tpu.memory_space<vmem>>) offsets(%dma_start3A_227 : memref<100xi32, #tpu.memory_space<vmem>>) semaphore(%dma_start3A_232 : memref<!tpu.dma_semaphore, #tpu.memory_space<semaphore_mem>>)
    %dma_start3A_233 = arith.constant 9 : i32
    %dma_start3A_234 = arith.constant 0 : i32
    %dma_start3A_235 = arith.constant 0 : i32
    %dma_start3A_236 = arith.constant 100 : i32
    %dma_start3A_237 = arith.constant 0 : i32
    %dma_start3A_238 = tpu.memref_slice %arg7[%dma_start3A_234, %dma_start3A_236, %dma_start3A_237] : memref<4x200x64xf32, #tpu.memory_space<vmem>> -> memref<1x100x64xf32, #tpu.memory_space<vmem>>
    %dma_start3A_239 = tpu.memref_squeeze %dma_start3A_238 : memref<1x100x64xf32, #tpu.memory_space<vmem>> -> memref<100x64xf32, #tpu.memory_space<vmem>>
    %dma_start3A_240 = arith.constant 0 : i32
    %dma_start3A_241 = tpu.memref_slice %arg6[%dma_start3A_233, %dma_start3A_240] : memref<256x100xi32, #tpu.memory_space<vmem>> -> memref<1x100xi32, #tpu.memory_space<vmem>>
    %dma_start3A_242 = tpu.memref_squeeze %dma_start3A_241 : memref<1x100xi32, #tpu.memory_space<vmem>> -> memref<100xi32, #tpu.memory_space<vmem>>
    %dma_start3A_243 = arith.constant 0 : i32
    %dma_start3A_244 = arith.constant 0 : i32
    %dma_start3A_245 = tpu.memref_slice %arg3[%dma_start3A_243, %dma_start3A_244] : memref<1000000x64xf32, #tpu.memory_space<hbm>> -> memref<1000000x64xf32, #tpu.memory_space<hbm>>
    %dma_start3A_246 = tpu.memref_slice %arg9[%dma_start3A_235] : memref<4x!tpu.dma_semaphore, #tpu.memory_space<semaphore_mem>> -> memref<1x!tpu.dma_semaphore, #tpu.memory_space<semaphore_mem>>
    %dma_start3A_247 = tpu.memref_squeeze %dma_start3A_246 : memref<1x!tpu.dma_semaphore, #tpu.memory_space<semaphore_mem>> -> memref<!tpu.dma_semaphore, #tpu.memory_space<semaphore_mem>>
    tpu.enqueue_indirect_dma source(%dma_start3A_245 : memref<1000000x64xf32, #tpu.memory_space<hbm>>) target(%dma_start3A_239 : memref<100x64xf32, #tpu.memory_space<vmem>>) offsets(%dma_start3A_242 : memref<100xi32, #tpu.memory_space<vmem>>) semaphore(%dma_start3A_247 : memref<!tpu.dma_semaphore, #tpu.memory_space<semaphore_mem>>)
    %dma_wait3A_248 = arith.constant 2 : i32
    %dma_wait3A_249 = arith.constant 2 : i32
    %dma_wait3A_250 = arith.constant 0 : i32
    %dma_wait3A_251 = arith.constant 0 : i32
    %dma_wait3A_252 = tpu.memref_slice %arg7[%dma_wait3A_248, %dma_wait3A_250, %dma_wait3A_251] : memref<4x200x64xf32, #tpu.memory_space<vmem>> -> memref<1x200x64xf32, #tpu.memory_space<vmem>>
    %dma_wait3A_253 = tpu.memref_squeeze %dma_wait3A_252 : memref<1x200x64xf32, #tpu.memory_space<vmem>> -> memref<200x64xf32, #tpu.memory_space<vmem>>
    %dma_wait3A_254 = arith.constant 0 : i32
    %dma_wait3A_255 = arith.constant 0 : i32
    %dma_wait3A_256 = tpu.memref_slice %arg5[%dma_wait3A_254, %dma_wait3A_255] : memref<819200x64xf32, #tpu.memory_space<hbm>> -> memref<200x64xf32, #tpu.memory_space<hbm>>
    %dma_wait3A_257 = tpu.memref_slice %arg9[%dma_wait3A_249] : memref<4x!tpu.dma_semaphore, #tpu.memory_space<semaphore_mem>> -> memref<1x!tpu.dma_semaphore, #tpu.memory_space<semaphore_mem>>
    %dma_wait3A_258 = tpu.memref_squeeze %dma_wait3A_257 : memref<1x!tpu.dma_semaphore, #tpu.memory_space<semaphore_mem>> -> memref<!tpu.dma_semaphore, #tpu.memory_space<semaphore_mem>>
    %dma_wait3A_259 = arith.constant 0 : i32
    %dma_wait3A_260 = arith.constant 0 : i32
    %dma_wait3A_261 = tpu.memref_slice %arg7[%dma_wait3A_248, %dma_wait3A_259, %dma_wait3A_260] : memref<4x200x64xf32, #tpu.memory_space<vmem>> -> memref<1x200x64xf32, #tpu.memory_space<vmem>>
    %dma_wait3A_262 = tpu.memref_squeeze %dma_wait3A_261 : memref<1x200x64xf32, #tpu.memory_space<vmem>> -> memref<200x64xf32, #tpu.memory_space<vmem>>
    %dma_wait3A_263 = arith.constant 0 : i32
    %dma_wait3A_264 = arith.constant 0 : i32
    %dma_wait3A_265 = tpu.memref_slice %arg5[%dma_wait3A_263, %dma_wait3A_264] : memref<819200x64xf32, #tpu.memory_space<hbm>> -> memref<200x64xf32, #tpu.memory_space<hbm>>
    tpu.wait_dma2 semaphore(%dma_wait3A_258 : memref<!tpu.dma_semaphore, #tpu.memory_space<semaphore_mem>>) src(%dma_wait3A_265 : memref<200x64xf32, #tpu.memory_space<hbm>>) dst(%dma_wait3A_262 : memref<200x64xf32, #tpu.memory_space<vmem>>)
    %parallel_loop3A_266 = arith.constant 0 : i32
    %parallel_loop3A_267 = arith.constant 200 : i32
    %parallel_loop3A_268 = arith.constant 1 : i32
    scf.for %parallel_loop3A_703 = %parallel_loop3A_266 to %parallel_loop3A_267 step %parallel_loop3A_268  : i32 {
      %parallel_loop3A_704 = arith.constant 2 : i32
      %parallel_loop3A_705 = arith.index_cast %parallel_loop3A_704 : i32 to index
      %parallel_loop3A_706 = arith.index_cast %parallel_loop3A_703 : i32 to index
      %parallel_loop3A_707 = arith.constant 0 : index
      %parallel_loop3A_708 = tpu.vector_load %arg7[%parallel_loop3A_705, %parallel_loop3A_706, %parallel_loop3A_707] {strides = array<i32>} : memref<4x200x64xf32, #tpu.memory_space<vmem>>, vector<1x1x16xf32>,
      %parallel_loop3A_709 = vector.shape_cast %parallel_loop3A_708 : vector<1x1x16xf32> to vector<16xf32>
      %parallel_loop3A_710 = arith.index_cast %parallel_loop3A_703 : i32 to index
      %parallel_loop3A_711 = arith.constant 0 : index
      %parallel_loop3A_712 = tpu.vector_load %arg8[%parallel_loop3A_710, %parallel_loop3A_711] {strides = array<i32>} : memref<200x64xf32, #tpu.memory_space<vmem>>, vector<1x16xf32>,
      %parallel_loop3A_713 = vector.shape_cast %parallel_loop3A_712 : vector<1x16xf32> to vector<16xf32>
      %parallel_loop3A_714 = arith.addf %parallel_loop3A_709, %parallel_loop3A_713 : vector<16xf32>
      %parallel_loop3A_715 = arith.constant 2 : i32
      %parallel_loop3A_716 = arith.index_cast %parallel_loop3A_715 : i32 to index
      %parallel_loop3A_717 = arith.index_cast %parallel_loop3A_703 : i32 to index
      %parallel_loop3A_718 = arith.constant 0 : index
      %parallel_loop3A_719 = tpu.vector_load %arg7[%parallel_loop3A_716, %parallel_loop3A_717, %parallel_loop3A_718] {strides = array<i32>} : memref<4x200x64xf32, #tpu.memory_space<vmem>>, vector<1x1x16xf32>,
      %parallel_loop3A_720 = vector.shape_cast %parallel_loop3A_719 : vector<1x1x16xf32> to vector<16xf32>
      %parallel_loop3A_721 = vector.shape_cast %parallel_loop3A_714 : vector<16xf32> to vector<1x1x16xf32>
      tpu.vector_store %arg7[%parallel_loop3A_716, %parallel_loop3A_717, %parallel_loop3A_718], %parallel_loop3A_721 {strides = array<i32>} : memref<4x200x64xf32, #tpu.memory_space<vmem>>, vector<1x1x16xf32>,
      %parallel_loop3A_722 = arith.constant 2 : i32
      %parallel_loop3A_723 = arith.index_cast %parallel_loop3A_722 : i32 to index
      %parallel_loop3A_724 = arith.index_cast %parallel_loop3A_703 : i32 to index
      %parallel_loop3A_725 = arith.constant 16 : index
      %parallel_loop3A_726 = tpu.vector_load %arg7[%parallel_loop3A_723, %parallel_loop3A_724, %parallel_loop3A_725] {strides = array<i32>} : memref<4x200x64xf32, #tpu.memory_space<vmem>>, vector<1x1x16xf32>,
      %parallel_loop3A_727 = vector.shape_cast %parallel_loop3A_726 : vector<1x1x16xf32> to vector<16xf32>
      %parallel_loop3A_728 = arith.index_cast %parallel_loop3A_703 : i32 to index
      %parallel_loop3A_729 = arith.constant 16 : index
      %parallel_loop3A_730 = tpu.vector_load %arg8[%parallel_loop3A_728, %parallel_loop3A_729] {strides = array<i32>} : memref<200x64xf32, #tpu.memory_space<vmem>>, vector<1x16xf32>,
      %parallel_loop3A_731 = vector.shape_cast %parallel_loop3A_730 : vector<1x16xf32> to vector<16xf32>
      %parallel_loop3A_732 = arith.addf %parallel_loop3A_727, %parallel_loop3A_731 : vector<16xf32>
      %parallel_loop3A_733 = arith.constant 2 : i32
      %parallel_loop3A_734 = arith.index_cast %parallel_loop3A_733 : i32 to index
      %parallel_loop3A_735 = arith.index_cast %parallel_loop3A_703 : i32 to index
      %parallel_loop3A_736 = arith.constant 16 : index
      %parallel_loop3A_737 = tpu.vector_load %arg7[%parallel_loop3A_734, %parallel_loop3A_735, %parallel_loop3A_736] {strides = array<i32>} : memref<4x200x64xf32, #tpu.memory_space<vmem>>, vector<1x1x16xf32>,
      %parallel_loop3A_738 = vector.shape_cast %parallel_loop3A_737 : vector<1x1x16xf32> to vector<16xf32>
      %parallel_loop3A_739 = vector.shape_cast %parallel_loop3A_732 : vector<16xf32> to vector<1x1x16xf32>
      tpu.vector_store %arg7[%parallel_loop3A_734, %parallel_loop3A_735, %parallel_loop3A_736], %parallel_loop3A_739 {strides = array<i32>} : memref<4x200x64xf32, #tpu.memory_space<vmem>>, vector<1x1x16xf32>,
      %parallel_loop3A_740 = arith.constant 2 : i32
      %parallel_loop3A_741 = arith.index_cast %parallel_loop3A_740 : i32 to index
      %parallel_loop3A_742 = arith.index_cast %parallel_loop3A_703 : i32 to index
      %parallel_loop3A_743 = arith.constant 32 : index
      %parallel_loop3A_744 = tpu.vector_load %arg7[%parallel_loop3A_741, %parallel_loop3A_742, %parallel_loop3A_743] {strides = array<i32>} : memref<4x200x64xf32, #tpu.memory_space<vmem>>, vector<1x1x16xf32>,
      %parallel_loop3A_745 = vector.shape_cast %parallel_loop3A_744 : vector<1x1x16xf32> to vector<16xf32>
      %parallel_loop3A_746 = arith.index_cast %parallel_loop3A_703 : i32 to index
      %parallel_loop3A_747 = arith.constant 32 : index
      %parallel_loop3A_748 = tpu.vector_load %arg8[%parallel_loop3A_746, %parallel_loop3A_747] {strides = array<i32>} : memref<200x64xf32, #tpu.memory_space<vmem>>, vector<1x16xf32>,
      %parallel_loop3A_749 = vector.shape_cast %parallel_loop3A_748 : vector<1x16xf32> to vector<16xf32>
      %parallel_loop3A_750 = arith.addf %parallel_loop3A_745, %parallel_loop3A_749 : vector<16xf32>
      %parallel_loop3A_751 = arith.constant 2 : i32
      %parallel_loop3A_752 = arith.index_cast %parallel_loop3A_751 : i32 to index
      %parallel_loop3A_753 = arith.index_cast %parallel_loop3A_703 : i32 to index
      %parallel_loop3A_754 = arith.constant 32 : index
      %parallel_loop3A_755 = tpu.vector_load %arg7[%parallel_loop3A_752, %parallel_loop3A_753, %parallel_loop3A_754] {strides = array<i32>} : memref<4x200x64xf32, #tpu.memory_space<vmem>>, vector<1x1x16xf32>,
      %parallel_loop3A_756 = vector.shape_cast %parallel_loop3A_755 : vector<1x1x16xf32> to vector<16xf32>
      %parallel_loop3A_757 = vector.shape_cast %parallel_loop3A_750 : vector<16xf32> to vector<1x1x16xf32>
      tpu.vector_store %arg7[%parallel_loop3A_752, %parallel_loop3A_753, %parallel_loop3A_754], %parallel_loop3A_757 {strides = array<i32>} : memref<4x200x64xf32, #tpu.memory_space<vmem>>, vector<1x1x16xf32>,
      %parallel_loop3A_758 = arith.constant 2 : i32
      %parallel_loop3A_759 = arith.index_cast %parallel_loop3A_758 : i32 to index
      %parallel_loop3A_760 = arith.index_cast %parallel_loop3A_703 : i32 to index
      %parallel_loop3A_761 = arith.constant 48 : index
      %parallel_loop3A_762 = tpu.vector_load %arg7[%parallel_loop3A_759, %parallel_loop3A_760, %parallel_loop3A_761] {strides = array<i32>} : memref<4x200x64xf32, #tpu.memory_space<vmem>>, vector<1x1x16xf32>,
      %parallel_loop3A_763 = vector.shape_cast %parallel_loop3A_762 : vector<1x1x16xf32> to vector<16xf32>
      %parallel_loop3A_764 = arith.index_cast %parallel_loop3A_703 : i32 to index
      %parallel_loop3A_765 = arith.constant 48 : index
      %parallel_loop3A_766 = tpu.vector_load %arg8[%parallel_loop3A_764, %parallel_loop3A_765] {strides = array<i32>} : memref<200x64xf32, #tpu.memory_space<vmem>>, vector<1x16xf32>,
      %parallel_loop3A_767 = vector.shape_cast %parallel_loop3A_766 : vector<1x16xf32> to vector<16xf32>
      %parallel_loop3A_768 = arith.addf %parallel_loop3A_763, %parallel_loop3A_767 : vector<16xf32>
      %parallel_loop3A_769 = arith.constant 2 : i32
      %parallel_loop3A_770 = arith.index_cast %parallel_loop3A_769 : i32 to index
      %parallel_loop3A_771 = arith.index_cast %parallel_loop3A_703 : i32 to index
      %parallel_loop3A_772 = arith.constant 48 : index
      %parallel_loop3A_773 = tpu.vector_load %arg7[%parallel_loop3A_770, %parallel_loop3A_771, %parallel_loop3A_772] {strides = array<i32>} : memref<4x200x64xf32, #tpu.memory_space<vmem>>, vector<1x1x16xf32>,
      %parallel_loop3A_774 = vector.shape_cast %parallel_loop3A_773 : vector<1x1x16xf32> to vector<16xf32>
      %parallel_loop3A_775 = vector.shape_cast %parallel_loop3A_768 : vector<16xf32> to vector<1x1x16xf32>
      tpu.vector_store %arg7[%parallel_loop3A_770, %parallel_loop3A_771, %parallel_loop3A_772], %parallel_loop3A_775 {strides = array<i32>} : memref<4x200x64xf32, #tpu.memory_space<vmem>>, vector<1x1x16xf32>,
    } {sc.loop_unroll_factor = 4 : i64, sc.parallel_access}
    %add3A_269 = arith.constant 400 : i32
    %add3A_270 = arith.addi %mul3A_4, %add3A_269 : i32
    %dma_start3A_271 = arith.constant 2 : i32
    %dma_start3A_272 = arith.constant 2 : i32
    %dma_start3A_273 = arith.constant 0 : i32
    %dma_start3A_274 = arith.constant 0 : i32
    %dma_start3A_275 = tpu.memref_slice %arg7[%dma_start3A_271, %dma_start3A_273, %dma_start3A_274] : memref<4x200x64xf32, #tpu.memory_space<vmem>> -> memref<1x200x64xf32, #tpu.memory_space<vmem>>
    %dma_start3A_276 = tpu.memref_squeeze %dma_start3A_275 : memref<1x200x64xf32, #tpu.memory_space<vmem>> -> memref<200x64xf32, #tpu.memory_space<vmem>>
    %dma_start3A_277 = arith.constant 0 : i32
    %dma_start3A_278 = tpu.memref_slice %arg5[%add3A_270, %dma_start3A_277] : memref<819200x64xf32, #tpu.memory_space<hbm>> -> memref<200x64xf32, #tpu.memory_space<hbm>>
    %dma_start3A_279 = tpu.memref_slice %arg10[%dma_start3A_272] : memref<4x!tpu.dma_semaphore, #tpu.memory_space<semaphore_mem>> -> memref<1x!tpu.dma_semaphore, #tpu.memory_space<semaphore_mem>>
    %dma_start3A_280 = tpu.memref_squeeze %dma_start3A_279 : memref<1x!tpu.dma_semaphore, #tpu.memory_space<semaphore_mem>> -> memref<!tpu.dma_semaphore, #tpu.memory_space<semaphore_mem>>
    %dma_start3A_281 = arith.constant 0 : i32
    %dma_start3A_282 = tpu.memref_slice %arg5[%add3A_270, %dma_start3A_281] : memref<819200x64xf32, #tpu.memory_space<hbm>> -> memref<200x64xf32, #tpu.memory_space<hbm>>
    %dma_start3A_283 = arith.constant 0 : i32
    %dma_start3A_284 = arith.constant 0 : i32
    %dma_start3A_285 = tpu.memref_slice %arg7[%dma_start3A_271, %dma_start3A_283, %dma_start3A_284] : memref<4x200x64xf32, #tpu.memory_space<vmem>> -> memref<1x200x64xf32, #tpu.memory_space<vmem>>
    %dma_start3A_286 = tpu.memref_squeeze %dma_start3A_285 : memref<1x200x64xf32, #tpu.memory_space<vmem>> -> memref<200x64xf32, #tpu.memory_space<vmem>>
    tpu.enqueue_dma source(%dma_start3A_286 : memref<200x64xf32, #tpu.memory_space<vmem>>) target(%dma_start3A_282 : memref<200x64xf32, #tpu.memory_space<hbm>>) target_semaphore(%dma_start3A_280 : memref<!tpu.dma_semaphore, #tpu.memory_space<semaphore_mem>>)
    %dma_wait3A_287 = arith.constant 1 : i32
    %dma_wait3A_288 = arith.constant 1 : i32
    %dma_wait3A_289 = arith.constant 0 : i32
    %dma_wait3A_290 = arith.constant 0 : i32
    %dma_wait3A_291 = tpu.memref_slice %arg7[%dma_wait3A_287, %dma_wait3A_289, %dma_wait3A_290] : memref<4x200x64xf32, #tpu.memory_space<vmem>> -> memref<1x200x64xf32, #tpu.memory_space<vmem>>
    %dma_wait3A_292 = tpu.memref_squeeze %dma_wait3A_291 : memref<1x200x64xf32, #tpu.memory_space<vmem>> -> memref<200x64xf32, #tpu.memory_space<vmem>>
    %dma_wait3A_293 = arith.constant 0 : i32
    %dma_wait3A_294 = arith.constant 0 : i32
    %dma_wait3A_295 = tpu.memref_slice %arg5[%dma_wait3A_293, %dma_wait3A_294] : memref<819200x64xf32, #tpu.memory_space<hbm>> -> memref<200x64xf32, #tpu.memory_space<hbm>>
    %dma_wait3A_296 = tpu.memref_slice %arg10[%dma_wait3A_288] : memref<4x!tpu.dma_semaphore, #tpu.memory_space<semaphore_mem>> -> memref<1x!tpu.dma_semaphore, #tpu.memory_space<semaphore_mem>>
    %dma_wait3A_297 = tpu.memref_squeeze %dma_wait3A_296 : memref<1x!tpu.dma_semaphore, #tpu.memory_space<semaphore_mem>> -> memref<!tpu.dma_semaphore, #tpu.memory_space<semaphore_mem>>
    %dma_wait3A_298 = arith.constant 0 : i32
    %dma_wait3A_299 = arith.constant 0 : i32
    %dma_wait3A_300 = tpu.memref_slice %arg5[%dma_wait3A_298, %dma_wait3A_299] : memref<819200x64xf32, #tpu.memory_space<hbm>> -> memref<200x64xf32, #tpu.memory_space<hbm>>
    %dma_wait3A_301 = arith.constant 0 : i32
    %dma_wait3A_302 = arith.constant 0 : i32
    %dma_wait3A_303 = tpu.memref_slice %arg7[%dma_wait3A_287, %dma_wait3A_301, %dma_wait3A_302] : memref<4x200x64xf32, #tpu.memory_space<vmem>> -> memref<1x200x64xf32, #tpu.memory_space<vmem>>
    %dma_wait3A_304 = tpu.memref_squeeze %dma_wait3A_303 : memref<1x200x64xf32, #tpu.memory_space<vmem>> -> memref<200x64xf32, #tpu.memory_space<vmem>>
    tpu.wait_dma2 semaphore(%dma_wait3A_297 : memref<!tpu.dma_semaphore, #tpu.memory_space<semaphore_mem>>) src(%dma_wait3A_304 : memref<200x64xf32, #tpu.memory_space<vmem>>) dst(%dma_wait3A_300 : memref<200x64xf32, #tpu.memory_space<hbm>>)
    %dma_start3A_305 = arith.constant 10 : i32
    %dma_start3A_306 = arith.constant 1 : i32
    %dma_start3A_307 = arith.constant 1 : i32
    %dma_start3A_308 = arith.constant 0 : i32
    %dma_start3A_309 = arith.constant 0 : i32
    %dma_start3A_310 = tpu.memref_slice %arg7[%dma_start3A_306, %dma_start3A_308, %dma_start3A_309] : memref<4x200x64xf32, #tpu.memory_space<vmem>> -> memref<1x100x64xf32, #tpu.memory_space<vmem>>
    %dma_start3A_311 = tpu.memref_squeeze %dma_start3A_310 : memref<1x100x64xf32, #tpu.memory_space<vmem>> -> memref<100x64xf32, #tpu.memory_space<vmem>>
    %dma_start3A_312 = arith.constant 0 : i32
    %dma_start3A_313 = tpu.memref_slice %arg6[%dma_start3A_305, %dma_start3A_312] : memref<256x100xi32, #tpu.memory_space<vmem>> -> memref<1x100xi32, #tpu.memory_space<vmem>>
    %dma_start3A_314 = tpu.memref_squeeze %dma_start3A_313 : memref<1x100xi32, #tpu.memory_space<vmem>> -> memref<100xi32, #tpu.memory_space<vmem>>
    %dma_start3A_315 = arith.constant 0 : i32
    %dma_start3A_316 = arith.constant 0 : i32
    %dma_start3A_317 = tpu.memref_slice %arg3[%dma_start3A_315, %dma_start3A_316] : memref<1000000x64xf32, #tpu.memory_space<hbm>> -> memref<1000000x64xf32, #tpu.memory_space<hbm>>
    %dma_start3A_318 = tpu.memref_slice %arg9[%dma_start3A_307] : memref<4x!tpu.dma_semaphore, #tpu.memory_space<semaphore_mem>> -> memref<1x!tpu.dma_semaphore, #tpu.memory_space<semaphore_mem>>
    %dma_start3A_319 = tpu.memref_squeeze %dma_start3A_318 : memref<1x!tpu.dma_semaphore, #tpu.memory_space<semaphore_mem>> -> memref<!tpu.dma_semaphore, #tpu.memory_space<semaphore_mem>>
    tpu.enqueue_indirect_dma source(%dma_start3A_317 : memref<1000000x64xf32, #tpu.memory_space<hbm>>) target(%dma_start3A_311 : memref<100x64xf32, #tpu.memory_space<vmem>>) offsets(%dma_start3A_314 : memref<100xi32, #tpu.memory_space<vmem>>) semaphore(%dma_start3A_319 : memref<!tpu.dma_semaphore, #tpu.memory_space<semaphore_mem>>)
    %dma_start3A_320 = arith.constant 11 : i32
    %dma_start3A_321 = arith.constant 1 : i32
    %dma_start3A_322 = arith.constant 1 : i32
    %dma_start3A_323 = arith.constant 100 : i32
    %dma_start3A_324 = arith.constant 0 : i32
    %dma_start3A_325 = tpu.memref_slice %arg7[%dma_start3A_321, %dma_start3A_323, %dma_start3A_324] : memref<4x200x64xf32, #tpu.memory_space<vmem>> -> memref<1x100x64xf32, #tpu.memory_space<vmem>>
    %dma_start3A_326 = tpu.memref_squeeze %dma_start3A_325 : memref<1x100x64xf32, #tpu.memory_space<vmem>> -> memref<100x64xf32, #tpu.memory_space<vmem>>
    %dma_start3A_327 = arith.constant 0 : i32
    %dma_start3A_328 = tpu.memref_slice %arg6[%dma_start3A_320, %dma_start3A_327] : memref<256x100xi32, #tpu.memory_space<vmem>> -> memref<1x100xi32, #tpu.memory_space<vmem>>
    %dma_start3A_329 = tpu.memref_squeeze %dma_start3A_328 : memref<1x100xi32, #tpu.memory_space<vmem>> -> memref<100xi32, #tpu.memory_space<vmem>>
    %dma_start3A_330 = arith.constant 0 : i32
    %dma_start3A_331 = arith.constant 0 : i32
    %dma_start3A_332 = tpu.memref_slice %arg3[%dma_start3A_330, %dma_start3A_331] : memref<1000000x64xf32, #tpu.memory_space<hbm>> -> memref<1000000x64xf32, #tpu.memory_space<hbm>>
    %dma_start3A_333 = tpu.memref_slice %arg9[%dma_start3A_322] : memref<4x!tpu.dma_semaphore, #tpu.memory_space<semaphore_mem>> -> memref<1x!tpu.dma_semaphore, #tpu.memory_space<semaphore_mem>>
    %dma_start3A_334 = tpu.memref_squeeze %dma_start3A_333 : memref<1x!tpu.dma_semaphore, #tpu.memory_space<semaphore_mem>> -> memref<!tpu.dma_semaphore, #tpu.memory_space<semaphore_mem>>
    tpu.enqueue_indirect_dma source(%dma_start3A_332 : memref<1000000x64xf32, #tpu.memory_space<hbm>>) target(%dma_start3A_326 : memref<100x64xf32, #tpu.memory_space<vmem>>) offsets(%dma_start3A_329 : memref<100xi32, #tpu.memory_space<vmem>>) semaphore(%dma_start3A_334 : memref<!tpu.dma_semaphore, #tpu.memory_space<semaphore_mem>>)
    %dma_wait3A_335 = arith.constant 3 : i32
    %dma_wait3A_336 = arith.constant 3 : i32
    %dma_wait3A_337 = arith.constant 0 : i32
    %dma_wait3A_338 = arith.constant 0 : i32
    %dma_wait3A_339 = tpu.memref_slice %arg7[%dma_wait3A_335, %dma_wait3A_337, %dma_wait3A_338] : memref<4x200x64xf32, #tpu.memory_space<vmem>> -> memref<1x200x64xf32, #tpu.memory_space<vmem>>
    %dma_wait3A_340 = tpu.memref_squeeze %dma_wait3A_339 : memref<1x200x64xf32, #tpu.memory_space<vmem>> -> memref<200x64xf32, #tpu.memory_space<vmem>>
    %dma_wait3A_341 = arith.constant 0 : i32
    %dma_wait3A_342 = arith.constant 0 : i32
    %dma_wait3A_343 = tpu.memref_slice %arg5[%dma_wait3A_341, %dma_wait3A_342] : memref<819200x64xf32, #tpu.memory_space<hbm>> -> memref<200x64xf32, #tpu.memory_space<hbm>>
    %dma_wait3A_344 = tpu.memref_slice %arg9[%dma_wait3A_336] : memref<4x!tpu.dma_semaphore, #tpu.memory_space<semaphore_mem>> -> memref<1x!tpu.dma_semaphore, #tpu.memory_space<semaphore_mem>>
    %dma_wait3A_345 = tpu.memref_squeeze %dma_wait3A_344 : memref<1x!tpu.dma_semaphore, #tpu.memory_space<semaphore_mem>> -> memref<!tpu.dma_semaphore, #tpu.memory_space<semaphore_mem>>
    %dma_wait3A_346 = arith.constant 0 : i32
    %dma_wait3A_347 = arith.constant 0 : i32
    %dma_wait3A_348 = tpu.memref_slice %arg7[%dma_wait3A_335, %dma_wait3A_346, %dma_wait3A_347] : memref<4x200x64xf32, #tpu.memory_space<vmem>> -> memref<1x200x64xf32, #tpu.memory_space<vmem>>
    %dma_wait3A_349 = tpu.memref_squeeze %dma_wait3A_348 : memref<1x200x64xf32, #tpu.memory_space<vmem>> -> memref<200x64xf32, #tpu.memory_space<vmem>>
    %dma_wait3A_350 = arith.constant 0 : i32
    %dma_wait3A_351 = arith.constant 0 : i32
    %dma_wait3A_352 = tpu.memref_slice %arg5[%dma_wait3A_350, %dma_wait3A_351] : memref<819200x64xf32, #tpu.memory_space<hbm>> -> memref<200x64xf32, #tpu.memory_space<hbm>>
    tpu.wait_dma2 semaphore(%dma_wait3A_345 : memref<!tpu.dma_semaphore, #tpu.memory_space<semaphore_mem>>) src(%dma_wait3A_352 : memref<200x64xf32, #tpu.memory_space<hbm>>) dst(%dma_wait3A_349 : memref<200x64xf32, #tpu.memory_space<vmem>>)
    %parallel_loop3A_353 = arith.constant 0 : i32
    %parallel_loop3A_354 = arith.constant 200 : i32
    %parallel_loop3A_355 = arith.constant 1 : i32
    scf.for %parallel_loop3A_703 = %parallel_loop3A_353 to %parallel_loop3A_354 step %parallel_loop3A_355  : i32 {
      %parallel_loop3A_704 = arith.constant 3 : i32
      %parallel_loop3A_705 = arith.index_cast %parallel_loop3A_704 : i32 to index
      %parallel_loop3A_706 = arith.index_cast %parallel_loop3A_703 : i32 to index
      %parallel_loop3A_707 = arith.constant 0 : index
      %parallel_loop3A_708 = tpu.vector_load %arg7[%parallel_loop3A_705, %parallel_loop3A_706, %parallel_loop3A_707] {strides = array<i32>} : memref<4x200x64xf32, #tpu.memory_space<vmem>>, vector<1x1x16xf32>,
      %parallel_loop3A_709 = vector.shape_cast %parallel_loop3A_708 : vector<1x1x16xf32> to vector<16xf32>
      %parallel_loop3A_710 = arith.index_cast %parallel_loop3A_703 : i32 to index
      %parallel_loop3A_711 = arith.constant 0 : index
      %parallel_loop3A_712 = tpu.vector_load %arg8[%parallel_loop3A_710, %parallel_loop3A_711] {strides = array<i32>} : memref<200x64xf32, #tpu.memory_space<vmem>>, vector<1x16xf32>,
      %parallel_loop3A_713 = vector.shape_cast %parallel_loop3A_712 : vector<1x16xf32> to vector<16xf32>
      %parallel_loop3A_714 = arith.addf %parallel_loop3A_709, %parallel_loop3A_713 : vector<16xf32>
      %parallel_loop3A_715 = arith.constant 3 : i32
      %parallel_loop3A_716 = arith.index_cast %parallel_loop3A_715 : i32 to index
      %parallel_loop3A_717 = arith.index_cast %parallel_loop3A_703 : i32 to index
      %parallel_loop3A_718 = arith.constant 0 : index
      %parallel_loop3A_719 = tpu.vector_load %arg7[%parallel_loop3A_716, %parallel_loop3A_717, %parallel_loop3A_718] {strides = array<i32>} : memref<4x200x64xf32, #tpu.memory_space<vmem>>, vector<1x1x16xf32>,
      %parallel_loop3A_720 = vector.shape_cast %parallel_loop3A_719 : vector<1x1x16xf32> to vector<16xf32>
      %parallel_loop3A_721 = vector.shape_cast %parallel_loop3A_714 : vector<16xf32> to vector<1x1x16xf32>
      tpu.vector_store %arg7[%parallel_loop3A_716, %parallel_loop3A_717, %parallel_loop3A_718], %parallel_loop3A_721 {strides = array<i32>} : memref<4x200x64xf32, #tpu.memory_space<vmem>>, vector<1x1x16xf32>,
      %parallel_loop3A_722 = arith.constant 3 : i32
      %parallel_loop3A_723 = arith.index_cast %parallel_loop3A_722 : i32 to index
      %parallel_loop3A_724 = arith.index_cast %parallel_loop3A_703 : i32 to index
      %parallel_loop3A_725 = arith.constant 16 : index
      %parallel_loop3A_726 = tpu.vector_load %arg7[%parallel_loop3A_723, %parallel_loop3A_724, %parallel_loop3A_725] {strides = array<i32>} : memref<4x200x64xf32, #tpu.memory_space<vmem>>, vector<1x1x16xf32>,
      %parallel_loop3A_727 = vector.shape_cast %parallel_loop3A_726 : vector<1x1x16xf32> to vector<16xf32>
      %parallel_loop3A_728 = arith.index_cast %parallel_loop3A_703 : i32 to index
      %parallel_loop3A_729 = arith.constant 16 : index
      %parallel_loop3A_730 = tpu.vector_load %arg8[%parallel_loop3A_728, %parallel_loop3A_729] {strides = array<i32>} : memref<200x64xf32, #tpu.memory_space<vmem>>, vector<1x16xf32>,
      %parallel_loop3A_731 = vector.shape_cast %parallel_loop3A_730 : vector<1x16xf32> to vector<16xf32>
      %parallel_loop3A_732 = arith.addf %parallel_loop3A_727, %parallel_loop3A_731 : vector<16xf32>
      %parallel_loop3A_733 = arith.constant 3 : i32
      %parallel_loop3A_734 = arith.index_cast %parallel_loop3A_733 : i32 to index
      %parallel_loop3A_735 = arith.index_cast %parallel_loop3A_703 : i32 to index
      %parallel_loop3A_736 = arith.constant 16 : index
      %parallel_loop3A_737 = tpu.vector_load %arg7[%parallel_loop3A_734, %parallel_loop3A_735, %parallel_loop3A_736] {strides = array<i32>} : memref<4x200x64xf32, #tpu.memory_space<vmem>>, vector<1x1x16xf32>,
      %parallel_loop3A_738 = vector.shape_cast %parallel_loop3A_737 : vector<1x1x16xf32> to vector<16xf32>
      %parallel_loop3A_739 = vector.shape_cast %parallel_loop3A_732 : vector<16xf32> to vector<1x1x16xf32>
      tpu.vector_store %arg7[%parallel_loop3A_734, %parallel_loop3A_735, %parallel_loop3A_736], %parallel_loop3A_739 {strides = array<i32>} : memref<4x200x64xf32, #tpu.memory_space<vmem>>, vector<1x1x16xf32>,
      %parallel_loop3A_740 = arith.constant 3 : i32
      %parallel_loop3A_741 = arith.index_cast %parallel_loop3A_740 : i32 to index
      %parallel_loop3A_742 = arith.index_cast %parallel_loop3A_703 : i32 to index
      %parallel_loop3A_743 = arith.constant 32 : index
      %parallel_loop3A_744 = tpu.vector_load %arg7[%parallel_loop3A_741, %parallel_loop3A_742, %parallel_loop3A_743] {strides = array<i32>} : memref<4x200x64xf32, #tpu.memory_space<vmem>>, vector<1x1x16xf32>,
      %parallel_loop3A_745 = vector.shape_cast %parallel_loop3A_744 : vector<1x1x16xf32> to vector<16xf32>
      %parallel_loop3A_746 = arith.index_cast %parallel_loop3A_703 : i32 to index
      %parallel_loop3A_747 = arith.constant 32 : index
      %parallel_loop3A_748 = tpu.vector_load %arg8[%parallel_loop3A_746, %parallel_loop3A_747] {strides = array<i32>} : memref<200x64xf32, #tpu.memory_space<vmem>>, vector<1x16xf32>,
      %parallel_loop3A_749 = vector.shape_cast %parallel_loop3A_748 : vector<1x16xf32> to vector<16xf32>
      %parallel_loop3A_750 = arith.addf %parallel_loop3A_745, %parallel_loop3A_749 : vector<16xf32>
      %parallel_loop3A_751 = arith.constant 3 : i32
      %parallel_loop3A_752 = arith.index_cast %parallel_loop3A_751 : i32 to index
      %parallel_loop3A_753 = arith.index_cast %parallel_loop3A_703 : i32 to index
      %parallel_loop3A_754 = arith.constant 32 : index
      %parallel_loop3A_755 = tpu.vector_load %arg7[%parallel_loop3A_752, %parallel_loop3A_753, %parallel_loop3A_754] {strides = array<i32>} : memref<4x200x64xf32, #tpu.memory_space<vmem>>, vector<1x1x16xf32>,
      %parallel_loop3A_756 = vector.shape_cast %parallel_loop3A_755 : vector<1x1x16xf32> to vector<16xf32>
      %parallel_loop3A_757 = vector.shape_cast %parallel_loop3A_750 : vector<16xf32> to vector<1x1x16xf32>
      tpu.vector_store %arg7[%parallel_loop3A_752, %parallel_loop3A_753, %parallel_loop3A_754], %parallel_loop3A_757 {strides = array<i32>} : memref<4x200x64xf32, #tpu.memory_space<vmem>>, vector<1x1x16xf32>,
      %parallel_loop3A_758 = arith.constant 3 : i32
      %parallel_loop3A_759 = arith.index_cast %parallel_loop3A_758 : i32 to index
      %parallel_loop3A_760 = arith.index_cast %parallel_loop3A_703 : i32 to index
      %parallel_loop3A_761 = arith.constant 48 : index
      %parallel_loop3A_762 = tpu.vector_load %arg7[%parallel_loop3A_759, %parallel_loop3A_760, %parallel_loop3A_761] {strides = array<i32>} : memref<4x200x64xf32, #tpu.memory_space<vmem>>, vector<1x1x16xf32>,
      %parallel_loop3A_763 = vector.shape_cast %parallel_loop3A_762 : vector<1x1x16xf32> to vector<16xf32>
      %parallel_loop3A_764 = arith.index_cast %parallel_loop3A_703 : i32 to index
      %parallel_loop3A_765 = arith.constant 48 : index
      %parallel_loop3A_766 = tpu.vector_load %arg8[%parallel_loop3A_764, %parallel_loop3A_765] {strides = array<i32>} : memref<200x64xf32, #tpu.memory_space<vmem>>, vector<1x16xf32>,
      %parallel_loop3A_767 = vector.shape_cast %parallel_loop3A_766 : vector<1x16xf32> to vector<16xf32>
      %parallel_loop3A_768 = arith.addf %parallel_loop3A_763, %parallel_loop3A_767 : vector<16xf32>
      %parallel_loop3A_769 = arith.constant 3 : i32
      %parallel_loop3A_770 = arith.index_cast %parallel_loop3A_769 : i32 to index
      %parallel_loop3A_771 = arith.index_cast %parallel_loop3A_703 : i32 to index
      %parallel_loop3A_772 = arith.constant 48 : index
      %parallel_loop3A_773 = tpu.vector_load %arg7[%parallel_loop3A_770, %parallel_loop3A_771, %parallel_loop3A_772] {strides = array<i32>} : memref<4x200x64xf32, #tpu.memory_space<vmem>>, vector<1x1x16xf32>,
      %parallel_loop3A_774 = vector.shape_cast %parallel_loop3A_773 : vector<1x1x16xf32> to vector<16xf32>
      %parallel_loop3A_775 = vector.shape_cast %parallel_loop3A_768 : vector<16xf32> to vector<1x1x16xf32>
      tpu.vector_store %arg7[%parallel_loop3A_770, %parallel_loop3A_771, %parallel_loop3A_772], %parallel_loop3A_775 {strides = array<i32>} : memref<4x200x64xf32, #tpu.memory_space<vmem>>, vector<1x1x16xf32>,
    } {sc.loop_unroll_factor = 4 : i64, sc.parallel_access}
    %add3A_356 = arith.constant 600 : i32
    %add3A_357 = arith.addi %mul3A_4, %add3A_356 : i32
    %dma_start3A_358 = arith.constant 3 : i32
    %dma_start3A_359 = arith.constant 3 : i32
    %dma_start3A_360 = arith.constant 0 : i32
    %dma_start3A_361 = arith.constant 0 : i32
    %dma_start3A_362 = tpu.memref_slice %arg7[%dma_start3A_358, %dma_start3A_360, %dma_start3A_361] : memref<4x200x64xf32, #tpu.memory_space<vmem>> -> memref<1x200x64xf32, #tpu.memory_space<vmem>>
    %dma_start3A_363 = tpu.memref_squeeze %dma_start3A_362 : memref<1x200x64xf32, #tpu.memory_space<vmem>> -> memref<200x64xf32, #tpu.memory_space<vmem>>
    %dma_start3A_364 = arith.constant 0 : i32
    %dma_start3A_365 = tpu.memref_slice %arg5[%add3A_357, %dma_start3A_364] : memref<819200x64xf32, #tpu.memory_space<hbm>> -> memref<200x64xf32, #tpu.memory_space<hbm>>
    %dma_start3A_366 = tpu.memref_slice %arg10[%dma_start3A_359] : memref<4x!tpu.dma_semaphore, #tpu.memory_space<semaphore_mem>> -> memref<1x!tpu.dma_semaphore, #tpu.memory_space<semaphore_mem>>
    %dma_start3A_367 = tpu.memref_squeeze %dma_start3A_366 : memref<1x!tpu.dma_semaphore, #tpu.memory_space<semaphore_mem>> -> memref<!tpu.dma_semaphore, #tpu.memory_space<semaphore_mem>>
    %dma_start3A_368 = arith.constant 0 : i32
    %dma_start3A_369 = tpu.memref_slice %arg5[%add3A_357, %dma_start3A_368] : memref<819200x64xf32, #tpu.memory_space<hbm>> -> memref<200x64xf32, #tpu.memory_space<hbm>>
    %dma_start3A_370 = arith.constant 0 : i32
    %dma_start3A_371 = arith.constant 0 : i32
    %dma_start3A_372 = tpu.memref_slice %arg7[%dma_start3A_358, %dma_start3A_370, %dma_start3A_371] : memref<4x200x64xf32, #tpu.memory_space<vmem>> -> memref<1x200x64xf32, #tpu.memory_space<vmem>>
    %dma_start3A_373 = tpu.memref_squeeze %dma_start3A_372 : memref<1x200x64xf32, #tpu.memory_space<vmem>> -> memref<200x64xf32, #tpu.memory_space<vmem>>
    tpu.enqueue_dma source(%dma_start3A_373 : memref<200x64xf32, #tpu.memory_space<vmem>>) target(%dma_start3A_369 : memref<200x64xf32, #tpu.memory_space<hbm>>) target_semaphore(%dma_start3A_367 : memref<!tpu.dma_semaphore, #tpu.memory_space<semaphore_mem>>)
    %dma_wait3A_374 = arith.constant 2 : i32
    %dma_wait3A_375 = arith.constant 2 : i32
    %dma_wait3A_376 = arith.constant 0 : i32
    %dma_wait3A_377 = arith.constant 0 : i32
    %dma_wait3A_378 = tpu.memref_slice %arg7[%dma_wait3A_374, %dma_wait3A_376, %dma_wait3A_377] : memref<4x200x64xf32, #tpu.memory_space<vmem>> -> memref<1x200x64xf32, #tpu.memory_space<vmem>>
    %dma_wait3A_379 = tpu.memref_squeeze %dma_wait3A_378 : memref<1x200x64xf32, #tpu.memory_space<vmem>> -> memref<200x64xf32, #tpu.memory_space<vmem>>
    %dma_wait3A_380 = arith.constant 0 : i32
    %dma_wait3A_381 = arith.constant 0 : i32
    %dma_wait3A_382 = tpu.memref_slice %arg5[%dma_wait3A_380, %dma_wait3A_381] : memref<819200x64xf32, #tpu.memory_space<hbm>> -> memref<200x64xf32, #tpu.memory_space<hbm>>
    %dma_wait3A_383 = tpu.memref_slice %arg10[%dma_wait3A_375] : memref<4x!tpu.dma_semaphore, #tpu.memory_space<semaphore_mem>> -> memref<1x!tpu.dma_semaphore, #tpu.memory_space<semaphore_mem>>
    %dma_wait3A_384 = tpu.memref_squeeze %dma_wait3A_383 : memref<1x!tpu.dma_semaphore, #tpu.memory_space<semaphore_mem>> -> memref<!tpu.dma_semaphore, #tpu.memory_space<semaphore_mem>>
    %dma_wait3A_385 = arith.constant 0 : i32
    %dma_wait3A_386 = arith.constant 0 : i32
    %dma_wait3A_387 = tpu.memref_slice %arg5[%dma_wait3A_385, %dma_wait3A_386] : memref<819200x64xf32, #tpu.memory_space<hbm>> -> memref<200x64xf32, #tpu.memory_space<hbm>>
    %dma_wait3A_388 = arith.constant 0 : i32
    %dma_wait3A_389 = arith.constant 0 : i32
    %dma_wait3A_390 = tpu.memref_slice %arg7[%dma_wait3A_374, %dma_wait3A_388, %dma_wait3A_389] : memref<4x200x64xf32, #tpu.memory_space<vmem>> -> memref<1x200x64xf32, #tpu.memory_space<vmem>>
    %dma_wait3A_391 = tpu.memref_squeeze %dma_wait3A_390 : memref<1x200x64xf32, #tpu.memory_space<vmem>> -> memref<200x64xf32, #tpu.memory_space<vmem>>
    tpu.wait_dma2 semaphore(%dma_wait3A_384 : memref<!tpu.dma_semaphore, #tpu.memory_space<semaphore_mem>>) src(%dma_wait3A_391 : memref<200x64xf32, #tpu.memory_space<vmem>>) dst(%dma_wait3A_387 : memref<200x64xf32, #tpu.memory_space<hbm>>)
    %dma_start3A_392 = arith.constant 12 : i32
    %dma_start3A_393 = arith.constant 2 : i32
    %dma_start3A_394 = arith.constant 2 : i32
    %dma_start3A_395 = arith.constant 0 : i32
    %dma_start3A_396 = arith.constant 0 : i32
    %dma_start3A_397 = tpu.memref_slice %arg7[%dma_start3A_393, %dma_start3A_395, %dma_start3A_396] : memref<4x200x64xf32, #tpu.memory_space<vmem>> -> memref<1x100x64xf32, #tpu.memory_space<vmem>>
    %dma_start3A_398 = tpu.memref_squeeze %dma_start3A_397 : memref<1x100x64xf32, #tpu.memory_space<vmem>> -> memref<100x64xf32, #tpu.memory_space<vmem>>
    %dma_start3A_399 = arith.constant 0 : i32
    %dma_start3A_400 = tpu.memref_slice %arg6[%dma_start3A_392, %dma_start3A_399] : memref<256x100xi32, #tpu.memory_space<vmem>> -> memref<1x100xi32, #tpu.memory_space<vmem>>
    %dma_start3A_401 = tpu.memref_squeeze %dma_start3A_400 : memref<1x100xi32, #tpu.memory_space<vmem>> -> memref<100xi32, #tpu.memory_space<vmem>>
    %dma_start3A_402 = arith.constant 0 : i32
    %dma_start3A_403 = arith.constant 0 : i32
    %dma_start3A_404 = tpu.memref_slice %arg3[%dma_start3A_402, %dma_start3A_403] : memref<1000000x64xf32, #tpu.memory_space<hbm>> -> memref<1000000x64xf32, #tpu.memory_space<hbm>>
    %dma_start3A_405 = tpu.memref_slice %arg9[%dma_start3A_394] : memref<4x!tpu.dma_semaphore, #tpu.memory_space<semaphore_mem>> -> memref<1x!tpu.dma_semaphore, #tpu.memory_space<semaphore_mem>>
    %dma_start3A_406 = tpu.memref_squeeze %dma_start3A_405 : memref<1x!tpu.dma_semaphore, #tpu.memory_space<semaphore_mem>> -> memref<!tpu.dma_semaphore, #tpu.memory_space<semaphore_mem>>
    tpu.enqueue_indirect_dma source(%dma_start3A_404 : memref<1000000x64xf32, #tpu.memory_space<hbm>>) target(%dma_start3A_398 : memref<100x64xf32, #tpu.memory_space<vmem>>) offsets(%dma_start3A_401 : memref<100xi32, #tpu.memory_space<vmem>>) semaphore(%dma_start3A_406 : memref<!tpu.dma_semaphore, #tpu.memory_space<semaphore_mem>>)
    %dma_start3A_407 = arith.constant 13 : i32
    %dma_start3A_408 = arith.constant 2 : i32
    %dma_start3A_409 = arith.constant 2 : i32
    %dma_start3A_410 = arith.constant 100 : i32
    %dma_start3A_411 = arith.constant 0 : i32
    %dma_start3A_412 = tpu.memref_slice %arg7[%dma_start3A_408, %dma_start3A_410, %dma_start3A_411] : memref<4x200x64xf32, #tpu.memory_space<vmem>> -> memref<1x100x64xf32, #tpu.memory_space<vmem>>
    %dma_start3A_413 = tpu.memref_squeeze %dma_start3A_412 : memref<1x100x64xf32, #tpu.memory_space<vmem>> -> memref<100x64xf32, #tpu.memory_space<vmem>>
    %dma_start3A_414 = arith.constant 0 : i32
    %dma_start3A_415 = tpu.memref_slice %arg6[%dma_start3A_407, %dma_start3A_414] : memref<256x100xi32, #tpu.memory_space<vmem>> -> memref<1x100xi32, #tpu.memory_space<vmem>>
    %dma_start3A_416 = tpu.memref_squeeze %dma_start3A_415 : memref<1x100xi32, #tpu.memory_space<vmem>> -> memref<100xi32, #tpu.memory_space<vmem>>
    %dma_start3A_417 = arith.constant 0 : i32
    %dma_start3A_418 = arith.constant 0 : i32
    %dma_start3A_419 = tpu.memref_slice %arg3[%dma_start3A_417, %dma_start3A_418] : memref<1000000x64xf32, #tpu.memory_space<hbm>> -> memref<1000000x64xf32, #tpu.memory_space<hbm>>
    %dma_start3A_420 = tpu.memref_slice %arg9[%dma_start3A_409] : memref<4x!tpu.dma_semaphore, #tpu.memory_space<semaphore_mem>> -> memref<1x!tpu.dma_semaphore, #tpu.memory_space<semaphore_mem>>
    %dma_start3A_421 = tpu.memref_squeeze %dma_start3A_420 : memref<1x!tpu.dma_semaphore, #tpu.memory_space<semaphore_mem>> -> memref<!tpu.dma_semaphore, #tpu.memory_space<semaphore_mem>>
    tpu.enqueue_indirect_dma source(%dma_start3A_419 : memref<1000000x64xf32, #tpu.memory_space<hbm>>) target(%dma_start3A_413 : memref<100x64xf32, #tpu.memory_space<vmem>>) offsets(%dma_start3A_416 : memref<100xi32, #tpu.memory_space<vmem>>) semaphore(%dma_start3A_421 : memref<!tpu.dma_semaphore, #tpu.memory_space<semaphore_mem>>)
    %scan3A = arith.constant 0 : i32
    %scan3A_422 = arith.constant 1 : i32
    %scan3A_423 = arith.constant 30 : i32
    %scan3A_424 = arith.addi %scan3A_422, %scan3A_423 : i32
    %scan3A_425 = arith.constant 1 : i32
    scf.for %scan3A_703 = %scan3A_422 to %scan3A_424 step %scan3A_425  : i32 {
      %mul3A_704 = arith.constant 4 : i32
      %mul3A_705 = arith.muli %scan3A_703, %mul3A_704 : i32
      %add3A_706 = arith.constant 0 : i32
      %add3A_707 = arith.addi %mul3A_705, %add3A_706 : i32
      %dma_wait3A_708 = arith.constant 0 : i32
      %dma_wait3A_709 = arith.constant 0 : i32
      %dma_wait3A_710 = arith.constant 0 : i32
      %dma_wait3A_711 = arith.constant 0 : i32
      %dma_wait3A_712 = tpu.memref_slice %arg7[%dma_wait3A_708, %dma_wait3A_710, %dma_wait3A_711] : memref<4x200x64xf32, #tpu.memory_space<vmem>> -> memref<1x200x64xf32, #tpu.memory_space<vmem>>
      %dma_wait3A_713 = tpu.memref_squeeze %dma_wait3A_712 : memref<1x200x64xf32, #tpu.memory_space<vmem>> -> memref<200x64xf32, #tpu.memory_space<vmem>>
      %dma_wait3A_714 = arith.constant 0 : i32
      %dma_wait3A_715 = arith.constant 0 : i32
      %dma_wait3A_716 = tpu.memref_slice %arg5[%dma_wait3A_714, %dma_wait3A_715] : memref<819200x64xf32, #tpu.memory_space<hbm>> -> memref<200x64xf32, #tpu.memory_space<hbm>>
      %dma_wait3A_717 = tpu.memref_slice %arg9[%dma_wait3A_709] : memref<4x!tpu.dma_semaphore, #tpu.memory_space<semaphore_mem>> -> memref<1x!tpu.dma_semaphore, #tpu.memory_space<semaphore_mem>>
      %dma_wait3A_718 = tpu.memref_squeeze %dma_wait3A_717 : memref<1x!tpu.dma_semaphore, #tpu.memory_space<semaphore_mem>> -> memref<!tpu.dma_semaphore, #tpu.memory_space<semaphore_mem>>
      %dma_wait3A_719 = arith.constant 0 : i32
      %dma_wait3A_720 = arith.constant 0 : i32
      %dma_wait3A_721 = tpu.memref_slice %arg7[%dma_wait3A_708, %dma_wait3A_719, %dma_wait3A_720] : memref<4x200x64xf32, #tpu.memory_space<vmem>> -> memref<1x200x64xf32, #tpu.memory_space<vmem>>
      %dma_wait3A_722 = tpu.memref_squeeze %dma_wait3A_721 : memref<1x200x64xf32, #tpu.memory_space<vmem>> -> memref<200x64xf32, #tpu.memory_space<vmem>>
      %dma_wait3A_723 = arith.constant 0 : i32
      %dma_wait3A_724 = arith.constant 0 : i32
      %dma_wait3A_725 = tpu.memref_slice %arg5[%dma_wait3A_723, %dma_wait3A_724] : memref<819200x64xf32, #tpu.memory_space<hbm>> -> memref<200x64xf32, #tpu.memory_space<hbm>>
      tpu.wait_dma2 semaphore(%dma_wait3A_718 : memref<!tpu.dma_semaphore, #tpu.memory_space<semaphore_mem>>) src(%dma_wait3A_725 : memref<200x64xf32, #tpu.memory_space<hbm>>) dst(%dma_wait3A_722 : memref<200x64xf32, #tpu.memory_space<vmem>>)
      %parallel_loop3A_726 = arith.constant 0 : i32
      %parallel_loop3A_727 = arith.constant 200 : i32
      %parallel_loop3A_728 = arith.constant 1 : i32
      scf.for %parallel_loop3A_1111 = %parallel_loop3A_726 to %parallel_loop3A_727 step %parallel_loop3A_728  : i32 {
        %parallel_loop3A_1112 = arith.constant 0 : i32
        %parallel_loop3A_1113 = arith.index_cast %parallel_loop3A_1112 : i32 to index
        %parallel_loop3A_1114 = arith.index_cast %parallel_loop3A_1111 : i32 to index
        %parallel_loop3A_1115 = arith.constant 0 : index
        %parallel_loop3A_1116 = tpu.vector_load %arg7[%parallel_loop3A_1113, %parallel_loop3A_1114, %parallel_loop3A_1115] {strides = array<i32>} : memref<4x200x64xf32, #tpu.memory_space<vmem>>, vector<1x1x16xf32>,
        %parallel_loop3A_1117 = vector.shape_cast %parallel_loop3A_1116 : vector<1x1x16xf32> to vector<16xf32>
        %parallel_loop3A_1118 = arith.index_cast %parallel_loop3A_1111 : i32 to index
        %parallel_loop3A_1119 = arith.constant 0 : index
        %parallel_loop3A_1120 = tpu.vector_load %arg8[%parallel_loop3A_1118, %parallel_loop3A_1119] {strides = array<i32>} : memref<200x64xf32, #tpu.memory_space<vmem>>, vector<1x16xf32>,
        %parallel_loop3A_1121 = vector.shape_cast %parallel_loop3A_1120 : vector<1x16xf32> to vector<16xf32>
        %parallel_loop3A_1122 = arith.addf %parallel_loop3A_1117, %parallel_loop3A_1121 : vector<16xf32>
        %parallel_loop3A_1123 = arith.constant 0 : i32
        %parallel_loop3A_1124 = arith.index_cast %parallel_loop3A_1123 : i32 to index
        %parallel_loop3A_1125 = arith.index_cast %parallel_loop3A_1111 : i32 to index
        %parallel_loop3A_1126 = arith.constant 0 : index
        %parallel_loop3A_1127 = tpu.vector_load %arg7[%parallel_loop3A_1124, %parallel_loop3A_1125, %parallel_loop3A_1126] {strides = array<i32>} : memref<4x200x64xf32, #tpu.memory_space<vmem>>, vector<1x1x16xf32>,
        %parallel_loop3A_1128 = vector.shape_cast %parallel_loop3A_1127 : vector<1x1x16xf32> to vector<16xf32>
        %parallel_loop3A_1129 = vector.shape_cast %parallel_loop3A_1122 : vector<16xf32> to vector<1x1x16xf32>
        tpu.vector_store %arg7[%parallel_loop3A_1124, %parallel_loop3A_1125, %parallel_loop3A_1126], %parallel_loop3A_1129 {strides = array<i32>} : memref<4x200x64xf32, #tpu.memory_space<vmem>>, vector<1x1x16xf32>,
        %parallel_loop3A_1130 = arith.constant 0 : i32
        %parallel_loop3A_1131 = arith.index_cast %parallel_loop3A_1130 : i32 to index
        %parallel_loop3A_1132 = arith.index_cast %parallel_loop3A_1111 : i32 to index
        %parallel_loop3A_1133 = arith.constant 16 : index
        %parallel_loop3A_1134 = tpu.vector_load %arg7[%parallel_loop3A_1131, %parallel_loop3A_1132, %parallel_loop3A_1133] {strides = array<i32>} : memref<4x200x64xf32, #tpu.memory_space<vmem>>, vector<1x1x16xf32>,
        %parallel_loop3A_1135 = vector.shape_cast %parallel_loop3A_1134 : vector<1x1x16xf32> to vector<16xf32>
        %parallel_loop3A_1136 = arith.index_cast %parallel_loop3A_1111 : i32 to index
        %parallel_loop3A_1137 = arith.constant 16 : index
        %parallel_loop3A_1138 = tpu.vector_load %arg8[%parallel_loop3A_1136, %parallel_loop3A_1137] {strides = array<i32>} : memref<200x64xf32, #tpu.memory_space<vmem>>, vector<1x16xf32>,
        %parallel_loop3A_1139 = vector.shape_cast %parallel_loop3A_1138 : vector<1x16xf32> to vector<16xf32>
        %parallel_loop3A_1140 = arith.addf %parallel_loop3A_1135, %parallel_loop3A_1139 : vector<16xf32>
        %parallel_loop3A_1141 = arith.constant 0 : i32
        %parallel_loop3A_1142 = arith.index_cast %parallel_loop3A_1141 : i32 to index
        %parallel_loop3A_1143 = arith.index_cast %parallel_loop3A_1111 : i32 to index
        %parallel_loop3A_1144 = arith.constant 16 : index
        %parallel_loop3A_1145 = tpu.vector_load %arg7[%parallel_loop3A_1142, %parallel_loop3A_1143, %parallel_loop3A_1144] {strides = array<i32>} : memref<4x200x64xf32, #tpu.memory_space<vmem>>, vector<1x1x16xf32>,
        %parallel_loop3A_1146 = vector.shape_cast %parallel_loop3A_1145 : vector<1x1x16xf32> to vector<16xf32>
        %parallel_loop3A_1147 = vector.shape_cast %parallel_loop3A_1140 : vector<16xf32> to vector<1x1x16xf32>
        tpu.vector_store %arg7[%parallel_loop3A_1142, %parallel_loop3A_1143, %parallel_loop3A_1144], %parallel_loop3A_1147 {strides = array<i32>} : memref<4x200x64xf32, #tpu.memory_space<vmem>>, vector<1x1x16xf32>,
        %parallel_loop3A_1148 = arith.constant 0 : i32
        %parallel_loop3A_1149 = arith.index_cast %parallel_loop3A_1148 : i32 to index
        %parallel_loop3A_1150 = arith.index_cast %parallel_loop3A_1111 : i32 to index
        %parallel_loop3A_1151 = arith.constant 32 : index
        %parallel_loop3A_1152 = tpu.vector_load %arg7[%parallel_loop3A_1149, %parallel_loop3A_1150, %parallel_loop3A_1151] {strides = array<i32>} : memref<4x200x64xf32, #tpu.memory_space<vmem>>, vector<1x1x16xf32>,
        %parallel_loop3A_1153 = vector.shape_cast %parallel_loop3A_1152 : vector<1x1x16xf32> to vector<16xf32>
        %parallel_loop3A_1154 = arith.index_cast %parallel_loop3A_1111 : i32 to index
        %parallel_loop3A_1155 = arith.constant 32 : index
        %parallel_loop3A_1156 = tpu.vector_load %arg8[%parallel_loop3A_1154, %parallel_loop3A_1155] {strides = array<i32>} : memref<200x64xf32, #tpu.memory_space<vmem>>, vector<1x16xf32>,
        %parallel_loop3A_1157 = vector.shape_cast %parallel_loop3A_1156 : vector<1x16xf32> to vector<16xf32>
        %parallel_loop3A_1158 = arith.addf %parallel_loop3A_1153, %parallel_loop3A_1157 : vector<16xf32>
        %parallel_loop3A_1159 = arith.constant 0 : i32
        %parallel_loop3A_1160 = arith.index_cast %parallel_loop3A_1159 : i32 to index
        %parallel_loop3A_1161 = arith.index_cast %parallel_loop3A_1111 : i32 to index
        %parallel_loop3A_1162 = arith.constant 32 : index
        %parallel_loop3A_1163 = tpu.vector_load %arg7[%parallel_loop3A_1160, %parallel_loop3A_1161, %parallel_loop3A_1162] {strides = array<i32>} : memref<4x200x64xf32, #tpu.memory_space<vmem>>, vector<1x1x16xf32>,
        %parallel_loop3A_1164 = vector.shape_cast %parallel_loop3A_1163 : vector<1x1x16xf32> to vector<16xf32>
        %parallel_loop3A_1165 = vector.shape_cast %parallel_loop3A_1158 : vector<16xf32> to vector<1x1x16xf32>
        tpu.vector_store %arg7[%parallel_loop3A_1160, %parallel_loop3A_1161, %parallel_loop3A_1162], %parallel_loop3A_1165 {strides = array<i32>} : memref<4x200x64xf32, #tpu.memory_space<vmem>>, vector<1x1x16xf32>,
        %parallel_loop3A_1166 = arith.constant 0 : i32
        %parallel_loop3A_1167 = arith.index_cast %parallel_loop3A_1166 : i32 to index
        %parallel_loop3A_1168 = arith.index_cast %parallel_loop3A_1111 : i32 to index
        %parallel_loop3A_1169 = arith.constant 48 : index
        %parallel_loop3A_1170 = tpu.vector_load %arg7[%parallel_loop3A_1167, %parallel_loop3A_1168, %parallel_loop3A_1169] {strides = array<i32>} : memref<4x200x64xf32, #tpu.memory_space<vmem>>, vector<1x1x16xf32>,
        %parallel_loop3A_1171 = vector.shape_cast %parallel_loop3A_1170 : vector<1x1x16xf32> to vector<16xf32>
        %parallel_loop3A_1172 = arith.index_cast %parallel_loop3A_1111 : i32 to index
        %parallel_loop3A_1173 = arith.constant 48 : index
        %parallel_loop3A_1174 = tpu.vector_load %arg8[%parallel_loop3A_1172, %parallel_loop3A_1173] {strides = array<i32>} : memref<200x64xf32, #tpu.memory_space<vmem>>, vector<1x16xf32>,
        %parallel_loop3A_1175 = vector.shape_cast %parallel_loop3A_1174 : vector<1x16xf32> to vector<16xf32>
        %parallel_loop3A_1176 = arith.addf %parallel_loop3A_1171, %parallel_loop3A_1175 : vector<16xf32>
        %parallel_loop3A_1177 = arith.constant 0 : i32
        %parallel_loop3A_1178 = arith.index_cast %parallel_loop3A_1177 : i32 to index
        %parallel_loop3A_1179 = arith.index_cast %parallel_loop3A_1111 : i32 to index
        %parallel_loop3A_1180 = arith.constant 48 : index
        %parallel_loop3A_1181 = tpu.vector_load %arg7[%parallel_loop3A_1178, %parallel_loop3A_1179, %parallel_loop3A_1180] {strides = array<i32>} : memref<4x200x64xf32, #tpu.memory_space<vmem>>, vector<1x1x16xf32>,
        %parallel_loop3A_1182 = vector.shape_cast %parallel_loop3A_1181 : vector<1x1x16xf32> to vector<16xf32>
        %parallel_loop3A_1183 = vector.shape_cast %parallel_loop3A_1176 : vector<16xf32> to vector<1x1x16xf32>
        tpu.vector_store %arg7[%parallel_loop3A_1178, %parallel_loop3A_1179, %parallel_loop3A_1180], %parallel_loop3A_1183 {strides = array<i32>} : memref<4x200x64xf32, #tpu.memory_space<vmem>>, vector<1x1x16xf32>,
      } {sc.loop_unroll_factor = 4 : i64, sc.parallel_access}
      %mul3A_729 = arith.constant 200 : i32
      %mul3A_730 = arith.muli %add3A_707, %mul3A_729 : i32
      %add3A_731 = arith.addi %mul3A_4, %mul3A_730 : i32
      %dma_start3A_732 = arith.constant 0 : i32
      %dma_start3A_733 = arith.constant 0 : i32
      %dma_start3A_734 = arith.constant 0 : i32
      %dma_start3A_735 = arith.constant 0 : i32
      %dma_start3A_736 = tpu.memref_slice %arg7[%dma_start3A_732, %dma_start3A_734, %dma_start3A_735] : memref<4x200x64xf32, #tpu.memory_space<vmem>> -> memref<1x200x64xf32, #tpu.memory_space<vmem>>
      %dma_start3A_737 = tpu.memref_squeeze %dma_start3A_736 : memref<1x200x64xf32, #tpu.memory_space<vmem>> -> memref<200x64xf32, #tpu.memory_space<vmem>>
      %dma_start3A_738 = arith.constant 0 : i32
      %dma_start3A_739 = tpu.memref_slice %arg5[%add3A_731, %dma_start3A_738] : memref<819200x64xf32, #tpu.memory_space<hbm>> -> memref<200x64xf32, #tpu.memory_space<hbm>>
      %dma_start3A_740 = tpu.memref_slice %arg10[%dma_start3A_733] : memref<4x!tpu.dma_semaphore, #tpu.memory_space<semaphore_mem>> -> memref<1x!tpu.dma_semaphore, #tpu.memory_space<semaphore_mem>>
      %dma_start3A_741 = tpu.memref_squeeze %dma_start3A_740 : memref<1x!tpu.dma_semaphore, #tpu.memory_space<semaphore_mem>> -> memref<!tpu.dma_semaphore, #tpu.memory_space<semaphore_mem>>
      %dma_start3A_742 = arith.constant 0 : i32
      %dma_start3A_743 = tpu.memref_slice %arg5[%add3A_731, %dma_start3A_742] : memref<819200x64xf32, #tpu.memory_space<hbm>> -> memref<200x64xf32, #tpu.memory_space<hbm>>
      %dma_start3A_744 = arith.constant 0 : i32
      %dma_start3A_745 = arith.constant 0 : i32
      %dma_start3A_746 = tpu.memref_slice %arg7[%dma_start3A_732, %dma_start3A_744, %dma_start3A_745] : memref<4x200x64xf32, #tpu.memory_space<vmem>> -> memref<1x200x64xf32, #tpu.memory_space<vmem>>
      %dma_start3A_747 = tpu.memref_squeeze %dma_start3A_746 : memref<1x200x64xf32, #tpu.memory_space<vmem>> -> memref<200x64xf32, #tpu.memory_space<vmem>>
      tpu.enqueue_dma source(%dma_start3A_747 : memref<200x64xf32, #tpu.memory_space<vmem>>) target(%dma_start3A_743 : memref<200x64xf32, #tpu.memory_space<hbm>>) target_semaphore(%dma_start3A_741 : memref<!tpu.dma_semaphore, #tpu.memory_space<semaphore_mem>>)
      %dma_wait3A_748 = arith.constant 3 : i32
      %dma_wait3A_749 = arith.constant 3 : i32
      %dma_wait3A_750 = arith.constant 0 : i32
      %dma_wait3A_751 = arith.constant 0 : i32
      %dma_wait3A_752 = tpu.memref_slice %arg7[%dma_wait3A_748, %dma_wait3A_750, %dma_wait3A_751] : memref<4x200x64xf32, #tpu.memory_space<vmem>> -> memref<1x200x64xf32, #tpu.memory_space<vmem>>
      %dma_wait3A_753 = tpu.memref_squeeze %dma_wait3A_752 : memref<1x200x64xf32, #tpu.memory_space<vmem>> -> memref<200x64xf32, #tpu.memory_space<vmem>>
      %dma_wait3A_754 = arith.constant 0 : i32
      %dma_wait3A_755 = arith.constant 0 : i32
      %dma_wait3A_756 = tpu.memref_slice %arg5[%dma_wait3A_754, %dma_wait3A_755] : memref<819200x64xf32, #tpu.memory_space<hbm>> -> memref<200x64xf32, #tpu.memory_space<hbm>>
      %dma_wait3A_757 = tpu.memref_slice %arg10[%dma_wait3A_749] : memref<4x!tpu.dma_semaphore, #tpu.memory_space<semaphore_mem>> -> memref<1x!tpu.dma_semaphore, #tpu.memory_space<semaphore_mem>>
      %dma_wait3A_758 = tpu.memref_squeeze %dma_wait3A_757 : memref<1x!tpu.dma_semaphore, #tpu.memory_space<semaphore_mem>> -> memref<!tpu.dma_semaphore, #tpu.memory_space<semaphore_mem>>
      %dma_wait3A_759 = arith.constant 0 : i32
      %dma_wait3A_760 = arith.constant 0 : i32
      %dma_wait3A_761 = tpu.memref_slice %arg5[%dma_wait3A_759, %dma_wait3A_760] : memref<819200x64xf32, #tpu.memory_space<hbm>> -> memref<200x64xf32, #tpu.memory_space<hbm>>
      %dma_wait3A_762 = arith.constant 0 : i32
      %dma_wait3A_763 = arith.constant 0 : i32
      %dma_wait3A_764 = tpu.memref_slice %arg7[%dma_wait3A_748, %dma_wait3A_762, %dma_wait3A_763] : memref<4x200x64xf32, #tpu.memory_space<vmem>> -> memref<1x200x64xf32, #tpu.memory_space<vmem>>
      %dma_wait3A_765 = tpu.memref_squeeze %dma_wait3A_764 : memref<1x200x64xf32, #tpu.memory_space<vmem>> -> memref<200x64xf32, #tpu.memory_space<vmem>>
      tpu.wait_dma2 semaphore(%dma_wait3A_758 : memref<!tpu.dma_semaphore, #tpu.memory_space<semaphore_mem>>) src(%dma_wait3A_765 : memref<200x64xf32, #tpu.memory_space<vmem>>) dst(%dma_wait3A_761 : memref<200x64xf32, #tpu.memory_space<hbm>>)
      %add3A_766 = arith.constant 4 : i32
      %add3A_767 = arith.addi %add3A_707, %add3A_766 : i32
      %sub3A = arith.constant 1 : i32
      %sub3A_768 = arith.subi %add3A_767, %sub3A : i32
      %mul3A_769 = arith.constant 2 : i32
      %mul3A_770 = arith.muli %sub3A_768, %mul3A_769 : i32
      %add3A_771 = arith.constant 0 : i32
      %add3A_772 = arith.addi %mul3A_770, %add3A_771 : i32
      %dma_start3A_773 = arith.constant 3 : i32
      %dma_start3A_774 = arith.constant 3 : i32
      %dma_start3A_775 = arith.constant 0 : i32
      %dma_start3A_776 = arith.constant 0 : i32
      %dma_start3A_777 = tpu.memref_slice %arg7[%dma_start3A_773, %dma_start3A_775, %dma_start3A_776] : memref<4x200x64xf32, #tpu.memory_space<vmem>> -> memref<1x100x64xf32, #tpu.memory_space<vmem>>
      %dma_start3A_778 = tpu.memref_squeeze %dma_start3A_777 : memref<1x100x64xf32, #tpu.memory_space<vmem>> -> memref<100x64xf32, #tpu.memory_space<vmem>>
      %dma_start3A_779 = arith.constant 0 : i32
      %dma_start3A_780 = tpu.memref_slice %arg6[%add3A_772, %dma_start3A_779] : memref<256x100xi32, #tpu.memory_space<vmem>> -> memref<1x100xi32, #tpu.memory_space<vmem>>
      %dma_start3A_781 = tpu.memref_squeeze %dma_start3A_780 : memref<1x100xi32, #tpu.memory_space<vmem>> -> memref<100xi32, #tpu.memory_space<vmem>>
      %dma_start3A_782 = arith.constant 0 : i32
      %dma_start3A_783 = arith.constant 0 : i32
      %dma_start3A_784 = tpu.memref_slice %arg3[%dma_start3A_782, %dma_start3A_783] : memref<1000000x64xf32, #tpu.memory_space<hbm>> -> memref<1000000x64xf32, #tpu.memory_space<hbm>>
      %dma_start3A_785 = tpu.memref_slice %arg9[%dma_start3A_774] : memref<4x!tpu.dma_semaphore, #tpu.memory_space<semaphore_mem>> -> memref<1x!tpu.dma_semaphore, #tpu.memory_space<semaphore_mem>>
      %dma_start3A_786 = tpu.memref_squeeze %dma_start3A_785 : memref<1x!tpu.dma_semaphore, #tpu.memory_space<semaphore_mem>> -> memref<!tpu.dma_semaphore, #tpu.memory_space<semaphore_mem>>
      tpu.enqueue_indirect_dma source(%dma_start3A_784 : memref<1000000x64xf32, #tpu.memory_space<hbm>>) target(%dma_start3A_778 : memref<100x64xf32, #tpu.memory_space<vmem>>) offsets(%dma_start3A_781 : memref<100xi32, #tpu.memory_space<vmem>>) semaphore(%dma_start3A_786 : memref<!tpu.dma_semaphore, #tpu.memory_space<semaphore_mem>>)
      %mul3A_787 = arith.constant 2 : i32
      %mul3A_788 = arith.muli %sub3A_768, %mul3A_787 : i32
      %add3A_789 = arith.constant 1 : i32
      %add3A_790 = arith.addi %mul3A_788, %add3A_789 : i32
      %dma_start3A_791 = arith.constant 3 : i32
      %dma_start3A_792 = arith.constant 3 : i32
      %dma_start3A_793 = arith.constant 100 : i32
      %dma_start3A_794 = arith.constant 0 : i32
      %dma_start3A_795 = tpu.memref_slice %arg7[%dma_start3A_791, %dma_start3A_793, %dma_start3A_794] : memref<4x200x64xf32, #tpu.memory_space<vmem>> -> memref<1x100x64xf32, #tpu.memory_space<vmem>>
      %dma_start3A_796 = tpu.memref_squeeze %dma_start3A_795 : memref<1x100x64xf32, #tpu.memory_space<vmem>> -> memref<100x64xf32, #tpu.memory_space<vmem>>
      %dma_start3A_797 = arith.constant 0 : i32
      %dma_start3A_798 = tpu.memref_slice %arg6[%add3A_790, %dma_start3A_797] : memref<256x100xi32, #tpu.memory_space<vmem>> -> memref<1x100xi32, #tpu.memory_space<vmem>>
      %dma_start3A_799 = tpu.memref_squeeze %dma_start3A_798 : memref<1x100xi32, #tpu.memory_space<vmem>> -> memref<100xi32, #tpu.memory_space<vmem>>
      %dma_start3A_800 = arith.constant 0 : i32
      %dma_start3A_801 = arith.constant 0 : i32
      %dma_start3A_802 = tpu.memref_slice %arg3[%dma_start3A_800, %dma_start3A_801] : memref<1000000x64xf32, #tpu.memory_space<hbm>> -> memref<1000000x64xf32, #tpu.memory_space<hbm>>
      %dma_start3A_803 = tpu.memref_slice %arg9[%dma_start3A_792] : memref<4x!tpu.dma_semaphore, #tpu.memory_space<semaphore_mem>> -> memref<1x!tpu.dma_semaphore, #tpu.memory_space<semaphore_mem>>
      %dma_start3A_804 = tpu.memref_squeeze %dma_start3A_803 : memref<1x!tpu.dma_semaphore, #tpu.memory_space<semaphore_mem>> -> memref<!tpu.dma_semaphore, #tpu.memory_space<semaphore_mem>>
      tpu.enqueue_indirect_dma source(%dma_start3A_802 : memref<1000000x64xf32, #tpu.memory_space<hbm>>) target(%dma_start3A_796 : memref<100x64xf32, #tpu.memory_space<vmem>>) offsets(%dma_start3A_799 : memref<100xi32, #tpu.memory_space<vmem>>) semaphore(%dma_start3A_804 : memref<!tpu.dma_semaphore, #tpu.memory_space<semaphore_mem>>)
      %mul3A_805 = arith.constant 4 : i32
      %mul3A_806 = arith.muli %scan3A_703, %mul3A_805 : i32
      %add3A_807 = arith.constant 1 : i32
      %add3A_808 = arith.addi %mul3A_806, %add3A_807 : i32
      %dma_wait3A_809 = arith.constant 1 : i32
      %dma_wait3A_810 = arith.constant 1 : i32
      %dma_wait3A_811 = arith.constant 0 : i32
      %dma_wait3A_812 = arith.constant 0 : i32
      %dma_wait3A_813 = tpu.memref_slice %arg7[%dma_wait3A_809, %dma_wait3A_811, %dma_wait3A_812] : memref<4x200x64xf32, #tpu.memory_space<vmem>> -> memref<1x200x64xf32, #tpu.memory_space<vmem>>
      %dma_wait3A_814 = tpu.memref_squeeze %dma_wait3A_813 : memref<1x200x64xf32, #tpu.memory_space<vmem>> -> memref<200x64xf32, #tpu.memory_space<vmem>>
      %dma_wait3A_815 = arith.constant 0 : i32
      %dma_wait3A_816 = arith.constant 0 : i32
      %dma_wait3A_817 = tpu.memref_slice %arg5[%dma_wait3A_815, %dma_wait3A_816] : memref<819200x64xf32, #tpu.memory_space<hbm>> -> memref<200x64xf32, #tpu.memory_space<hbm>>
      %dma_wait3A_818 = tpu.memref_slice %arg9[%dma_wait3A_810] : memref<4x!tpu.dma_semaphore, #tpu.memory_space<semaphore_mem>> -> memref<1x!tpu.dma_semaphore, #tpu.memory_space<semaphore_mem>>
      %dma_wait3A_819 = tpu.memref_squeeze %dma_wait3A_818 : memref<1x!tpu.dma_semaphore, #tpu.memory_space<semaphore_mem>> -> memref<!tpu.dma_semaphore, #tpu.memory_space<semaphore_mem>>
      %dma_wait3A_820 = arith.constant 0 : i32
      %dma_wait3A_821 = arith.constant 0 : i32
      %dma_wait3A_822 = tpu.memref_slice %arg7[%dma_wait3A_809, %dma_wait3A_820, %dma_wait3A_821] : memref<4x200x64xf32, #tpu.memory_space<vmem>> -> memref<1x200x64xf32, #tpu.memory_space<vmem>>
      %dma_wait3A_823 = tpu.memref_squeeze %dma_wait3A_822 : memref<1x200x64xf32, #tpu.memory_space<vmem>> -> memref<200x64xf32, #tpu.memory_space<vmem>>
      %dma_wait3A_824 = arith.constant 0 : i32
      %dma_wait3A_825 = arith.constant 0 : i32
      %dma_wait3A_826 = tpu.memref_slice %arg5[%dma_wait3A_824, %dma_wait3A_825] : memref<819200x64xf32, #tpu.memory_space<hbm>> -> memref<200x64xf32, #tpu.memory_space<hbm>>
      tpu.wait_dma2 semaphore(%dma_wait3A_819 : memref<!tpu.dma_semaphore, #tpu.memory_space<semaphore_mem>>) src(%dma_wait3A_826 : memref<200x64xf32, #tpu.memory_space<hbm>>) dst(%dma_wait3A_823 : memref<200x64xf32, #tpu.memory_space<vmem>>)
      %parallel_loop3A_827 = arith.constant 0 : i32
      %parallel_loop3A_828 = arith.constant 200 : i32
      %parallel_loop3A_829 = arith.constant 1 : i32
      scf.for %parallel_loop3A_1111 = %parallel_loop3A_827 to %parallel_loop3A_828 step %parallel_loop3A_829  : i32 {
        %parallel_loop3A_1112 = arith.constant 1 : i32
        %parallel_loop3A_1113 = arith.index_cast %parallel_loop3A_1112 : i32 to index
        %parallel_loop3A_1114 = arith.index_cast %parallel_loop3A_1111 : i32 to index
        %parallel_loop3A_1115 = arith.constant 0 : index
        %parallel_loop3A_1116 = tpu.vector_load %arg7[%parallel_loop3A_1113, %parallel_loop3A_1114, %parallel_loop3A_1115] {strides = array<i32>} : memref<4x200x64xf32, #tpu.memory_space<vmem>>, vector<1x1x16xf32>,
        %parallel_loop3A_1117 = vector.shape_cast %parallel_loop3A_1116 : vector<1x1x16xf32> to vector<16xf32>
        %parallel_loop3A_1118 = arith.index_cast %parallel_loop3A_1111 : i32 to index
        %parallel_loop3A_1119 = arith.constant 0 : index
        %parallel_loop3A_1120 = tpu.vector_load %arg8[%parallel_loop3A_1118, %parallel_loop3A_1119] {strides = array<i32>} : memref<200x64xf32, #tpu.memory_space<vmem>>, vector<1x16xf32>,
        %parallel_loop3A_1121 = vector.shape_cast %parallel_loop3A_1120 : vector<1x16xf32> to vector<16xf32>
        %parallel_loop3A_1122 = arith.addf %parallel_loop3A_1117, %parallel_loop3A_1121 : vector<16xf32>
        %parallel_loop3A_1123 = arith.constant 1 : i32
        %parallel_loop3A_1124 = arith.index_cast %parallel_loop3A_1123 : i32 to index
        %parallel_loop3A_1125 = arith.index_cast %parallel_loop3A_1111 : i32 to index
        %parallel_loop3A_1126 = arith.constant 0 : index
        %parallel_loop3A_1127 = tpu.vector_load %arg7[%parallel_loop3A_1124, %parallel_loop3A_1125, %parallel_loop3A_1126] {strides = array<i32>} : memref<4x200x64xf32, #tpu.memory_space<vmem>>, vector<1x1x16xf32>,
        %parallel_loop3A_1128 = vector.shape_cast %parallel_loop3A_1127 : vector<1x1x16xf32> to vector<16xf32>
        %parallel_loop3A_1129 = vector.shape_cast %parallel_loop3A_1122 : vector<16xf32> to vector<1x1x16xf32>
        tpu.vector_store %arg7[%parallel_loop3A_1124, %parallel_loop3A_1125, %parallel_loop3A_1126], %parallel_loop3A_1129 {strides = array<i32>} : memref<4x200x64xf32, #tpu.memory_space<vmem>>, vector<1x1x16xf32>,
        %parallel_loop3A_1130 = arith.constant 1 : i32
        %parallel_loop3A_1131 = arith.index_cast %parallel_loop3A_1130 : i32 to index
        %parallel_loop3A_1132 = arith.index_cast %parallel_loop3A_1111 : i32 to index
        %parallel_loop3A_1133 = arith.constant 16 : index
        %parallel_loop3A_1134 = tpu.vector_load %arg7[%parallel_loop3A_1131, %parallel_loop3A_1132, %parallel_loop3A_1133] {strides = array<i32>} : memref<4x200x64xf32, #tpu.memory_space<vmem>>, vector<1x1x16xf32>,
        %parallel_loop3A_1135 = vector.shape_cast %parallel_loop3A_1134 : vector<1x1x16xf32> to vector<16xf32>
        %parallel_loop3A_1136 = arith.index_cast %parallel_loop3A_1111 : i32 to index
        %parallel_loop3A_1137 = arith.constant 16 : index
        %parallel_loop3A_1138 = tpu.vector_load %arg8[%parallel_loop3A_1136, %parallel_loop3A_1137] {strides = array<i32>} : memref<200x64xf32, #tpu.memory_space<vmem>>, vector<1x16xf32>,
        %parallel_loop3A_1139 = vector.shape_cast %parallel_loop3A_1138 : vector<1x16xf32> to vector<16xf32>
        %parallel_loop3A_1140 = arith.addf %parallel_loop3A_1135, %parallel_loop3A_1139 : vector<16xf32>
        %parallel_loop3A_1141 = arith.constant 1 : i32
        %parallel_loop3A_1142 = arith.index_cast %parallel_loop3A_1141 : i32 to index
        %parallel_loop3A_1143 = arith.index_cast %parallel_loop3A_1111 : i32 to index
        %parallel_loop3A_1144 = arith.constant 16 : index
        %parallel_loop3A_1145 = tpu.vector_load %arg7[%parallel_loop3A_1142, %parallel_loop3A_1143, %parallel_loop3A_1144] {strides = array<i32>} : memref<4x200x64xf32, #tpu.memory_space<vmem>>, vector<1x1x16xf32>,
        %parallel_loop3A_1146 = vector.shape_cast %parallel_loop3A_1145 : vector<1x1x16xf32> to vector<16xf32>
        %parallel_loop3A_1147 = vector.shape_cast %parallel_loop3A_1140 : vector<16xf32> to vector<1x1x16xf32>
        tpu.vector_store %arg7[%parallel_loop3A_1142, %parallel_loop3A_1143, %parallel_loop3A_1144], %parallel_loop3A_1147 {strides = array<i32>} : memref<4x200x64xf32, #tpu.memory_space<vmem>>, vector<1x1x16xf32>,
        %parallel_loop3A_1148 = arith.constant 1 : i32
        %parallel_loop3A_1149 = arith.index_cast %parallel_loop3A_1148 : i32 to index
        %parallel_loop3A_1150 = arith.index_cast %parallel_loop3A_1111 : i32 to index
        %parallel_loop3A_1151 = arith.constant 32 : index
        %parallel_loop3A_1152 = tpu.vector_load %arg7[%parallel_loop3A_1149, %parallel_loop3A_1150, %parallel_loop3A_1151] {strides = array<i32>} : memref<4x200x64xf32, #tpu.memory_space<vmem>>, vector<1x1x16xf32>,
        %parallel_loop3A_1153 = vector.shape_cast %parallel_loop3A_1152 : vector<1x1x16xf32> to vector<16xf32>
        %parallel_loop3A_1154 = arith.index_cast %parallel_loop3A_1111 : i32 to index
        %parallel_loop3A_1155 = arith.constant 32 : index
        %parallel_loop3A_1156 = tpu.vector_load %arg8[%parallel_loop3A_1154, %parallel_loop3A_1155] {strides = array<i32>} : memref<200x64xf32, #tpu.memory_space<vmem>>, vector<1x16xf32>,
        %parallel_loop3A_1157 = vector.shape_cast %parallel_loop3A_1156 : vector<1x16xf32> to vector<16xf32>
        %parallel_loop3A_1158 = arith.addf %parallel_loop3A_1153, %parallel_loop3A_1157 : vector<16xf32>
        %parallel_loop3A_1159 = arith.constant 1 : i32
        %parallel_loop3A_1160 = arith.index_cast %parallel_loop3A_1159 : i32 to index
        %parallel_loop3A_1161 = arith.index_cast %parallel_loop3A_1111 : i32 to index
        %parallel_loop3A_1162 = arith.constant 32 : index
        %parallel_loop3A_1163 = tpu.vector_load %arg7[%parallel_loop3A_1160, %parallel_loop3A_1161, %parallel_loop3A_1162] {strides = array<i32>} : memref<4x200x64xf32, #tpu.memory_space<vmem>>, vector<1x1x16xf32>,
        %parallel_loop3A_1164 = vector.shape_cast %parallel_loop3A_1163 : vector<1x1x16xf32> to vector<16xf32>
        %parallel_loop3A_1165 = vector.shape_cast %parallel_loop3A_1158 : vector<16xf32> to vector<1x1x16xf32>
        tpu.vector_store %arg7[%parallel_loop3A_1160, %parallel_loop3A_1161, %parallel_loop3A_1162], %parallel_loop3A_1165 {strides = array<i32>} : memref<4x200x64xf32, #tpu.memory_space<vmem>>, vector<1x1x16xf32>,
        %parallel_loop3A_1166 = arith.constant 1 : i32
        %parallel_loop3A_1167 = arith.index_cast %parallel_loop3A_1166 : i32 to index
        %parallel_loop3A_1168 = arith.index_cast %parallel_loop3A_1111 : i32 to index
        %parallel_loop3A_1169 = arith.constant 48 : index
        %parallel_loop3A_1170 = tpu.vector_load %arg7[%parallel_loop3A_1167, %parallel_loop3A_1168, %parallel_loop3A_1169] {strides = array<i32>} : memref<4x200x64xf32, #tpu.memory_space<vmem>>, vector<1x1x16xf32>,
        %parallel_loop3A_1171 = vector.shape_cast %parallel_loop3A_1170 : vector<1x1x16xf32> to vector<16xf32>
        %parallel_loop3A_1172 = arith.index_cast %parallel_loop3A_1111 : i32 to index
        %parallel_loop3A_1173 = arith.constant 48 : index
        %parallel_loop3A_1174 = tpu.vector_load %arg8[%parallel_loop3A_1172, %parallel_loop3A_1173] {strides = array<i32>} : memref<200x64xf32, #tpu.memory_space<vmem>>, vector<1x16xf32>,
        %parallel_loop3A_1175 = vector.shape_cast %parallel_loop3A_1174 : vector<1x16xf32> to vector<16xf32>
        %parallel_loop3A_1176 = arith.addf %parallel_loop3A_1171, %parallel_loop3A_1175 : vector<16xf32>
        %parallel_loop3A_1177 = arith.constant 1 : i32
        %parallel_loop3A_1178 = arith.index_cast %parallel_loop3A_1177 : i32 to index
        %parallel_loop3A_1179 = arith.index_cast %parallel_loop3A_1111 : i32 to index
        %parallel_loop3A_1180 = arith.constant 48 : index
        %parallel_loop3A_1181 = tpu.vector_load %arg7[%parallel_loop3A_1178, %parallel_loop3A_1179, %parallel_loop3A_1180] {strides = array<i32>} : memref<4x200x64xf32, #tpu.memory_space<vmem>>, vector<1x1x16xf32>,
        %parallel_loop3A_1182 = vector.shape_cast %parallel_loop3A_1181 : vector<1x1x16xf32> to vector<16xf32>
        %parallel_loop3A_1183 = vector.shape_cast %parallel_loop3A_1176 : vector<16xf32> to vector<1x1x16xf32>
        tpu.vector_store %arg7[%parallel_loop3A_1178, %parallel_loop3A_1179, %parallel_loop3A_1180], %parallel_loop3A_1183 {strides = array<i32>} : memref<4x200x64xf32, #tpu.memory_space<vmem>>, vector<1x1x16xf32>,
      } {sc.loop_unroll_factor = 4 : i64, sc.parallel_access}
      %mul3A_830 = arith.constant 200 : i32
      %mul3A_831 = arith.muli %add3A_808, %mul3A_830 : i32
      %add3A_832 = arith.addi %mul3A_4, %mul3A_831 : i32
      %dma_start3A_833 = arith.constant 1 : i32
      %dma_start3A_834 = arith.constant 1 : i32
      %dma_start3A_835 = arith.constant 0 : i32
      %dma_start3A_836 = arith.constant 0 : i32
      %dma_start3A_837 = tpu.memref_slice %arg7[%dma_start3A_833, %dma_start3A_835, %dma_start3A_836] : memref<4x200x64xf32, #tpu.memory_space<vmem>> -> memref<1x200x64xf32, #tpu.memory_space<vmem>>
      %dma_start3A_838 = tpu.memref_squeeze %dma_start3A_837 : memref<1x200x64xf32, #tpu.memory_space<vmem>> -> memref<200x64xf32, #tpu.memory_space<vmem>>
      %dma_start3A_839 = arith.constant 0 : i32
      %dma_start3A_840 = tpu.memref_slice %arg5[%add3A_832, %dma_start3A_839] : memref<819200x64xf32, #tpu.memory_space<hbm>> -> memref<200x64xf32, #tpu.memory_space<hbm>>
      %dma_start3A_841 = tpu.memref_slice %arg10[%dma_start3A_834] : memref<4x!tpu.dma_semaphore, #tpu.memory_space<semaphore_mem>> -> memref<1x!tpu.dma_semaphore, #tpu.memory_space<semaphore_mem>>
      %dma_start3A_842 = tpu.memref_squeeze %dma_start3A_841 : memref<1x!tpu.dma_semaphore, #tpu.memory_space<semaphore_mem>> -> memref<!tpu.dma_semaphore, #tpu.memory_space<semaphore_mem>>
      %dma_start3A_843 = arith.constant 0 : i32
      %dma_start3A_844 = tpu.memref_slice %arg5[%add3A_832, %dma_start3A_843] : memref<819200x64xf32, #tpu.memory_space<hbm>> -> memref<200x64xf32, #tpu.memory_space<hbm>>
      %dma_start3A_845 = arith.constant 0 : i32
      %dma_start3A_846 = arith.constant 0 : i32
      %dma_start3A_847 = tpu.memref_slice %arg7[%dma_start3A_833, %dma_start3A_845, %dma_start3A_846] : memref<4x200x64xf32, #tpu.memory_space<vmem>> -> memref<1x200x64xf32, #tpu.memory_space<vmem>>
      %dma_start3A_848 = tpu.memref_squeeze %dma_start3A_847 : memref<1x200x64xf32, #tpu.memory_space<vmem>> -> memref<200x64xf32, #tpu.memory_space<vmem>>
      tpu.enqueue_dma source(%dma_start3A_848 : memref<200x64xf32, #tpu.memory_space<vmem>>) target(%dma_start3A_844 : memref<200x64xf32, #tpu.memory_space<hbm>>) target_semaphore(%dma_start3A_842 : memref<!tpu.dma_semaphore, #tpu.memory_space<semaphore_mem>>)
      %dma_wait3A_849 = arith.constant 0 : i32
      %dma_wait3A_850 = arith.constant 0 : i32
      %dma_wait3A_851 = arith.constant 0 : i32
      %dma_wait3A_852 = arith.constant 0 : i32
      %dma_wait3A_853 = tpu.memref_slice %arg7[%dma_wait3A_849, %dma_wait3A_851, %dma_wait3A_852] : memref<4x200x64xf32, #tpu.memory_space<vmem>> -> memref<1x200x64xf32, #tpu.memory_space<vmem>>
      %dma_wait3A_854 = tpu.memref_squeeze %dma_wait3A_853 : memref<1x200x64xf32, #tpu.memory_space<vmem>> -> memref<200x64xf32, #tpu.memory_space<vmem>>
      %dma_wait3A_855 = arith.constant 0 : i32
      %dma_wait3A_856 = arith.constant 0 : i32
      %dma_wait3A_857 = tpu.memref_slice %arg5[%dma_wait3A_855, %dma_wait3A_856] : memref<819200x64xf32, #tpu.memory_space<hbm>> -> memref<200x64xf32, #tpu.memory_space<hbm>>
      %dma_wait3A_858 = tpu.memref_slice %arg10[%dma_wait3A_850] : memref<4x!tpu.dma_semaphore, #tpu.memory_space<semaphore_mem>> -> memref<1x!tpu.dma_semaphore, #tpu.memory_space<semaphore_mem>>
      %dma_wait3A_859 = tpu.memref_squeeze %dma_wait3A_858 : memref<1x!tpu.dma_semaphore, #tpu.memory_space<semaphore_mem>> -> memref<!tpu.dma_semaphore, #tpu.memory_space<semaphore_mem>>
      %dma_wait3A_860 = arith.constant 0 : i32
      %dma_wait3A_861 = arith.constant 0 : i32
      %dma_wait3A_862 = tpu.memref_slice %arg5[%dma_wait3A_860, %dma_wait3A_861] : memref<819200x64xf32, #tpu.memory_space<hbm>> -> memref<200x64xf32, #tpu.memory_space<hbm>>
      %dma_wait3A_863 = arith.constant 0 : i32
      %dma_wait3A_864 = arith.constant 0 : i32
      %dma_wait3A_865 = tpu.memref_slice %arg7[%dma_wait3A_849, %dma_wait3A_863, %dma_wait3A_864] : memref<4x200x64xf32, #tpu.memory_space<vmem>> -> memref<1x200x64xf32, #tpu.memory_space<vmem>>
      %dma_wait3A_866 = tpu.memref_squeeze %dma_wait3A_865 : memref<1x200x64xf32, #tpu.memory_space<vmem>> -> memref<200x64xf32, #tpu.memory_space<vmem>>
      tpu.wait_dma2 semaphore(%dma_wait3A_859 : memref<!tpu.dma_semaphore, #tpu.memory_space<semaphore_mem>>) src(%dma_wait3A_866 : memref<200x64xf32, #tpu.memory_space<vmem>>) dst(%dma_wait3A_862 : memref<200x64xf32, #tpu.memory_space<hbm>>)
      %add3A_867 = arith.constant 4 : i32
      %add3A_868 = arith.addi %add3A_808, %add3A_867 : i32
      %sub3A_869 = arith.constant 1 : i32
      %sub3A_870 = arith.subi %add3A_868, %sub3A_869 : i32
      %mul3A_871 = arith.constant 2 : i32
      %mul3A_872 = arith.muli %sub3A_870, %mul3A_871 : i32
      %add3A_873 = arith.constant 0 : i32
      %add3A_874 = arith.addi %mul3A_872, %add3A_873 : i32
      %dma_start3A_875 = arith.constant 0 : i32
      %dma_start3A_876 = arith.constant 0 : i32
      %dma_start3A_877 = arith.constant 0 : i32
      %dma_start3A_878 = arith.constant 0 : i32
      %dma_start3A_879 = tpu.memref_slice %arg7[%dma_start3A_875, %dma_start3A_877, %dma_start3A_878] : memref<4x200x64xf32, #tpu.memory_space<vmem>> -> memref<1x100x64xf32, #tpu.memory_space<vmem>>
      %dma_start3A_880 = tpu.memref_squeeze %dma_start3A_879 : memref<1x100x64xf32, #tpu.memory_space<vmem>> -> memref<100x64xf32, #tpu.memory_space<vmem>>
      %dma_start3A_881 = arith.constant 0 : i32
      %dma_start3A_882 = tpu.memref_slice %arg6[%add3A_874, %dma_start3A_881] : memref<256x100xi32, #tpu.memory_space<vmem>> -> memref<1x100xi32, #tpu.memory_space<vmem>>
      %dma_start3A_883 = tpu.memref_squeeze %dma_start3A_882 : memref<1x100xi32, #tpu.memory_space<vmem>> -> memref<100xi32, #tpu.memory_space<vmem>>
      %dma_start3A_884 = arith.constant 0 : i32
      %dma_start3A_885 = arith.constant 0 : i32
      %dma_start3A_886 = tpu.memref_slice %arg3[%dma_start3A_884, %dma_start3A_885] : memref<1000000x64xf32, #tpu.memory_space<hbm>> -> memref<1000000x64xf32, #tpu.memory_space<hbm>>
      %dma_start3A_887 = tpu.memref_slice %arg9[%dma_start3A_876] : memref<4x!tpu.dma_semaphore, #tpu.memory_space<semaphore_mem>> -> memref<1x!tpu.dma_semaphore, #tpu.memory_space<semaphore_mem>>
      %dma_start3A_888 = tpu.memref_squeeze %dma_start3A_887 : memref<1x!tpu.dma_semaphore, #tpu.memory_space<semaphore_mem>> -> memref<!tpu.dma_semaphore, #tpu.memory_space<semaphore_mem>>
      tpu.enqueue_indirect_dma source(%dma_start3A_886 : memref<1000000x64xf32, #tpu.memory_space<hbm>>) target(%dma_start3A_880 : memref<100x64xf32, #tpu.memory_space<vmem>>) offsets(%dma_start3A_883 : memref<100xi32, #tpu.memory_space<vmem>>) semaphore(%dma_start3A_888 : memref<!tpu.dma_semaphore, #tpu.memory_space<semaphore_mem>>)
      %mul3A_889 = arith.constant 2 : i32
      %mul3A_890 = arith.muli %sub3A_870, %mul3A_889 : i32
      %add3A_891 = arith.constant 1 : i32
      %add3A_892 = arith.addi %mul3A_890, %add3A_891 : i32
      %dma_start3A_893 = arith.constant 0 : i32
      %dma_start3A_894 = arith.constant 0 : i32
      %dma_start3A_895 = arith.constant 100 : i32
      %dma_start3A_896 = arith.constant 0 : i32
      %dma_start3A_897 = tpu.memref_slice %arg7[%dma_start3A_893, %dma_start3A_895, %dma_start3A_896] : memref<4x200x64xf32, #tpu.memory_space<vmem>> -> memref<1x100x64xf32, #tpu.memory_space<vmem>>
      %dma_start3A_898 = tpu.memref_squeeze %dma_start3A_897 : memref<1x100x64xf32, #tpu.memory_space<vmem>> -> memref<100x64xf32, #tpu.memory_space<vmem>>
      %dma_start3A_899 = arith.constant 0 : i32
      %dma_start3A_900 = tpu.memref_slice %arg6[%add3A_892, %dma_start3A_899] : memref<256x100xi32, #tpu.memory_space<vmem>> -> memref<1x100xi32, #tpu.memory_space<vmem>>
      %dma_start3A_901 = tpu.memref_squeeze %dma_start3A_900 : memref<1x100xi32, #tpu.memory_space<vmem>> -> memref<100xi32, #tpu.memory_space<vmem>>
      %dma_start3A_902 = arith.constant 0 : i32
      %dma_start3A_903 = arith.constant 0 : i32
      %dma_start3A_904 = tpu.memref_slice %arg3[%dma_start3A_902, %dma_start3A_903] : memref<1000000x64xf32, #tpu.memory_space<hbm>> -> memref<1000000x64xf32, #tpu.memory_space<hbm>>
      %dma_start3A_905 = tpu.memref_slice %arg9[%dma_start3A_894] : memref<4x!tpu.dma_semaphore, #tpu.memory_space<semaphore_mem>> -> memref<1x!tpu.dma_semaphore, #tpu.memory_space<semaphore_mem>>
      %dma_start3A_906 = tpu.memref_squeeze %dma_start3A_905 : memref<1x!tpu.dma_semaphore, #tpu.memory_space<semaphore_mem>> -> memref<!tpu.dma_semaphore, #tpu.memory_space<semaphore_mem>>
      tpu.enqueue_indirect_dma source(%dma_start3A_904 : memref<1000000x64xf32, #tpu.memory_space<hbm>>) target(%dma_start3A_898 : memref<100x64xf32, #tpu.memory_space<vmem>>) offsets(%dma_start3A_901 : memref<100xi32, #tpu.memory_space<vmem>>) semaphore(%dma_start3A_906 : memref<!tpu.dma_semaphore, #tpu.memory_space<semaphore_mem>>)
      %mul3A_907 = arith.constant 4 : i32
      %mul3A_908 = arith.muli %scan3A_703, %mul3A_907 : i32
      %add3A_909 = arith.constant 2 : i32
      %add3A_910 = arith.addi %mul3A_908, %add3A_909 : i32
      %dma_wait3A_911 = arith.constant 2 : i32
      %dma_wait3A_912 = arith.constant 2 : i32
      %dma_wait3A_913 = arith.constant 0 : i32
      %dma_wait3A_914 = arith.constant 0 : i32
      %dma_wait3A_915 = tpu.memref_slice %arg7[%dma_wait3A_911, %dma_wait3A_913, %dma_wait3A_914] : memref<4x200x64xf32, #tpu.memory_space<vmem>> -> memref<1x200x64xf32, #tpu.memory_space<vmem>>
      %dma_wait3A_916 = tpu.memref_squeeze %dma_wait3A_915 : memref<1x200x64xf32, #tpu.memory_space<vmem>> -> memref<200x64xf32, #tpu.memory_space<vmem>>
      %dma_wait3A_917 = arith.constant 0 : i32
      %dma_wait3A_918 = arith.constant 0 : i32
      %dma_wait3A_919 = tpu.memref_slice %arg5[%dma_wait3A_917, %dma_wait3A_918] : memref<819200x64xf32, #tpu.memory_space<hbm>> -> memref<200x64xf32, #tpu.memory_space<hbm>>
      %dma_wait3A_920 = tpu.memref_slice %arg9[%dma_wait3A_912] : memref<4x!tpu.dma_semaphore, #tpu.memory_space<semaphore_mem>> -> memref<1x!tpu.dma_semaphore, #tpu.memory_space<semaphore_mem>>
      %dma_wait3A_921 = tpu.memref_squeeze %dma_wait3A_920 : memref<1x!tpu.dma_semaphore, #tpu.memory_space<semaphore_mem>> -> memref<!tpu.dma_semaphore, #tpu.memory_space<semaphore_mem>>
      %dma_wait3A_922 = arith.constant 0 : i32
      %dma_wait3A_923 = arith.constant 0 : i32
      %dma_wait3A_924 = tpu.memref_slice %arg7[%dma_wait3A_911, %dma_wait3A_922, %dma_wait3A_923] : memref<4x200x64xf32, #tpu.memory_space<vmem>> -> memref<1x200x64xf32, #tpu.memory_space<vmem>>
      %dma_wait3A_925 = tpu.memref_squeeze %dma_wait3A_924 : memref<1x200x64xf32, #tpu.memory_space<vmem>> -> memref<200x64xf32, #tpu.memory_space<vmem>>
      %dma_wait3A_926 = arith.constant 0 : i32
      %dma_wait3A_927 = arith.constant 0 : i32
      %dma_wait3A_928 = tpu.memref_slice %arg5[%dma_wait3A_926, %dma_wait3A_927] : memref<819200x64xf32, #tpu.memory_space<hbm>> -> memref<200x64xf32, #tpu.memory_space<hbm>>
      tpu.wait_dma2 semaphore(%dma_wait3A_921 : memref<!tpu.dma_semaphore, #tpu.memory_space<semaphore_mem>>) src(%dma_wait3A_928 : memref<200x64xf32, #tpu.memory_space<hbm>>) dst(%dma_wait3A_925 : memref<200x64xf32, #tpu.memory_space<vmem>>)
      %parallel_loop3A_929 = arith.constant 0 : i32
      %parallel_loop3A_930 = arith.constant 200 : i32
      %parallel_loop3A_931 = arith.constant 1 : i32
      scf.for %parallel_loop3A_1111 = %parallel_loop3A_929 to %parallel_loop3A_930 step %parallel_loop3A_931  : i32 {
        %parallel_loop3A_1112 = arith.constant 2 : i32
        %parallel_loop3A_1113 = arith.index_cast %parallel_loop3A_1112 : i32 to index
        %parallel_loop3A_1114 = arith.index_cast %parallel_loop3A_1111 : i32 to index
        %parallel_loop3A_1115 = arith.constant 0 : index
        %parallel_loop3A_1116 = tpu.vector_load %arg7[%parallel_loop3A_1113, %parallel_loop3A_1114, %parallel_loop3A_1115] {strides = array<i32>} : memref<4x200x64xf32, #tpu.memory_space<vmem>>, vector<1x1x16xf32>,
        %parallel_loop3A_1117 = vector.shape_cast %parallel_loop3A_1116 : vector<1x1x16xf32> to vector<16xf32>
        %parallel_loop3A_1118 = arith.index_cast %parallel_loop3A_1111 : i32 to index
        %parallel_loop3A_1119 = arith.constant 0 : index
        %parallel_loop3A_1120 = tpu.vector_load %arg8[%parallel_loop3A_1118, %parallel_loop3A_1119] {strides = array<i32>} : memref<200x64xf32, #tpu.memory_space<vmem>>, vector<1x16xf32>,
        %parallel_loop3A_1121 = vector.shape_cast %parallel_loop3A_1120 : vector<1x16xf32> to vector<16xf32>
        %parallel_loop3A_1122 = arith.addf %parallel_loop3A_1117, %parallel_loop3A_1121 : vector<16xf32>
        %parallel_loop3A_1123 = arith.constant 2 : i32
        %parallel_loop3A_1124 = arith.index_cast %parallel_loop3A_1123 : i32 to index
        %parallel_loop3A_1125 = arith.index_cast %parallel_loop3A_1111 : i32 to index
        %parallel_loop3A_1126 = arith.constant 0 : index
        %parallel_loop3A_1127 = tpu.vector_load %arg7[%parallel_loop3A_1124, %parallel_loop3A_1125, %parallel_loop3A_1126] {strides = array<i32>} : memref<4x200x64xf32, #tpu.memory_space<vmem>>, vector<1x1x16xf32>,
        %parallel_loop3A_1128 = vector.shape_cast %parallel_loop3A_1127 : vector<1x1x16xf32> to vector<16xf32>
        %parallel_loop3A_1129 = vector.shape_cast %parallel_loop3A_1122 : vector<16xf32> to vector<1x1x16xf32>
        tpu.vector_store %arg7[%parallel_loop3A_1124, %parallel_loop3A_1125, %parallel_loop3A_1126], %parallel_loop3A_1129 {strides = array<i32>} : memref<4x200x64xf32, #tpu.memory_space<vmem>>, vector<1x1x16xf32>,
        %parallel_loop3A_1130 = arith.constant 2 : i32
        %parallel_loop3A_1131 = arith.index_cast %parallel_loop3A_1130 : i32 to index
        %parallel_loop3A_1132 = arith.index_cast %parallel_loop3A_1111 : i32 to index
        %parallel_loop3A_1133 = arith.constant 16 : index
        %parallel_loop3A_1134 = tpu.vector_load %arg7[%parallel_loop3A_1131, %parallel_loop3A_1132, %parallel_loop3A_1133] {strides = array<i32>} : memref<4x200x64xf32, #tpu.memory_space<vmem>>, vector<1x1x16xf32>,
        %parallel_loop3A_1135 = vector.shape_cast %parallel_loop3A_1134 : vector<1x1x16xf32> to vector<16xf32>
        %parallel_loop3A_1136 = arith.index_cast %parallel_loop3A_1111 : i32 to index
        %parallel_loop3A_1137 = arith.constant 16 : index
        %parallel_loop3A_1138 = tpu.vector_load %arg8[%parallel_loop3A_1136, %parallel_loop3A_1137] {strides = array<i32>} : memref<200x64xf32, #tpu.memory_space<vmem>>, vector<1x16xf32>,
        %parallel_loop3A_1139 = vector.shape_cast %parallel_loop3A_1138 : vector<1x16xf32> to vector<16xf32>
        %parallel_loop3A_1140 = arith.addf %parallel_loop3A_1135, %parallel_loop3A_1139 : vector<16xf32>
        %parallel_loop3A_1141 = arith.constant 2 : i32
        %parallel_loop3A_1142 = arith.index_cast %parallel_loop3A_1141 : i32 to index
        %parallel_loop3A_1143 = arith.index_cast %parallel_loop3A_1111 : i32 to index
        %parallel_loop3A_1144 = arith.constant 16 : index
        %parallel_loop3A_1145 = tpu.vector_load %arg7[%parallel_loop3A_1142, %parallel_loop3A_1143, %parallel_loop3A_1144] {strides = array<i32>} : memref<4x200x64xf32, #tpu.memory_space<vmem>>, vector<1x1x16xf32>,
        %parallel_loop3A_1146 = vector.shape_cast %parallel_loop3A_1145 : vector<1x1x16xf32> to vector<16xf32>
        %parallel_loop3A_1147 = vector.shape_cast %parallel_loop3A_1140 : vector<16xf32> to vector<1x1x16xf32>
        tpu.vector_store %arg7[%parallel_loop3A_1142, %parallel_loop3A_1143, %parallel_loop3A_1144], %parallel_loop3A_1147 {strides = array<i32>} : memref<4x200x64xf32, #tpu.memory_space<vmem>>, vector<1x1x16xf32>,
        %parallel_loop3A_1148 = arith.constant 2 : i32
        %parallel_loop3A_1149 = arith.index_cast %parallel_loop3A_1148 : i32 to index
        %parallel_loop3A_1150 = arith.index_cast %parallel_loop3A_1111 : i32 to index
        %parallel_loop3A_1151 = arith.constant 32 : index
        %parallel_loop3A_1152 = tpu.vector_load %arg7[%parallel_loop3A_1149, %parallel_loop3A_1150, %parallel_loop3A_1151] {strides = array<i32>} : memref<4x200x64xf32, #tpu.memory_space<vmem>>, vector<1x1x16xf32>,
        %parallel_loop3A_1153 = vector.shape_cast %parallel_loop3A_1152 : vector<1x1x16xf32> to vector<16xf32>
        %parallel_loop3A_1154 = arith.index_cast %parallel_loop3A_1111 : i32 to index
        %parallel_loop3A_1155 = arith.constant 32 : index
        %parallel_loop3A_1156 = tpu.vector_load %arg8[%parallel_loop3A_1154, %parallel_loop3A_1155] {strides = array<i32>} : memref<200x64xf32, #tpu.memory_space<vmem>>, vector<1x16xf32>,
        %parallel_loop3A_1157 = vector.shape_cast %parallel_loop3A_1156 : vector<1x16xf32> to vector<16xf32>
        %parallel_loop3A_1158 = arith.addf %parallel_loop3A_1153, %parallel_loop3A_1157 : vector<16xf32>
        %parallel_loop3A_1159 = arith.constant 2 : i32
        %parallel_loop3A_1160 = arith.index_cast %parallel_loop3A_1159 : i32 to index
        %parallel_loop3A_1161 = arith.index_cast %parallel_loop3A_1111 : i32 to index
        %parallel_loop3A_1162 = arith.constant 32 : index
        %parallel_loop3A_1163 = tpu.vector_load %arg7[%parallel_loop3A_1160, %parallel_loop3A_1161, %parallel_loop3A_1162] {strides = array<i32>} : memref<4x200x64xf32, #tpu.memory_space<vmem>>, vector<1x1x16xf32>,
        %parallel_loop3A_1164 = vector.shape_cast %parallel_loop3A_1163 : vector<1x1x16xf32> to vector<16xf32>
        %parallel_loop3A_1165 = vector.shape_cast %parallel_loop3A_1158 : vector<16xf32> to vector<1x1x16xf32>
        tpu.vector_store %arg7[%parallel_loop3A_1160, %parallel_loop3A_1161, %parallel_loop3A_1162], %parallel_loop3A_1165 {strides = array<i32>} : memref<4x200x64xf32, #tpu.memory_space<vmem>>, vector<1x1x16xf32>,
        %parallel_loop3A_1166 = arith.constant 2 : i32
        %parallel_loop3A_1167 = arith.index_cast %parallel_loop3A_1166 : i32 to index
        %parallel_loop3A_1168 = arith.index_cast %parallel_loop3A_1111 : i32 to index
        %parallel_loop3A_1169 = arith.constant 48 : index
        %parallel_loop3A_1170 = tpu.vector_load %arg7[%parallel_loop3A_1167, %parallel_loop3A_1168, %parallel_loop3A_1169] {strides = array<i32>} : memref<4x200x64xf32, #tpu.memory_space<vmem>>, vector<1x1x16xf32>,
        %parallel_loop3A_1171 = vector.shape_cast %parallel_loop3A_1170 : vector<1x1x16xf32> to vector<16xf32>
        %parallel_loop3A_1172 = arith.index_cast %parallel_loop3A_1111 : i32 to index
        %parallel_loop3A_1173 = arith.constant 48 : index
        %parallel_loop3A_1174 = tpu.vector_load %arg8[%parallel_loop3A_1172, %parallel_loop3A_1173] {strides = array<i32>} : memref<200x64xf32, #tpu.memory_space<vmem>>, vector<1x16xf32>,
        %parallel_loop3A_1175 = vector.shape_cast %parallel_loop3A_1174 : vector<1x16xf32> to vector<16xf32>
        %parallel_loop3A_1176 = arith.addf %parallel_loop3A_1171, %parallel_loop3A_1175 : vector<16xf32>
        %parallel_loop3A_1177 = arith.constant 2 : i32
        %parallel_loop3A_1178 = arith.index_cast %parallel_loop3A_1177 : i32 to index
        %parallel_loop3A_1179 = arith.index_cast %parallel_loop3A_1111 : i32 to index
        %parallel_loop3A_1180 = arith.constant 48 : index
        %parallel_loop3A_1181 = tpu.vector_load %arg7[%parallel_loop3A_1178, %parallel_loop3A_1179, %parallel_loop3A_1180] {strides = array<i32>} : memref<4x200x64xf32, #tpu.memory_space<vmem>>, vector<1x1x16xf32>,
        %parallel_loop3A_1182 = vector.shape_cast %parallel_loop3A_1181 : vector<1x1x16xf32> to vector<16xf32>
        %parallel_loop3A_1183 = vector.shape_cast %parallel_loop3A_1176 : vector<16xf32> to vector<1x1x16xf32>
        tpu.vector_store %arg7[%parallel_loop3A_1178, %parallel_loop3A_1179, %parallel_loop3A_1180], %parallel_loop3A_1183 {strides = array<i32>} : memref<4x200x64xf32, #tpu.memory_space<vmem>>, vector<1x1x16xf32>,
      } {sc.loop_unroll_factor = 4 : i64, sc.parallel_access}
      %mul3A_932 = arith.constant 200 : i32
      %mul3A_933 = arith.muli %add3A_910, %mul3A_932 : i32
      %add3A_934 = arith.addi %mul3A_4, %mul3A_933 : i32
      %dma_start3A_935 = arith.constant 2 : i32
      %dma_start3A_936 = arith.constant 2 : i32
      %dma_start3A_937 = arith.constant 0 : i32
      %dma_start3A_938 = arith.constant 0 : i32
      %dma_start3A_939 = tpu.memref_slice %arg7[%dma_start3A_935, %dma_start3A_937, %dma_start3A_938] : memref<4x200x64xf32, #tpu.memory_space<vmem>> -> memref<1x200x64xf32, #tpu.memory_space<vmem>>
      %dma_start3A_940 = tpu.memref_squeeze %dma_start3A_939 : memref<1x200x64xf32, #tpu.memory_space<vmem>> -> memref<200x64xf32, #tpu.memory_space<vmem>>
      %dma_start3A_941 = arith.constant 0 : i32
      %dma_start3A_942 = tpu.memref_slice %arg5[%add3A_934, %dma_start3A_941] : memref<819200x64xf32, #tpu.memory_space<hbm>> -> memref<200x64xf32, #tpu.memory_space<hbm>>
      %dma_start3A_943 = tpu.memref_slice %arg10[%dma_start3A_936] : memref<4x!tpu.dma_semaphore, #tpu.memory_space<semaphore_mem>> -> memref<1x!tpu.dma_semaphore, #tpu.memory_space<semaphore_mem>>
      %dma_start3A_944 = tpu.memref_squeeze %dma_start3A_943 : memref<1x!tpu.dma_semaphore, #tpu.memory_space<semaphore_mem>> -> memref<!tpu.dma_semaphore, #tpu.memory_space<semaphore_mem>>
      %dma_start3A_945 = arith.constant 0 : i32
      %dma_start3A_946 = tpu.memref_slice %arg5[%add3A_934, %dma_start3A_945] : memref<819200x64xf32, #tpu.memory_space<hbm>> -> memref<200x64xf32, #tpu.memory_space<hbm>>
      %dma_start3A_947 = arith.constant 0 : i32
      %dma_start3A_948 = arith.constant 0 : i32
      %dma_start3A_949 = tpu.memref_slice %arg7[%dma_start3A_935, %dma_start3A_947, %dma_start3A_948] : memref<4x200x64xf32, #tpu.memory_space<vmem>> -> memref<1x200x64xf32, #tpu.memory_space<vmem>>
      %dma_start3A_950 = tpu.memref_squeeze %dma_start3A_949 : memref<1x200x64xf32, #tpu.memory_space<vmem>> -> memref<200x64xf32, #tpu.memory_space<vmem>>
      tpu.enqueue_dma source(%dma_start3A_950 : memref<200x64xf32, #tpu.memory_space<vmem>>) target(%dma_start3A_946 : memref<200x64xf32, #tpu.memory_space<hbm>>) target_semaphore(%dma_start3A_944 : memref<!tpu.dma_semaphore, #tpu.memory_space<semaphore_mem>>)
      %dma_wait3A_951 = arith.constant 1 : i32
      %dma_wait3A_952 = arith.constant 1 : i32
      %dma_wait3A_953 = arith.constant 0 : i32
      %dma_wait3A_954 = arith.constant 0 : i32
      %dma_wait3A_955 = tpu.memref_slice %arg7[%dma_wait3A_951, %dma_wait3A_953, %dma_wait3A_954] : memref<4x200x64xf32, #tpu.memory_space<vmem>> -> memref<1x200x64xf32, #tpu.memory_space<vmem>>
      %dma_wait3A_956 = tpu.memref_squeeze %dma_wait3A_955 : memref<1x200x64xf32, #tpu.memory_space<vmem>> -> memref<200x64xf32, #tpu.memory_space<vmem>>
      %dma_wait3A_957 = arith.constant 0 : i32
      %dma_wait3A_958 = arith.constant 0 : i32
      %dma_wait3A_959 = tpu.memref_slice %arg5[%dma_wait3A_957, %dma_wait3A_958] : memref<819200x64xf32, #tpu.memory_space<hbm>> -> memref<200x64xf32, #tpu.memory_space<hbm>>
      %dma_wait3A_960 = tpu.memref_slice %arg10[%dma_wait3A_952] : memref<4x!tpu.dma_semaphore, #tpu.memory_space<semaphore_mem>> -> memref<1x!tpu.dma_semaphore, #tpu.memory_space<semaphore_mem>>
      %dma_wait3A_961 = tpu.memref_squeeze %dma_wait3A_960 : memref<1x!tpu.dma_semaphore, #tpu.memory_space<semaphore_mem>> -> memref<!tpu.dma_semaphore, #tpu.memory_space<semaphore_mem>>
      %dma_wait3A_962 = arith.constant 0 : i32
      %dma_wait3A_963 = arith.constant 0 : i32
      %dma_wait3A_964 = tpu.memref_slice %arg5[%dma_wait3A_962, %dma_wait3A_963] : memref<819200x64xf32, #tpu.memory_space<hbm>> -> memref<200x64xf32, #tpu.memory_space<hbm>>
      %dma_wait3A_965 = arith.constant 0 : i32
      %dma_wait3A_966 = arith.constant 0 : i32
      %dma_wait3A_967 = tpu.memref_slice %arg7[%dma_wait3A_951, %dma_wait3A_965, %dma_wait3A_966] : memref<4x200x64xf32, #tpu.memory_space<vmem>> -> memref<1x200x64xf32, #tpu.memory_space<vmem>>
      %dma_wait3A_968 = tpu.memref_squeeze %dma_wait3A_967 : memref<1x200x64xf32, #tpu.memory_space<vmem>> -> memref<200x64xf32, #tpu.memory_space<vmem>>
      tpu.wait_dma2 semaphore(%dma_wait3A_961 : memref<!tpu.dma_semaphore, #tpu.memory_space<semaphore_mem>>) src(%dma_wait3A_968 : memref<200x64xf32, #tpu.memory_space<vmem>>) dst(%dma_wait3A_964 : memref<200x64xf32, #tpu.memory_space<hbm>>)
      %add3A_969 = arith.constant 4 : i32
      %add3A_970 = arith.addi %add3A_910, %add3A_969 : i32
      %sub3A_971 = arith.constant 1 : i32
      %sub3A_972 = arith.subi %add3A_970, %sub3A_971 : i32
      %mul3A_973 = arith.constant 2 : i32
      %mul3A_974 = arith.muli %sub3A_972, %mul3A_973 : i32
      %add3A_975 = arith.constant 0 : i32
      %add3A_976 = arith.addi %mul3A_974, %add3A_975 : i32
      %dma_start3A_977 = arith.constant 1 : i32
      %dma_start3A_978 = arith.constant 1 : i32
      %dma_start3A_979 = arith.constant 0 : i32
      %dma_start3A_980 = arith.constant 0 : i32
      %dma_start3A_981 = tpu.memref_slice %arg7[%dma_start3A_977, %dma_start3A_979, %dma_start3A_980] : memref<4x200x64xf32, #tpu.memory_space<vmem>> -> memref<1x100x64xf32, #tpu.memory_space<vmem>>
      %dma_start3A_982 = tpu.memref_squeeze %dma_start3A_981 : memref<1x100x64xf32, #tpu.memory_space<vmem>> -> memref<100x64xf32, #tpu.memory_space<vmem>>
      %dma_start3A_983 = arith.constant 0 : i32
      %dma_start3A_984 = tpu.memref_slice %arg6[%add3A_976, %dma_start3A_983] : memref<256x100xi32, #tpu.memory_space<vmem>> -> memref<1x100xi32, #tpu.memory_space<vmem>>
      %dma_start3A_985 = tpu.memref_squeeze %dma_start3A_984 : memref<1x100xi32, #tpu.memory_space<vmem>> -> memref<100xi32, #tpu.memory_space<vmem>>
      %dma_start3A_986 = arith.constant 0 : i32
      %dma_start3A_987 = arith.constant 0 : i32
      %dma_start3A_988 = tpu.memref_slice %arg3[%dma_start3A_986, %dma_start3A_987] : memref<1000000x64xf32, #tpu.memory_space<hbm>> -> memref<1000000x64xf32, #tpu.memory_space<hbm>>
      %dma_start3A_989 = tpu.memref_slice %arg9[%dma_start3A_978] : memref<4x!tpu.dma_semaphore, #tpu.memory_space<semaphore_mem>> -> memref<1x!tpu.dma_semaphore, #tpu.memory_space<semaphore_mem>>
      %dma_start3A_990 = tpu.memref_squeeze %dma_start3A_989 : memref<1x!tpu.dma_semaphore, #tpu.memory_space<semaphore_mem>> -> memref<!tpu.dma_semaphore, #tpu.memory_space<semaphore_mem>>
      tpu.enqueue_indirect_dma source(%dma_start3A_988 : memref<1000000x64xf32, #tpu.memory_space<hbm>>) target(%dma_start3A_982 : memref<100x64xf32, #tpu.memory_space<vmem>>) offsets(%dma_start3A_985 : memref<100xi32, #tpu.memory_space<vmem>>) semaphore(%dma_start3A_990 : memref<!tpu.dma_semaphore, #tpu.memory_space<semaphore_mem>>)
      %mul3A_991 = arith.constant 2 : i32
      %mul3A_992 = arith.muli %sub3A_972, %mul3A_991 : i32
      %add3A_993 = arith.constant 1 : i32
      %add3A_994 = arith.addi %mul3A_992, %add3A_993 : i32
      %dma_start3A_995 = arith.constant 1 : i32
      %dma_start3A_996 = arith.constant 1 : i32
      %dma_start3A_997 = arith.constant 100 : i32
      %dma_start3A_998 = arith.constant 0 : i32
      %dma_start3A_999 = tpu.memref_slice %arg7[%dma_start3A_995, %dma_start3A_997, %dma_start3A_998] : memref<4x200x64xf32, #tpu.memory_space<vmem>> -> memref<1x100x64xf32, #tpu.memory_space<vmem>>
      %dma_start3A_1000 = tpu.memref_squeeze %dma_start3A_999 : memref<1x100x64xf32, #tpu.memory_space<vmem>> -> memref<100x64xf32, #tpu.memory_space<vmem>>
      %dma_start3A_1001 = arith.constant 0 : i32
      %dma_start3A_1002 = tpu.memref_slice %arg6[%add3A_994, %dma_start3A_1001] : memref<256x100xi32, #tpu.memory_space<vmem>> -> memref<1x100xi32, #tpu.memory_space<vmem>>
      %dma_start3A_1003 = tpu.memref_squeeze %dma_start3A_1002 : memref<1x100xi32, #tpu.memory_space<vmem>> -> memref<100xi32, #tpu.memory_space<vmem>>
      %dma_start3A_1004 = arith.constant 0 : i32
      %dma_start3A_1005 = arith.constant 0 : i32
      %dma_start3A_1006 = tpu.memref_slice %arg3[%dma_start3A_1004, %dma_start3A_1005] : memref<1000000x64xf32, #tpu.memory_space<hbm>> -> memref<1000000x64xf32, #tpu.memory_space<hbm>>
      %dma_start3A_1007 = tpu.memref_slice %arg9[%dma_start3A_996] : memref<4x!tpu.dma_semaphore, #tpu.memory_space<semaphore_mem>> -> memref<1x!tpu.dma_semaphore, #tpu.memory_space<semaphore_mem>>
      %dma_start3A_1008 = tpu.memref_squeeze %dma_start3A_1007 : memref<1x!tpu.dma_semaphore, #tpu.memory_space<semaphore_mem>> -> memref<!tpu.dma_semaphore, #tpu.memory_space<semaphore_mem>>
      tpu.enqueue_indirect_dma source(%dma_start3A_1006 : memref<1000000x64xf32, #tpu.memory_space<hbm>>) target(%dma_start3A_1000 : memref<100x64xf32, #tpu.memory_space<vmem>>) offsets(%dma_start3A_1003 : memref<100xi32, #tpu.memory_space<vmem>>) semaphore(%dma_start3A_1008 : memref<!tpu.dma_semaphore, #tpu.memory_space<semaphore_mem>>)
      %mul3A_1009 = arith.constant 4 : i32
      %mul3A_1010 = arith.muli %scan3A_703, %mul3A_1009 : i32
      %add3A_1011 = arith.constant 3 : i32
      %add3A_1012 = arith.addi %mul3A_1010, %add3A_1011 : i32
      %dma_wait3A_1013 = arith.constant 3 : i32
      %dma_wait3A_1014 = arith.constant 3 : i32
      %dma_wait3A_1015 = arith.constant 0 : i32
      %dma_wait3A_1016 = arith.constant 0 : i32
      %dma_wait3A_1017 = tpu.memref_slice %arg7[%dma_wait3A_1013, %dma_wait3A_1015, %dma_wait3A_1016] : memref<4x200x64xf32, #tpu.memory_space<vmem>> -> memref<1x200x64xf32, #tpu.memory_space<vmem>>
      %dma_wait3A_1018 = tpu.memref_squeeze %dma_wait3A_1017 : memref<1x200x64xf32, #tpu.memory_space<vmem>> -> memref<200x64xf32, #tpu.memory_space<vmem>>
      %dma_wait3A_1019 = arith.constant 0 : i32
      %dma_wait3A_1020 = arith.constant 0 : i32
      %dma_wait3A_1021 = tpu.memref_slice %arg5[%dma_wait3A_1019, %dma_wait3A_1020] : memref<819200x64xf32, #tpu.memory_space<hbm>> -> memref<200x64xf32, #tpu.memory_space<hbm>>
      %dma_wait3A_1022 = tpu.memref_slice %arg9[%dma_wait3A_1014] : memref<4x!tpu.dma_semaphore, #tpu.memory_space<semaphore_mem>> -> memref<1x!tpu.dma_semaphore, #tpu.memory_space<semaphore_mem>>
      %dma_wait3A_1023 = tpu.memref_squeeze %dma_wait3A_1022 : memref<1x!tpu.dma_semaphore, #tpu.memory_space<semaphore_mem>> -> memref<!tpu.dma_semaphore, #tpu.memory_space<semaphore_mem>>
      %dma_wait3A_1024 = arith.constant 0 : i32
      %dma_wait3A_1025 = arith.constant 0 : i32
      %dma_wait3A_1026 = tpu.memref_slice %arg7[%dma_wait3A_1013, %dma_wait3A_1024, %dma_wait3A_1025] : memref<4x200x64xf32, #tpu.memory_space<vmem>> -> memref<1x200x64xf32, #tpu.memory_space<vmem>>
      %dma_wait3A_1027 = tpu.memref_squeeze %dma_wait3A_1026 : memref<1x200x64xf32, #tpu.memory_space<vmem>> -> memref<200x64xf32, #tpu.memory_space<vmem>>
      %dma_wait3A_1028 = arith.constant 0 : i32
      %dma_wait3A_1029 = arith.constant 0 : i32
      %dma_wait3A_1030 = tpu.memref_slice %arg5[%dma_wait3A_1028, %dma_wait3A_1029] : memref<819200x64xf32, #tpu.memory_space<hbm>> -> memref<200x64xf32, #tpu.memory_space<hbm>>
      tpu.wait_dma2 semaphore(%dma_wait3A_1023 : memref<!tpu.dma_semaphore, #tpu.memory_space<semaphore_mem>>) src(%dma_wait3A_1030 : memref<200x64xf32, #tpu.memory_space<hbm>>) dst(%dma_wait3A_1027 : memref<200x64xf32, #tpu.memory_space<vmem>>)
      %parallel_loop3A_1031 = arith.constant 0 : i32
      %parallel_loop3A_1032 = arith.constant 200 : i32
      %parallel_loop3A_1033 = arith.constant 1 : i32
      scf.for %parallel_loop3A_1111 = %parallel_loop3A_1031 to %parallel_loop3A_1032 step %parallel_loop3A_1033  : i32 {
        %parallel_loop3A_1112 = arith.constant 3 : i32
        %parallel_loop3A_1113 = arith.index_cast %parallel_loop3A_1112 : i32 to index
        %parallel_loop3A_1114 = arith.index_cast %parallel_loop3A_1111 : i32 to index
        %parallel_loop3A_1115 = arith.constant 0 : index
        %parallel_loop3A_1116 = tpu.vector_load %arg7[%parallel_loop3A_1113, %parallel_loop3A_1114, %parallel_loop3A_1115] {strides = array<i32>} : memref<4x200x64xf32, #tpu.memory_space<vmem>>, vector<1x1x16xf32>,
        %parallel_loop3A_1117 = vector.shape_cast %parallel_loop3A_1116 : vector<1x1x16xf32> to vector<16xf32>
        %parallel_loop3A_1118 = arith.index_cast %parallel_loop3A_1111 : i32 to index
        %parallel_loop3A_1119 = arith.constant 0 : index
        %parallel_loop3A_1120 = tpu.vector_load %arg8[%parallel_loop3A_1118, %parallel_loop3A_1119] {strides = array<i32>} : memref<200x64xf32, #tpu.memory_space<vmem>>, vector<1x16xf32>,
        %parallel_loop3A_1121 = vector.shape_cast %parallel_loop3A_1120 : vector<1x16xf32> to vector<16xf32>
        %parallel_loop3A_1122 = arith.addf %parallel_loop3A_1117, %parallel_loop3A_1121 : vector<16xf32>
        %parallel_loop3A_1123 = arith.constant 3 : i32
        %parallel_loop3A_1124 = arith.index_cast %parallel_loop3A_1123 : i32 to index
        %parallel_loop3A_1125 = arith.index_cast %parallel_loop3A_1111 : i32 to index
        %parallel_loop3A_1126 = arith.constant 0 : index
        %parallel_loop3A_1127 = tpu.vector_load %arg7[%parallel_loop3A_1124, %parallel_loop3A_1125, %parallel_loop3A_1126] {strides = array<i32>} : memref<4x200x64xf32, #tpu.memory_space<vmem>>, vector<1x1x16xf32>,
        %parallel_loop3A_1128 = vector.shape_cast %parallel_loop3A_1127 : vector<1x1x16xf32> to vector<16xf32>
        %parallel_loop3A_1129 = vector.shape_cast %parallel_loop3A_1122 : vector<16xf32> to vector<1x1x16xf32>
        tpu.vector_store %arg7[%parallel_loop3A_1124, %parallel_loop3A_1125, %parallel_loop3A_1126], %parallel_loop3A_1129 {strides = array<i32>} : memref<4x200x64xf32, #tpu.memory_space<vmem>>, vector<1x1x16xf32>,
        %parallel_loop3A_1130 = arith.constant 3 : i32
        %parallel_loop3A_1131 = arith.index_cast %parallel_loop3A_1130 : i32 to index
        %parallel_loop3A_1132 = arith.index_cast %parallel_loop3A_1111 : i32 to index
        %parallel_loop3A_1133 = arith.constant 16 : index
        %parallel_loop3A_1134 = tpu.vector_load %arg7[%parallel_loop3A_1131, %parallel_loop3A_1132, %parallel_loop3A_1133] {strides = array<i32>} : memref<4x200x64xf32, #tpu.memory_space<vmem>>, vector<1x1x16xf32>,
        %parallel_loop3A_1135 = vector.shape_cast %parallel_loop3A_1134 : vector<1x1x16xf32> to vector<16xf32>
        %parallel_loop3A_1136 = arith.index_cast %parallel_loop3A_1111 : i32 to index
        %parallel_loop3A_1137 = arith.constant 16 : index
        %parallel_loop3A_1138 = tpu.vector_load %arg8[%parallel_loop3A_1136, %parallel_loop3A_1137] {strides = array<i32>} : memref<200x64xf32, #tpu.memory_space<vmem>>, vector<1x16xf32>,
        %parallel_loop3A_1139 = vector.shape_cast %parallel_loop3A_1138 : vector<1x16xf32> to vector<16xf32>
        %parallel_loop3A_1140 = arith.addf %parallel_loop3A_1135, %parallel_loop3A_1139 : vector<16xf32>
        %parallel_loop3A_1141 = arith.constant 3 : i32
        %parallel_loop3A_1142 = arith.index_cast %parallel_loop3A_1141 : i32 to index
        %parallel_loop3A_1143 = arith.index_cast %parallel_loop3A_1111 : i32 to index
        %parallel_loop3A_1144 = arith.constant 16 : index
        %parallel_loop3A_1145 = tpu.vector_load %arg7[%parallel_loop3A_1142, %parallel_loop3A_1143, %parallel_loop3A_1144] {strides = array<i32>} : memref<4x200x64xf32, #tpu.memory_space<vmem>>, vector<1x1x16xf32>,
        %parallel_loop3A_1146 = vector.shape_cast %parallel_loop3A_1145 : vector<1x1x16xf32> to vector<16xf32>
        %parallel_loop3A_1147 = vector.shape_cast %parallel_loop3A_1140 : vector<16xf32> to vector<1x1x16xf32>
        tpu.vector_store %arg7[%parallel_loop3A_1142, %parallel_loop3A_1143, %parallel_loop3A_1144], %parallel_loop3A_1147 {strides = array<i32>} : memref<4x200x64xf32, #tpu.memory_space<vmem>>, vector<1x1x16xf32>,
        %parallel_loop3A_1148 = arith.constant 3 : i32
        %parallel_loop3A_1149 = arith.index_cast %parallel_loop3A_1148 : i32 to index
        %parallel_loop3A_1150 = arith.index_cast %parallel_loop3A_1111 : i32 to index
        %parallel_loop3A_1151 = arith.constant 32 : index
        %parallel_loop3A_1152 = tpu.vector_load %arg7[%parallel_loop3A_1149, %parallel_loop3A_1150, %parallel_loop3A_1151] {strides = array<i32>} : memref<4x200x64xf32, #tpu.memory_space<vmem>>, vector<1x1x16xf32>,
        %parallel_loop3A_1153 = vector.shape_cast %parallel_loop3A_1152 : vector<1x1x16xf32> to vector<16xf32>
        %parallel_loop3A_1154 = arith.index_cast %parallel_loop3A_1111 : i32 to index
        %parallel_loop3A_1155 = arith.constant 32 : index
        %parallel_loop3A_1156 = tpu.vector_load %arg8[%parallel_loop3A_1154, %parallel_loop3A_1155] {strides = array<i32>} : memref<200x64xf32, #tpu.memory_space<vmem>>, vector<1x16xf32>,
        %parallel_loop3A_1157 = vector.shape_cast %parallel_loop3A_1156 : vector<1x16xf32> to vector<16xf32>
        %parallel_loop3A_1158 = arith.addf %parallel_loop3A_1153, %parallel_loop3A_1157 : vector<16xf32>
        %parallel_loop3A_1159 = arith.constant 3 : i32
        %parallel_loop3A_1160 = arith.index_cast %parallel_loop3A_1159 : i32 to index
        %parallel_loop3A_1161 = arith.index_cast %parallel_loop3A_1111 : i32 to index
        %parallel_loop3A_1162 = arith.constant 32 : index
        %parallel_loop3A_1163 = tpu.vector_load %arg7[%parallel_loop3A_1160, %parallel_loop3A_1161, %parallel_loop3A_1162] {strides = array<i32>} : memref<4x200x64xf32, #tpu.memory_space<vmem>>, vector<1x1x16xf32>,
        %parallel_loop3A_1164 = vector.shape_cast %parallel_loop3A_1163 : vector<1x1x16xf32> to vector<16xf32>
        %parallel_loop3A_1165 = vector.shape_cast %parallel_loop3A_1158 : vector<16xf32> to vector<1x1x16xf32>
        tpu.vector_store %arg7[%parallel_loop3A_1160, %parallel_loop3A_1161, %parallel_loop3A_1162], %parallel_loop3A_1165 {strides = array<i32>} : memref<4x200x64xf32, #tpu.memory_space<vmem>>, vector<1x1x16xf32>,
        %parallel_loop3A_1166 = arith.constant 3 : i32
        %parallel_loop3A_1167 = arith.index_cast %parallel_loop3A_1166 : i32 to index
        %parallel_loop3A_1168 = arith.index_cast %parallel_loop3A_1111 : i32 to index
        %parallel_loop3A_1169 = arith.constant 48 : index
        %parallel_loop3A_1170 = tpu.vector_load %arg7[%parallel_loop3A_1167, %parallel_loop3A_1168, %parallel_loop3A_1169] {strides = array<i32>} : memref<4x200x64xf32, #tpu.memory_space<vmem>>, vector<1x1x16xf32>,
        %parallel_loop3A_1171 = vector.shape_cast %parallel_loop3A_1170 : vector<1x1x16xf32> to vector<16xf32>
        %parallel_loop3A_1172 = arith.index_cast %parallel_loop3A_1111 : i32 to index
        %parallel_loop3A_1173 = arith.constant 48 : index
        %parallel_loop3A_1174 = tpu.vector_load %arg8[%parallel_loop3A_1172, %parallel_loop3A_1173] {strides = array<i32>} : memref<200x64xf32, #tpu.memory_space<vmem>>, vector<1x16xf32>,
        %parallel_loop3A_1175 = vector.shape_cast %parallel_loop3A_1174 : vector<1x16xf32> to vector<16xf32>
        %parallel_loop3A_1176 = arith.addf %parallel_loop3A_1171, %parallel_loop3A_1175 : vector<16xf32>
        %parallel_loop3A_1177 = arith.constant 3 : i32
        %parallel_loop3A_1178 = arith.index_cast %parallel_loop3A_1177 : i32 to index
        %parallel_loop3A_1179 = arith.index_cast %parallel_loop3A_1111 : i32 to index
        %parallel_loop3A_1180 = arith.constant 48 : index
        %parallel_loop3A_1181 = tpu.vector_load %arg7[%parallel_loop3A_1178, %parallel_loop3A_1179, %parallel_loop3A_1180] {strides = array<i32>} : memref<4x200x64xf32, #tpu.memory_space<vmem>>, vector<1x1x16xf32>,
        %parallel_loop3A_1182 = vector.shape_cast %parallel_loop3A_1181 : vector<1x1x16xf32> to vector<16xf32>
        %parallel_loop3A_1183 = vector.shape_cast %parallel_loop3A_1176 : vector<16xf32> to vector<1x1x16xf32>
        tpu.vector_store %arg7[%parallel_loop3A_1178, %parallel_loop3A_1179, %parallel_loop3A_1180], %parallel_loop3A_1183 {strides = array<i32>} : memref<4x200x64xf32, #tpu.memory_space<vmem>>, vector<1x1x16xf32>,
      } {sc.loop_unroll_factor = 4 : i64, sc.parallel_access}
      %mul3A_1034 = arith.constant 200 : i32
      %mul3A_1035 = arith.muli %add3A_1012, %mul3A_1034 : i32
      %add3A_1036 = arith.addi %mul3A_4, %mul3A_1035 : i32
      %dma_start3A_1037 = arith.constant 3 : i32
      %dma_start3A_1038 = arith.constant 3 : i32
      %dma_start3A_1039 = arith.constant 0 : i32
      %dma_start3A_1040 = arith.constant 0 : i32
      %dma_start3A_1041 = tpu.memref_slice %arg7[%dma_start3A_1037, %dma_start3A_1039, %dma_start3A_1040] : memref<4x200x64xf32, #tpu.memory_space<vmem>> -> memref<1x200x64xf32, #tpu.memory_space<vmem>>
      %dma_start3A_1042 = tpu.memref_squeeze %dma_start3A_1041 : memref<1x200x64xf32, #tpu.memory_space<vmem>> -> memref<200x64xf32, #tpu.memory_space<vmem>>
      %dma_start3A_1043 = arith.constant 0 : i32
      %dma_start3A_1044 = tpu.memref_slice %arg5[%add3A_1036, %dma_start3A_1043] : memref<819200x64xf32, #tpu.memory_space<hbm>> -> memref<200x64xf32, #tpu.memory_space<hbm>>
      %dma_start3A_1045 = tpu.memref_slice %arg10[%dma_start3A_1038] : memref<4x!tpu.dma_semaphore, #tpu.memory_space<semaphore_mem>> -> memref<1x!tpu.dma_semaphore, #tpu.memory_space<semaphore_mem>>
      %dma_start3A_1046 = tpu.memref_squeeze %dma_start3A_1045 : memref<1x!tpu.dma_semaphore, #tpu.memory_space<semaphore_mem>> -> memref<!tpu.dma_semaphore, #tpu.memory_space<semaphore_mem>>
      %dma_start3A_1047 = arith.constant 0 : i32
      %dma_start3A_1048 = tpu.memref_slice %arg5[%add3A_1036, %dma_start3A_1047] : memref<819200x64xf32, #tpu.memory_space<hbm>> -> memref<200x64xf32, #tpu.memory_space<hbm>>
      %dma_start3A_1049 = arith.constant 0 : i32
      %dma_start3A_1050 = arith.constant 0 : i32
      %dma_start3A_1051 = tpu.memref_slice %arg7[%dma_start3A_1037, %dma_start3A_1049, %dma_start3A_1050] : memref<4x200x64xf32, #tpu.memory_space<vmem>> -> memref<1x200x64xf32, #tpu.memory_space<vmem>>
      %dma_start3A_1052 = tpu.memref_squeeze %dma_start3A_1051 : memref<1x200x64xf32, #tpu.memory_space<vmem>> -> memref<200x64xf32, #tpu.memory_space<vmem>>
      tpu.enqueue_dma source(%dma_start3A_1052 : memref<200x64xf32, #tpu.memory_space<vmem>>) target(%dma_start3A_1048 : memref<200x64xf32, #tpu.memory_space<hbm>>) target_semaphore(%dma_start3A_1046 : memref<!tpu.dma_semaphore, #tpu.memory_space<semaphore_mem>>)
      %dma_wait3A_1053 = arith.constant 2 : i32
      %dma_wait3A_1054 = arith.constant 2 : i32
      %dma_wait3A_1055 = arith.constant 0 : i32
      %dma_wait3A_1056 = arith.constant 0 : i32
      %dma_wait3A_1057 = tpu.memref_slice %arg7[%dma_wait3A_1053, %dma_wait3A_1055, %dma_wait3A_1056] : memref<4x200x64xf32, #tpu.memory_space<vmem>> -> memref<1x200x64xf32, #tpu.memory_space<vmem>>
      %dma_wait3A_1058 = tpu.memref_squeeze %dma_wait3A_1057 : memref<1x200x64xf32, #tpu.memory_space<vmem>> -> memref<200x64xf32, #tpu.memory_space<vmem>>
      %dma_wait3A_1059 = arith.constant 0 : i32
      %dma_wait3A_1060 = arith.constant 0 : i32
      %dma_wait3A_1061 = tpu.memref_slice %arg5[%dma_wait3A_1059, %dma_wait3A_1060] : memref<819200x64xf32, #tpu.memory_space<hbm>> -> memref<200x64xf32, #tpu.memory_space<hbm>>
      %dma_wait3A_1062 = tpu.memref_slice %arg10[%dma_wait3A_1054] : memref<4x!tpu.dma_semaphore, #tpu.memory_space<semaphore_mem>> -> memref<1x!tpu.dma_semaphore, #tpu.memory_space<semaphore_mem>>
      %dma_wait3A_1063 = tpu.memref_squeeze %dma_wait3A_1062 : memref<1x!tpu.dma_semaphore, #tpu.memory_space<semaphore_mem>> -> memref<!tpu.dma_semaphore, #tpu.memory_space<semaphore_mem>>
      %dma_wait3A_1064 = arith.constant 0 : i32
      %dma_wait3A_1065 = arith.constant 0 : i32
      %dma_wait3A_1066 = tpu.memref_slice %arg5[%dma_wait3A_1064, %dma_wait3A_1065] : memref<819200x64xf32, #tpu.memory_space<hbm>> -> memref<200x64xf32, #tpu.memory_space<hbm>>
      %dma_wait3A_1067 = arith.constant 0 : i32
      %dma_wait3A_1068 = arith.constant 0 : i32
      %dma_wait3A_1069 = tpu.memref_slice %arg7[%dma_wait3A_1053, %dma_wait3A_1067, %dma_wait3A_1068] : memref<4x200x64xf32, #tpu.memory_space<vmem>> -> memref<1x200x64xf32, #tpu.memory_space<vmem>>
      %dma_wait3A_1070 = tpu.memref_squeeze %dma_wait3A_1069 : memref<1x200x64xf32, #tpu.memory_space<vmem>> -> memref<200x64xf32, #tpu.memory_space<vmem>>
      tpu.wait_dma2 semaphore(%dma_wait3A_1063 : memref<!tpu.dma_semaphore, #tpu.memory_space<semaphore_mem>>) src(%dma_wait3A_1070 : memref<200x64xf32, #tpu.memory_space<vmem>>) dst(%dma_wait3A_1066 : memref<200x64xf32, #tpu.memory_space<hbm>>)
      %add3A_1071 = arith.constant 4 : i32
      %add3A_1072 = arith.addi %add3A_1012, %add3A_1071 : i32
      %sub3A_1073 = arith.constant 1 : i32
      %sub3A_1074 = arith.subi %add3A_1072, %sub3A_1073 : i32
      %mul3A_1075 = arith.constant 2 : i32
      %mul3A_1076 = arith.muli %sub3A_1074, %mul3A_1075 : i32
      %add3A_1077 = arith.constant 0 : i32
      %add3A_1078 = arith.addi %mul3A_1076, %add3A_1077 : i32
      %dma_start3A_1079 = arith.constant 2 : i32
      %dma_start3A_1080 = arith.constant 2 : i32
      %dma_start3A_1081 = arith.constant 0 : i32
      %dma_start3A_1082 = arith.constant 0 : i32
      %dma_start3A_1083 = tpu.memref_slice %arg7[%dma_start3A_1079, %dma_start3A_1081, %dma_start3A_1082] : memref<4x200x64xf32, #tpu.memory_space<vmem>> -> memref<1x100x64xf32, #tpu.memory_space<vmem>>
      %dma_start3A_1084 = tpu.memref_squeeze %dma_start3A_1083 : memref<1x100x64xf32, #tpu.memory_space<vmem>> -> memref<100x64xf32, #tpu.memory_space<vmem>>
      %dma_start3A_1085 = arith.constant 0 : i32
      %dma_start3A_1086 = tpu.memref_slice %arg6[%add3A_1078, %dma_start3A_1085] : memref<256x100xi32, #tpu.memory_space<vmem>> -> memref<1x100xi32, #tpu.memory_space<vmem>>
      %dma_start3A_1087 = tpu.memref_squeeze %dma_start3A_1086 : memref<1x100xi32, #tpu.memory_space<vmem>> -> memref<100xi32, #tpu.memory_space<vmem>>
      %dma_start3A_1088 = arith.constant 0 : i32
      %dma_start3A_1089 = arith.constant 0 : i32
      %dma_start3A_1090 = tpu.memref_slice %arg3[%dma_start3A_1088, %dma_start3A_1089] : memref<1000000x64xf32, #tpu.memory_space<hbm>> -> memref<1000000x64xf32, #tpu.memory_space<hbm>>
      %dma_start3A_1091 = tpu.memref_slice %arg9[%dma_start3A_1080] : memref<4x!tpu.dma_semaphore, #tpu.memory_space<semaphore_mem>> -> memref<1x!tpu.dma_semaphore, #tpu.memory_space<semaphore_mem>>
      %dma_start3A_1092 = tpu.memref_squeeze %dma_start3A_1091 : memref<1x!tpu.dma_semaphore, #tpu.memory_space<semaphore_mem>> -> memref<!tpu.dma_semaphore, #tpu.memory_space<semaphore_mem>>
      tpu.enqueue_indirect_dma source(%dma_start3A_1090 : memref<1000000x64xf32, #tpu.memory_space<hbm>>) target(%dma_start3A_1084 : memref<100x64xf32, #tpu.memory_space<vmem>>) offsets(%dma_start3A_1087 : memref<100xi32, #tpu.memory_space<vmem>>) semaphore(%dma_start3A_1092 : memref<!tpu.dma_semaphore, #tpu.memory_space<semaphore_mem>>)
      %mul3A_1093 = arith.constant 2 : i32
      %mul3A_1094 = arith.muli %sub3A_1074, %mul3A_1093 : i32
      %add3A_1095 = arith.constant 1 : i32
      %add3A_1096 = arith.addi %mul3A_1094, %add3A_1095 : i32
      %dma_start3A_1097 = arith.constant 2 : i32
      %dma_start3A_1098 = arith.constant 2 : i32
      %dma_start3A_1099 = arith.constant 100 : i32
      %dma_start3A_1100 = arith.constant 0 : i32
      %dma_start3A_1101 = tpu.memref_slice %arg7[%dma_start3A_1097, %dma_start3A_1099, %dma_start3A_1100] : memref<4x200x64xf32, #tpu.memory_space<vmem>> -> memref<1x100x64xf32, #tpu.memory_space<vmem>>
      %dma_start3A_1102 = tpu.memref_squeeze %dma_start3A_1101 : memref<1x100x64xf32, #tpu.memory_space<vmem>> -> memref<100x64xf32, #tpu.memory_space<vmem>>
      %dma_start3A_1103 = arith.constant 0 : i32
      %dma_start3A_1104 = tpu.memref_slice %arg6[%add3A_1096, %dma_start3A_1103] : memref<256x100xi32, #tpu.memory_space<vmem>> -> memref<1x100xi32, #tpu.memory_space<vmem>>
      %dma_start3A_1105 = tpu.memref_squeeze %dma_start3A_1104 : memref<1x100xi32, #tpu.memory_space<vmem>> -> memref<100xi32, #tpu.memory_space<vmem>>
      %dma_start3A_1106 = arith.constant 0 : i32
      %dma_start3A_1107 = arith.constant 0 : i32
      %dma_start3A_1108 = tpu.memref_slice %arg3[%dma_start3A_1106, %dma_start3A_1107] : memref<1000000x64xf32, #tpu.memory_space<hbm>> -> memref<1000000x64xf32, #tpu.memory_space<hbm>>
      %dma_start3A_1109 = tpu.memref_slice %arg9[%dma_start3A_1098] : memref<4x!tpu.dma_semaphore, #tpu.memory_space<semaphore_mem>> -> memref<1x!tpu.dma_semaphore, #tpu.memory_space<semaphore_mem>>
      %dma_start3A_1110 = tpu.memref_squeeze %dma_start3A_1109 : memref<1x!tpu.dma_semaphore, #tpu.memory_space<semaphore_mem>> -> memref<!tpu.dma_semaphore, #tpu.memory_space<semaphore_mem>>
      tpu.enqueue_indirect_dma source(%dma_start3A_1108 : memref<1000000x64xf32, #tpu.memory_space<hbm>>) target(%dma_start3A_1102 : memref<100x64xf32, #tpu.memory_space<vmem>>) offsets(%dma_start3A_1105 : memref<100xi32, #tpu.memory_space<vmem>>) semaphore(%dma_start3A_1110 : memref<!tpu.dma_semaphore, #tpu.memory_space<semaphore_mem>>)
    }
    %scan3A_426 = arith.constant 30 : i32
    %dma_wait3A_427 = arith.constant 0 : i32
    %dma_wait3A_428 = arith.constant 0 : i32
    %dma_wait3A_429 = arith.constant 0 : i32
    %dma_wait3A_430 = arith.constant 0 : i32
    %dma_wait3A_431 = tpu.memref_slice %arg7[%dma_wait3A_427, %dma_wait3A_429, %dma_wait3A_430] : memref<4x200x64xf32, #tpu.memory_space<vmem>> -> memref<1x200x64xf32, #tpu.memory_space<vmem>>
    %dma_wait3A_432 = tpu.memref_squeeze %dma_wait3A_431 : memref<1x200x64xf32, #tpu.memory_space<vmem>> -> memref<200x64xf32, #tpu.memory_space<vmem>>
    %dma_wait3A_433 = arith.constant 0 : i32
    %dma_wait3A_434 = arith.constant 0 : i32
    %dma_wait3A_435 = tpu.memref_slice %arg5[%dma_wait3A_433, %dma_wait3A_434] : memref<819200x64xf32, #tpu.memory_space<hbm>> -> memref<200x64xf32, #tpu.memory_space<hbm>>
    %dma_wait3A_436 = tpu.memref_slice %arg9[%dma_wait3A_428] : memref<4x!tpu.dma_semaphore, #tpu.memory_space<semaphore_mem>> -> memref<1x!tpu.dma_semaphore, #tpu.memory_space<semaphore_mem>>
    %dma_wait3A_437 = tpu.memref_squeeze %dma_wait3A_436 : memref<1x!tpu.dma_semaphore, #tpu.memory_space<semaphore_mem>> -> memref<!tpu.dma_semaphore, #tpu.memory_space<semaphore_mem>>
    %dma_wait3A_438 = arith.constant 0 : i32
    %dma_wait3A_439 = arith.constant 0 : i32
    %dma_wait3A_440 = tpu.memref_slice %arg7[%dma_wait3A_427, %dma_wait3A_438, %dma_wait3A_439] : memref<4x200x64xf32, #tpu.memory_space<vmem>> -> memref<1x200x64xf32, #tpu.memory_space<vmem>>
    %dma_wait3A_441 = tpu.memref_squeeze %dma_wait3A_440 : memref<1x200x64xf32, #tpu.memory_space<vmem>> -> memref<200x64xf32, #tpu.memory_space<vmem>>
    %dma_wait3A_442 = arith.constant 0 : i32
    %dma_wait3A_443 = arith.constant 0 : i32
    %dma_wait3A_444 = tpu.memref_slice %arg5[%dma_wait3A_442, %dma_wait3A_443] : memref<819200x64xf32, #tpu.memory_space<hbm>> -> memref<200x64xf32, #tpu.memory_space<hbm>>
    tpu.wait_dma2 semaphore(%dma_wait3A_437 : memref<!tpu.dma_semaphore, #tpu.memory_space<semaphore_mem>>) src(%dma_wait3A_444 : memref<200x64xf32, #tpu.memory_space<hbm>>) dst(%dma_wait3A_441 : memref<200x64xf32, #tpu.memory_space<vmem>>)
    %parallel_loop3A_445 = arith.constant 0 : i32
    %parallel_loop3A_446 = arith.constant 200 : i32
    %parallel_loop3A_447 = arith.constant 1 : i32
    scf.for %parallel_loop3A_703 = %parallel_loop3A_445 to %parallel_loop3A_446 step %parallel_loop3A_447  : i32 {
      %parallel_loop3A_704 = arith.constant 0 : i32
      %parallel_loop3A_705 = arith.index_cast %parallel_loop3A_704 : i32 to index
      %parallel_loop3A_706 = arith.index_cast %parallel_loop3A_703 : i32 to index
      %parallel_loop3A_707 = arith.constant 0 : index
      %parallel_loop3A_708 = tpu.vector_load %arg7[%parallel_loop3A_705, %parallel_loop3A_706, %parallel_loop3A_707] {strides = array<i32>} : memref<4x200x64xf32, #tpu.memory_space<vmem>>, vector<1x1x16xf32>,
      %parallel_loop3A_709 = vector.shape_cast %parallel_loop3A_708 : vector<1x1x16xf32> to vector<16xf32>
      %parallel_loop3A_710 = arith.index_cast %parallel_loop3A_703 : i32 to index
      %parallel_loop3A_711 = arith.constant 0 : index
      %parallel_loop3A_712 = tpu.vector_load %arg8[%parallel_loop3A_710, %parallel_loop3A_711] {strides = array<i32>} : memref<200x64xf32, #tpu.memory_space<vmem>>, vector<1x16xf32>,
      %parallel_loop3A_713 = vector.shape_cast %parallel_loop3A_712 : vector<1x16xf32> to vector<16xf32>
      %parallel_loop3A_714 = arith.addf %parallel_loop3A_709, %parallel_loop3A_713 : vector<16xf32>
      %parallel_loop3A_715 = arith.constant 0 : i32
      %parallel_loop3A_716 = arith.index_cast %parallel_loop3A_715 : i32 to index
      %parallel_loop3A_717 = arith.index_cast %parallel_loop3A_703 : i32 to index
      %parallel_loop3A_718 = arith.constant 0 : index
      %parallel_loop3A_719 = tpu.vector_load %arg7[%parallel_loop3A_716, %parallel_loop3A_717, %parallel_loop3A_718] {strides = array<i32>} : memref<4x200x64xf32, #tpu.memory_space<vmem>>, vector<1x1x16xf32>,
      %parallel_loop3A_720 = vector.shape_cast %parallel_loop3A_719 : vector<1x1x16xf32> to vector<16xf32>
      %parallel_loop3A_721 = vector.shape_cast %parallel_loop3A_714 : vector<16xf32> to vector<1x1x16xf32>
      tpu.vector_store %arg7[%parallel_loop3A_716, %parallel_loop3A_717, %parallel_loop3A_718], %parallel_loop3A_721 {strides = array<i32>} : memref<4x200x64xf32, #tpu.memory_space<vmem>>, vector<1x1x16xf32>,
      %parallel_loop3A_722 = arith.constant 0 : i32
      %parallel_loop3A_723 = arith.index_cast %parallel_loop3A_722 : i32 to index
      %parallel_loop3A_724 = arith.index_cast %parallel_loop3A_703 : i32 to index
      %parallel_loop3A_725 = arith.constant 16 : index
      %parallel_loop3A_726 = tpu.vector_load %arg7[%parallel_loop3A_723, %parallel_loop3A_724, %parallel_loop3A_725] {strides = array<i32>} : memref<4x200x64xf32, #tpu.memory_space<vmem>>, vector<1x1x16xf32>,
      %parallel_loop3A_727 = vector.shape_cast %parallel_loop3A_726 : vector<1x1x16xf32> to vector<16xf32>
      %parallel_loop3A_728 = arith.index_cast %parallel_loop3A_703 : i32 to index
      %parallel_loop3A_729 = arith.constant 16 : index
      %parallel_loop3A_730 = tpu.vector_load %arg8[%parallel_loop3A_728, %parallel_loop3A_729] {strides = array<i32>} : memref<200x64xf32, #tpu.memory_space<vmem>>, vector<1x16xf32>,
      %parallel_loop3A_731 = vector.shape_cast %parallel_loop3A_730 : vector<1x16xf32> to vector<16xf32>
      %parallel_loop3A_732 = arith.addf %parallel_loop3A_727, %parallel_loop3A_731 : vector<16xf32>
      %parallel_loop3A_733 = arith.constant 0 : i32
      %parallel_loop3A_734 = arith.index_cast %parallel_loop3A_733 : i32 to index
      %parallel_loop3A_735 = arith.index_cast %parallel_loop3A_703 : i32 to index
      %parallel_loop3A_736 = arith.constant 16 : index
      %parallel_loop3A_737 = tpu.vector_load %arg7[%parallel_loop3A_734, %parallel_loop3A_735, %parallel_loop3A_736] {strides = array<i32>} : memref<4x200x64xf32, #tpu.memory_space<vmem>>, vector<1x1x16xf32>,
      %parallel_loop3A_738 = vector.shape_cast %parallel_loop3A_737 : vector<1x1x16xf32> to vector<16xf32>
      %parallel_loop3A_739 = vector.shape_cast %parallel_loop3A_732 : vector<16xf32> to vector<1x1x16xf32>
      tpu.vector_store %arg7[%parallel_loop3A_734, %parallel_loop3A_735, %parallel_loop3A_736], %parallel_loop3A_739 {strides = array<i32>} : memref<4x200x64xf32, #tpu.memory_space<vmem>>, vector<1x1x16xf32>,
      %parallel_loop3A_740 = arith.constant 0 : i32
      %parallel_loop3A_741 = arith.index_cast %parallel_loop3A_740 : i32 to index
      %parallel_loop3A_742 = arith.index_cast %parallel_loop3A_703 : i32 to index
      %parallel_loop3A_743 = arith.constant 32 : index
      %parallel_loop3A_744 = tpu.vector_load %arg7[%parallel_loop3A_741, %parallel_loop3A_742, %parallel_loop3A_743] {strides = array<i32>} : memref<4x200x64xf32, #tpu.memory_space<vmem>>, vector<1x1x16xf32>,
      %parallel_loop3A_745 = vector.shape_cast %parallel_loop3A_744 : vector<1x1x16xf32> to vector<16xf32>
      %parallel_loop3A_746 = arith.index_cast %parallel_loop3A_703 : i32 to index
      %parallel_loop3A_747 = arith.constant 32 : index
      %parallel_loop3A_748 = tpu.vector_load %arg8[%parallel_loop3A_746, %parallel_loop3A_747] {strides = array<i32>} : memref<200x64xf32, #tpu.memory_space<vmem>>, vector<1x16xf32>,
      %parallel_loop3A_749 = vector.shape_cast %parallel_loop3A_748 : vector<1x16xf32> to vector<16xf32>
      %parallel_loop3A_750 = arith.addf %parallel_loop3A_745, %parallel_loop3A_749 : vector<16xf32>
      %parallel_loop3A_751 = arith.constant 0 : i32
      %parallel_loop3A_752 = arith.index_cast %parallel_loop3A_751 : i32 to index
      %parallel_loop3A_753 = arith.index_cast %parallel_loop3A_703 : i32 to index
      %parallel_loop3A_754 = arith.constant 32 : index
      %parallel_loop3A_755 = tpu.vector_load %arg7[%parallel_loop3A_752, %parallel_loop3A_753, %parallel_loop3A_754] {strides = array<i32>} : memref<4x200x64xf32, #tpu.memory_space<vmem>>, vector<1x1x16xf32>,
      %parallel_loop3A_756 = vector.shape_cast %parallel_loop3A_755 : vector<1x1x16xf32> to vector<16xf32>
      %parallel_loop3A_757 = vector.shape_cast %parallel_loop3A_750 : vector<16xf32> to vector<1x1x16xf32>
      tpu.vector_store %arg7[%parallel_loop3A_752, %parallel_loop3A_753, %parallel_loop3A_754], %parallel_loop3A_757 {strides = array<i32>} : memref<4x200x64xf32, #tpu.memory_space<vmem>>, vector<1x1x16xf32>,
      %parallel_loop3A_758 = arith.constant 0 : i32
      %parallel_loop3A_759 = arith.index_cast %parallel_loop3A_758 : i32 to index
      %parallel_loop3A_760 = arith.index_cast %parallel_loop3A_703 : i32 to index
      %parallel_loop3A_761 = arith.constant 48 : index
      %parallel_loop3A_762 = tpu.vector_load %arg7[%parallel_loop3A_759, %parallel_loop3A_760, %parallel_loop3A_761] {strides = array<i32>} : memref<4x200x64xf32, #tpu.memory_space<vmem>>, vector<1x1x16xf32>,
      %parallel_loop3A_763 = vector.shape_cast %parallel_loop3A_762 : vector<1x1x16xf32> to vector<16xf32>
      %parallel_loop3A_764 = arith.index_cast %parallel_loop3A_703 : i32 to index
      %parallel_loop3A_765 = arith.constant 48 : index
      %parallel_loop3A_766 = tpu.vector_load %arg8[%parallel_loop3A_764, %parallel_loop3A_765] {strides = array<i32>} : memref<200x64xf32, #tpu.memory_space<vmem>>, vector<1x16xf32>,
      %parallel_loop3A_767 = vector.shape_cast %parallel_loop3A_766 : vector<1x16xf32> to vector<16xf32>
      %parallel_loop3A_768 = arith.addf %parallel_loop3A_763, %parallel_loop3A_767 : vector<16xf32>
      %parallel_loop3A_769 = arith.constant 0 : i32
      %parallel_loop3A_770 = arith.index_cast %parallel_loop3A_769 : i32 to index
      %parallel_loop3A_771 = arith.index_cast %parallel_loop3A_703 : i32 to index
      %parallel_loop3A_772 = arith.constant 48 : index
      %parallel_loop3A_773 = tpu.vector_load %arg7[%parallel_loop3A_770, %parallel_loop3A_771, %parallel_loop3A_772] {strides = array<i32>} : memref<4x200x64xf32, #tpu.memory_space<vmem>>, vector<1x1x16xf32>,
      %parallel_loop3A_774 = vector.shape_cast %parallel_loop3A_773 : vector<1x1x16xf32> to vector<16xf32>
      %parallel_loop3A_775 = vector.shape_cast %parallel_loop3A_768 : vector<16xf32> to vector<1x1x16xf32>
      tpu.vector_store %arg7[%parallel_loop3A_770, %parallel_loop3A_771, %parallel_loop3A_772], %parallel_loop3A_775 {strides = array<i32>} : memref<4x200x64xf32, #tpu.memory_space<vmem>>, vector<1x1x16xf32>,
    } {sc.loop_unroll_factor = 4 : i64, sc.parallel_access}
    %add3A_448 = arith.constant 24800 : i32
    %add3A_449 = arith.addi %mul3A_4, %add3A_448 : i32
    %dma_start3A_450 = arith.constant 0 : i32
    %dma_start3A_451 = arith.constant 0 : i32
    %dma_start3A_452 = arith.constant 0 : i32
    %dma_start3A_453 = arith.constant 0 : i32
    %dma_start3A_454 = tpu.memref_slice %arg7[%dma_start3A_450, %dma_start3A_452, %dma_start3A_453] : memref<4x200x64xf32, #tpu.memory_space<vmem>> -> memref<1x200x64xf32, #tpu.memory_space<vmem>>
    %dma_start3A_455 = tpu.memref_squeeze %dma_start3A_454 : memref<1x200x64xf32, #tpu.memory_space<vmem>> -> memref<200x64xf32, #tpu.memory_space<vmem>>
    %dma_start3A_456 = arith.constant 0 : i32
    %dma_start3A_457 = tpu.memref_slice %arg5[%add3A_449, %dma_start3A_456] : memref<819200x64xf32, #tpu.memory_space<hbm>> -> memref<200x64xf32, #tpu.memory_space<hbm>>
    %dma_start3A_458 = tpu.memref_slice %arg10[%dma_start3A_451] : memref<4x!tpu.dma_semaphore, #tpu.memory_space<semaphore_mem>> -> memref<1x!tpu.dma_semaphore, #tpu.memory_space<semaphore_mem>>
    %dma_start3A_459 = tpu.memref_squeeze %dma_start3A_458 : memref<1x!tpu.dma_semaphore, #tpu.memory_space<semaphore_mem>> -> memref<!tpu.dma_semaphore, #tpu.memory_space<semaphore_mem>>
    %dma_start3A_460 = arith.constant 0 : i32
    %dma_start3A_461 = tpu.memref_slice %arg5[%add3A_449, %dma_start3A_460] : memref<819200x64xf32, #tpu.memory_space<hbm>> -> memref<200x64xf32, #tpu.memory_space<hbm>>
    %dma_start3A_462 = arith.constant 0 : i32
    %dma_start3A_463 = arith.constant 0 : i32
    %dma_start3A_464 = tpu.memref_slice %arg7[%dma_start3A_450, %dma_start3A_462, %dma_start3A_463] : memref<4x200x64xf32, #tpu.memory_space<vmem>> -> memref<1x200x64xf32, #tpu.memory_space<vmem>>
    %dma_start3A_465 = tpu.memref_squeeze %dma_start3A_464 : memref<1x200x64xf32, #tpu.memory_space<vmem>> -> memref<200x64xf32, #tpu.memory_space<vmem>>
    tpu.enqueue_dma source(%dma_start3A_465 : memref<200x64xf32, #tpu.memory_space<vmem>>) target(%dma_start3A_461 : memref<200x64xf32, #tpu.memory_space<hbm>>) target_semaphore(%dma_start3A_459 : memref<!tpu.dma_semaphore, #tpu.memory_space<semaphore_mem>>)
    %dma_wait3A_466 = arith.constant 3 : i32
    %dma_wait3A_467 = arith.constant 3 : i32
    %dma_wait3A_468 = arith.constant 0 : i32
    %dma_wait3A_469 = arith.constant 0 : i32
    %dma_wait3A_470 = tpu.memref_slice %arg7[%dma_wait3A_466, %dma_wait3A_468, %dma_wait3A_469] : memref<4x200x64xf32, #tpu.memory_space<vmem>> -> memref<1x200x64xf32, #tpu.memory_space<vmem>>
    %dma_wait3A_471 = tpu.memref_squeeze %dma_wait3A_470 : memref<1x200x64xf32, #tpu.memory_space<vmem>> -> memref<200x64xf32, #tpu.memory_space<vmem>>
    %dma_wait3A_472 = arith.constant 0 : i32
    %dma_wait3A_473 = arith.constant 0 : i32
    %dma_wait3A_474 = tpu.memref_slice %arg5[%dma_wait3A_472, %dma_wait3A_473] : memref<819200x64xf32, #tpu.memory_space<hbm>> -> memref<200x64xf32, #tpu.memory_space<hbm>>
    %dma_wait3A_475 = tpu.memref_slice %arg10[%dma_wait3A_467] : memref<4x!tpu.dma_semaphore, #tpu.memory_space<semaphore_mem>> -> memref<1x!tpu.dma_semaphore, #tpu.memory_space<semaphore_mem>>
    %dma_wait3A_476 = tpu.memref_squeeze %dma_wait3A_475 : memref<1x!tpu.dma_semaphore, #tpu.memory_space<semaphore_mem>> -> memref<!tpu.dma_semaphore, #tpu.memory_space<semaphore_mem>>
    %dma_wait3A_477 = arith.constant 0 : i32
    %dma_wait3A_478 = arith.constant 0 : i32
    %dma_wait3A_479 = tpu.memref_slice %arg5[%dma_wait3A_477, %dma_wait3A_478] : memref<819200x64xf32, #tpu.memory_space<hbm>> -> memref<200x64xf32, #tpu.memory_space<hbm>>
    %dma_wait3A_480 = arith.constant 0 : i32
    %dma_wait3A_481 = arith.constant 0 : i32
    %dma_wait3A_482 = tpu.memref_slice %arg7[%dma_wait3A_466, %dma_wait3A_480, %dma_wait3A_481] : memref<4x200x64xf32, #tpu.memory_space<vmem>> -> memref<1x200x64xf32, #tpu.memory_space<vmem>>
    %dma_wait3A_483 = tpu.memref_squeeze %dma_wait3A_482 : memref<1x200x64xf32, #tpu.memory_space<vmem>> -> memref<200x64xf32, #tpu.memory_space<vmem>>
    tpu.wait_dma2 semaphore(%dma_wait3A_476 : memref<!tpu.dma_semaphore, #tpu.memory_space<semaphore_mem>>) src(%dma_wait3A_483 : memref<200x64xf32, #tpu.memory_space<vmem>>) dst(%dma_wait3A_479 : memref<200x64xf32, #tpu.memory_space<hbm>>)
    %dma_start3A_484 = arith.constant 254 : i32
    %dma_start3A_485 = arith.constant 3 : i32
    %dma_start3A_486 = arith.constant 3 : i32
    %dma_start3A_487 = arith.constant 0 : i32
    %dma_start3A_488 = arith.constant 0 : i32
    %dma_start3A_489 = tpu.memref_slice %arg7[%dma_start3A_485, %dma_start3A_487, %dma_start3A_488] : memref<4x200x64xf32, #tpu.memory_space<vmem>> -> memref<1x100x64xf32, #tpu.memory_space<vmem>>
    %dma_start3A_490 = tpu.memref_squeeze %dma_start3A_489 : memref<1x100x64xf32, #tpu.memory_space<vmem>> -> memref<100x64xf32, #tpu.memory_space<vmem>>
    %dma_start3A_491 = arith.constant 0 : i32
    %dma_start3A_492 = tpu.memref_slice %arg6[%dma_start3A_484, %dma_start3A_491] : memref<256x100xi32, #tpu.memory_space<vmem>> -> memref<1x100xi32, #tpu.memory_space<vmem>>
    %dma_start3A_493 = tpu.memref_squeeze %dma_start3A_492 : memref<1x100xi32, #tpu.memory_space<vmem>> -> memref<100xi32, #tpu.memory_space<vmem>>
    %dma_start3A_494 = arith.constant 0 : i32
    %dma_start3A_495 = arith.constant 0 : i32
    %dma_start3A_496 = tpu.memref_slice %arg3[%dma_start3A_494, %dma_start3A_495] : memref<1000000x64xf32, #tpu.memory_space<hbm>> -> memref<1000000x64xf32, #tpu.memory_space<hbm>>
    %dma_start3A_497 = tpu.memref_slice %arg9[%dma_start3A_486] : memref<4x!tpu.dma_semaphore, #tpu.memory_space<semaphore_mem>> -> memref<1x!tpu.dma_semaphore, #tpu.memory_space<semaphore_mem>>
    %dma_start3A_498 = tpu.memref_squeeze %dma_start3A_497 : memref<1x!tpu.dma_semaphore, #tpu.memory_space<semaphore_mem>> -> memref<!tpu.dma_semaphore, #tpu.memory_space<semaphore_mem>>
    tpu.enqueue_indirect_dma source(%dma_start3A_496 : memref<1000000x64xf32, #tpu.memory_space<hbm>>) target(%dma_start3A_490 : memref<100x64xf32, #tpu.memory_space<vmem>>) offsets(%dma_start3A_493 : memref<100xi32, #tpu.memory_space<vmem>>) semaphore(%dma_start3A_498 : memref<!tpu.dma_semaphore, #tpu.memory_space<semaphore_mem>>)
    %dma_start3A_499 = arith.constant 255 : i32
    %dma_start3A_500 = arith.constant 3 : i32
    %dma_start3A_501 = arith.constant 3 : i32
    %dma_start3A_502 = arith.constant 100 : i32
    %dma_start3A_503 = arith.constant 0 : i32
    %dma_start3A_504 = tpu.memref_slice %arg7[%dma_start3A_500, %dma_start3A_502, %dma_start3A_503] : memref<4x200x64xf32, #tpu.memory_space<vmem>> -> memref<1x100x64xf32, #tpu.memory_space<vmem>>
    %dma_start3A_505 = tpu.memref_squeeze %dma_start3A_504 : memref<1x100x64xf32, #tpu.memory_space<vmem>> -> memref<100x64xf32, #tpu.memory_space<vmem>>
    %dma_start3A_506 = arith.constant 0 : i32
    %dma_start3A_507 = tpu.memref_slice %arg6[%dma_start3A_499, %dma_start3A_506] : memref<256x100xi32, #tpu.memory_space<vmem>> -> memref<1x100xi32, #tpu.memory_space<vmem>>
    %dma_start3A_508 = tpu.memref_squeeze %dma_start3A_507 : memref<1x100xi32, #tpu.memory_space<vmem>> -> memref<100xi32, #tpu.memory_space<vmem>>
    %dma_start3A_509 = arith.constant 0 : i32
    %dma_start3A_510 = arith.constant 0 : i32
    %dma_start3A_511 = tpu.memref_slice %arg3[%dma_start3A_509, %dma_start3A_510] : memref<1000000x64xf32, #tpu.memory_space<hbm>> -> memref<1000000x64xf32, #tpu.memory_space<hbm>>
    %dma_start3A_512 = tpu.memref_slice %arg9[%dma_start3A_501] : memref<4x!tpu.dma_semaphore, #tpu.memory_space<semaphore_mem>> -> memref<1x!tpu.dma_semaphore, #tpu.memory_space<semaphore_mem>>
    %dma_start3A_513 = tpu.memref_squeeze %dma_start3A_512 : memref<1x!tpu.dma_semaphore, #tpu.memory_space<semaphore_mem>> -> memref<!tpu.dma_semaphore, #tpu.memory_space<semaphore_mem>>
    tpu.enqueue_indirect_dma source(%dma_start3A_511 : memref<1000000x64xf32, #tpu.memory_space<hbm>>) target(%dma_start3A_505 : memref<100x64xf32, #tpu.memory_space<vmem>>) offsets(%dma_start3A_508 : memref<100xi32, #tpu.memory_space<vmem>>) semaphore(%dma_start3A_513 : memref<!tpu.dma_semaphore, #tpu.memory_space<semaphore_mem>>)
    %dma_wait3A_514 = arith.constant 1 : i32
    %dma_wait3A_515 = arith.constant 1 : i32
    %dma_wait3A_516 = arith.constant 0 : i32
    %dma_wait3A_517 = arith.constant 0 : i32
    %dma_wait3A_518 = tpu.memref_slice %arg7[%dma_wait3A_514, %dma_wait3A_516, %dma_wait3A_517] : memref<4x200x64xf32, #tpu.memory_space<vmem>> -> memref<1x200x64xf32, #tpu.memory_space<vmem>>
    %dma_wait3A_519 = tpu.memref_squeeze %dma_wait3A_518 : memref<1x200x64xf32, #tpu.memory_space<vmem>> -> memref<200x64xf32, #tpu.memory_space<vmem>>
    %dma_wait3A_520 = arith.constant 0 : i32
    %dma_wait3A_521 = arith.constant 0 : i32
    %dma_wait3A_522 = tpu.memref_slice %arg5[%dma_wait3A_520, %dma_wait3A_521] : memref<819200x64xf32, #tpu.memory_space<hbm>> -> memref<200x64xf32, #tpu.memory_space<hbm>>
    %dma_wait3A_523 = tpu.memref_slice %arg9[%dma_wait3A_515] : memref<4x!tpu.dma_semaphore, #tpu.memory_space<semaphore_mem>> -> memref<1x!tpu.dma_semaphore, #tpu.memory_space<semaphore_mem>>
    %dma_wait3A_524 = tpu.memref_squeeze %dma_wait3A_523 : memref<1x!tpu.dma_semaphore, #tpu.memory_space<semaphore_mem>> -> memref<!tpu.dma_semaphore, #tpu.memory_space<semaphore_mem>>
    %dma_wait3A_525 = arith.constant 0 : i32
    %dma_wait3A_526 = arith.constant 0 : i32
    %dma_wait3A_527 = tpu.memref_slice %arg7[%dma_wait3A_514, %dma_wait3A_525, %dma_wait3A_526] : memref<4x200x64xf32, #tpu.memory_space<vmem>> -> memref<1x200x64xf32, #tpu.memory_space<vmem>>
    %dma_wait3A_528 = tpu.memref_squeeze %dma_wait3A_527 : memref<1x200x64xf32, #tpu.memory_space<vmem>> -> memref<200x64xf32, #tpu.memory_space<vmem>>
    %dma_wait3A_529 = arith.constant 0 : i32
    %dma_wait3A_530 = arith.constant 0 : i32
    %dma_wait3A_531 = tpu.memref_slice %arg5[%dma_wait3A_529, %dma_wait3A_530] : memref<819200x64xf32, #tpu.memory_space<hbm>> -> memref<200x64xf32, #tpu.memory_space<hbm>>
    tpu.wait_dma2 semaphore(%dma_wait3A_524 : memref<!tpu.dma_semaphore, #tpu.memory_space<semaphore_mem>>) src(%dma_wait3A_531 : memref<200x64xf32, #tpu.memory_space<hbm>>) dst(%dma_wait3A_528 : memref<200x64xf32, #tpu.memory_space<vmem>>)
    %parallel_loop3A_532 = arith.constant 0 : i32
    %parallel_loop3A_533 = arith.constant 200 : i32
    %parallel_loop3A_534 = arith.constant 1 : i32
    scf.for %parallel_loop3A_703 = %parallel_loop3A_532 to %parallel_loop3A_533 step %parallel_loop3A_534  : i32 {
      %parallel_loop3A_704 = arith.constant 1 : i32
      %parallel_loop3A_705 = arith.index_cast %parallel_loop3A_704 : i32 to index
      %parallel_loop3A_706 = arith.index_cast %parallel_loop3A_703 : i32 to index
      %parallel_loop3A_707 = arith.constant 0 : index
      %parallel_loop3A_708 = tpu.vector_load %arg7[%parallel_loop3A_705, %parallel_loop3A_706, %parallel_loop3A_707] {strides = array<i32>} : memref<4x200x64xf32, #tpu.memory_space<vmem>>, vector<1x1x16xf32>,
      %parallel_loop3A_709 = vector.shape_cast %parallel_loop3A_708 : vector<1x1x16xf32> to vector<16xf32>
      %parallel_loop3A_710 = arith.index_cast %parallel_loop3A_703 : i32 to index
      %parallel_loop3A_711 = arith.constant 0 : index
      %parallel_loop3A_712 = tpu.vector_load %arg8[%parallel_loop3A_710, %parallel_loop3A_711] {strides = array<i32>} : memref<200x64xf32, #tpu.memory_space<vmem>>, vector<1x16xf32>,
      %parallel_loop3A_713 = vector.shape_cast %parallel_loop3A_712 : vector<1x16xf32> to vector<16xf32>
      %parallel_loop3A_714 = arith.addf %parallel_loop3A_709, %parallel_loop3A_713 : vector<16xf32>
      %parallel_loop3A_715 = arith.constant 1 : i32
      %parallel_loop3A_716 = arith.index_cast %parallel_loop3A_715 : i32 to index
      %parallel_loop3A_717 = arith.index_cast %parallel_loop3A_703 : i32 to index
      %parallel_loop3A_718 = arith.constant 0 : index
      %parallel_loop3A_719 = tpu.vector_load %arg7[%parallel_loop3A_716, %parallel_loop3A_717, %parallel_loop3A_718] {strides = array<i32>} : memref<4x200x64xf32, #tpu.memory_space<vmem>>, vector<1x1x16xf32>,
      %parallel_loop3A_720 = vector.shape_cast %parallel_loop3A_719 : vector<1x1x16xf32> to vector<16xf32>
      %parallel_loop3A_721 = vector.shape_cast %parallel_loop3A_714 : vector<16xf32> to vector<1x1x16xf32>
      tpu.vector_store %arg7[%parallel_loop3A_716, %parallel_loop3A_717, %parallel_loop3A_718], %parallel_loop3A_721 {strides = array<i32>} : memref<4x200x64xf32, #tpu.memory_space<vmem>>, vector<1x1x16xf32>,
      %parallel_loop3A_722 = arith.constant 1 : i32
      %parallel_loop3A_723 = arith.index_cast %parallel_loop3A_722 : i32 to index
      %parallel_loop3A_724 = arith.index_cast %parallel_loop3A_703 : i32 to index
      %parallel_loop3A_725 = arith.constant 16 : index
      %parallel_loop3A_726 = tpu.vector_load %arg7[%parallel_loop3A_723, %parallel_loop3A_724, %parallel_loop3A_725] {strides = array<i32>} : memref<4x200x64xf32, #tpu.memory_space<vmem>>, vector<1x1x16xf32>,
      %parallel_loop3A_727 = vector.shape_cast %parallel_loop3A_726 : vector<1x1x16xf32> to vector<16xf32>
      %parallel_loop3A_728 = arith.index_cast %parallel_loop3A_703 : i32 to index
      %parallel_loop3A_729 = arith.constant 16 : index
      %parallel_loop3A_730 = tpu.vector_load %arg8[%parallel_loop3A_728, %parallel_loop3A_729] {strides = array<i32>} : memref<200x64xf32, #tpu.memory_space<vmem>>, vector<1x16xf32>,
      %parallel_loop3A_731 = vector.shape_cast %parallel_loop3A_730 : vector<1x16xf32> to vector<16xf32>
      %parallel_loop3A_732 = arith.addf %parallel_loop3A_727, %parallel_loop3A_731 : vector<16xf32>
      %parallel_loop3A_733 = arith.constant 1 : i32
      %parallel_loop3A_734 = arith.index_cast %parallel_loop3A_733 : i32 to index
      %parallel_loop3A_735 = arith.index_cast %parallel_loop3A_703 : i32 to index
      %parallel_loop3A_736 = arith.constant 16 : index
      %parallel_loop3A_737 = tpu.vector_load %arg7[%parallel_loop3A_734, %parallel_loop3A_735, %parallel_loop3A_736] {strides = array<i32>} : memref<4x200x64xf32, #tpu.memory_space<vmem>>, vector<1x1x16xf32>,
      %parallel_loop3A_738 = vector.shape_cast %parallel_loop3A_737 : vector<1x1x16xf32> to vector<16xf32>
      %parallel_loop3A_739 = vector.shape_cast %parallel_loop3A_732 : vector<16xf32> to vector<1x1x16xf32>
      tpu.vector_store %arg7[%parallel_loop3A_734, %parallel_loop3A_735, %parallel_loop3A_736], %parallel_loop3A_739 {strides = array<i32>} : memref<4x200x64xf32, #tpu.memory_space<vmem>>, vector<1x1x16xf32>,
      %parallel_loop3A_740 = arith.constant 1 : i32
      %parallel_loop3A_741 = arith.index_cast %parallel_loop3A_740 : i32 to index
      %parallel_loop3A_742 = arith.index_cast %parallel_loop3A_703 : i32 to index
      %parallel_loop3A_743 = arith.constant 32 : index
      %parallel_loop3A_744 = tpu.vector_load %arg7[%parallel_loop3A_741, %parallel_loop3A_742, %parallel_loop3A_743] {strides = array<i32>} : memref<4x200x64xf32, #tpu.memory_space<vmem>>, vector<1x1x16xf32>,
      %parallel_loop3A_745 = vector.shape_cast %parallel_loop3A_744 : vector<1x1x16xf32> to vector<16xf32>
      %parallel_loop3A_746 = arith.index_cast %parallel_loop3A_703 : i32 to index
      %parallel_loop3A_747 = arith.constant 32 : index
      %parallel_loop3A_748 = tpu.vector_load %arg8[%parallel_loop3A_746, %parallel_loop3A_747] {strides = array<i32>} : memref<200x64xf32, #tpu.memory_space<vmem>>, vector<1x16xf32>,
      %parallel_loop3A_749 = vector.shape_cast %parallel_loop3A_748 : vector<1x16xf32> to vector<16xf32>
      %parallel_loop3A_750 = arith.addf %parallel_loop3A_745, %parallel_loop3A_749 : vector<16xf32>
      %parallel_loop3A_751 = arith.constant 1 : i32
      %parallel_loop3A_752 = arith.index_cast %parallel_loop3A_751 : i32 to index
      %parallel_loop3A_753 = arith.index_cast %parallel_loop3A_703 : i32 to index
      %parallel_loop3A_754 = arith.constant 32 : index
      %parallel_loop3A_755 = tpu.vector_load %arg7[%parallel_loop3A_752, %parallel_loop3A_753, %parallel_loop3A_754] {strides = array<i32>} : memref<4x200x64xf32, #tpu.memory_space<vmem>>, vector<1x1x16xf32>,
      %parallel_loop3A_756 = vector.shape_cast %parallel_loop3A_755 : vector<1x1x16xf32> to vector<16xf32>
      %parallel_loop3A_757 = vector.shape_cast %parallel_loop3A_750 : vector<16xf32> to vector<1x1x16xf32>
      tpu.vector_store %arg7[%parallel_loop3A_752, %parallel_loop3A_753, %parallel_loop3A_754], %parallel_loop3A_757 {strides = array<i32>} : memref<4x200x64xf32, #tpu.memory_space<vmem>>, vector<1x1x16xf32>,
      %parallel_loop3A_758 = arith.constant 1 : i32
      %parallel_loop3A_759 = arith.index_cast %parallel_loop3A_758 : i32 to index
      %parallel_loop3A_760 = arith.index_cast %parallel_loop3A_703 : i32 to index
      %parallel_loop3A_761 = arith.constant 48 : index
      %parallel_loop3A_762 = tpu.vector_load %arg7[%parallel_loop3A_759, %parallel_loop3A_760, %parallel_loop3A_761] {strides = array<i32>} : memref<4x200x64xf32, #tpu.memory_space<vmem>>, vector<1x1x16xf32>,
      %parallel_loop3A_763 = vector.shape_cast %parallel_loop3A_762 : vector<1x1x16xf32> to vector<16xf32>
      %parallel_loop3A_764 = arith.index_cast %parallel_loop3A_703 : i32 to index
      %parallel_loop3A_765 = arith.constant 48 : index
      %parallel_loop3A_766 = tpu.vector_load %arg8[%parallel_loop3A_764, %parallel_loop3A_765] {strides = array<i32>} : memref<200x64xf32, #tpu.memory_space<vmem>>, vector<1x16xf32>,
      %parallel_loop3A_767 = vector.shape_cast %parallel_loop3A_766 : vector<1x16xf32> to vector<16xf32>
      %parallel_loop3A_768 = arith.addf %parallel_loop3A_763, %parallel_loop3A_767 : vector<16xf32>
      %parallel_loop3A_769 = arith.constant 1 : i32
      %parallel_loop3A_770 = arith.index_cast %parallel_loop3A_769 : i32 to index
      %parallel_loop3A_771 = arith.index_cast %parallel_loop3A_703 : i32 to index
      %parallel_loop3A_772 = arith.constant 48 : index
      %parallel_loop3A_773 = tpu.vector_load %arg7[%parallel_loop3A_770, %parallel_loop3A_771, %parallel_loop3A_772] {strides = array<i32>} : memref<4x200x64xf32, #tpu.memory_space<vmem>>, vector<1x1x16xf32>,
      %parallel_loop3A_774 = vector.shape_cast %parallel_loop3A_773 : vector<1x1x16xf32> to vector<16xf32>
      %parallel_loop3A_775 = vector.shape_cast %parallel_loop3A_768 : vector<16xf32> to vector<1x1x16xf32>
      tpu.vector_store %arg7[%parallel_loop3A_770, %parallel_loop3A_771, %parallel_loop3A_772], %parallel_loop3A_775 {strides = array<i32>} : memref<4x200x64xf32, #tpu.memory_space<vmem>>, vector<1x1x16xf32>,
    } {sc.loop_unroll_factor = 4 : i64, sc.parallel_access}
    %add3A_535 = arith.constant 25000 : i32
    %add3A_536 = arith.addi %mul3A_4, %add3A_535 : i32
    %dma_start3A_537 = arith.constant 1 : i32
    %dma_start3A_538 = arith.constant 1 : i32
    %dma_start3A_539 = arith.constant 0 : i32
    %dma_start3A_540 = arith.constant 0 : i32
    %dma_start3A_541 = tpu.memref_slice %arg7[%dma_start3A_537, %dma_start3A_539, %dma_start3A_540] : memref<4x200x64xf32, #tpu.memory_space<vmem>> -> memref<1x200x64xf32, #tpu.memory_space<vmem>>
    %dma_start3A_542 = tpu.memref_squeeze %dma_start3A_541 : memref<1x200x64xf32, #tpu.memory_space<vmem>> -> memref<200x64xf32, #tpu.memory_space<vmem>>
    %dma_start3A_543 = arith.constant 0 : i32
    %dma_start3A_544 = tpu.memref_slice %arg5[%add3A_536, %dma_start3A_543] : memref<819200x64xf32, #tpu.memory_space<hbm>> -> memref<200x64xf32, #tpu.memory_space<hbm>>
    %dma_start3A_545 = tpu.memref_slice %arg10[%dma_start3A_538] : memref<4x!tpu.dma_semaphore, #tpu.memory_space<semaphore_mem>> -> memref<1x!tpu.dma_semaphore, #tpu.memory_space<semaphore_mem>>
    %dma_start3A_546 = tpu.memref_squeeze %dma_start3A_545 : memref<1x!tpu.dma_semaphore, #tpu.memory_space<semaphore_mem>> -> memref<!tpu.dma_semaphore, #tpu.memory_space<semaphore_mem>>
    %dma_start3A_547 = arith.constant 0 : i32
    %dma_start3A_548 = tpu.memref_slice %arg5[%add3A_536, %dma_start3A_547] : memref<819200x64xf32, #tpu.memory_space<hbm>> -> memref<200x64xf32, #tpu.memory_space<hbm>>
    %dma_start3A_549 = arith.constant 0 : i32
    %dma_start3A_550 = arith.constant 0 : i32
    %dma_start3A_551 = tpu.memref_slice %arg7[%dma_start3A_537, %dma_start3A_549, %dma_start3A_550] : memref<4x200x64xf32, #tpu.memory_space<vmem>> -> memref<1x200x64xf32, #tpu.memory_space<vmem>>
    %dma_start3A_552 = tpu.memref_squeeze %dma_start3A_551 : memref<1x200x64xf32, #tpu.memory_space<vmem>> -> memref<200x64xf32, #tpu.memory_space<vmem>>
    tpu.enqueue_dma source(%dma_start3A_552 : memref<200x64xf32, #tpu.memory_space<vmem>>) target(%dma_start3A_548 : memref<200x64xf32, #tpu.memory_space<hbm>>) target_semaphore(%dma_start3A_546 : memref<!tpu.dma_semaphore, #tpu.memory_space<semaphore_mem>>)
    %dma_wait3A_553 = arith.constant 2 : i32
    %dma_wait3A_554 = arith.constant 2 : i32
    %dma_wait3A_555 = arith.constant 0 : i32
    %dma_wait3A_556 = arith.constant 0 : i32
    %dma_wait3A_557 = tpu.memref_slice %arg7[%dma_wait3A_553, %dma_wait3A_555, %dma_wait3A_556] : memref<4x200x64xf32, #tpu.memory_space<vmem>> -> memref<1x200x64xf32, #tpu.memory_space<vmem>>
    %dma_wait3A_558 = tpu.memref_squeeze %dma_wait3A_557 : memref<1x200x64xf32, #tpu.memory_space<vmem>> -> memref<200x64xf32, #tpu.memory_space<vmem>>
    %dma_wait3A_559 = arith.constant 0 : i32
    %dma_wait3A_560 = arith.constant 0 : i32
    %dma_wait3A_561 = tpu.memref_slice %arg5[%dma_wait3A_559, %dma_wait3A_560] : memref<819200x64xf32, #tpu.memory_space<hbm>> -> memref<200x64xf32, #tpu.memory_space<hbm>>
    %dma_wait3A_562 = tpu.memref_slice %arg9[%dma_wait3A_554] : memref<4x!tpu.dma_semaphore, #tpu.memory_space<semaphore_mem>> -> memref<1x!tpu.dma_semaphore, #tpu.memory_space<semaphore_mem>>
    %dma_wait3A_563 = tpu.memref_squeeze %dma_wait3A_562 : memref<1x!tpu.dma_semaphore, #tpu.memory_space<semaphore_mem>> -> memref<!tpu.dma_semaphore, #tpu.memory_space<semaphore_mem>>
    %dma_wait3A_564 = arith.constant 0 : i32
    %dma_wait3A_565 = arith.constant 0 : i32
    %dma_wait3A_566 = tpu.memref_slice %arg7[%dma_wait3A_553, %dma_wait3A_564, %dma_wait3A_565] : memref<4x200x64xf32, #tpu.memory_space<vmem>> -> memref<1x200x64xf32, #tpu.memory_space<vmem>>
    %dma_wait3A_567 = tpu.memref_squeeze %dma_wait3A_566 : memref<1x200x64xf32, #tpu.memory_space<vmem>> -> memref<200x64xf32, #tpu.memory_space<vmem>>
    %dma_wait3A_568 = arith.constant 0 : i32
    %dma_wait3A_569 = arith.constant 0 : i32
    %dma_wait3A_570 = tpu.memref_slice %arg5[%dma_wait3A_568, %dma_wait3A_569] : memref<819200x64xf32, #tpu.memory_space<hbm>> -> memref<200x64xf32, #tpu.memory_space<hbm>>
    tpu.wait_dma2 semaphore(%dma_wait3A_563 : memref<!tpu.dma_semaphore, #tpu.memory_space<semaphore_mem>>) src(%dma_wait3A_570 : memref<200x64xf32, #tpu.memory_space<hbm>>) dst(%dma_wait3A_567 : memref<200x64xf32, #tpu.memory_space<vmem>>)
    %parallel_loop3A_571 = arith.constant 0 : i32
    %parallel_loop3A_572 = arith.constant 200 : i32
    %parallel_loop3A_573 = arith.constant 1 : i32
    scf.for %parallel_loop3A_703 = %parallel_loop3A_571 to %parallel_loop3A_572 step %parallel_loop3A_573  : i32 {
      %parallel_loop3A_704 = arith.constant 2 : i32
      %parallel_loop3A_705 = arith.index_cast %parallel_loop3A_704 : i32 to index
      %parallel_loop3A_706 = arith.index_cast %parallel_loop3A_703 : i32 to index
      %parallel_loop3A_707 = arith.constant 0 : index
      %parallel_loop3A_708 = tpu.vector_load %arg7[%parallel_loop3A_705, %parallel_loop3A_706, %parallel_loop3A_707] {strides = array<i32>} : memref<4x200x64xf32, #tpu.memory_space<vmem>>, vector<1x1x16xf32>,
      %parallel_loop3A_709 = vector.shape_cast %parallel_loop3A_708 : vector<1x1x16xf32> to vector<16xf32>
      %parallel_loop3A_710 = arith.index_cast %parallel_loop3A_703 : i32 to index
      %parallel_loop3A_711 = arith.constant 0 : index
      %parallel_loop3A_712 = tpu.vector_load %arg8[%parallel_loop3A_710, %parallel_loop3A_711] {strides = array<i32>} : memref<200x64xf32, #tpu.memory_space<vmem>>, vector<1x16xf32>,
      %parallel_loop3A_713 = vector.shape_cast %parallel_loop3A_712 : vector<1x16xf32> to vector<16xf32>
      %parallel_loop3A_714 = arith.addf %parallel_loop3A_709, %parallel_loop3A_713 : vector<16xf32>
      %parallel_loop3A_715 = arith.constant 2 : i32
      %parallel_loop3A_716 = arith.index_cast %parallel_loop3A_715 : i32 to index
      %parallel_loop3A_717 = arith.index_cast %parallel_loop3A_703 : i32 to index
      %parallel_loop3A_718 = arith.constant 0 : index
      %parallel_loop3A_719 = tpu.vector_load %arg7[%parallel_loop3A_716, %parallel_loop3A_717, %parallel_loop3A_718] {strides = array<i32>} : memref<4x200x64xf32, #tpu.memory_space<vmem>>, vector<1x1x16xf32>,
      %parallel_loop3A_720 = vector.shape_cast %parallel_loop3A_719 : vector<1x1x16xf32> to vector<16xf32>
      %parallel_loop3A_721 = vector.shape_cast %parallel_loop3A_714 : vector<16xf32> to vector<1x1x16xf32>
      tpu.vector_store %arg7[%parallel_loop3A_716, %parallel_loop3A_717, %parallel_loop3A_718], %parallel_loop3A_721 {strides = array<i32>} : memref<4x200x64xf32, #tpu.memory_space<vmem>>, vector<1x1x16xf32>,
      %parallel_loop3A_722 = arith.constant 2 : i32
      %parallel_loop3A_723 = arith.index_cast %parallel_loop3A_722 : i32 to index
      %parallel_loop3A_724 = arith.index_cast %parallel_loop3A_703 : i32 to index
      %parallel_loop3A_725 = arith.constant 16 : index
      %parallel_loop3A_726 = tpu.vector_load %arg7[%parallel_loop3A_723, %parallel_loop3A_724, %parallel_loop3A_725] {strides = array<i32>} : memref<4x200x64xf32, #tpu.memory_space<vmem>>, vector<1x1x16xf32>,
      %parallel_loop3A_727 = vector.shape_cast %parallel_loop3A_726 : vector<1x1x16xf32> to vector<16xf32>
      %parallel_loop3A_728 = arith.index_cast %parallel_loop3A_703 : i32 to index
      %parallel_loop3A_729 = arith.constant 16 : index
      %parallel_loop3A_730 = tpu.vector_load %arg8[%parallel_loop3A_728, %parallel_loop3A_729] {strides = array<i32>} : memref<200x64xf32, #tpu.memory_space<vmem>>, vector<1x16xf32>,
      %parallel_loop3A_731 = vector.shape_cast %parallel_loop3A_730 : vector<1x16xf32> to vector<16xf32>
      %parallel_loop3A_732 = arith.addf %parallel_loop3A_727, %parallel_loop3A_731 : vector<16xf32>
      %parallel_loop3A_733 = arith.constant 2 : i32
      %parallel_loop3A_734 = arith.index_cast %parallel_loop3A_733 : i32 to index
      %parallel_loop3A_735 = arith.index_cast %parallel_loop3A_703 : i32 to index
      %parallel_loop3A_736 = arith.constant 16 : index
      %parallel_loop3A_737 = tpu.vector_load %arg7[%parallel_loop3A_734, %parallel_loop3A_735, %parallel_loop3A_736] {strides = array<i32>} : memref<4x200x64xf32, #tpu.memory_space<vmem>>, vector<1x1x16xf32>,
      %parallel_loop3A_738 = vector.shape_cast %parallel_loop3A_737 : vector<1x1x16xf32> to vector<16xf32>
      %parallel_loop3A_739 = vector.shape_cast %parallel_loop3A_732 : vector<16xf32> to vector<1x1x16xf32>
      tpu.vector_store %arg7[%parallel_loop3A_734, %parallel_loop3A_735, %parallel_loop3A_736], %parallel_loop3A_739 {strides = array<i32>} : memref<4x200x64xf32, #tpu.memory_space<vmem>>, vector<1x1x16xf32>,
      %parallel_loop3A_740 = arith.constant 2 : i32
      %parallel_loop3A_741 = arith.index_cast %parallel_loop3A_740 : i32 to index
      %parallel_loop3A_742 = arith.index_cast %parallel_loop3A_703 : i32 to index
      %parallel_loop3A_743 = arith.constant 32 : index
      %parallel_loop3A_744 = tpu.vector_load %arg7[%parallel_loop3A_741, %parallel_loop3A_742, %parallel_loop3A_743] {strides = array<i32>} : memref<4x200x64xf32, #tpu.memory_space<vmem>>, vector<1x1x16xf32>,
      %parallel_loop3A_745 = vector.shape_cast %parallel_loop3A_744 : vector<1x1x16xf32> to vector<16xf32>
      %parallel_loop3A_746 = arith.index_cast %parallel_loop3A_703 : i32 to index
      %parallel_loop3A_747 = arith.constant 32 : index
      %parallel_loop3A_748 = tpu.vector_load %arg8[%parallel_loop3A_746, %parallel_loop3A_747] {strides = array<i32>} : memref<200x64xf32, #tpu.memory_space<vmem>>, vector<1x16xf32>,
      %parallel_loop3A_749 = vector.shape_cast %parallel_loop3A_748 : vector<1x16xf32> to vector<16xf32>
      %parallel_loop3A_750 = arith.addf %parallel_loop3A_745, %parallel_loop3A_749 : vector<16xf32>
      %parallel_loop3A_751 = arith.constant 2 : i32
      %parallel_loop3A_752 = arith.index_cast %parallel_loop3A_751 : i32 to index
      %parallel_loop3A_753 = arith.index_cast %parallel_loop3A_703 : i32 to index
      %parallel_loop3A_754 = arith.constant 32 : index
      %parallel_loop3A_755 = tpu.vector_load %arg7[%parallel_loop3A_752, %parallel_loop3A_753, %parallel_loop3A_754] {strides = array<i32>} : memref<4x200x64xf32, #tpu.memory_space<vmem>>, vector<1x1x16xf32>,
      %parallel_loop3A_756 = vector.shape_cast %parallel_loop3A_755 : vector<1x1x16xf32> to vector<16xf32>
      %parallel_loop3A_757 = vector.shape_cast %parallel_loop3A_750 : vector<16xf32> to vector<1x1x16xf32>
      tpu.vector_store %arg7[%parallel_loop3A_752, %parallel_loop3A_753, %parallel_loop3A_754], %parallel_loop3A_757 {strides = array<i32>} : memref<4x200x64xf32, #tpu.memory_space<vmem>>, vector<1x1x16xf32>,
      %parallel_loop3A_758 = arith.constant 2 : i32
      %parallel_loop3A_759 = arith.index_cast %parallel_loop3A_758 : i32 to index
      %parallel_loop3A_760 = arith.index_cast %parallel_loop3A_703 : i32 to index
      %parallel_loop3A_761 = arith.constant 48 : index
      %parallel_loop3A_762 = tpu.vector_load %arg7[%parallel_loop3A_759, %parallel_loop3A_760, %parallel_loop3A_761] {strides = array<i32>} : memref<4x200x64xf32, #tpu.memory_space<vmem>>, vector<1x1x16xf32>,
      %parallel_loop3A_763 = vector.shape_cast %parallel_loop3A_762 : vector<1x1x16xf32> to vector<16xf32>
      %parallel_loop3A_764 = arith.index_cast %parallel_loop3A_703 : i32 to index
      %parallel_loop3A_765 = arith.constant 48 : index
      %parallel_loop3A_766 = tpu.vector_load %arg8[%parallel_loop3A_764, %parallel_loop3A_765] {strides = array<i32>} : memref<200x64xf32, #tpu.memory_space<vmem>>, vector<1x16xf32>,
      %parallel_loop3A_767 = vector.shape_cast %parallel_loop3A_766 : vector<1x16xf32> to vector<16xf32>
      %parallel_loop3A_768 = arith.addf %parallel_loop3A_763, %parallel_loop3A_767 : vector<16xf32>
      %parallel_loop3A_769 = arith.constant 2 : i32
      %parallel_loop3A_770 = arith.index_cast %parallel_loop3A_769 : i32 to index
      %parallel_loop3A_771 = arith.index_cast %parallel_loop3A_703 : i32 to index
      %parallel_loop3A_772 = arith.constant 48 : index
      %parallel_loop3A_773 = tpu.vector_load %arg7[%parallel_loop3A_770, %parallel_loop3A_771, %parallel_loop3A_772] {strides = array<i32>} : memref<4x200x64xf32, #tpu.memory_space<vmem>>, vector<1x1x16xf32>,
      %parallel_loop3A_774 = vector.shape_cast %parallel_loop3A_773 : vector<1x1x16xf32> to vector<16xf32>
      %parallel_loop3A_775 = vector.shape_cast %parallel_loop3A_768 : vector<16xf32> to vector<1x1x16xf32>
      tpu.vector_store %arg7[%parallel_loop3A_770, %parallel_loop3A_771, %parallel_loop3A_772], %parallel_loop3A_775 {strides = array<i32>} : memref<4x200x64xf32, #tpu.memory_space<vmem>>, vector<1x1x16xf32>,
    } {sc.loop_unroll_factor = 4 : i64, sc.parallel_access}
    %add3A_574 = arith.constant 25200 : i32
    %add3A_575 = arith.addi %mul3A_4, %add3A_574 : i32
    %dma_start3A_576 = arith.constant 2 : i32
    %dma_start3A_577 = arith.constant 2 : i32
    %dma_start3A_578 = arith.constant 0 : i32
    %dma_start3A_579 = arith.constant 0 : i32
    %dma_start3A_580 = tpu.memref_slice %arg7[%dma_start3A_576, %dma_start3A_578, %dma_start3A_579] : memref<4x200x64xf32, #tpu.memory_space<vmem>> -> memref<1x200x64xf32, #tpu.memory_space<vmem>>
    %dma_start3A_581 = tpu.memref_squeeze %dma_start3A_580 : memref<1x200x64xf32, #tpu.memory_space<vmem>> -> memref<200x64xf32, #tpu.memory_space<vmem>>
    %dma_start3A_582 = arith.constant 0 : i32
    %dma_start3A_583 = tpu.memref_slice %arg5[%add3A_575, %dma_start3A_582] : memref<819200x64xf32, #tpu.memory_space<hbm>> -> memref<200x64xf32, #tpu.memory_space<hbm>>
    %dma_start3A_584 = tpu.memref_slice %arg10[%dma_start3A_577] : memref<4x!tpu.dma_semaphore, #tpu.memory_space<semaphore_mem>> -> memref<1x!tpu.dma_semaphore, #tpu.memory_space<semaphore_mem>>
    %dma_start3A_585 = tpu.memref_squeeze %dma_start3A_584 : memref<1x!tpu.dma_semaphore, #tpu.memory_space<semaphore_mem>> -> memref<!tpu.dma_semaphore, #tpu.memory_space<semaphore_mem>>
    %dma_start3A_586 = arith.constant 0 : i32
    %dma_start3A_587 = tpu.memref_slice %arg5[%add3A_575, %dma_start3A_586] : memref<819200x64xf32, #tpu.memory_space<hbm>> -> memref<200x64xf32, #tpu.memory_space<hbm>>
    %dma_start3A_588 = arith.constant 0 : i32
    %dma_start3A_589 = arith.constant 0 : i32
    %dma_start3A_590 = tpu.memref_slice %arg7[%dma_start3A_576, %dma_start3A_588, %dma_start3A_589] : memref<4x200x64xf32, #tpu.memory_space<vmem>> -> memref<1x200x64xf32, #tpu.memory_space<vmem>>
    %dma_start3A_591 = tpu.memref_squeeze %dma_start3A_590 : memref<1x200x64xf32, #tpu.memory_space<vmem>> -> memref<200x64xf32, #tpu.memory_space<vmem>>
    tpu.enqueue_dma source(%dma_start3A_591 : memref<200x64xf32, #tpu.memory_space<vmem>>) target(%dma_start3A_587 : memref<200x64xf32, #tpu.memory_space<hbm>>) target_semaphore(%dma_start3A_585 : memref<!tpu.dma_semaphore, #tpu.memory_space<semaphore_mem>>)
    %dma_wait3A_592 = arith.constant 3 : i32
    %dma_wait3A_593 = arith.constant 3 : i32
    %dma_wait3A_594 = arith.constant 0 : i32
    %dma_wait3A_595 = arith.constant 0 : i32
    %dma_wait3A_596 = tpu.memref_slice %arg7[%dma_wait3A_592, %dma_wait3A_594, %dma_wait3A_595] : memref<4x200x64xf32, #tpu.memory_space<vmem>> -> memref<1x200x64xf32, #tpu.memory_space<vmem>>
    %dma_wait3A_597 = tpu.memref_squeeze %dma_wait3A_596 : memref<1x200x64xf32, #tpu.memory_space<vmem>> -> memref<200x64xf32, #tpu.memory_space<vmem>>
    %dma_wait3A_598 = arith.constant 0 : i32
    %dma_wait3A_599 = arith.constant 0 : i32
    %dma_wait3A_600 = tpu.memref_slice %arg5[%dma_wait3A_598, %dma_wait3A_599] : memref<819200x64xf32, #tpu.memory_space<hbm>> -> memref<200x64xf32, #tpu.memory_space<hbm>>
    %dma_wait3A_601 = tpu.memref_slice %arg9[%dma_wait3A_593] : memref<4x!tpu.dma_semaphore, #tpu.memory_space<semaphore_mem>> -> memref<1x!tpu.dma_semaphore, #tpu.memory_space<semaphore_mem>>
    %dma_wait3A_602 = tpu.memref_squeeze %dma_wait3A_601 : memref<1x!tpu.dma_semaphore, #tpu.memory_space<semaphore_mem>> -> memref<!tpu.dma_semaphore, #tpu.memory_space<semaphore_mem>>
    %dma_wait3A_603 = arith.constant 0 : i32
    %dma_wait3A_604 = arith.constant 0 : i32
    %dma_wait3A_605 = tpu.memref_slice %arg7[%dma_wait3A_592, %dma_wait3A_603, %dma_wait3A_604] : memref<4x200x64xf32, #tpu.memory_space<vmem>> -> memref<1x200x64xf32, #tpu.memory_space<vmem>>
    %dma_wait3A_606 = tpu.memref_squeeze %dma_wait3A_605 : memref<1x200x64xf32, #tpu.memory_space<vmem>> -> memref<200x64xf32, #tpu.memory_space<vmem>>
    %dma_wait3A_607 = arith.constant 0 : i32
    %dma_wait3A_608 = arith.constant 0 : i32
    %dma_wait3A_609 = tpu.memref_slice %arg5[%dma_wait3A_607, %dma_wait3A_608] : memref<819200x64xf32, #tpu.memory_space<hbm>> -> memref<200x64xf32, #tpu.memory_space<hbm>>
    tpu.wait_dma2 semaphore(%dma_wait3A_602 : memref<!tpu.dma_semaphore, #tpu.memory_space<semaphore_mem>>) src(%dma_wait3A_609 : memref<200x64xf32, #tpu.memory_space<hbm>>) dst(%dma_wait3A_606 : memref<200x64xf32, #tpu.memory_space<vmem>>)
    %parallel_loop3A_610 = arith.constant 0 : i32
    %parallel_loop3A_611 = arith.constant 200 : i32
    %parallel_loop3A_612 = arith.constant 1 : i32
    scf.for %parallel_loop3A_703 = %parallel_loop3A_610 to %parallel_loop3A_611 step %parallel_loop3A_612  : i32 {
      %parallel_loop3A_704 = arith.constant 3 : i32
      %parallel_loop3A_705 = arith.index_cast %parallel_loop3A_704 : i32 to index
      %parallel_loop3A_706 = arith.index_cast %parallel_loop3A_703 : i32 to index
      %parallel_loop3A_707 = arith.constant 0 : index
      %parallel_loop3A_708 = tpu.vector_load %arg7[%parallel_loop3A_705, %parallel_loop3A_706, %parallel_loop3A_707] {strides = array<i32>} : memref<4x200x64xf32, #tpu.memory_space<vmem>>, vector<1x1x16xf32>,
      %parallel_loop3A_709 = vector.shape_cast %parallel_loop3A_708 : vector<1x1x16xf32> to vector<16xf32>
      %parallel_loop3A_710 = arith.index_cast %parallel_loop3A_703 : i32 to index
      %parallel_loop3A_711 = arith.constant 0 : index
      %parallel_loop3A_712 = tpu.vector_load %arg8[%parallel_loop3A_710, %parallel_loop3A_711] {strides = array<i32>} : memref<200x64xf32, #tpu.memory_space<vmem>>, vector<1x16xf32>,
      %parallel_loop3A_713 = vector.shape_cast %parallel_loop3A_712 : vector<1x16xf32> to vector<16xf32>
      %parallel_loop3A_714 = arith.addf %parallel_loop3A_709, %parallel_loop3A_713 : vector<16xf32>
      %parallel_loop3A_715 = arith.constant 3 : i32
      %parallel_loop3A_716 = arith.index_cast %parallel_loop3A_715 : i32 to index
      %parallel_loop3A_717 = arith.index_cast %parallel_loop3A_703 : i32 to index
      %parallel_loop3A_718 = arith.constant 0 : index
      %parallel_loop3A_719 = tpu.vector_load %arg7[%parallel_loop3A_716, %parallel_loop3A_717, %parallel_loop3A_718] {strides = array<i32>} : memref<4x200x64xf32, #tpu.memory_space<vmem>>, vector<1x1x16xf32>,
      %parallel_loop3A_720 = vector.shape_cast %parallel_loop3A_719 : vector<1x1x16xf32> to vector<16xf32>
      %parallel_loop3A_721 = vector.shape_cast %parallel_loop3A_714 : vector<16xf32> to vector<1x1x16xf32>
      tpu.vector_store %arg7[%parallel_loop3A_716, %parallel_loop3A_717, %parallel_loop3A_718], %parallel_loop3A_721 {strides = array<i32>} : memref<4x200x64xf32, #tpu.memory_space<vmem>>, vector<1x1x16xf32>,
      %parallel_loop3A_722 = arith.constant 3 : i32
      %parallel_loop3A_723 = arith.index_cast %parallel_loop3A_722 : i32 to index
      %parallel_loop3A_724 = arith.index_cast %parallel_loop3A_703 : i32 to index
      %parallel_loop3A_725 = arith.constant 16 : index
      %parallel_loop3A_726 = tpu.vector_load %arg7[%parallel_loop3A_723, %parallel_loop3A_724, %parallel_loop3A_725] {strides = array<i32>} : memref<4x200x64xf32, #tpu.memory_space<vmem>>, vector<1x1x16xf32>,
      %parallel_loop3A_727 = vector.shape_cast %parallel_loop3A_726 : vector<1x1x16xf32> to vector<16xf32>
      %parallel_loop3A_728 = arith.index_cast %parallel_loop3A_703 : i32 to index
      %parallel_loop3A_729 = arith.constant 16 : index
      %parallel_loop3A_730 = tpu.vector_load %arg8[%parallel_loop3A_728, %parallel_loop3A_729] {strides = array<i32>} : memref<200x64xf32, #tpu.memory_space<vmem>>, vector<1x16xf32>,
      %parallel_loop3A_731 = vector.shape_cast %parallel_loop3A_730 : vector<1x16xf32> to vector<16xf32>
      %parallel_loop3A_732 = arith.addf %parallel_loop3A_727, %parallel_loop3A_731 : vector<16xf32>
      %parallel_loop3A_733 = arith.constant 3 : i32
      %parallel_loop3A_734 = arith.index_cast %parallel_loop3A_733 : i32 to index
      %parallel_loop3A_735 = arith.index_cast %parallel_loop3A_703 : i32 to index
      %parallel_loop3A_736 = arith.constant 16 : index
      %parallel_loop3A_737 = tpu.vector_load %arg7[%parallel_loop3A_734, %parallel_loop3A_735, %parallel_loop3A_736] {strides = array<i32>} : memref<4x200x64xf32, #tpu.memory_space<vmem>>, vector<1x1x16xf32>,
      %parallel_loop3A_738 = vector.shape_cast %parallel_loop3A_737 : vector<1x1x16xf32> to vector<16xf32>
      %parallel_loop3A_739 = vector.shape_cast %parallel_loop3A_732 : vector<16xf32> to vector<1x1x16xf32>
      tpu.vector_store %arg7[%parallel_loop3A_734, %parallel_loop3A_735, %parallel_loop3A_736], %parallel_loop3A_739 {strides = array<i32>} : memref<4x200x64xf32, #tpu.memory_space<vmem>>, vector<1x1x16xf32>,
      %parallel_loop3A_740 = arith.constant 3 : i32
      %parallel_loop3A_741 = arith.index_cast %parallel_loop3A_740 : i32 to index
      %parallel_loop3A_742 = arith.index_cast %parallel_loop3A_703 : i32 to index
      %parallel_loop3A_743 = arith.constant 32 : index
      %parallel_loop3A_744 = tpu.vector_load %arg7[%parallel_loop3A_741, %parallel_loop3A_742, %parallel_loop3A_743] {strides = array<i32>} : memref<4x200x64xf32, #tpu.memory_space<vmem>>, vector<1x1x16xf32>,
      %parallel_loop3A_745 = vector.shape_cast %parallel_loop3A_744 : vector<1x1x16xf32> to vector<16xf32>
      %parallel_loop3A_746 = arith.index_cast %parallel_loop3A_703 : i32 to index
      %parallel_loop3A_747 = arith.constant 32 : index
      %parallel_loop3A_748 = tpu.vector_load %arg8[%parallel_loop3A_746, %parallel_loop3A_747] {strides = array<i32>} : memref<200x64xf32, #tpu.memory_space<vmem>>, vector<1x16xf32>,
      %parallel_loop3A_749 = vector.shape_cast %parallel_loop3A_748 : vector<1x16xf32> to vector<16xf32>
      %parallel_loop3A_750 = arith.addf %parallel_loop3A_745, %parallel_loop3A_749 : vector<16xf32>
      %parallel_loop3A_751 = arith.constant 3 : i32
      %parallel_loop3A_752 = arith.index_cast %parallel_loop3A_751 : i32 to index
      %parallel_loop3A_753 = arith.index_cast %parallel_loop3A_703 : i32 to index
      %parallel_loop3A_754 = arith.constant 32 : index
      %parallel_loop3A_755 = tpu.vector_load %arg7[%parallel_loop3A_752, %parallel_loop3A_753, %parallel_loop3A_754] {strides = array<i32>} : memref<4x200x64xf32, #tpu.memory_space<vmem>>, vector<1x1x16xf32>,
      %parallel_loop3A_756 = vector.shape_cast %parallel_loop3A_755 : vector<1x1x16xf32> to vector<16xf32>
      %parallel_loop3A_757 = vector.shape_cast %parallel_loop3A_750 : vector<16xf32> to vector<1x1x16xf32>
      tpu.vector_store %arg7[%parallel_loop3A_752, %parallel_loop3A_753, %parallel_loop3A_754], %parallel_loop3A_757 {strides = array<i32>} : memref<4x200x64xf32, #tpu.memory_space<vmem>>, vector<1x1x16xf32>,
      %parallel_loop3A_758 = arith.constant 3 : i32
      %parallel_loop3A_759 = arith.index_cast %parallel_loop3A_758 : i32 to index
      %parallel_loop3A_760 = arith.index_cast %parallel_loop3A_703 : i32 to index
      %parallel_loop3A_761 = arith.constant 48 : index
      %parallel_loop3A_762 = tpu.vector_load %arg7[%parallel_loop3A_759, %parallel_loop3A_760, %parallel_loop3A_761] {strides = array<i32>} : memref<4x200x64xf32, #tpu.memory_space<vmem>>, vector<1x1x16xf32>,
      %parallel_loop3A_763 = vector.shape_cast %parallel_loop3A_762 : vector<1x1x16xf32> to vector<16xf32>
      %parallel_loop3A_764 = arith.index_cast %parallel_loop3A_703 : i32 to index
      %parallel_loop3A_765 = arith.constant 48 : index
      %parallel_loop3A_766 = tpu.vector_load %arg8[%parallel_loop3A_764, %parallel_loop3A_765] {strides = array<i32>} : memref<200x64xf32, #tpu.memory_space<vmem>>, vector<1x16xf32>,
      %parallel_loop3A_767 = vector.shape_cast %parallel_loop3A_766 : vector<1x16xf32> to vector<16xf32>
      %parallel_loop3A_768 = arith.addf %parallel_loop3A_763, %parallel_loop3A_767 : vector<16xf32>
      %parallel_loop3A_769 = arith.constant 3 : i32
      %parallel_loop3A_770 = arith.index_cast %parallel_loop3A_769 : i32 to index
      %parallel_loop3A_771 = arith.index_cast %parallel_loop3A_703 : i32 to index
      %parallel_loop3A_772 = arith.constant 48 : index
      %parallel_loop3A_773 = tpu.vector_load %arg7[%parallel_loop3A_770, %parallel_loop3A_771, %parallel_loop3A_772] {strides = array<i32>} : memref<4x200x64xf32, #tpu.memory_space<vmem>>, vector<1x1x16xf32>,
      %parallel_loop3A_774 = vector.shape_cast %parallel_loop3A_773 : vector<1x1x16xf32> to vector<16xf32>
      %parallel_loop3A_775 = vector.shape_cast %parallel_loop3A_768 : vector<16xf32> to vector<1x1x16xf32>
      tpu.vector_store %arg7[%parallel_loop3A_770, %parallel_loop3A_771, %parallel_loop3A_772], %parallel_loop3A_775 {strides = array<i32>} : memref<4x200x64xf32, #tpu.memory_space<vmem>>, vector<1x1x16xf32>,
    } {sc.loop_unroll_factor = 4 : i64, sc.parallel_access}
    %add3A_613 = arith.constant 25400 : i32
    %add3A_614 = arith.addi %mul3A_4, %add3A_613 : i32
    %dma_start3A_615 = arith.constant 3 : i32
    %dma_start3A_616 = arith.constant 3 : i32
    %dma_start3A_617 = arith.constant 0 : i32
    %dma_start3A_618 = arith.constant 0 : i32
    %dma_start3A_619 = tpu.memref_slice %arg7[%dma_start3A_615, %dma_start3A_617, %dma_start3A_618] : memref<4x200x64xf32, #tpu.memory_space<vmem>> -> memref<1x200x64xf32, #tpu.memory_space<vmem>>
    %dma_start3A_620 = tpu.memref_squeeze %dma_start3A_619 : memref<1x200x64xf32, #tpu.memory_space<vmem>> -> memref<200x64xf32, #tpu.memory_space<vmem>>
    %dma_start3A_621 = arith.constant 0 : i32
    %dma_start3A_622 = tpu.memref_slice %arg5[%add3A_614, %dma_start3A_621] : memref<819200x64xf32, #tpu.memory_space<hbm>> -> memref<200x64xf32, #tpu.memory_space<hbm>>
    %dma_start3A_623 = tpu.memref_slice %arg10[%dma_start3A_616] : memref<4x!tpu.dma_semaphore, #tpu.memory_space<semaphore_mem>> -> memref<1x!tpu.dma_semaphore, #tpu.memory_space<semaphore_mem>>
    %dma_start3A_624 = tpu.memref_squeeze %dma_start3A_623 : memref<1x!tpu.dma_semaphore, #tpu.memory_space<semaphore_mem>> -> memref<!tpu.dma_semaphore, #tpu.memory_space<semaphore_mem>>
    %dma_start3A_625 = arith.constant 0 : i32
    %dma_start3A_626 = tpu.memref_slice %arg5[%add3A_614, %dma_start3A_625] : memref<819200x64xf32, #tpu.memory_space<hbm>> -> memref<200x64xf32, #tpu.memory_space<hbm>>
    %dma_start3A_627 = arith.constant 0 : i32
    %dma_start3A_628 = arith.constant 0 : i32
    %dma_start3A_629 = tpu.memref_slice %arg7[%dma_start3A_615, %dma_start3A_627, %dma_start3A_628] : memref<4x200x64xf32, #tpu.memory_space<vmem>> -> memref<1x200x64xf32, #tpu.memory_space<vmem>>
    %dma_start3A_630 = tpu.memref_squeeze %dma_start3A_629 : memref<1x200x64xf32, #tpu.memory_space<vmem>> -> memref<200x64xf32, #tpu.memory_space<vmem>>
    tpu.enqueue_dma source(%dma_start3A_630 : memref<200x64xf32, #tpu.memory_space<vmem>>) target(%dma_start3A_626 : memref<200x64xf32, #tpu.memory_space<hbm>>) target_semaphore(%dma_start3A_624 : memref<!tpu.dma_semaphore, #tpu.memory_space<semaphore_mem>>)
    %dma_wait3A_631 = arith.constant 0 : i32
    %dma_wait3A_632 = arith.constant 0 : i32
    %dma_wait3A_633 = arith.constant 0 : i32
    %dma_wait3A_634 = arith.constant 0 : i32
    %dma_wait3A_635 = tpu.memref_slice %arg7[%dma_wait3A_631, %dma_wait3A_633, %dma_wait3A_634] : memref<4x200x64xf32, #tpu.memory_space<vmem>> -> memref<1x200x64xf32, #tpu.memory_space<vmem>>
    %dma_wait3A_636 = tpu.memref_squeeze %dma_wait3A_635 : memref<1x200x64xf32, #tpu.memory_space<vmem>> -> memref<200x64xf32, #tpu.memory_space<vmem>>
    %dma_wait3A_637 = arith.constant 0 : i32
    %dma_wait3A_638 = arith.constant 0 : i32
    %dma_wait3A_639 = tpu.memref_slice %arg5[%dma_wait3A_637, %dma_wait3A_638] : memref<819200x64xf32, #tpu.memory_space<hbm>> -> memref<200x64xf32, #tpu.memory_space<hbm>>
    %dma_wait3A_640 = tpu.memref_slice %arg10[%dma_wait3A_632] : memref<4x!tpu.dma_semaphore, #tpu.memory_space<semaphore_mem>> -> memref<1x!tpu.dma_semaphore, #tpu.memory_space<semaphore_mem>>
    %dma_wait3A_641 = tpu.memref_squeeze %dma_wait3A_640 : memref<1x!tpu.dma_semaphore, #tpu.memory_space<semaphore_mem>> -> memref<!tpu.dma_semaphore, #tpu.memory_space<semaphore_mem>>
    %dma_wait3A_642 = arith.constant 0 : i32
    %dma_wait3A_643 = arith.constant 0 : i32
    %dma_wait3A_644 = tpu.memref_slice %arg5[%dma_wait3A_642, %dma_wait3A_643] : memref<819200x64xf32, #tpu.memory_space<hbm>> -> memref<200x64xf32, #tpu.memory_space<hbm>>
    %dma_wait3A_645 = arith.constant 0 : i32
    %dma_wait3A_646 = arith.constant 0 : i32
    %dma_wait3A_647 = tpu.memref_slice %arg7[%dma_wait3A_631, %dma_wait3A_645, %dma_wait3A_646] : memref<4x200x64xf32, #tpu.memory_space<vmem>> -> memref<1x200x64xf32, #tpu.memory_space<vmem>>
    %dma_wait3A_648 = tpu.memref_squeeze %dma_wait3A_647 : memref<1x200x64xf32, #tpu.memory_space<vmem>> -> memref<200x64xf32, #tpu.memory_space<vmem>>
    tpu.wait_dma2 semaphore(%dma_wait3A_641 : memref<!tpu.dma_semaphore, #tpu.memory_space<semaphore_mem>>) src(%dma_wait3A_648 : memref<200x64xf32, #tpu.memory_space<vmem>>) dst(%dma_wait3A_644 : memref<200x64xf32, #tpu.memory_space<hbm>>)
    %dma_wait3A_649 = arith.constant 1 : i32
    %dma_wait3A_650 = arith.constant 1 : i32
    %dma_wait3A_651 = arith.constant 0 : i32
    %dma_wait3A_652 = arith.constant 0 : i32
    %dma_wait3A_653 = tpu.memref_slice %arg7[%dma_wait3A_649, %dma_wait3A_651, %dma_wait3A_652] : memref<4x200x64xf32, #tpu.memory_space<vmem>> -> memref<1x200x64xf32, #tpu.memory_space<vmem>>
    %dma_wait3A_654 = tpu.memref_squeeze %dma_wait3A_653 : memref<1x200x64xf32, #tpu.memory_space<vmem>> -> memref<200x64xf32, #tpu.memory_space<vmem>>
    %dma_wait3A_655 = arith.constant 0 : i32
    %dma_wait3A_656 = arith.constant 0 : i32
    %dma_wait3A_657 = tpu.memref_slice %arg5[%dma_wait3A_655, %dma_wait3A_656] : memref<819200x64xf32, #tpu.memory_space<hbm>> -> memref<200x64xf32, #tpu.memory_space<hbm>>
    %dma_wait3A_658 = tpu.memref_slice %arg10[%dma_wait3A_650] : memref<4x!tpu.dma_semaphore, #tpu.memory_space<semaphore_mem>> -> memref<1x!tpu.dma_semaphore, #tpu.memory_space<semaphore_mem>>
    %dma_wait3A_659 = tpu.memref_squeeze %dma_wait3A_658 : memref<1x!tpu.dma_semaphore, #tpu.memory_space<semaphore_mem>> -> memref<!tpu.dma_semaphore, #tpu.memory_space<semaphore_mem>>
    %dma_wait3A_660 = arith.constant 0 : i32
    %dma_wait3A_661 = arith.constant 0 : i32
    %dma_wait3A_662 = tpu.memref_slice %arg5[%dma_wait3A_660, %dma_wait3A_661] : memref<819200x64xf32, #tpu.memory_space<hbm>> -> memref<200x64xf32, #tpu.memory_space<hbm>>
    %dma_wait3A_663 = arith.constant 0 : i32
    %dma_wait3A_664 = arith.constant 0 : i32
    %dma_wait3A_665 = tpu.memref_slice %arg7[%dma_wait3A_649, %dma_wait3A_663, %dma_wait3A_664] : memref<4x200x64xf32, #tpu.memory_space<vmem>> -> memref<1x200x64xf32, #tpu.memory_space<vmem>>
    %dma_wait3A_666 = tpu.memref_squeeze %dma_wait3A_665 : memref<1x200x64xf32, #tpu.memory_space<vmem>> -> memref<200x64xf32, #tpu.memory_space<vmem>>
    tpu.wait_dma2 semaphore(%dma_wait3A_659 : memref<!tpu.dma_semaphore, #tpu.memory_space<semaphore_mem>>) src(%dma_wait3A_666 : memref<200x64xf32, #tpu.memory_space<vmem>>) dst(%dma_wait3A_662 : memref<200x64xf32, #tpu.memory_space<hbm>>)
    %dma_wait3A_667 = arith.constant 2 : i32
    %dma_wait3A_668 = arith.constant 2 : i32
    %dma_wait3A_669 = arith.constant 0 : i32
    %dma_wait3A_670 = arith.constant 0 : i32
    %dma_wait3A_671 = tpu.memref_slice %arg7[%dma_wait3A_667, %dma_wait3A_669, %dma_wait3A_670] : memref<4x200x64xf32, #tpu.memory_space<vmem>> -> memref<1x200x64xf32, #tpu.memory_space<vmem>>
    %dma_wait3A_672 = tpu.memref_squeeze %dma_wait3A_671 : memref<1x200x64xf32, #tpu.memory_space<vmem>> -> memref<200x64xf32, #tpu.memory_space<vmem>>
    %dma_wait3A_673 = arith.constant 0 : i32
    %dma_wait3A_674 = arith.constant 0 : i32
    %dma_wait3A_675 = tpu.memref_slice %arg5[%dma_wait3A_673, %dma_wait3A_674] : memref<819200x64xf32, #tpu.memory_space<hbm>> -> memref<200x64xf32, #tpu.memory_space<hbm>>
    %dma_wait3A_676 = tpu.memref_slice %arg10[%dma_wait3A_668] : memref<4x!tpu.dma_semaphore, #tpu.memory_space<semaphore_mem>> -> memref<1x!tpu.dma_semaphore, #tpu.memory_space<semaphore_mem>>
    %dma_wait3A_677 = tpu.memref_squeeze %dma_wait3A_676 : memref<1x!tpu.dma_semaphore, #tpu.memory_space<semaphore_mem>> -> memref<!tpu.dma_semaphore, #tpu.memory_space<semaphore_mem>>
    %dma_wait3A_678 = arith.constant 0 : i32
    %dma_wait3A_679 = arith.constant 0 : i32
    %dma_wait3A_680 = tpu.memref_slice %arg5[%dma_wait3A_678, %dma_wait3A_679] : memref<819200x64xf32, #tpu.memory_space<hbm>> -> memref<200x64xf32, #tpu.memory_space<hbm>>
    %dma_wait3A_681 = arith.constant 0 : i32
    %dma_wait3A_682 = arith.constant 0 : i32
    %dma_wait3A_683 = tpu.memref_slice %arg7[%dma_wait3A_667, %dma_wait3A_681, %dma_wait3A_682] : memref<4x200x64xf32, #tpu.memory_space<vmem>> -> memref<1x200x64xf32, #tpu.memory_space<vmem>>
    %dma_wait3A_684 = tpu.memref_squeeze %dma_wait3A_683 : memref<1x200x64xf32, #tpu.memory_space<vmem>> -> memref<200x64xf32, #tpu.memory_space<vmem>>
    tpu.wait_dma2 semaphore(%dma_wait3A_677 : memref<!tpu.dma_semaphore, #tpu.memory_space<semaphore_mem>>) src(%dma_wait3A_684 : memref<200x64xf32, #tpu.memory_space<vmem>>) dst(%dma_wait3A_680 : memref<200x64xf32, #tpu.memory_space<hbm>>)
    %dma_wait3A_685 = arith.constant 3 : i32
    %dma_wait3A_686 = arith.constant 3 : i32
    %dma_wait3A_687 = arith.constant 0 : i32
    %dma_wait3A_688 = arith.constant 0 : i32
    %dma_wait3A_689 = tpu.memref_slice %arg7[%dma_wait3A_685, %dma_wait3A_687, %dma_wait3A_688] : memref<4x200x64xf32, #tpu.memory_space<vmem>> -> memref<1x200x64xf32, #tpu.memory_space<vmem>>
    %dma_wait3A_690 = tpu.memref_squeeze %dma_wait3A_689 : memref<1x200x64xf32, #tpu.memory_space<vmem>> -> memref<200x64xf32, #tpu.memory_space<vmem>>
    %dma_wait3A_691 = arith.constant 0 : i32
    %dma_wait3A_692 = arith.constant 0 : i32
    %dma_wait3A_693 = tpu.memref_slice %arg5[%dma_wait3A_691, %dma_wait3A_692] : memref<819200x64xf32, #tpu.memory_space<hbm>> -> memref<200x64xf32, #tpu.memory_space<hbm>>
    %dma_wait3A_694 = tpu.memref_slice %arg10[%dma_wait3A_686] : memref<4x!tpu.dma_semaphore, #tpu.memory_space<semaphore_mem>> -> memref<1x!tpu.dma_semaphore, #tpu.memory_space<semaphore_mem>>
    %dma_wait3A_695 = tpu.memref_squeeze %dma_wait3A_694 : memref<1x!tpu.dma_semaphore, #tpu.memory_space<semaphore_mem>> -> memref<!tpu.dma_semaphore, #tpu.memory_space<semaphore_mem>>
    %dma_wait3A_696 = arith.constant 0 : i32
    %dma_wait3A_697 = arith.constant 0 : i32
    %dma_wait3A_698 = tpu.memref_slice %arg5[%dma_wait3A_696, %dma_wait3A_697] : memref<819200x64xf32, #tpu.memory_space<hbm>> -> memref<200x64xf32, #tpu.memory_space<hbm>>
    %dma_wait3A_699 = arith.constant 0 : i32
    %dma_wait3A_700 = arith.constant 0 : i32
    %dma_wait3A_701 = tpu.memref_slice %arg7[%dma_wait3A_685, %dma_wait3A_699, %dma_wait3A_700] : memref<4x200x64xf32, #tpu.memory_space<vmem>> -> memref<1x200x64xf32, #tpu.memory_space<vmem>>
    %dma_wait3A_702 = tpu.memref_squeeze %dma_wait3A_701 : memref<1x200x64xf32, #tpu.memory_space<vmem>> -> memref<200x64xf32, #tpu.memory_space<vmem>>
    tpu.wait_dma2 semaphore(%dma_wait3A_695 : memref<!tpu.dma_semaphore, #tpu.memory_space<semaphore_mem>>) src(%dma_wait3A_702 : memref<200x64xf32, #tpu.memory_space<vmem>>) dst(%dma_wait3A_698 : memref<200x64xf32, #tpu.memory_space<hbm>>)
    return
  }
}

</mosaic_0001>

<sc_bundles>
// kernel: kernel.3.cloned.1.call-start
scs
__scs_entry_jumppad:
0x0: {  	(pc) =	sbr.rel $0x88, $3  }
0x1: {  	(tag) =	ssettag $0x0;
	lr =	simm.s32 $0x1  }
0x2: {  	[smem:$0x3F9E] =	sst lr;
	_ =	strace $0xD0000000  }
0x3: {  	_ = 	snop  }
0x4: {  	_ = 	snop  }
0x5: {  	_ = 	snop  }
0x6: {  	_ = 	snop  }
0x7: {  	_ = 	snop  }
__scs_overlays_trampoline_lowered:
0x8: {  	[smem:$0x3FAD] =	sst s0  }
0x9: {  	[smem:$0x3FAE] =	sst s1  }
0xa: {  	[smem:$0x3FAF] =	sst s2  }
0xb: {  	[smem:$0x3FB0] =	sst s3  }
0xc: {  	[smem:$0x3FB1] =	sst s4  }
0xd: {  	[smem:$0x3FB2] =	sst s5  }
0xe: {  	[smem:$0x3FB3] =	sst s6  }
0xf: {  	[smem:$0x3FB4] =	sst s7  }
0x10: {  	[smem:$0x3FB5] =	sst s8  }
0x11: {  	[smem:$0x3FB6] =	sst s9;
	s0 =	simm.s32 @!p0 $0x0  }
0x12: {  	s1 =	sld [smem:$0x3F9C];
	s0 =	simm.s32 @p0 $0x1  }
0x13: {  	[smem:$0x3FB7] =	sst s0;
	s0 =	simm.s32 @!p1 $0x0  }
0x14: {  	s2 =	sld [smem:$0x3F9B];
	s0 =	simm.s32 @p1 $0x1  }
0x15: {  	[smem:$0x3FB8] =	sst s0;
	s0 =	simm.s32 @!p2 $0x0  }
0x16: {  	s3 =	sld [smem:$0x3FDB];
	s0 =	simm.s32 @p2 $0x1  }
0x17: {  	s4 =	simm.s32 $0x1BF5;
	[smem:$0x3FBA] =	sst s0  }
0x18: {  	s0 =	sld [smem:$0x3F9D];
	_ =	swait.ge [sflag:s4], $0x0  }
0x19: {  	s7 =	sld [smem:$0x3F9E]  }
0x1a: {  	s8 =	sadd.s32 $0xFFFFE003, lr  }
0x1b: {  	s9 =	sadd.s32 $0xFFFFFEF7, lr;
	s5 =	simm.s32 $0xFFFFFFFF;
	p2 =	slt.u32 s8, $0xFFFFF086  }
0x1c: {  	p1 =	slt.u32 s9, $0xF7A;
	s5 =	simm.s32 @!p2 $0x0  }
0x1d: {  	s5 =	simm.s32 @p1 $0x1;
	p0 =	seq.s32 s7, s2  }
0x1e: {  	s7 =	smul.u32 @!p0 $0xF7A, s2;
	p2 =	seq.s32 @!p0 s5, $0x0  }
0x1f: {  	s9 =	smul.u32 $0xF7A, s1;
	s8 =	simm.s32 @!p0 $0x1BF5;
	p2 =	por !p2, p0  }
0x20: {  	[sflag:s8] =	ssyncset.s32 @!p0 $0xFFFFF086;
	s6 =	sadd.s32 @!p0 s3, s7;
	s7 =	simm.s32 @!p0 $0x108  }
0x21: {  	s3 =	sadd.s32 s3, s9;
	s6 =	sadd.s32 @!p0 $0x88, s6;
	s7 =	simm.s32 @p2 $0x1082  }
0x22: {  	[simem:s7], [sflag:s8] =	dma.local @!p0 [hbm:s6], $0xF7A  }
0x23: {  	s9 =	sor.u32 $0xD0000000, s2;
	s6 =	simm.s32 $0x108;
	_ =	swait.ge @!p0 [sflag:s8], $0x0  }
0x24: {  	s3 =	sadd.s32 $0x88, s3;
	s6 =	simm.s32 @!p1 $0x1082;
	[sflag:s4] =	ssyncset.s32 $0xFFFFF086  }
0x25: {  	[simem:s6], [sflag:s4] =	dma.local [hbm:s3], $0xF7A  }
0x26: {  	[smem:$0x3F9E] =	sst s1;
	(tag) =	ssettag s2;
	_ =	strace s9  }
0x27: {  	s1 =	sld [smem:$0x3FAE]  }
0x28: {  	s2 =	sld [smem:$0x3FAF]  }
0x29: {  	s4 =	sld [smem:$0x3FB1]  }
0x2a: {  	p0 =	seq.s32 s5, $0x0;
	s5 =	sld [smem:$0x3FB2]  }
0x2b: {  	s6 =	sld [smem:$0x3FB3]  }
0x2c: {  	s7 =	sld [smem:$0x3FB4]  }
0x2d: {  	s3 =	simm.s32 $0x108;
	s8 =	sld [smem:$0x3FB5]  }
0x2e: {  	s3 =	simm.s32 @!p0 $0x1082;
	s9 =	sld [smem:$0x3FB6]  }
0x2f: {  	lr =	sadd.s32 s0, s3;
	s0 =	sld [smem:$0x3FAD]  }
0x30: {  	s3 =	sld [smem:$0x3FB0]  }
0x31: {  	[smem:$0x3FB9] =	sst s10  }
0x32: {  	s10 =	sld [smem:$0x3FB7];
	_ =	sdelay $0x3  }
0x33: {  	p0 =	seq.s32 s10, $0x1;
	s10 =	sld [smem:$0x3FB9];
	_ =	sdelay $0x3  }
0x34: {  	[smem:$0x3FB9] =	sst s10  }
0x35: {  	s10 =	sld [smem:$0x3FB8];
	_ =	sdelay $0x3  }
0x36: {  	p1 =	seq.s32 s10, $0x1;
	s10 =	sld [smem:$0x3FB9];
	_ =	sdelay $0x3  }
0x37: {  	[smem:$0x3FB9] =	sst s10  }
0x38: {  	s10 =	sld [smem:$0x3FBA]  }
0x39: {  	_ = 	snop;
	(pc) =	sbr.ind lr, $3  }
0x3a: {  	_ = 	snop  }
0x3b: {  	_ = 	snop  }
0x3c: {  	p2 =	seq.s32 s10, $0x1;
	s10 =	sld [smem:$0x3FB9]  }
0x3d: {  	_ =	shalt  }
0x3e: {  	_ =	shalt  }
0x3f: {  	_ =	shalt  }
0x40: {  	_ =	shalt  }
0x41: {  	_ =	shalt  }
0x42: {  	_ =	shalt  }
0x43: {  	_ =	shalt  }
0x44: {  	_ =	shalt  }
0x45: {  	_ =	shalt  }
0x46: {  	_ =	shalt  }
0x47: {  	_ =	shalt  }
0x48: {  	_ =	shalt  }
0x49: {  	_ =	shalt  }
0x4a: {  	_ =	shalt  }
0x4b: {  	_ =	shalt  }
0x4c: {  	_ =	shalt  }
0x4d: {  	_ =	shalt  }
0x4e: {  	_ =	shalt  }
0x4f: {  	_ =	shalt  }
0x50: {  	_ =	shalt  }
0x51: {  	_ =	shalt  }
0x52: {  	_ =	shalt  }
0x53: {  	_ =	shalt  }
0x54: {  	_ =	shalt  }
0x55: {  	_ =	shalt  }
0x56: {  	_ =	shalt  }
0x57: {  	_ =	shalt  }
0x58: {  	_ =	shalt  }
0x59: {  	_ =	shalt  }
0x5a: {  	_ =	shalt  }
0x5b: {  	_ =	shalt  }
0x5c: {  	_ =	shalt  }
0x5d: {  	_ =	shalt  }
0x5e: {  	_ =	shalt  }
0x5f: {  	_ =	shalt  }
0x60: {  	_ =	shalt  }
0x61: {  	_ =	shalt  }
0x62: {  	_ =	shalt  }
0x63: {  	_ =	shalt  }
0x64: {  	_ =	shalt  }
0x65: {  	_ =	shalt  }
0x66: {  	_ =	shalt  }
0x67: {  	_ =	shalt  }
0x68: {  	_ =	shalt  }
0x69: {  	_ =	shalt  }
0x6a: {  	_ =	shalt  }
0x6b: {  	_ =	shalt  }
0x6c: {  	_ =	shalt  }
0x6d: {  	_ =	shalt  }
0x6e: {  	_ =	shalt  }
0x6f: {  	_ =	shalt  }
0x70: {  	_ =	shalt  }
0x71: {  	_ =	shalt  }
0x72: {  	_ =	shalt  }
0x73: {  	_ =	shalt  }
0x74: {  	_ =	shalt  }
0x75: {  	_ =	shalt  }
0x76: {  	_ =	shalt  }
0x77: {  	_ =	shalt  }
0x78: {  	_ =	shalt  }
0x79: {  	_ =	shalt  }
0x7a: {  	_ =	shalt  }
0x7b: {  	_ =	shalt  }
0x7c: {  	_ =	shalt  }
0x7d: {  	_ =	shalt  }
0x7e: {  	_ =	shalt  }
0x7f: {  	_ =	shalt  }
0x80: {  	_ =	shalt  }
0x81: {  	_ =	shalt  }
0x82: {  	_ =	shalt  }
0x83: {  	_ =	shalt  }
0x84: {  	_ =	shalt  }
0x85: {  	_ =	shalt  }
0x86: {  	_ =	shalt  }
0x87: {  	_ =	shalt  }
.Lfunc_end0:
.L_simem_size_0:
called_computation.1_lowered:
.L_overlay_start_0:
0x88: {  	s2 =	sld [smem:$0x3FD9]  }
0x89: {  	s3 =	sld [smem:$0x3FFE];
	_ =	sdelay $0x1  }
0x8a: {  	s1 =	srdreg.scid  }
0x8b: {  	s0 =	sand.u32 $0x1, s1  }
0x8c: {  	s17 =	sshll.u32 s0, $0xA;
	s2 =	sadd.s32 s3, s2  }
0x8d: {  	s2 =	sadd.s32 s2, s17  }
0x8e: {  	[smem:$0x3FC5] =	sst s2  }
0x8f: {  	_ = 	snop  }
0x90: {  	s2 =	sld [smem:$0x3FD0];
	(tm) =	ssettm $0x1  }
0x91: {  	s18 =	sld [smem:$0x3FFB];
	_ =	sdelay $0x3  }
0x92: {  	_ =	strace s18  }
0x93: {  	s3 =	sld [smem:$0x3FFC];
	_ =	sdelay $0x3  }
0x94: {  	_ =	strace s3  }
0x95: {  	s3 =	sld [smem:$0x3FFD];
	_ =	sdelay $0x3  }
0x96: {  	_ =	strace s3  }
0x97: {  	_ =	strace $0x8FFFFFFF  }
0x98: {  	s19 =	sld [smem:$0x3FDB];
	_ =	sdelay $0x1  }
0x99: {  	s4 =	simm.s32 $_scs_section_size  }
0x9a: {  	s5 =	simm.s32 $_size__tile_overlayer_lowered;
	s6 =	simm.s32 $_tile_overlayer_lowered  }
0x9b: {  	s22 =	simm.s32 $0x1BFF;
	s21 =	sshll.u32 s6, $0x1;
	s3 =	sadd.s32 s4, s19  }
0x9c: {  	s7 =	simm.s32 $0x0;
	s20 =	sshll.u32 s5, $0x1;
	s5 =	sadd.s32 s21, s3  }
0x9d: {  	[timem:s7], [sflag:s22] =	dma.local [hbm:s5], s20  }
0x9e: {  	_ =	swait.ge [sflag:s22], s20  }
0x9f: {  	s4 =	ssub.s32 $0x0, s20;
	[sflag:s22] =	ssyncset.done $0x0  }
0xa0: {  	[sflag:s22] =	ssyncadd.s32 s4;
	_ =	sdelay $0x1  }
0xa1: {  	s23 =	simm.s32 $0x1B8B  }
0xa2: {  	_ =	swait.ge [sflag:s23], $0x1  }
0xa3: {  	[sflag:s23] =	ssyncset.done $0x0  }
0xa4: {  	s25 =	simm.s32 $0x1B8E;
	s24 =	sld [smem:$0x3FFE];
	[sflag:s23] =	ssyncadd.s32 $0xFFFFFFFF  }
0xa5: {  	s26 =	simm.s32 $execute0_lowered;
	[smem:$0x3FD2] =	sst s25  }
0xa6: {  	s5 =	sshll.u32 s26, $0x1;
	_ =	strace $0x80000046;
	[dreg:$0x1] =	wrdreg $0xFFFFFFFF  }
0xa7: {  	s28 =	simm.s32 $_size_execute0_lowered;
	s3 =	sadd.s32 s3, s5;
	[dreg:$0x0] =	wrdreg $0x0  }
0xa8: {  	s5 =	sshll.u32 s28, $0x1;
	[dreg:$0x2] =	wrdreg s3  }
0xa9: {  	[dreg:$0x3] =	wrdreg s5  }
0xaa: {  	[dreg:$0x4] =	wrdreg $0xC0  }
0xab: {  	_ =	task [dreg:s7], $0x5FFFF  }
0xac: {  	[dreg:$0x1] =	wrdreg $0xFFFFFFFF  }
0xad: {  	[dreg:$0x0] =	wrdreg $0x60  }
0xae: {  	[dreg:$0x2] =	wrdreg s24  }
0xaf: {  	[dreg:$0x3] =	wrdreg s2  }
0xb0: {  	[dreg:$0x4] =	wrdreg $0x9  }
0xb1: {  	_ =	task.clear_ibuf [dreg:s7], $0x5FFFF;
	_ =	strace $0x90000046  }
0xb2: {  	s29 =	simm.s32 $0x9;
	_ =	strace $0x80000048  }
0xb3: {  	_ =	swait.ge [sflag:s29], $0x1  }
0xb4: {  	[sflag:s29] =	ssyncadd.s32 $0xFFFFFFFF  }
0xb5: {  	_ =	strace $0x90000048  }
0xb6: {  	_ =	sfence  }
0xb7: {  	s30 =	sld [smem:$0x0];
	_ =	sdelay $0x2  }
0xb8: {  	s31 =	sshll.u32 s1, $0xD;
	s1 =	sshrl.u32 s1, $0x2  }
0xb9: {  	s3 =	sand.u32 $0x4000, s31;
	s1 =	sadd.s32 s1, s30  }
0xba: {  	s0 =	sor.u32 s3, s0;
	s1 =	sshll.u32 s1, $0x11  }
0xbb: {  	s0 =	sor.u32 s1, s0  }
0xbc: {  	s0 =	sadd.s32 $0x8F2B, s0  }
0xbd: {  	[sflag:s0] =	ssyncadd.remote.s32 $0x1  }
0xbe: {  	_ =	sfence.sel $0xFFFF  }
0xbf: {  	[dreg:$0x0] =	wrdreg $0xFFFFFFFF;
	(pc) =	sbr.abs _section_cstart, $3  }
0xc0: {  	[dreg:$0x1] =	wrdreg $0xFFFFFFFF  }
0xc1: {  	_ =	task.clear_ibuf [dreg:s7], $0x2FFFF;
	_ =	strace $0x9FFFFFFF  }
0xc2: {  	(tm) =	ssettm $0x7FFFFFFF  }
0xc3: {  	_ =	shalt  }
tec
execute0_lowered:
.L_overlay_start_1:
0x0: {  	(tag) =	ssettag $0x1  }
0x1: {  	s0 =	srdreg.scid  }
0x2: {  	s2 =	stileid.u32;
	s1 =	rddreg [dreg:$0x0]  }
0x3: {  	s29 =	simm.s32 $0xB300;
	s0 =	sand.u32 $0x1, s0;
	s3 =	sshll.u32 s2, $0x1  }
0x4: {  	s31 =	simm.s32 $0xCC00;
	s30 =	simm.s32 $0x11700;
	s5 =	sor.u32 s0, s3  }
0x5: {  	s28 =	simm.s32 $0x3;
	s10 =	simm.s32 $0x8;
	s4 =	smul.u32 $0xD00, s5  }
0x6: {  	s11 =	simm.s32 $0x0;
	s2 =	rddreg [dreg:$0x1];
	s7 =	smul.u32 $0x32000, s5  }
0x7: {  	s3 =	simm.s32 $0x0;
	s0 =	ssub.s32 $0x2, s0;
	s9 =	smul.u32 $0x190000, s5  }
0x8: {  	[smem:$0x7FF] =	sst s3;
	s17 =	sshrl.u32 s0, $0x1;
	s8 =	smul.u32 $0x6400, s5  }
0x9: {  	s5 =	simm.s32 $0x6;
	_ =	strace $0x80000047;
	s0 =	ssub.s32 s0, s17  }
0xa: {  	s6 =	sadd.s32 s4, s1;
	s4 =	sadd.s32 $0xF43000, s1;
	s1 =	sadd.s32 $0x1AC00, s1  }
0xb: {  	s19 =	sadd.s32 s2, s7;
	s21 =	sshrl.u32 s9, $0x3;
	[dreg:$0x3] =	wrdreg s1  }
0xc: {  	s12 =	sor.u32 $0xC8, s8;
	s0 =	smax.u32 s0, $0x1;
	[dreg:$0x5] =	wrdreg s19  }
0xd: {  	s13 =	sor.u32 $0x190, s8;
	s18 =	sadd.s32 $0xC00, s6;
	[dreg:$0xd] =	wrdreg s0  }
0xe: {  	s9 =	simm.s32 $0x7;
	s20 =	sadd.s32 $0x640, s19;
	[dreg:$0x4] =	wrdreg s18  }
0xf: {  	s22 =	sadd.s32 $0xC80, s19;
	s23 =	sadd.s32 $0x12C0, s19;
	[dreg:$0x6] =	wrdreg s20  }
0x10: {  	s1 =	sadd.s32 s2, s21;
	s21 =	simm.s32 $0x64;
	[dreg:$0x7] =	wrdreg s22  }
0x11: {  	s0 =	simm.s32 $0xE500;
	[dreg:$0x8] =	wrdreg s23;
	s24 =	sadd.s32 $0x30700, s1  }
0x12: {  	s19 =	simm.s32 $0x1;
	s25 =	sadd.s32 $0x30D40, s1;
	[dreg:$0x9] =	wrdreg s24  }
0x13: {  	s6 =	simm.s32 $0x4;
	s26 =	sadd.s32 $0x31380, s1;
	[dreg:$0xa] =	wrdreg s25  }
0x14: {  	s1 =	sadd.s32 $0x319C0, s1;
	s22 =	simm.s32 $0x6800;
	[dreg:$0xb] =	wrdreg s26  }
0x15: {  	s23 =	simm.s32 $0x5;
	[dreg:$0xc] =	wrdreg s1;
	s24 =	simm.s32 $0x8100  }
0x16: {  	s26 =	simm.s32 $0x9A00;
	s25 =	simm.s32 $0xFE00;
	s1 =	simm.s32 $0x2  }
.LBB2_1:
0x17: {  	[dreg:$0xe] =	wrdreg s11  }
0x18: {  	s7 =	rddreg [dreg:$0x3];
	s18 =	simm.s32 $0x13000;
	s20 =	simm.s32 $0x9  }
0x19: {  	[tilespmem:s18], [sflag:$0x9] =	stream.linear.gather [hbm4b:s7+s3], $0x3200, $0x38;
	[tilespmem:$0x16200] =	vst v63  }
0x1a: {  	_ =	swait.ge [sflag:s20], $0x3200  }
0x1b: {  	[sflag:s20] =	ssyncset.done $0x0  }
0x1c: {  	s14 =	rddreg [dreg:$0x4];
	[sflag:s20] =	ssyncadd.s32 $0xFFFFCE00  }
0x1d: {  	[tilespmem:s3], [sflag:$0x9] =	stream.linear.gather [hbm4b:s14+s3], $0x6800, $0x38;
	[tilespmem:$0x16200] =	vst v63  }
0x1e: {  	_ =	swait.ge [sflag:s20], $0x6800  }
0x1f: {  	[sflag:s20] =	ssyncset.done $0x0  }
0x20: {  	[sflag:s20] =	ssyncadd.s32 $0xFFFF9800  }
0x21: {  	[tilespmem:s22], [sflag:$0x1] =	stream.indirect.gather [hbm4b:s4+s21], $0x40, s3, s21, $0xb8;
	[tilespmem:$0x16200] =	vst v63  }
0x22: {  	s15 =	simm.s32 $0x68  }
0x23: {  	[tilespmem:s24], [sflag:$0x1] =	stream.indirect.gather [hbm4b:s4+s21], $0x40, s15, s21, $0xb8;
	[tilespmem:$0x16200] =	vst v63  }
0x24: {  	s16 =	simm.s32 $0xD0  }
0x25: {  	[tilespmem:s26], [sflag:$0x2] =	stream.indirect.gather [hbm4b:s4+s21], $0x40, s16, s21, $0xb8;
	[tilespmem:$0x16200] =	vst v63  }
0x26: {  	s17 =	simm.s32 $0x138  }
0x27: {  	[tilespmem:s29], [sflag:$0x2] =	stream.indirect.gather [hbm4b:s4+s21], $0x40, s17, s21, $0xb8;
	[tilespmem:$0x16200] =	vst v63  }
0x28: {  	s18 =	simm.s32 $0x1A0  }
0x29: {  	[tilespmem:s31], [sflag:$0x3] =	stream.indirect.gather [hbm4b:s4+s21], $0x40, s18, s21, $0xb8;
	[tilespmem:$0x16200] =	vst v63  }
0x2a: {  	s20 =	simm.s32 $0x208  }
0x2b: {  	[tilespmem:s0], [sflag:$0x3] =	stream.indirect.gather [hbm4b:s4+s21], $0x40, s20, s21, $0xb8;
	[tilespmem:$0x16200] =	vst v63  }
0x2c: {  	_ =	swait.ge [sflag:s19], $0x3200  }
0x2d: {  	[sflag:s19] =	ssyncset.done $0x0  }
0x2e: {  	s14 =	simm.s32 $0x6880;
	[sflag:s19] =	ssyncadd.s32 $0xFFFFCE00  }
0x2f: {  	s15 =	simm.s32 $0x13080;
	v0 =	vld [tilespmem:s14+$0x40]  }
0x30: {  	v1 =	vld [tilespmem:s15+$0x40]  }
0x31: {  	v2 =	vld [tilespmem:s14+$0xFFFFFFC0]  }
0x32: {  	v3 =	vld [tilespmem:s15+$0xFFFFFFC0]  }
0x33: {  	v4 =	vld [tilespmem:s14+$0x0]  }
0x34: {  	v5 =	vld [tilespmem:s15+$0x0]  }
0x35: {  	v6 =	vld [tilespmem:s14+$0xFFFFFF80];
	v0 =	vadd.f32 v1, v0  }
0x36: {  	v1 =	vld [tilespmem:s15+$0xFFFFFF80]  }
0x37: {  	[tilespmem:s14+$0x40] =	vst v0;
	v0 =	vld [tilespmem:s14+$0x50]  }
0x38: {  	v2 =	vadd.f32 v3, v2;
	v3 =	vld [tilespmem:s15+$0x50]  }
0x39: {  	v7 =	vld [tilespmem:s14+$0xFFFFFF90]  }
0x3a: {  	[tilespmem:s14+$0xFFFFFFC0] =	vst v2;
	v2 =	vadd.f32 v5, v4;
	v4 =	vld [tilespmem:s14+$0xFFFFFFD0]  }
0x3b: {  	v5 =	vld [tilespmem:s15+$0xFFFFFFD0];
	v1 =	vadd.f32 v1, v6  }
0x3c: {  	[tilespmem:s14+$0x0] =	vst v2;
	v2 =	vld [tilespmem:s14+$0x10]  }
0x3d: {  	v6 =	vld [tilespmem:s15+$0x10];
	[tilespmem:s14+$0xFFFFFF80] =	vst v1;
	v0 =	vadd.f32 v3, v0  }
0x3e: {  	v1 =	vld [tilespmem:s15+$0xFFFFFF90]  }
0x3f: {  	[tilespmem:s14+$0x50] =	vst v0;
	v0 =	vld [tilespmem:s14+$0x60]  }
0x40: {  	v3 =	vadd.f32 v5, v4;
	v4 =	vld [tilespmem:s15+$0x60]  }
0x41: {  	v5 =	vld [tilespmem:s14+$0xFFFFFFA0]  }
0x42: {  	[tilespmem:s14+$0xFFFFFFD0] =	vst v3;
	v2 =	vadd.f32 v6, v2;
	v3 =	vld [tilespmem:s14+$0xFFFFFFE0]  }
0x43: {  	v6 =	vld [tilespmem:s15+$0xFFFFFFE0];
	v1 =	vadd.f32 v1, v7  }
0x44: {  	[tilespmem:s14+$0x10] =	vst v2;
	v2 =	vld [tilespmem:s14+$0x20]  }
0x45: {  	v7 =	vld [tilespmem:s15+$0x20];
	[tilespmem:s14+$0xFFFFFF90] =	vst v1;
	v0 =	vadd.f32 v4, v0  }
0x46: {  	v4 =	vld [tilespmem:s15+$0xFFFFFFA0]  }
0x47: {  	v8 =	vld [tilespmem:s14+$0x70];
	[tilespmem:s14+$0x60] =	vst v0  }
0x48: {  	v1 =	vadd.f32 v6, v3;
	v6 =	vld [tilespmem:s15+$0x70]  }
0x49: {  	v0 =	vld [tilespmem:s14+$0xFFFFFFB0]  }
0x4a: {  	[tilespmem:s14+$0xFFFFFFE0] =	vst v1;
	v2 =	vadd.f32 v7, v2;
	v1 =	vld [tilespmem:s14+$0xFFFFFFF0]  }
0x4b: {  	v3 =	vld [tilespmem:s15+$0xFFFFFFF0];
	v4 =	vadd.f32 v4, v5  }
0x4c: {  	[tilespmem:s14+$0x20] =	vst v2;
	v2 =	vld [tilespmem:s14+$0x30]  }
0x4d: {  	[tilespmem:s14+$0xFFFFFFA0] =	vst v4;
	v4 =	vld [tilespmem:s15+$0x30];
	v6 =	vadd.f32 v6, v8  }
0x4e: {  	s7 =	simm.s32 $0x0;
	s16 =	simm.s32 $0x6980;
	v5 =	vld [tilespmem:s15+$0xFFFFFFB0]  }
.LBB2_2:
0x4f: {  	v7 =	vld [tilespmem:s16+$0x40];
	[tilespmem:s14+$0x70] =	vst v6;
	s15 =	sadd.s32 $0x100, s15  }
0x50: {  	s7 =	sadd.s32 $0x4, s7;
	v6 =	vld [tilespmem:s15+$0x40];
	v1 =	vadd.f32 v3, v1  }
0x51: {  	p0 =	slt.u32 s7, $0xC4;
	v3 =	vld [tilespmem:s15+$0xFFFFFF80]  }
0x52: {  	v8 =	vld [tilespmem:s16+$0xFFFFFFC0];
	[tilespmem:s14+$0xFFFFFFF0] =	vst v1;
	v1 =	vadd.f32 v4, v2  }
0x53: {  	v2 =	vld [tilespmem:s15+$0xFFFFFFC0];
	v0 =	vadd.f32 v5, v0  }
0x54: {  	v4 =	vld [tilespmem:s16+$0x0];
	[tilespmem:s14+$0x30] =	vst v1  }
0x55: {  	v1 =	vld [tilespmem:s15+$0x0];
	v5 =	vadd.f32 v6, v7;
	[tilespmem:s14+$0xFFFFFFB0] =	vst v0;
	s14 =	smov.u32 s16  }
0x56: {  	v0 =	vld [tilespmem:s16+$0xFFFFFF80]  }
0x57: {  	[tilespmem:s16+$0x40] =	vst v5;
	v5 =	vld [tilespmem:s16+$0x50]  }
0x58: {  	v2 =	vadd.f32 v2, v8;
	v6 =	vld [tilespmem:s15+$0x50]  }
0x59: {  	v7 =	vld [tilespmem:s16+$0xFFFFFF90]  }
0x5a: {  	[tilespmem:s16+$0xFFFFFFC0] =	vst v2;
	v2 =	vld [tilespmem:s16+$0xFFFFFFD0];
	v1 =	vadd.f32 v1, v4  }
0x5b: {  	v0 =	vadd.f32 v3, v0;
	v3 =	vld [tilespmem:s15+$0xFFFFFFD0]  }
0x5c: {  	[tilespmem:s16+$0x0] =	vst v1;
	v1 =	vld [tilespmem:s16+$0x10]  }
0x5d: {  	[tilespmem:s16+$0xFFFFFF80] =	vst v0;
	v0 =	vld [tilespmem:s15+$0x10];
	v4 =	vadd.f32 v6, v5  }
0x5e: {  	v5 =	vld [tilespmem:s15+$0xFFFFFF90]  }
0x5f: {  	[tilespmem:s16+$0x50] =	vst v4;
	v4 =	vld [tilespmem:s16+$0x60]  }
0x60: {  	v2 =	vadd.f32 v3, v2;
	v3 =	vld [tilespmem:s15+$0x60]  }
0x61: {  	v6 =	vld [tilespmem:s16+$0xFFFFFFA0]  }
0x62: {  	[tilespmem:s16+$0xFFFFFFD0] =	vst v2;
	v2 =	vld [tilespmem:s16+$0xFFFFFFE0];
	v0 =	vadd.f32 v0, v1  }
0x63: {  	v1 =	vadd.f32 v5, v7;
	v5 =	vld [tilespmem:s15+$0xFFFFFFE0]  }
0x64: {  	[tilespmem:s16+$0x10] =	vst v0;
	v7 =	vld [tilespmem:s16+$0x20]  }
0x65: {  	[tilespmem:s16+$0xFFFFFF90] =	vst v1;
	v8 =	vld [tilespmem:s15+$0x20];
	v0 =	vadd.f32 v3, v4  }
0x66: {  	v3 =	vld [tilespmem:s15+$0xFFFFFFA0]  }
0x67: {  	[tilespmem:s16+$0x60] =	vst v0;
	v9 =	vld [tilespmem:s16+$0x70]  }
0x68: {  	v1 =	vadd.f32 v5, v2;
	v5 =	vld [tilespmem:s15+$0x70]  }
0x69: {  	v0 =	vld [tilespmem:s16+$0xFFFFFFB0]  }
.Ltmp0:
0x6a: {  	[tilespmem:s16+$0xFFFFFFE0] =	vst v1;
	v1 =	vld [tilespmem:s16+$0xFFFFFFF0];
	v2 =	vadd.f32 v8, v7;
	(pc) =	sbr.rel @p0 .LBB2_2-.Ltmp0, $4  }
0x6b: {  	v4 =	vadd.f32 v3, v6;
	v3 =	vld [tilespmem:s15+$0xFFFFFFF0]  }
0x6c: {  	[tilespmem:s16+$0x20] =	vst v2;
	v2 =	vld [tilespmem:s16+$0x30]  }
0x6d: {  	[tilespmem:s16+$0xFFFFFFA0] =	vst v4;
	v4 =	vld [tilespmem:s15+$0x30];
	v6 =	vadd.f32 v5, v9  }
0x6e: {  	s16 =	sadd.s32 $0x100, s16;
	v5 =	vld [tilespmem:s15+$0xFFFFFFB0]  }
0x6f: {  	_ =	sdelay $0x1  }
0x70: {  	v1 =	vadd.f32 v3, v1  }
0x71: {  	[tilespmem:s14+$0x70] =	vst v6;
	v2 =	vadd.f32 v4, v2  }
0x72: {  	[tilespmem:s14+$0xFFFFFFF0] =	vst v1;
	v0 =	vadd.f32 v5, v0  }
0x73: {  	[tilespmem:s14+$0x30] =	vst v2  }
0x74: {  	[tilespmem:s14+$0xFFFFFFB0] =	vst v0  }
0x75: {  	s7 =	rddreg [dreg:$0x5]  }
0x76: {  	[hbm4b:s7+s3] =	stream.linear.scatter [tilespmem:s22], [sflag:$0x5], $0x3200, $0x38;
	[tilespmem:$0x16200] =	vst v63  }
0x77: {  	s18 =	simm.s32 $0x270  }
0x78: {  	[tilespmem:s25], [sflag:$0x4] =	stream.indirect.gather [hbm4b:s4+s21], $0x40, s18, s21, $0xb8;
	[tilespmem:$0x16200] =	vst v63  }
0x79: {  	s20 =	simm.s32 $0x2D8  }
0x7a: {  	[tilespmem:s30], [sflag:$0x4] =	stream.indirect.gather [hbm4b:s4+s21], $0x40, s20, s21, $0xb8;
	[tilespmem:$0x16200] =	vst v63  }
0x7b: {  	_ =	swait.ge [sflag:s1], $0x3200  }
0x7c: {  	[sflag:s1] =	ssyncset.done $0x0  }
0x7d: {  	s14 =	simm.s32 $0x9AF0;
	[sflag:s1] =	ssyncadd.s32 $0xFFFFCE00  }
0x7e: {  	s15 =	simm.s32 $0x13080;
	v0 =	vld [tilespmem:s14+$0xFFFFFFD0]  }
0x7f: {  	v1 =	vld [tilespmem:s15+$0x40]  }
0x80: {  	v2 =	vld [tilespmem:s14+$0xFFFFFF50]  }
0x81: {  	v3 =	vld [tilespmem:s15+$0xFFFFFFC0]  }
0x82: {  	v4 =	vld [tilespmem:s14+$0xFFFFFF90]  }
0x83: {  	v5 =	vld [tilespmem:s15+$0x0]  }
0x84: {  	v6 =	vld [tilespmem:s14+$0xFFFFFF10];
	v0 =	vadd.f32 v1, v0  }
0x85: {  	v1 =	vld [tilespmem:s15+$0xFFFFFF80]  }
0x86: {  	[tilespmem:s14+$0xFFFFFFD0] =	vst v0;
	v0 =	vld [tilespmem:s14+$0xFFFFFFE0]  }
0x87: {  	v2 =	vadd.f32 v3, v2;
	v3 =	vld [tilespmem:s15+$0x50]  }
0x88: {  	v7 =	vld [tilespmem:s14+$0xFFFFFF20]  }
0x89: {  	[tilespmem:s14+$0xFFFFFF50] =	vst v2;
	v2 =	vadd.f32 v5, v4;
	v4 =	vld [tilespmem:s14+$0xFFFFFF60]  }
0x8a: {  	v5 =	vld [tilespmem:s15+$0xFFFFFFD0];
	v1 =	vadd.f32 v1, v6  }
0x8b: {  	[tilespmem:s14+$0xFFFFFF90] =	vst v2;
	v2 =	vld [tilespmem:s14+$0xFFFFFFA0]  }
0x8c: {  	v6 =	vld [tilespmem:s15+$0x10];
	[tilespmem:s14+$0xFFFFFF10] =	vst v1;
	v0 =	vadd.f32 v3, v0  }
0x8d: {  	v1 =	vld [tilespmem:s15+$0xFFFFFF90]  }
0x8e: {  	[tilespmem:s14+$0xFFFFFFE0] =	vst v0;
	v0 =	vld [tilespmem:s14+$0xFFFFFFF0]  }
0x8f: {  	v3 =	vadd.f32 v5, v4;
	v4 =	vld [tilespmem:s15+$0x60]  }
0x90: {  	v5 =	vld [tilespmem:s14+$0xFFFFFF30]  }
0x91: {  	[tilespmem:s14+$0xFFFFFF60] =	vst v3;
	v2 =	vadd.f32 v6, v2;
	v3 =	vld [tilespmem:s14+$0xFFFFFF70]  }
0x92: {  	v6 =	vld [tilespmem:s15+$0xFFFFFFE0];
	v1 =	vadd.f32 v1, v7  }
0x93: {  	[tilespmem:s14+$0xFFFFFFA0] =	vst v2;
	v2 =	vld [tilespmem:s14+$0xFFFFFFB0]  }
0x94: {  	v7 =	vld [tilespmem:s15+$0x20];
	[tilespmem:s14+$0xFFFFFF20] =	vst v1;
	v0 =	vadd.f32 v4, v0  }
0x95: {  	v4 =	vld [tilespmem:s15+$0xFFFFFFA0]  }
0x96: {  	v8 =	vld [tilespmem:s14+$0x0];
	[tilespmem:s14+$0xFFFFFFF0] =	vst v0  }
0x97: {  	v1 =	vadd.f32 v6, v3;
	v6 =	vld [tilespmem:s15+$0x70]  }
0x98: {  	v0 =	vld [tilespmem:s14+$0xFFFFFF40]  }
0x99: {  	[tilespmem:s14+$0xFFFFFF70] =	vst v1;
	v2 =	vadd.f32 v7, v2;
	v1 =	vld [tilespmem:s14+$0xFFFFFF80]  }
0x9a: {  	v3 =	vld [tilespmem:s15+$0xFFFFFFF0];
	v4 =	vadd.f32 v4, v5  }
0x9b: {  	[tilespmem:s14+$0xFFFFFFB0] =	vst v2;
	v2 =	vld [tilespmem:s14+$0xFFFFFFC0]  }
0x9c: {  	[tilespmem:s14+$0xFFFFFF30] =	vst v4;
	v4 =	vld [tilespmem:s15+$0x30];
	v6 =	vadd.f32 v6, v8  }
0x9d: {  	s16 =	simm.s32 $0x9BF0;
	s7 =	simm.s32 $0x0;
	v5 =	vld [tilespmem:s15+$0xFFFFFFB0]  }
.LBB2_4:
0x9e: {  	v7 =	vld [tilespmem:s16+$0xFFFFFFD0];
	[tilespmem:s14+$0x0] =	vst v6;
	s15 =	sadd.s32 $0x100, s15  }
0x9f: {  	s7 =	sadd.s32 $0x4, s7;
	v6 =	vld [tilespmem:s15+$0x40];
	v1 =	vadd.f32 v3, v1  }
0xa0: {  	p0 =	slt.u32 s7, $0xC4;
	v3 =	vld [tilespmem:s15+$0xFFFFFF80]  }
0xa1: {  	v8 =	vld [tilespmem:s16+$0xFFFFFF50];
	[tilespmem:s14+$0xFFFFFF80] =	vst v1;
	v1 =	vadd.f32 v4, v2  }
0xa2: {  	v2 =	vld [tilespmem:s15+$0xFFFFFFC0];
	v0 =	vadd.f32 v5, v0  }
0xa3: {  	v4 =	vld [tilespmem:s16+$0xFFFFFF90];
	[tilespmem:s14+$0xFFFFFFC0] =	vst v1  }
0xa4: {  	v1 =	vld [tilespmem:s15+$0x0];
	v5 =	vadd.f32 v6, v7;
	[tilespmem:s14+$0xFFFFFF40] =	vst v0;
	s14 =	smov.u32 s16  }
0xa5: {  	v0 =	vld [tilespmem:s16+$0xFFFFFF10]  }
0xa6: {  	[tilespmem:s16+$0xFFFFFFD0] =	vst v5;
	v5 =	vld [tilespmem:s16+$0xFFFFFFE0]  }
0xa7: {  	v2 =	vadd.f32 v2, v8;
	v6 =	vld [tilespmem:s15+$0x50]  }
0xa8: {  	v7 =	vld [tilespmem:s16+$0xFFFFFF20]  }
0xa9: {  	[tilespmem:s16+$0xFFFFFF50] =	vst v2;
	v2 =	vld [tilespmem:s16+$0xFFFFFF60];
	v1 =	vadd.f32 v1, v4  }
0xaa: {  	v0 =	vadd.f32 v3, v0;
	v3 =	vld [tilespmem:s15+$0xFFFFFFD0]  }
0xab: {  	[tilespmem:s16+$0xFFFFFF90] =	vst v1;
	v1 =	vld [tilespmem:s16+$0xFFFFFFA0]  }
0xac: {  	[tilespmem:s16+$0xFFFFFF10] =	vst v0;
	v0 =	vld [tilespmem:s15+$0x10];
	v4 =	vadd.f32 v6, v5  }
0xad: {  	v5 =	vld [tilespmem:s15+$0xFFFFFF90]  }
0xae: {  	[tilespmem:s16+$0xFFFFFFE0] =	vst v4;
	v4 =	vld [tilespmem:s16+$0xFFFFFFF0]  }
0xaf: {  	v2 =	vadd.f32 v3, v2;
	v3 =	vld [tilespmem:s15+$0x60]  }
0xb0: {  	v6 =	vld [tilespmem:s16+$0xFFFFFF30]  }
0xb1: {  	[tilespmem:s16+$0xFFFFFF60] =	vst v2;
	v2 =	vld [tilespmem:s16+$0xFFFFFF70];
	v0 =	vadd.f32 v0, v1  }
0xb2: {  	v1 =	vadd.f32 v5, v7;
	v5 =	vld [tilespmem:s15+$0xFFFFFFE0]  }
0xb3: {  	[tilespmem:s16+$0xFFFFFFA0] =	vst v0;
	v7 =	vld [tilespmem:s16+$0xFFFFFFB0]  }
0xb4: {  	[tilespmem:s16+$0xFFFFFF20] =	vst v1;
	v8 =	vld [tilespmem:s15+$0x20];
	v0 =	vadd.f32 v3, v4  }
0xb5: {  	v3 =	vld [tilespmem:s15+$0xFFFFFFA0]  }
0xb6: {  	[tilespmem:s16+$0xFFFFFFF0] =	vst v0;
	v9 =	vld [tilespmem:s16+$0x0]  }
0xb7: {  	v1 =	vadd.f32 v5, v2;
	v5 =	vld [tilespmem:s15+$0x70]  }
0xb8: {  	v0 =	vld [tilespmem:s16+$0xFFFFFF40]  }
.Ltmp1:
0xb9: {  	[tilespmem:s16+$0xFFFFFF70] =	vst v1;
	v1 =	vld [tilespmem:s16+$0xFFFFFF80];
	v2 =	vadd.f32 v8, v7;
	(pc) =	sbr.rel @p0 .LBB2_4-.Ltmp1, $4  }
0xba: {  	v4 =	vadd.f32 v3, v6;
	v3 =	vld [tilespmem:s15+$0xFFFFFFF0]  }
0xbb: {  	[tilespmem:s16+$0xFFFFFFB0] =	vst v2;
	v2 =	vld [tilespmem:s16+$0xFFFFFFC0]  }
0xbc: {  	[tilespmem:s16+$0xFFFFFF30] =	vst v4;
	v4 =	vld [tilespmem:s15+$0x30];
	v6 =	vadd.f32 v5, v9  }
0xbd: {  	s16 =	sadd.s32 $0x100, s16;
	v5 =	vld [tilespmem:s15+$0xFFFFFFB0]  }
0xbe: {  	_ =	sdelay $0x1  }
0xbf: {  	v1 =	vadd.f32 v3, v1  }
0xc0: {  	[tilespmem:s14+$0x0] =	vst v6;
	v2 =	vadd.f32 v4, v2  }
0xc1: {  	[tilespmem:s14+$0xFFFFFF80] =	vst v1;
	v0 =	vadd.f32 v5, v0  }
0xc2: {  	[tilespmem:s14+$0xFFFFFFC0] =	vst v2  }
0xc3: {  	[tilespmem:s14+$0xFFFFFF40] =	vst v0  }
0xc4: {  	s7 =	simm.s32 $0x0;
	s11 =	rddreg [dreg:$0x6]  }
0xc5: {  	[hbm4b:s11+s7] =	stream.linear.scatter [tilespmem:s26], [sflag:$0x6], $0x3200, $0x38;
	[tilespmem:$0x16200] =	vst v63  }
0xc6: {  	_ =	swait.ge [sflag:s23], $0x3200  }
0xc7: {  	[sflag:s23] =	ssyncset.done $0x0  }
0xc8: {  	s18 =	simm.s32 $0x340;
	[sflag:s23] =	ssyncadd.s32 $0xFFFFCE00  }
0xc9: {  	[tilespmem:s22], [sflag:$0x1] =	stream.indirect.gather [hbm4b:s4+s21], $0x40, s18, s21, $0xb8;
	[tilespmem:$0x16200] =	vst v63  }
0xca: {  	s20 =	simm.s32 $0x3A8  }
0xcb: {  	[tilespmem:s24], [sflag:$0x1] =	stream.indirect.gather [hbm4b:s4+s21], $0x40, s20, s21, $0xb8;
	[tilespmem:$0x16200] =	vst v63  }
0xcc: {  	_ =	swait.ge [sflag:s28], $0x3200  }
0xcd: {  	[sflag:s28] =	ssyncset.done $0x0  }
0xce: {  	s14 =	simm.s32 $0x0;
	[sflag:s28] =	ssyncadd.s32 $0xFFFFCE00  }
0xcf: {  	v0 =	vld [tilespmem:s14+$0xCCF0]  }
0xd0: {  	v1 =	vld [tilespmem:s14+$0x130F0]  }
0xd1: {  	v2 =	vld [tilespmem:s14+$0xCC00]  }
0xd2: {  	v3 =	vld [tilespmem:s14+$0x13000]  }
0xd3: {  	v4 =	vld [tilespmem:s14+$0xCC10]  }
0xd4: {  	v5 =	vld [tilespmem:s14+$0x13010]  }
0xd5: {  	v6 =	vld [tilespmem:s14+$0xCC20]  }
0xd6: {  	v7 =	vld [tilespmem:s14+$0x13020]  }
0xd7: {  	v8 =	vld [tilespmem:s14+$0xCC30]  }
0xd8: {  	v9 =	vld [tilespmem:s14+$0x13030]  }
0xd9: {  	v10 =	vld [tilespmem:s14+$0xCC40]  }
0xda: {  	v11 =	vld [tilespmem:s14+$0x13040]  }
0xdb: {  	v12 =	vld [tilespmem:s14+$0xCC50]  }
0xdc: {  	v13 =	vld [tilespmem:s14+$0x13050]  }
0xdd: {  	v14 =	vld [tilespmem:s14+$0xCC60]  }
0xde: {  	v15 =	vld [tilespmem:s14+$0x13060]  }
0xdf: {  	v16 =	vld [tilespmem:s14+$0xCC70]  }
0xe0: {  	v61 =	vld [tilespmem:s14+$0x130A0];
	v0 =	vadd.f32 v1, v0  }
0xe1: {  	v1 =	vld [tilespmem:s14+$0x13070];
	v2 =	vadd.f32 v3, v2  }
0xe2: {  	v3 =	vld [tilespmem:s14+$0xCC80];
	[tilespmem:s14+$0xCCF0] =	vst v0;
	v0 =	vadd.f32 v5, v4  }
0xe3: {  	v4 =	vld [tilespmem:s14+$0x13080];
	[tilespmem:s14+$0xCC00] =	vst v2;
	v2 =	vadd.f32 v7, v6  }
0xe4: {  	v5 =	vld [tilespmem:s14+$0xCC90];
	[tilespmem:s14+$0xCC10] =	vst v0;
	v0 =	vadd.f32 v9, v8  }
0xe5: {  	v6 =	vld [tilespmem:s14+$0x13090];
	[tilespmem:s14+$0xCC20] =	vst v2;
	v2 =	vadd.f32 v11, v10  }
0xe6: {  	v7 =	vld [tilespmem:s14+$0xCCA0];
	v1 =	vadd.f32 v1, v16;
	[tilespmem:s14+$0xCC30] =	vst v0  }
0xe7: {  	v62 =	vld [tilespmem:s14+$0xCCB0];
	v0 =	vadd.f32 v13, v12;
	[tilespmem:s14+$0xCC40] =	vst v2  }
0xe8: {  	v63 =	vld [tilespmem:s14+$0x130B0];
	v2 =	vadd.f32 v15, v14;
	[tilespmem:s14+$0xCC70] =	vst v1  }
0xe9: {  	v3 =	vadd.f32 v4, v3;
	[tilespmem:s14+$0xCC50] =	vst v0;
	v0 =	vld [tilespmem:s14+$0xCCC0]  }
0xea: {  	v4 =	vadd.f32 v6, v5;
	[tilespmem:s14+$0xCC60] =	vst v2;
	v2 =	vld [tilespmem:s14+$0x130C0]  }
0xeb: {  	v5 =	vadd.f32 v61, v7;
	v1 =	vld [tilespmem:s14+$0xCCD0];
	[tilespmem:s14+$0xCC80] =	vst v3  }
0xec: {  	[tilespmem:s14+$0xCC90] =	vst v4;
	v3 =	vld [tilespmem:s14+$0x130D0]  }
0xed: {  	s15 =	simm.s32 $0x0;
	s7 =	simm.s32 $0x400;
	[tilespmem:s14+$0xCCA0] =	vst v5;
	v5 =	vadd.f32 v63, v62;
	v4 =	vld [tilespmem:s14+$0xCCE0]  }
.LBB2_6:
0xee: {  	s16 =	sshra.s32 s7, $0x2;
	v6 =	vld [tilespmem:s14+$0x130E0]  }
0xef: {  	s15 =	sadd.s32 $0x4, s15;
	v7 =	vld [tilespmem:s16+$0xCCF0];
	[tilespmem:s14+$0xCCB0] =	vst v5;
	v0 =	vadd.f32 v2, v0  }
0xf0: {  	p0 =	slt.u32 s15, $0xC4;
	v2 =	vld [tilespmem:s16+$0x130F0]  }
0xf1: {  	v5 =	vld [tilespmem:s16+$0xCC00];
	[tilespmem:s14+$0xCCC0] =	vst v0;
	v0 =	vadd.f32 v3, v1  }
0xf2: {  	v1 =	vld [tilespmem:s16+$0x13000]  }
0xf3: {  	v3 =	vld [tilespmem:s16+$0xCC10];
	[tilespmem:s14+$0xCCD0] =	vst v0;
	v0 =	vadd.f32 v6, v4  }
0xf4: {  	v4 =	vld [tilespmem:s16+$0x13010]  }
0xf5: {  	v6 =	vld [tilespmem:s16+$0xCC20];
	v2 =	vadd.f32 v2, v7;
	[tilespmem:s14+$0xCCE0] =	vst v0;
	s14 =	smov.u32 s16  }
0xf6: {  	v0 =	vld [tilespmem:s14+$0x13020]  }
0xf7: {  	v1 =	vadd.f32 v1, v5;
	v5 =	vld [tilespmem:s14+$0xCC30];
	[tilespmem:s14+$0xCCF0] =	vst v2  }
0xf8: {  	v2 =	vld [tilespmem:s14+$0x13030]  }
0xf9: {  	[tilespmem:s14+$0xCC00] =	vst v1;
	v1 =	vadd.f32 v4, v3;
	v3 =	vld [tilespmem:s14+$0xCC40]  }
0xfa: {  	v4 =	vld [tilespmem:s14+$0x13040]  }
0xfb: {  	[tilespmem:s14+$0xCC10] =	vst v1;
	v0 =	vadd.f32 v0, v6;
	v1 =	vld [tilespmem:s14+$0xCC50]  }
0xfc: {  	v6 =	vld [tilespmem:s14+$0x13050]  }
0xfd: {  	[tilespmem:s14+$0xCC20] =	vst v0;
	v0 =	vadd.f32 v2, v5;
	v2 =	vld [tilespmem:s14+$0xCC60]  }
0xfe: {  	v5 =	vld [tilespmem:s14+$0x13060]  }
0xff: {  	[tilespmem:s14+$0xCC30] =	vst v0;
	v0 =	vadd.f32 v4, v3;
	v3 =	vld [tilespmem:s14+$0xCC70]  }
0x100: {  	v4 =	vld [tilespmem:s14+$0x13070]  }
0x101: {  	[tilespmem:s14+$0xCC40] =	vst v0;
	v0 =	vadd.f32 v6, v1;
	v1 =	vld [tilespmem:s14+$0xCC80]  }
0x102: {  	v6 =	vld [tilespmem:s14+$0x13080]  }
0x103: {  	[tilespmem:s14+$0xCC50] =	vst v0;
	v0 =	vadd.f32 v5, v2;
	v2 =	vld [tilespmem:s14+$0xCC90]  }
0x104: {  	v5 =	vld [tilespmem:s14+$0x13090]  }
0x105: {  	[tilespmem:s14+$0xCC60] =	vst v0;
	v0 =	vadd.f32 v4, v3;
	v3 =	vld [tilespmem:s14+$0xCCA0]  }
0x106: {  	v4 =	vld [tilespmem:s14+$0x130A0]  }
0x107: {  	[tilespmem:s14+$0xCC70] =	vst v0;
	v0 =	vadd.f32 v6, v1;
	v6 =	vld [tilespmem:s14+$0xCCB0]  }
0x108: {  	v7 =	vld [tilespmem:s14+$0x130B0]  }
.Ltmp2:
0x109: {  	[tilespmem:s14+$0xCC80] =	vst v0;
	v1 =	vadd.f32 v5, v2;
	v0 =	vld [tilespmem:s14+$0xCCC0];
	(pc) =	sbr.rel @p0 .LBB2_6-.Ltmp2, $4  }
0x10a: {  	v2 =	vld [tilespmem:s14+$0x130C0]  }
0x10b: {  	[tilespmem:s14+$0xCC90] =	vst v1;
	v4 =	vadd.f32 v4, v3;
	v1 =	vld [tilespmem:s14+$0xCCD0]  }
0x10c: {  	v3 =	vld [tilespmem:s14+$0x130D0]  }
0x10d: {  	s7 =	sadd.s32 $0x400, s7;
	[tilespmem:s14+$0xCCA0] =	vst v4;
	v5 =	vadd.f32 v7, v6;
	v4 =	vld [tilespmem:s14+$0xCCE0]  }
0x10e: {  	v6 =	vld [tilespmem:s14+$0x130E0];
	_ =	sdelay $0x2  }
0x10f: {  	v0 =	vadd.f32 v2, v0  }
0x110: {  	[tilespmem:s14+$0xCCB0] =	vst v5;
	v1 =	vadd.f32 v3, v1  }
0x111: {  	[tilespmem:s14+$0xCCC0] =	vst v0;
	v0 =	vadd.f32 v6, v4  }
0x112: {  	[tilespmem:s14+$0xCCD0] =	vst v1  }
0x113: {  	[tilespmem:s14+$0xCCE0] =	vst v0  }
0x114: {  	s7 =	simm.s32 $0x0;
	s11 =	rddreg [dreg:$0x7]  }
0x115: {  	[hbm4b:s11+s7] =	stream.linear.scatter [tilespmem:s31], [sflag:$0x7], $0x3200, $0x38;
	[tilespmem:$0x16200] =	vst v63  }
0x116: {  	_ =	swait.ge [sflag:s5], $0x3200  }
0x117: {  	[sflag:s5] =	ssyncset.done $0x0  }
0x118: {  	s18 =	simm.s32 $0x410;
	[sflag:s5] =	ssyncadd.s32 $0xFFFFCE00  }
0x119: {  	[tilespmem:s26], [sflag:$0x2] =	stream.indirect.gather [hbm4b:s4+s21], $0x40, s18, s21, $0xb8;
	[tilespmem:$0x16200] =	vst v63  }
0x11a: {  	s20 =	simm.s32 $0x478  }
0x11b: {  	[tilespmem:s29], [sflag:$0x2] =	stream.indirect.gather [hbm4b:s4+s21], $0x40, s20, s21, $0xb8;
	[tilespmem:$0x16200] =	vst v63  }
0x11c: {  	_ =	swait.ge [sflag:s6], $0x3200  }
0x11d: {  	[sflag:s6] =	ssyncset.done $0x0  }
0x11e: {  	s14 =	simm.s32 $0x0;
	[sflag:s6] =	ssyncadd.s32 $0xFFFFCE00  }
0x11f: {  	v0 =	vld [tilespmem:s14+$0xFEF0]  }
0x120: {  	v1 =	vld [tilespmem:s14+$0x130F0]  }
0x121: {  	v2 =	vld [tilespmem:s14+$0xFE00]  }
0x122: {  	v3 =	vld [tilespmem:s14+$0x13000]  }
0x123: {  	v4 =	vld [tilespmem:s14+$0xFE10]  }
0x124: {  	v5 =	vld [tilespmem:s14+$0x13010]  }
0x125: {  	v6 =	vld [tilespmem:s14+$0xFE20]  }
0x126: {  	v7 =	vld [tilespmem:s14+$0x13020]  }
0x127: {  	v8 =	vld [tilespmem:s14+$0xFE30]  }
0x128: {  	v9 =	vld [tilespmem:s14+$0x13030]  }
0x129: {  	v10 =	vld [tilespmem:s14+$0xFE40]  }
0x12a: {  	v11 =	vld [tilespmem:s14+$0x13040]  }
0x12b: {  	v12 =	vld [tilespmem:s14+$0xFE50]  }
0x12c: {  	v13 =	vld [tilespmem:s14+$0x13050]  }
0x12d: {  	v14 =	vld [tilespmem:s14+$0xFE60]  }
0x12e: {  	v15 =	vld [tilespmem:s14+$0x13060]  }
0x12f: {  	v16 =	vld [tilespmem:s14+$0xFE70]  }
0x130: {  	v61 =	vld [tilespmem:s14+$0x130A0];
	v0 =	vadd.f32 v1, v0  }
0x131: {  	v1 =	vld [tilespmem:s14+$0x13070];
	v2 =	vadd.f32 v3, v2  }
0x132: {  	v3 =	vld [tilespmem:s14+$0xFE80];
	[tilespmem:s14+$0xFEF0] =	vst v0;
	v0 =	vadd.f32 v5, v4  }
0x133: {  	v4 =	vld [tilespmem:s14+$0x13080];
	[tilespmem:s14+$0xFE00] =	vst v2;
	v2 =	vadd.f32 v7, v6  }
0x134: {  	v5 =	vld [tilespmem:s14+$0xFE90];
	[tilespmem:s14+$0xFE10] =	vst v0;
	v0 =	vadd.f32 v9, v8  }
0x135: {  	v6 =	vld [tilespmem:s14+$0x13090];
	[tilespmem:s14+$0xFE20] =	vst v2;
	v2 =	vadd.f32 v11, v10  }
0x136: {  	v7 =	vld [tilespmem:s14+$0xFEA0];
	v1 =	vadd.f32 v1, v16;
	[tilespmem:s14+$0xFE30] =	vst v0  }
0x137: {  	v62 =	vld [tilespmem:s14+$0xFEB0];
	v0 =	vadd.f32 v13, v12;
	[tilespmem:s14+$0xFE40] =	vst v2  }
0x138: {  	v63 =	vld [tilespmem:s14+$0x130B0];
	v2 =	vadd.f32 v15, v14;
	[tilespmem:s14+$0xFE70] =	vst v1  }
0x139: {  	v3 =	vadd.f32 v4, v3;
	[tilespmem:s14+$0xFE50] =	vst v0;
	v0 =	vld [tilespmem:s14+$0xFEC0]  }
0x13a: {  	v4 =	vadd.f32 v6, v5;
	[tilespmem:s14+$0xFE60] =	vst v2;
	v2 =	vld [tilespmem:s14+$0x130C0]  }
0x13b: {  	v5 =	vadd.f32 v61, v7;
	v1 =	vld [tilespmem:s14+$0xFED0];
	[tilespmem:s14+$0xFE80] =	vst v3  }
0x13c: {  	[tilespmem:s14+$0xFE90] =	vst v4;
	v3 =	vld [tilespmem:s14+$0x130D0]  }
0x13d: {  	s15 =	simm.s32 $0x0;
	s7 =	simm.s32 $0x400;
	[tilespmem:s14+$0xFEA0] =	vst v5;
	v5 =	vadd.f32 v63, v62;
	v4 =	vld [tilespmem:s14+$0xFEE0]  }
.LBB2_8:
0x13e: {  	s16 =	sshra.s32 s7, $0x2;
	v6 =	vld [tilespmem:s14+$0x130E0]  }
0x13f: {  	s15 =	sadd.s32 $0x4, s15;
	v7 =	vld [tilespmem:s16+$0xFEF0];
	[tilespmem:s14+$0xFEB0] =	vst v5;
	v0 =	vadd.f32 v2, v0  }
0x140: {  	p0 =	slt.u32 s15, $0xC4;
	v2 =	vld [tilespmem:s16+$0x130F0]  }
0x141: {  	v5 =	vld [tilespmem:s16+$0xFE00];
	[tilespmem:s14+$0xFEC0] =	vst v0;
	v0 =	vadd.f32 v3, v1  }
0x142: {  	v1 =	vld [tilespmem:s16+$0x13000]  }
0x143: {  	v3 =	vld [tilespmem:s16+$0xFE10];
	[tilespmem:s14+$0xFED0] =	vst v0;
	v0 =	vadd.f32 v6, v4  }
0x144: {  	v4 =	vld [tilespmem:s16+$0x13010]  }
0x145: {  	v6 =	vld [tilespmem:s16+$0xFE20];
	v2 =	vadd.f32 v2, v7;
	[tilespmem:s14+$0xFEE0] =	vst v0;
	s14 =	smov.u32 s16  }
0x146: {  	v0 =	vld [tilespmem:s14+$0x13020]  }
0x147: {  	v1 =	vadd.f32 v1, v5;
	v5 =	vld [tilespmem:s14+$0xFE30];
	[tilespmem:s14+$0xFEF0] =	vst v2  }
0x148: {  	v2 =	vld [tilespmem:s14+$0x13030]  }
0x149: {  	[tilespmem:s14+$0xFE00] =	vst v1;
	v1 =	vadd.f32 v4, v3;
	v3 =	vld [tilespmem:s14+$0xFE40]  }
0x14a: {  	v4 =	vld [tilespmem:s14+$0x13040]  }
0x14b: {  	[tilespmem:s14+$0xFE10] =	vst v1;
	v0 =	vadd.f32 v0, v6;
	v1 =	vld [tilespmem:s14+$0xFE50]  }
0x14c: {  	v6 =	vld [tilespmem:s14+$0x13050]  }
0x14d: {  	[tilespmem:s14+$0xFE20] =	vst v0;
	v0 =	vadd.f32 v2, v5;
	v2 =	vld [tilespmem:s14+$0xFE60]  }
0x14e: {  	v5 =	vld [tilespmem:s14+$0x13060]  }
0x14f: {  	[tilespmem:s14+$0xFE30] =	vst v0;
	v0 =	vadd.f32 v4, v3;
	v3 =	vld [tilespmem:s14+$0xFE70]  }
0x150: {  	v4 =	vld [tilespmem:s14+$0x13070]  }
0x151: {  	[tilespmem:s14+$0xFE40] =	vst v0;
	v0 =	vadd.f32 v6, v1;
	v1 =	vld [tilespmem:s14+$0xFE80]  }
0x152: {  	v6 =	vld [tilespmem:s14+$0x13080]  }
0x153: {  	[tilespmem:s14+$0xFE50] =	vst v0;
	v0 =	vadd.f32 v5, v2;
	v2 =	vld [tilespmem:s14+$0xFE90]  }
0x154: {  	v5 =	vld [tilespmem:s14+$0x13090]  }
0x155: {  	[tilespmem:s14+$0xFE60] =	vst v0;
	v0 =	vadd.f32 v4, v3;
	v3 =	vld [tilespmem:s14+$0xFEA0]  }
0x156: {  	v4 =	vld [tilespmem:s14+$0x130A0]  }
0x157: {  	[tilespmem:s14+$0xFE70] =	vst v0;
	v0 =	vadd.f32 v6, v1;
	v6 =	vld [tilespmem:s14+$0xFEB0]  }
0x158: {  	v7 =	vld [tilespmem:s14+$0x130B0]  }
.Ltmp3:
0x159: {  	[tilespmem:s14+$0xFE80] =	vst v0;
	v1 =	vadd.f32 v5, v2;
	v0 =	vld [tilespmem:s14+$0xFEC0];
	(pc) =	sbr.rel @p0 .LBB2_8-.Ltmp3, $4  }
0x15a: {  	v2 =	vld [tilespmem:s14+$0x130C0]  }
0x15b: {  	[tilespmem:s14+$0xFE90] =	vst v1;
	v4 =	vadd.f32 v4, v3;
	v1 =	vld [tilespmem:s14+$0xFED0]  }
0x15c: {  	v3 =	vld [tilespmem:s14+$0x130D0]  }
0x15d: {  	s7 =	sadd.s32 $0x400, s7;
	[tilespmem:s14+$0xFEA0] =	vst v4;
	v5 =	vadd.f32 v7, v6;
	v4 =	vld [tilespmem:s14+$0xFEE0]  }
0x15e: {  	v6 =	vld [tilespmem:s14+$0x130E0];
	_ =	sdelay $0x2  }
0x15f: {  	v0 =	vadd.f32 v2, v0  }
0x160: {  	[tilespmem:s14+$0xFEB0] =	vst v5;
	v1 =	vadd.f32 v3, v1  }
0x161: {  	[tilespmem:s14+$0xFEC0] =	vst v0;
	v63 =	vadd.f32 v6, v4  }
0x162: {  	[tilespmem:s14+$0xFED0] =	vst v1  }
0x163: {  	[tilespmem:s14+$0xFEE0] =	vst v63  }
0x164: {  	s7 =	rddreg [dreg:$0x8]  }
0x165: {  	[hbm4b:s7+s3] =	stream.linear.scatter [tilespmem:s25], [sflag:$0x8], $0x3200, $0x38;
	[tilespmem:$0x16200] =	vst v63  }
0x166: {  	_ =	swait.ge [sflag:s9], $0x3200  }
0x167: {  	[sflag:s9] =	ssyncset.done $0x0  }
0x168: {  	s18 =	simm.s32 $0x4E0;
	[sflag:s9] =	ssyncadd.s32 $0xFFFFCE00  }
0x169: {  	[tilespmem:s31], [sflag:$0x3] =	stream.indirect.gather [hbm4b:s4+s21], $0x40, s18, s21, $0xb8;
	[tilespmem:$0x16200] =	vst v63  }
0x16a: {  	s20 =	simm.s32 $0x548;
	s14 =	simm.s32 $0x1  }
0x16b: {  	[tilespmem:s0], [sflag:$0x3] =	stream.indirect.gather [hbm4b:s4+s21], $0x40, s20, s21, $0xb8;
	[tilespmem:$0x16200] =	vst v63  }
.LBB2_10:
0x16c: {  	_ =	swait.ge [sflag:s19], $0x3200  }
0x16d: {  	[sflag:s19] =	ssyncset.done $0x0  }
0x16e: {  	s15 =	simm.s32 $0x6880;
	[sflag:s19] =	ssyncadd.s32 $0xFFFFCE00  }
0x16f: {  	s16 =	simm.s32 $0x13080;
	v0 =	vld [tilespmem:s15+$0x40]  }
0x170: {  	v1 =	vld [tilespmem:s16+$0x40]  }
0x171: {  	v2 =	vld [tilespmem:s15+$0xFFFFFFC0]  }
0x172: {  	v3 =	vld [tilespmem:s16+$0xFFFFFFC0]  }
0x173: {  	v4 =	vld [tilespmem:s15+$0x0]  }
0x174: {  	v5 =	vld [tilespmem:s16+$0x0]  }
0x175: {  	v6 =	vld [tilespmem:s15+$0xFFFFFF80];
	v0 =	vadd.f32 v1, v0  }
0x176: {  	v1 =	vld [tilespmem:s16+$0xFFFFFF80]  }
0x177: {  	[tilespmem:s15+$0x40] =	vst v0;
	v0 =	vld [tilespmem:s15+$0x50]  }
0x178: {  	v2 =	vadd.f32 v3, v2;
	v3 =	vld [tilespmem:s16+$0x50]  }
0x179: {  	v7 =	vld [tilespmem:s15+$0xFFFFFF90]  }
0x17a: {  	[tilespmem:s15+$0xFFFFFFC0] =	vst v2;
	v2 =	vadd.f32 v5, v4;
	v4 =	vld [tilespmem:s15+$0xFFFFFFD0]  }
0x17b: {  	v5 =	vld [tilespmem:s16+$0xFFFFFFD0];
	v1 =	vadd.f32 v1, v6  }
0x17c: {  	[tilespmem:s15+$0x0] =	vst v2;
	v2 =	vld [tilespmem:s15+$0x10]  }
0x17d: {  	v6 =	vld [tilespmem:s16+$0x10];
	[tilespmem:s15+$0xFFFFFF80] =	vst v1;
	v0 =	vadd.f32 v3, v0  }
0x17e: {  	v1 =	vld [tilespmem:s16+$0xFFFFFF90]  }
0x17f: {  	[tilespmem:s15+$0x50] =	vst v0;
	v0 =	vld [tilespmem:s15+$0x60]  }
0x180: {  	v3 =	vadd.f32 v5, v4;
	v4 =	vld [tilespmem:s16+$0x60]  }
0x181: {  	v5 =	vld [tilespmem:s15+$0xFFFFFFA0]  }
0x182: {  	[tilespmem:s15+$0xFFFFFFD0] =	vst v3;
	v2 =	vadd.f32 v6, v2;
	v3 =	vld [tilespmem:s15+$0xFFFFFFE0]  }
0x183: {  	v6 =	vld [tilespmem:s16+$0xFFFFFFE0];
	v1 =	vadd.f32 v1, v7  }
0x184: {  	[tilespmem:s15+$0x10] =	vst v2;
	v2 =	vld [tilespmem:s15+$0x20]  }
0x185: {  	v7 =	vld [tilespmem:s16+$0x20];
	[tilespmem:s15+$0xFFFFFF90] =	vst v1;
	v0 =	vadd.f32 v4, v0  }
0x186: {  	v4 =	vld [tilespmem:s16+$0xFFFFFFA0]  }
0x187: {  	v8 =	vld [tilespmem:s15+$0x70];
	[tilespmem:s15+$0x60] =	vst v0  }
0x188: {  	v1 =	vadd.f32 v6, v3;
	v6 =	vld [tilespmem:s16+$0x70]  }
0x189: {  	v0 =	vld [tilespmem:s15+$0xFFFFFFB0]  }
0x18a: {  	[tilespmem:s15+$0xFFFFFFE0] =	vst v1;
	v2 =	vadd.f32 v7, v2;
	v1 =	vld [tilespmem:s15+$0xFFFFFFF0]  }
0x18b: {  	v3 =	vld [tilespmem:s16+$0xFFFFFFF0];
	v4 =	vadd.f32 v4, v5  }
0x18c: {  	[tilespmem:s15+$0x20] =	vst v2;
	v2 =	vld [tilespmem:s15+$0x30]  }
0x18d: {  	[tilespmem:s15+$0xFFFFFFA0] =	vst v4;
	v4 =	vld [tilespmem:s16+$0x30];
	v6 =	vadd.f32 v6, v8  }
0x18e: {  	s7 =	simm.s32 $0x0;
	s17 =	simm.s32 $0x6980;
	v5 =	vld [tilespmem:s16+$0xFFFFFFB0]  }
.LBB2_11:
0x18f: {  	v7 =	vld [tilespmem:s17+$0x40];
	[tilespmem:s15+$0x70] =	vst v6;
	s16 =	sadd.s32 $0x100, s16  }
0x190: {  	s7 =	sadd.s32 $0x4, s7;
	v6 =	vld [tilespmem:s16+$0x40];
	v1 =	vadd.f32 v3, v1  }
0x191: {  	p0 =	slt.u32 s7, $0xC4;
	v3 =	vld [tilespmem:s16+$0xFFFFFF80]  }
0x192: {  	v8 =	vld [tilespmem:s17+$0xFFFFFFC0];
	[tilespmem:s15+$0xFFFFFFF0] =	vst v1;
	v1 =	vadd.f32 v4, v2  }
0x193: {  	v2 =	vld [tilespmem:s16+$0xFFFFFFC0];
	v0 =	vadd.f32 v5, v0  }
0x194: {  	v4 =	vld [tilespmem:s17+$0x0];
	[tilespmem:s15+$0x30] =	vst v1  }
0x195: {  	v1 =	vld [tilespmem:s16+$0x0];
	v5 =	vadd.f32 v6, v7;
	[tilespmem:s15+$0xFFFFFFB0] =	vst v0;
	s15 =	smov.u32 s17  }
0x196: {  	v0 =	vld [tilespmem:s17+$0xFFFFFF80]  }
0x197: {  	[tilespmem:s17+$0x40] =	vst v5;
	v5 =	vld [tilespmem:s17+$0x50]  }
0x198: {  	v2 =	vadd.f32 v2, v8;
	v6 =	vld [tilespmem:s16+$0x50]  }
0x199: {  	v7 =	vld [tilespmem:s17+$0xFFFFFF90]  }
0x19a: {  	[tilespmem:s17+$0xFFFFFFC0] =	vst v2;
	v2 =	vld [tilespmem:s17+$0xFFFFFFD0];
	v1 =	vadd.f32 v1, v4  }
0x19b: {  	v0 =	vadd.f32 v3, v0;
	v3 =	vld [tilespmem:s16+$0xFFFFFFD0]  }
0x19c: {  	[tilespmem:s17+$0x0] =	vst v1;
	v1 =	vld [tilespmem:s17+$0x10]  }
0x19d: {  	[tilespmem:s17+$0xFFFFFF80] =	vst v0;
	v0 =	vld [tilespmem:s16+$0x10];
	v4 =	vadd.f32 v6, v5  }
0x19e: {  	v5 =	vld [tilespmem:s16+$0xFFFFFF90]  }
0x19f: {  	[tilespmem:s17+$0x50] =	vst v4;
	v4 =	vld [tilespmem:s17+$0x60]  }
0x1a0: {  	v2 =	vadd.f32 v3, v2;
	v3 =	vld [tilespmem:s16+$0x60]  }
0x1a1: {  	v6 =	vld [tilespmem:s17+$0xFFFFFFA0]  }
0x1a2: {  	[tilespmem:s17+$0xFFFFFFD0] =	vst v2;
	v2 =	vld [tilespmem:s17+$0xFFFFFFE0];
	v0 =	vadd.f32 v0, v1  }
0x1a3: {  	v1 =	vadd.f32 v5, v7;
	v5 =	vld [tilespmem:s16+$0xFFFFFFE0]  }
0x1a4: {  	[tilespmem:s17+$0x10] =	vst v0;
	v7 =	vld [tilespmem:s17+$0x20]  }
0x1a5: {  	[tilespmem:s17+$0xFFFFFF90] =	vst v1;
	v8 =	vld [tilespmem:s16+$0x20];
	v0 =	vadd.f32 v3, v4  }
0x1a6: {  	v3 =	vld [tilespmem:s16+$0xFFFFFFA0]  }
0x1a7: {  	[tilespmem:s17+$0x60] =	vst v0;
	v9 =	vld [tilespmem:s17+$0x70]  }
0x1a8: {  	v1 =	vadd.f32 v5, v2;
	v5 =	vld [tilespmem:s16+$0x70]  }
0x1a9: {  	v0 =	vld [tilespmem:s17+$0xFFFFFFB0]  }
.Ltmp4:
0x1aa: {  	[tilespmem:s17+$0xFFFFFFE0] =	vst v1;
	v1 =	vld [tilespmem:s17+$0xFFFFFFF0];
	v2 =	vadd.f32 v8, v7;
	(pc) =	sbr.rel @p0 .LBB2_11-.Ltmp4, $4  }
0x1ab: {  	v4 =	vadd.f32 v3, v6;
	v3 =	vld [tilespmem:s16+$0xFFFFFFF0]  }
0x1ac: {  	[tilespmem:s17+$0x20] =	vst v2;
	v2 =	vld [tilespmem:s17+$0x30]  }
0x1ad: {  	[tilespmem:s17+$0xFFFFFFA0] =	vst v4;
	v4 =	vld [tilespmem:s16+$0x30];
	v6 =	vadd.f32 v5, v9  }
0x1ae: {  	s17 =	sadd.s32 $0x100, s17;
	v5 =	vld [tilespmem:s16+$0xFFFFFFB0]  }
0x1af: {  	_ = 	snop  }
0x1b0: {  	s16 =	smul.u32 $0x320, s14  }
0x1b1: {  	v1 =	vadd.f32 v3, v1  }
0x1b2: {  	[tilespmem:s15+$0x70] =	vst v6;
	s7 =	sadd.s32 s8, s16;
	v2 =	vadd.f32 v4, v2  }
0x1b3: {  	[tilespmem:s15+$0xFFFFFFF0] =	vst v1;
	s7 =	sshll.u32 s7, $0x3;
	v0 =	vadd.f32 v5, v0  }
0x1b4: {  	s7 =	sand.u32 $0x1FFFFF00, s7;
	[tilespmem:s15+$0x30] =	vst v2  }
0x1b5: {  	s7 =	sadd.s32 s2, s7;
	[tilespmem:s15+$0xFFFFFFB0] =	vst v0;
	s15 =	sshllo.u32 s14, $0x2  }
0x1b6: {  	[hbm4b:s7+s3] =	stream.linear.scatter [tilespmem:s22], [sflag:$0x5], $0x3200, $0x38;
	[tilespmem:$0x16200] =	vst v63  }
0x1b7: {  	s20 =	smul.u32 $0x340, s15;
	_ =	swait.ge [sflag:s10], $0x3200  }
0x1b8: {  	[sflag:s10] =	ssyncset.done $0x0  }
0x1b9: {  	s7 =	sshra.s32 s20, $0x2;
	[sflag:s10] =	ssyncadd.s32 $0xFFFFCE00  }
0x1ba: {  	[tilespmem:s25], [sflag:$0x4] =	stream.indirect.gather [hbm4b:s4+s21], $0x40, s7, s21, $0xb8;
	[tilespmem:$0x16200] =	vst v63  }
0x1bb: {  	s7 =	sadd.s32 $0x68, s7  }
0x1bc: {  	[tilespmem:s30], [sflag:$0x4] =	stream.indirect.gather [hbm4b:s4+s21], $0x40, s7, s21, $0xb8;
	[tilespmem:$0x16200] =	vst v63  }
0x1bd: {  	_ =	swait.ge [sflag:s1], $0x3200  }
0x1be: {  	[sflag:s1] =	ssyncset.done $0x0  }
0x1bf: {  	s17 =	simm.s32 $0x9AF0;
	[sflag:s1] =	ssyncadd.s32 $0xFFFFCE00  }
0x1c0: {  	s18 =	simm.s32 $0x13080;
	v0 =	vld [tilespmem:s17+$0xFFFFFFD0]  }
0x1c1: {  	v1 =	vld [tilespmem:s18+$0x40]  }
0x1c2: {  	v2 =	vld [tilespmem:s17+$0xFFFFFF50]  }
0x1c3: {  	v3 =	vld [tilespmem:s18+$0xFFFFFFC0]  }
0x1c4: {  	v4 =	vld [tilespmem:s17+$0xFFFFFF90]  }
0x1c5: {  	v5 =	vld [tilespmem:s18+$0x0]  }
0x1c6: {  	v6 =	vld [tilespmem:s17+$0xFFFFFF10];
	v0 =	vadd.f32 v1, v0  }
0x1c7: {  	v1 =	vld [tilespmem:s18+$0xFFFFFF80]  }
0x1c8: {  	[tilespmem:s17+$0xFFFFFFD0] =	vst v0;
	v0 =	vld [tilespmem:s17+$0xFFFFFFE0]  }
0x1c9: {  	v2 =	vadd.f32 v3, v2;
	v3 =	vld [tilespmem:s18+$0x50]  }
0x1ca: {  	v7 =	vld [tilespmem:s17+$0xFFFFFF20]  }
0x1cb: {  	[tilespmem:s17+$0xFFFFFF50] =	vst v2;
	v2 =	vadd.f32 v5, v4;
	v4 =	vld [tilespmem:s17+$0xFFFFFF60]  }
0x1cc: {  	v5 =	vld [tilespmem:s18+$0xFFFFFFD0];
	v1 =	vadd.f32 v1, v6  }
0x1cd: {  	[tilespmem:s17+$0xFFFFFF90] =	vst v2;
	v2 =	vld [tilespmem:s17+$0xFFFFFFA0]  }
0x1ce: {  	v6 =	vld [tilespmem:s18+$0x10];
	[tilespmem:s17+$0xFFFFFF10] =	vst v1;
	v0 =	vadd.f32 v3, v0  }
0x1cf: {  	v1 =	vld [tilespmem:s18+$0xFFFFFF90]  }
0x1d0: {  	[tilespmem:s17+$0xFFFFFFE0] =	vst v0;
	v0 =	vld [tilespmem:s17+$0xFFFFFFF0]  }
0x1d1: {  	v3 =	vadd.f32 v5, v4;
	v4 =	vld [tilespmem:s18+$0x60]  }
0x1d2: {  	v5 =	vld [tilespmem:s17+$0xFFFFFF30]  }
0x1d3: {  	[tilespmem:s17+$0xFFFFFF60] =	vst v3;
	v2 =	vadd.f32 v6, v2;
	v3 =	vld [tilespmem:s17+$0xFFFFFF70]  }
0x1d4: {  	v6 =	vld [tilespmem:s18+$0xFFFFFFE0];
	v1 =	vadd.f32 v1, v7  }
0x1d5: {  	[tilespmem:s17+$0xFFFFFFA0] =	vst v2;
	v2 =	vld [tilespmem:s17+$0xFFFFFFB0]  }
0x1d6: {  	v7 =	vld [tilespmem:s18+$0x20];
	[tilespmem:s17+$0xFFFFFF20] =	vst v1;
	v0 =	vadd.f32 v4, v0  }
0x1d7: {  	v4 =	vld [tilespmem:s18+$0xFFFFFFA0]  }
0x1d8: {  	v8 =	vld [tilespmem:s17+$0x0];
	[tilespmem:s17+$0xFFFFFFF0] =	vst v0  }
0x1d9: {  	v1 =	vadd.f32 v6, v3;
	v6 =	vld [tilespmem:s18+$0x70]  }
0x1da: {  	v0 =	vld [tilespmem:s17+$0xFFFFFF40]  }
0x1db: {  	[tilespmem:s17+$0xFFFFFF70] =	vst v1;
	v2 =	vadd.f32 v7, v2;
	v1 =	vld [tilespmem:s17+$0xFFFFFF80]  }
0x1dc: {  	v3 =	vld [tilespmem:s18+$0xFFFFFFF0];
	v4 =	vadd.f32 v4, v5  }
0x1dd: {  	[tilespmem:s17+$0xFFFFFFB0] =	vst v2;
	v2 =	vld [tilespmem:s17+$0xFFFFFFC0]  }
0x1de: {  	[tilespmem:s17+$0xFFFFFF30] =	vst v4;
	v4 =	vld [tilespmem:s18+$0x30];
	v6 =	vadd.f32 v6, v8  }
0x1df: {  	s20 =	simm.s32 $0x9BF0;
	s7 =	simm.s32 $0x0;
	v5 =	vld [tilespmem:s18+$0xFFFFFFB0]  }
.LBB2_13:
0x1e0: {  	v7 =	vld [tilespmem:s20+$0xFFFFFFD0];
	[tilespmem:s17+$0x0] =	vst v6;
	s18 =	sadd.s32 $0x100, s18  }
0x1e1: {  	s7 =	sadd.s32 $0x4, s7;
	v6 =	vld [tilespmem:s18+$0x40];
	v1 =	vadd.f32 v3, v1  }
0x1e2: {  	p0 =	slt.u32 s7, $0xC4;
	v3 =	vld [tilespmem:s18+$0xFFFFFF80]  }
0x1e3: {  	v8 =	vld [tilespmem:s20+$0xFFFFFF50];
	[tilespmem:s17+$0xFFFFFF80] =	vst v1;
	v1 =	vadd.f32 v4, v2  }
0x1e4: {  	v2 =	vld [tilespmem:s18+$0xFFFFFFC0];
	v0 =	vadd.f32 v5, v0  }
0x1e5: {  	v4 =	vld [tilespmem:s20+$0xFFFFFF90];
	[tilespmem:s17+$0xFFFFFFC0] =	vst v1  }
0x1e6: {  	v1 =	vld [tilespmem:s18+$0x0];
	v5 =	vadd.f32 v6, v7;
	[tilespmem:s17+$0xFFFFFF40] =	vst v0;
	s17 =	smov.u32 s20  }
0x1e7: {  	v0 =	vld [tilespmem:s20+$0xFFFFFF10]  }
0x1e8: {  	[tilespmem:s20+$0xFFFFFFD0] =	vst v5;
	v5 =	vld [tilespmem:s20+$0xFFFFFFE0]  }
0x1e9: {  	v2 =	vadd.f32 v2, v8;
	v6 =	vld [tilespmem:s18+$0x50]  }
0x1ea: {  	v7 =	vld [tilespmem:s20+$0xFFFFFF20]  }
0x1eb: {  	[tilespmem:s20+$0xFFFFFF50] =	vst v2;
	v2 =	vld [tilespmem:s20+$0xFFFFFF60];
	v1 =	vadd.f32 v1, v4  }
0x1ec: {  	v0 =	vadd.f32 v3, v0;
	v3 =	vld [tilespmem:s18+$0xFFFFFFD0]  }
0x1ed: {  	[tilespmem:s20+$0xFFFFFF90] =	vst v1;
	v1 =	vld [tilespmem:s20+$0xFFFFFFA0]  }
0x1ee: {  	[tilespmem:s20+$0xFFFFFF10] =	vst v0;
	v0 =	vld [tilespmem:s18+$0x10];
	v4 =	vadd.f32 v6, v5  }
0x1ef: {  	v5 =	vld [tilespmem:s18+$0xFFFFFF90]  }
0x1f0: {  	[tilespmem:s20+$0xFFFFFFE0] =	vst v4;
	v4 =	vld [tilespmem:s20+$0xFFFFFFF0]  }
0x1f1: {  	v2 =	vadd.f32 v3, v2;
	v3 =	vld [tilespmem:s18+$0x60]  }
0x1f2: {  	v6 =	vld [tilespmem:s20+$0xFFFFFF30]  }
0x1f3: {  	[tilespmem:s20+$0xFFFFFF60] =	vst v2;
	v2 =	vld [tilespmem:s20+$0xFFFFFF70];
	v0 =	vadd.f32 v0, v1  }
0x1f4: {  	v1 =	vadd.f32 v5, v7;
	v5 =	vld [tilespmem:s18+$0xFFFFFFE0]  }
0x1f5: {  	[tilespmem:s20+$0xFFFFFFA0] =	vst v0;
	v7 =	vld [tilespmem:s20+$0xFFFFFFB0]  }
0x1f6: {  	[tilespmem:s20+$0xFFFFFF20] =	vst v1;
	v8 =	vld [tilespmem:s18+$0x20];
	v0 =	vadd.f32 v3, v4  }
0x1f7: {  	v3 =	vld [tilespmem:s18+$0xFFFFFFA0]  }
0x1f8: {  	[tilespmem:s20+$0xFFFFFFF0] =	vst v0;
	v9 =	vld [tilespmem:s20+$0x0]  }
0x1f9: {  	v1 =	vadd.f32 v5, v2;
	v5 =	vld [tilespmem:s18+$0x70]  }
0x1fa: {  	v0 =	vld [tilespmem:s20+$0xFFFFFF40]  }
.Ltmp5:
0x1fb: {  	[tilespmem:s20+$0xFFFFFF70] =	vst v1;
	v1 =	vld [tilespmem:s20+$0xFFFFFF80];
	v2 =	vadd.f32 v8, v7;
	(pc) =	sbr.rel @p0 .LBB2_13-.Ltmp5, $4  }
0x1fc: {  	v4 =	vadd.f32 v3, v6;
	v3 =	vld [tilespmem:s18+$0xFFFFFFF0]  }
0x1fd: {  	[tilespmem:s20+$0xFFFFFFB0] =	vst v2;
	v2 =	vld [tilespmem:s20+$0xFFFFFFC0]  }
0x1fe: {  	[tilespmem:s20+$0xFFFFFF30] =	vst v4;
	v4 =	vld [tilespmem:s18+$0x30];
	v6 =	vadd.f32 v5, v9  }
0x1ff: {  	s20 =	sadd.s32 $0x100, s20;
	v5 =	vld [tilespmem:s18+$0xFFFFFFB0]  }
0x200: {  	_ =	sdelay $0x1  }
0x201: {  	v1 =	vadd.f32 v3, v1  }
0x202: {  	[tilespmem:s17+$0x0] =	vst v6;
	s7 =	sadd.s32 s16, s12;
	v2 =	vadd.f32 v4, v2  }
0x203: {  	s7 =	sshll.u32 s7, $0x3;
	[tilespmem:s17+$0xFFFFFF80] =	vst v1;
	v0 =	vadd.f32 v5, v0  }
0x204: {  	s7 =	sand.u32 $0x1FFFFF40, s7;
	[tilespmem:s17+$0xFFFFFFC0] =	vst v2  }
0x205: {  	s11 =	simm.s32 $0x0;
	s18 =	smul.u32 $0xD00, s14;
	s7 =	sadd.s32 s2, s7;
	[tilespmem:s17+$0xFFFFFF40] =	vst v0  }
0x206: {  	[hbm4b:s7+s11] =	stream.linear.scatter [tilespmem:s26], [sflag:$0x6], $0x3200, $0x38;
	[tilespmem:$0x16200] =	vst v63  }
0x207: {  	_ =	swait.ge [sflag:s23], $0x3200  }
0x208: {  	s17 =	sshra.s32 s18, $0x2;
	[sflag:s23] =	ssyncset.done $0x0  }
0x209: {  	s7 =	sadd.s32 $0x340, s17;
	[sflag:s23] =	ssyncadd.s32 $0xFFFFCE00  }
0x20a: {  	[tilespmem:s22], [sflag:$0x1] =	stream.indirect.gather [hbm4b:s4+s21], $0x40, s7, s21, $0xb8;
	[tilespmem:$0x16200] =	vst v63  }
0x20b: {  	s20 =	sadd.s32 $0x3A8, s17  }
0x20c: {  	[tilespmem:s24], [sflag:$0x1] =	stream.indirect.gather [hbm4b:s4+s21], $0x40, s20, s21, $0xb8;
	[tilespmem:$0x16200] =	vst v63  }
0x20d: {  	_ =	swait.ge [sflag:s28], $0x3200  }
0x20e: {  	[sflag:s28] =	ssyncset.done $0x0  }
0x20f: {  	s18 =	simm.s32 $0x0;
	[sflag:s28] =	ssyncadd.s32 $0xFFFFCE00  }
0x210: {  	v0 =	vld [tilespmem:s18+$0xCCF0]  }
0x211: {  	v1 =	vld [tilespmem:s18+$0x130F0]  }
0x212: {  	v2 =	vld [tilespmem:s18+$0xCC00]  }
0x213: {  	v3 =	vld [tilespmem:s18+$0x13000]  }
0x214: {  	v4 =	vld [tilespmem:s18+$0xCC10]  }
0x215: {  	v5 =	vld [tilespmem:s18+$0x13010]  }
0x216: {  	v6 =	vld [tilespmem:s18+$0xCC20]  }
0x217: {  	v7 =	vld [tilespmem:s18+$0x13020]  }
0x218: {  	v8 =	vld [tilespmem:s18+$0xCC30]  }
0x219: {  	v9 =	vld [tilespmem:s18+$0x13030]  }
0x21a: {  	v10 =	vld [tilespmem:s18+$0xCC40]  }
0x21b: {  	v11 =	vld [tilespmem:s18+$0x13040]  }
0x21c: {  	v12 =	vld [tilespmem:s18+$0xCC50]  }
0x21d: {  	v13 =	vld [tilespmem:s18+$0x13050]  }
0x21e: {  	v14 =	vld [tilespmem:s18+$0xCC60]  }
0x21f: {  	v15 =	vld [tilespmem:s18+$0x13060]  }
0x220: {  	v16 =	vld [tilespmem:s18+$0xCC70]  }
0x221: {  	v61 =	vld [tilespmem:s18+$0x130A0];
	v0 =	vadd.f32 v1, v0  }
0x222: {  	v1 =	vld [tilespmem:s18+$0x13070];
	v2 =	vadd.f32 v3, v2  }
0x223: {  	v3 =	vld [tilespmem:s18+$0xCC80];
	[tilespmem:s18+$0xCCF0] =	vst v0;
	v0 =	vadd.f32 v5, v4  }
0x224: {  	v4 =	vld [tilespmem:s18+$0x13080];
	[tilespmem:s18+$0xCC00] =	vst v2;
	v2 =	vadd.f32 v7, v6  }
0x225: {  	v5 =	vld [tilespmem:s18+$0xCC90];
	[tilespmem:s18+$0xCC10] =	vst v0;
	v0 =	vadd.f32 v9, v8  }
0x226: {  	v6 =	vld [tilespmem:s18+$0x13090];
	[tilespmem:s18+$0xCC20] =	vst v2;
	v2 =	vadd.f32 v11, v10  }
0x227: {  	v7 =	vld [tilespmem:s18+$0xCCA0];
	v1 =	vadd.f32 v1, v16;
	[tilespmem:s18+$0xCC30] =	vst v0  }
0x228: {  	v62 =	vld [tilespmem:s18+$0xCCB0];
	v0 =	vadd.f32 v13, v12;
	[tilespmem:s18+$0xCC40] =	vst v2  }
0x229: {  	v63 =	vld [tilespmem:s18+$0x130B0];
	v2 =	vadd.f32 v15, v14;
	[tilespmem:s18+$0xCC70] =	vst v1  }
0x22a: {  	v3 =	vadd.f32 v4, v3;
	[tilespmem:s18+$0xCC50] =	vst v0;
	v0 =	vld [tilespmem:s18+$0xCCC0]  }
0x22b: {  	v4 =	vadd.f32 v6, v5;
	[tilespmem:s18+$0xCC60] =	vst v2;
	v2 =	vld [tilespmem:s18+$0x130C0]  }
0x22c: {  	v1 =	vld [tilespmem:s18+$0xCCD0];
	[tilespmem:s18+$0xCC80] =	vst v3;
	v3 =	vadd.f32 v61, v7  }
0x22d: {  	[tilespmem:s18+$0xCC90] =	vst v4;
	v4 =	vld [tilespmem:s18+$0x130D0]  }
0x22e: {  	s7 =	simm.s32 $0x0;
	s20 =	simm.s32 $0x400;
	v5 =	vadd.f32 v63, v62;
	[tilespmem:s18+$0xCCA0] =	vst v3;
	v3 =	vld [tilespmem:s18+$0xCCE0]  }
.LBB2_15:
0x22f: {  	s11 =	sshra.s32 s20, $0x2;
	v6 =	vld [tilespmem:s18+$0x130E0]  }
0x230: {  	s7 =	sadd.s32 $0x4, s7;
	v7 =	vld [tilespmem:s11+$0xCCF0];
	[tilespmem:s18+$0xCCB0] =	vst v5;
	v0 =	vadd.f32 v2, v0  }
0x231: {  	p0 =	slt.u32 s7, $0xC4;
	v2 =	vld [tilespmem:s11+$0x130F0]  }
0x232: {  	v5 =	vld [tilespmem:s11+$0xCC00];
	[tilespmem:s18+$0xCCC0] =	vst v0;
	v0 =	vadd.f32 v4, v1  }
0x233: {  	v1 =	vld [tilespmem:s11+$0x13000]  }
0x234: {  	v4 =	vld [tilespmem:s11+$0xCC10];
	[tilespmem:s18+$0xCCD0] =	vst v0;
	v0 =	vadd.f32 v6, v3  }
0x235: {  	v3 =	vld [tilespmem:s11+$0x13010]  }
0x236: {  	v6 =	vld [tilespmem:s11+$0xCC20];
	v2 =	vadd.f32 v2, v7;
	[tilespmem:s18+$0xCCE0] =	vst v0;
	s18 =	smov.u32 s11  }
0x237: {  	v0 =	vld [tilespmem:s18+$0x13020]  }
0x238: {  	v1 =	vadd.f32 v1, v5;
	v5 =	vld [tilespmem:s18+$0xCC30];
	[tilespmem:s18+$0xCCF0] =	vst v2  }
0x239: {  	v2 =	vld [tilespmem:s18+$0x13030]  }
0x23a: {  	[tilespmem:s18+$0xCC00] =	vst v1;
	v1 =	vadd.f32 v3, v4;
	v3 =	vld [tilespmem:s18+$0xCC40]  }
0x23b: {  	v4 =	vld [tilespmem:s18+$0x13040]  }
0x23c: {  	[tilespmem:s18+$0xCC10] =	vst v1;
	v0 =	vadd.f32 v0, v6;
	v1 =	vld [tilespmem:s18+$0xCC50]  }
0x23d: {  	v6 =	vld [tilespmem:s18+$0x13050]  }
0x23e: {  	[tilespmem:s18+$0xCC20] =	vst v0;
	v0 =	vadd.f32 v2, v5;
	v2 =	vld [tilespmem:s18+$0xCC60]  }
0x23f: {  	v5 =	vld [tilespmem:s18+$0x13060]  }
0x240: {  	[tilespmem:s18+$0xCC30] =	vst v0;
	v0 =	vadd.f32 v4, v3;
	v3 =	vld [tilespmem:s18+$0xCC70]  }
0x241: {  	v4 =	vld [tilespmem:s18+$0x13070]  }
0x242: {  	[tilespmem:s18+$0xCC40] =	vst v0;
	v0 =	vadd.f32 v6, v1;
	v1 =	vld [tilespmem:s18+$0xCC80]  }
0x243: {  	v6 =	vld [tilespmem:s18+$0x13080]  }
0x244: {  	[tilespmem:s18+$0xCC50] =	vst v0;
	v0 =	vadd.f32 v5, v2;
	v2 =	vld [tilespmem:s18+$0xCC90]  }
0x245: {  	v5 =	vld [tilespmem:s18+$0x13090]  }
0x246: {  	[tilespmem:s18+$0xCC60] =	vst v0;
	v0 =	vadd.f32 v4, v3;
	v3 =	vld [tilespmem:s18+$0xCCA0]  }
0x247: {  	v4 =	vld [tilespmem:s18+$0x130A0]  }
0x248: {  	[tilespmem:s18+$0xCC70] =	vst v0;
	v0 =	vadd.f32 v6, v1;
	v6 =	vld [tilespmem:s18+$0xCCB0]  }
0x249: {  	v7 =	vld [tilespmem:s18+$0x130B0]  }
.Ltmp6:
0x24a: {  	[tilespmem:s18+$0xCC80] =	vst v0;
	v1 =	vadd.f32 v5, v2;
	v0 =	vld [tilespmem:s18+$0xCCC0];
	(pc) =	sbr.rel @p0 .LBB2_15-.Ltmp6, $4  }
0x24b: {  	v2 =	vld [tilespmem:s18+$0x130C0]  }
0x24c: {  	[tilespmem:s18+$0xCC90] =	vst v1;
	v3 =	vadd.f32 v4, v3;
	v1 =	vld [tilespmem:s18+$0xCCD0]  }
0x24d: {  	v4 =	vld [tilespmem:s18+$0x130D0]  }
0x24e: {  	s20 =	sadd.s32 $0x400, s20;
	[tilespmem:s18+$0xCCA0] =	vst v3;
	v5 =	vadd.f32 v7, v6;
	v3 =	vld [tilespmem:s18+$0xCCE0]  }
0x24f: {  	v6 =	vld [tilespmem:s18+$0x130E0];
	_ =	sdelay $0x2  }
0x250: {  	v0 =	vadd.f32 v2, v0  }
0x251: {  	s7 =	sadd.s32 s16, s13;
	[tilespmem:s18+$0xCCB0] =	vst v5;
	v1 =	vadd.f32 v4, v1  }
0x252: {  	s7 =	sshll.u32 s7, $0x3;
	[tilespmem:s18+$0xCCC0] =	vst v0;
	v0 =	vadd.f32 v6, v3  }
0x253: {  	s7 =	sand.u32 $0x1FFFFF80, s7;
	[tilespmem:s18+$0xCCD0] =	vst v1  }
0x254: {  	s11 =	simm.s32 $0x0;
	s7 =	sadd.s32 s2, s7;
	[tilespmem:s18+$0xCCE0] =	vst v0  }
0x255: {  	[hbm4b:s7+s11] =	stream.linear.scatter [tilespmem:s31], [sflag:$0x7], $0x3200, $0x38;
	[tilespmem:$0x16200] =	vst v63  }
0x256: {  	_ =	swait.ge [sflag:s5], $0x3200  }
0x257: {  	[sflag:s5] =	ssyncset.done $0x0  }
0x258: {  	s18 =	sadd.s32 $0x410, s17;
	[sflag:s5] =	ssyncadd.s32 $0xFFFFCE00  }
0x259: {  	[tilespmem:s26], [sflag:$0x2] =	stream.indirect.gather [hbm4b:s4+s21], $0x40, s18, s21, $0xb8;
	[tilespmem:$0x16200] =	vst v63  }
0x25a: {  	s20 =	sadd.s32 $0x478, s17  }
0x25b: {  	[tilespmem:s29], [sflag:$0x2] =	stream.indirect.gather [hbm4b:s4+s21], $0x40, s20, s21, $0xb8;
	[tilespmem:$0x16200] =	vst v63  }
0x25c: {  	_ =	swait.ge [sflag:s6], $0x3200  }
0x25d: {  	[sflag:s6] =	ssyncset.done $0x0  }
0x25e: {  	s16 =	simm.s32 $0x0;
	[sflag:s6] =	ssyncadd.s32 $0xFFFFCE00  }
0x25f: {  	v0 =	vld [tilespmem:s16+$0xFEF0]  }
0x260: {  	v1 =	vld [tilespmem:s16+$0x130F0]  }
0x261: {  	v2 =	vld [tilespmem:s16+$0xFE00]  }
0x262: {  	v3 =	vld [tilespmem:s16+$0x13000]  }
0x263: {  	v4 =	vld [tilespmem:s16+$0xFE10]  }
0x264: {  	v5 =	vld [tilespmem:s16+$0x13010]  }
0x265: {  	v6 =	vld [tilespmem:s16+$0xFE20]  }
0x266: {  	v7 =	vld [tilespmem:s16+$0x13020]  }
0x267: {  	v8 =	vld [tilespmem:s16+$0xFE30]  }
0x268: {  	v9 =	vld [tilespmem:s16+$0x13030]  }
0x269: {  	v10 =	vld [tilespmem:s16+$0xFE40]  }
0x26a: {  	v11 =	vld [tilespmem:s16+$0x13040]  }
0x26b: {  	v12 =	vld [tilespmem:s16+$0xFE50]  }
0x26c: {  	v13 =	vld [tilespmem:s16+$0x13050]  }
0x26d: {  	v14 =	vld [tilespmem:s16+$0xFE60]  }
0x26e: {  	v15 =	vld [tilespmem:s16+$0x13060]  }
0x26f: {  	v16 =	vld [tilespmem:s16+$0xFE70]  }
0x270: {  	v61 =	vld [tilespmem:s16+$0x130A0];
	v0 =	vadd.f32 v1, v0  }
0x271: {  	v1 =	vld [tilespmem:s16+$0x13070];
	v2 =	vadd.f32 v3, v2  }
0x272: {  	v3 =	vld [tilespmem:s16+$0xFE80];
	[tilespmem:s16+$0xFEF0] =	vst v0;
	v0 =	vadd.f32 v5, v4  }
0x273: {  	v4 =	vld [tilespmem:s16+$0x13080];
	[tilespmem:s16+$0xFE00] =	vst v2;
	v2 =	vadd.f32 v7, v6  }
0x274: {  	v5 =	vld [tilespmem:s16+$0xFE90];
	[tilespmem:s16+$0xFE10] =	vst v0;
	v0 =	vadd.f32 v9, v8  }
0x275: {  	v6 =	vld [tilespmem:s16+$0x13090];
	[tilespmem:s16+$0xFE20] =	vst v2;
	v2 =	vadd.f32 v11, v10  }
0x276: {  	v7 =	vld [tilespmem:s16+$0xFEA0];
	v1 =	vadd.f32 v1, v16;
	[tilespmem:s16+$0xFE30] =	vst v0  }
0x277: {  	v62 =	vld [tilespmem:s16+$0xFEB0];
	v0 =	vadd.f32 v13, v12;
	[tilespmem:s16+$0xFE40] =	vst v2  }
0x278: {  	v63 =	vld [tilespmem:s16+$0x130B0];
	v2 =	vadd.f32 v15, v14;
	[tilespmem:s16+$0xFE70] =	vst v1  }
0x279: {  	v3 =	vadd.f32 v4, v3;
	[tilespmem:s16+$0xFE50] =	vst v0;
	v0 =	vld [tilespmem:s16+$0xFEC0]  }
0x27a: {  	v4 =	vadd.f32 v6, v5;
	[tilespmem:s16+$0xFE60] =	vst v2;
	v2 =	vld [tilespmem:s16+$0x130C0]  }
0x27b: {  	v1 =	vld [tilespmem:s16+$0xFED0];
	[tilespmem:s16+$0xFE80] =	vst v3;
	v3 =	vadd.f32 v61, v7  }
0x27c: {  	[tilespmem:s16+$0xFE90] =	vst v4;
	v4 =	vld [tilespmem:s16+$0x130D0]  }
0x27d: {  	s7 =	simm.s32 $0x0;
	s18 =	simm.s32 $0x400;
	v5 =	vadd.f32 v63, v62;
	[tilespmem:s16+$0xFEA0] =	vst v3;
	v3 =	vld [tilespmem:s16+$0xFEE0]  }
.LBB2_17:
0x27e: {  	s11 =	sshra.s32 s18, $0x2;
	v6 =	vld [tilespmem:s16+$0x130E0]  }
0x27f: {  	s7 =	sadd.s32 $0x4, s7;
	v7 =	vld [tilespmem:s11+$0xFEF0];
	[tilespmem:s16+$0xFEB0] =	vst v5;
	v0 =	vadd.f32 v2, v0  }
0x280: {  	p0 =	slt.u32 s7, $0xC4;
	v2 =	vld [tilespmem:s11+$0x130F0]  }
0x281: {  	v5 =	vld [tilespmem:s11+$0xFE00];
	[tilespmem:s16+$0xFEC0] =	vst v0;
	v0 =	vadd.f32 v4, v1  }
0x282: {  	v1 =	vld [tilespmem:s11+$0x13000]  }
0x283: {  	v4 =	vld [tilespmem:s11+$0xFE10];
	[tilespmem:s16+$0xFED0] =	vst v0;
	v0 =	vadd.f32 v6, v3  }
0x284: {  	v3 =	vld [tilespmem:s11+$0x13010]  }
0x285: {  	v6 =	vld [tilespmem:s11+$0xFE20];
	v2 =	vadd.f32 v2, v7;
	[tilespmem:s16+$0xFEE0] =	vst v0;
	s16 =	smov.u32 s11  }
0x286: {  	v0 =	vld [tilespmem:s16+$0x13020]  }
0x287: {  	v1 =	vadd.f32 v1, v5;
	v5 =	vld [tilespmem:s16+$0xFE30];
	[tilespmem:s16+$0xFEF0] =	vst v2  }
0x288: {  	v2 =	vld [tilespmem:s16+$0x13030]  }
0x289: {  	[tilespmem:s16+$0xFE00] =	vst v1;
	v1 =	vadd.f32 v3, v4;
	v3 =	vld [tilespmem:s16+$0xFE40]  }
0x28a: {  	v4 =	vld [tilespmem:s16+$0x13040]  }
0x28b: {  	[tilespmem:s16+$0xFE10] =	vst v1;
	v0 =	vadd.f32 v0, v6;
	v1 =	vld [tilespmem:s16+$0xFE50]  }
0x28c: {  	v6 =	vld [tilespmem:s16+$0x13050]  }
0x28d: {  	[tilespmem:s16+$0xFE20] =	vst v0;
	v0 =	vadd.f32 v2, v5;
	v2 =	vld [tilespmem:s16+$0xFE60]  }
0x28e: {  	v5 =	vld [tilespmem:s16+$0x13060]  }
0x28f: {  	[tilespmem:s16+$0xFE30] =	vst v0;
	v0 =	vadd.f32 v4, v3;
	v3 =	vld [tilespmem:s16+$0xFE70]  }
0x290: {  	v4 =	vld [tilespmem:s16+$0x13070]  }
0x291: {  	[tilespmem:s16+$0xFE40] =	vst v0;
	v0 =	vadd.f32 v6, v1;
	v1 =	vld [tilespmem:s16+$0xFE80]  }
0x292: {  	v6 =	vld [tilespmem:s16+$0x13080]  }
0x293: {  	[tilespmem:s16+$0xFE50] =	vst v0;
	v0 =	vadd.f32 v5, v2;
	v2 =	vld [tilespmem:s16+$0xFE90]  }
0x294: {  	v5 =	vld [tilespmem:s16+$0x13090]  }
0x295: {  	[tilespmem:s16+$0xFE60] =	vst v0;
	v0 =	vadd.f32 v4, v3;
	v3 =	vld [tilespmem:s16+$0xFEA0]  }
0x296: {  	v4 =	vld [tilespmem:s16+$0x130A0]  }
0x297: {  	[tilespmem:s16+$0xFE70] =	vst v0;
	v0 =	vadd.f32 v6, v1;
	v6 =	vld [tilespmem:s16+$0xFEB0]  }
0x298: {  	v7 =	vld [tilespmem:s16+$0x130B0]  }
.Ltmp7:
0x299: {  	[tilespmem:s16+$0xFE80] =	vst v0;
	v1 =	vadd.f32 v5, v2;
	v0 =	vld [tilespmem:s16+$0xFEC0];
	(pc) =	sbr.rel @p0 .LBB2_17-.Ltmp7, $4  }
0x29a: {  	v2 =	vld [tilespmem:s16+$0x130C0]  }
0x29b: {  	[tilespmem:s16+$0xFE90] =	vst v1;
	v3 =	vadd.f32 v4, v3;
	v1 =	vld [tilespmem:s16+$0xFED0]  }
0x29c: {  	v4 =	vld [tilespmem:s16+$0x130D0]  }
0x29d: {  	s18 =	sadd.s32 $0x400, s18;
	[tilespmem:s16+$0xFEA0] =	vst v3;
	v5 =	vadd.f32 v7, v6;
	v3 =	vld [tilespmem:s16+$0xFEE0]  }
0x29e: {  	v6 =	vld [tilespmem:s16+$0x130E0];
	_ =	sdelay $0x1  }
0x29f: {  	s7 =	smul.u32 $0xC8, s15  }
0x2a0: {  	v0 =	vadd.f32 v2, v0  }
0x2a1: {  	[tilespmem:s16+$0xFEB0] =	vst v5;
	s7 =	sadd.s32 s8, s7;
	v1 =	vadd.f32 v4, v1  }
0x2a2: {  	[tilespmem:s16+$0xFEC0] =	vst v0;
	s7 =	sshll.u32 s7, $0x3;
	v63 =	vadd.f32 v6, v3  }
0x2a3: {  	s7 =	sand.u32 $0x1FFFFFC0, s7;
	[tilespmem:s16+$0xFED0] =	vst v1  }
0x2a4: {  	s14 =	sadd.s32 $0x1, s14;
	s7 =	sadd.s32 s2, s7;
	[tilespmem:s16+$0xFEE0] =	vst v63  }
0x2a5: {  	[hbm4b:s7+s3] =	stream.linear.scatter [tilespmem:s25], [sflag:$0x8], $0x3200, $0x38;
	[tilespmem:$0x16200] =	vst v63  }
0x2a6: {  	p0 =	sne.s32 s14, $0x1F;
	_ =	swait.ge [sflag:s9], $0x3200  }
.Ltmp8:
0x2a7: {  	[sflag:s9] =	ssyncset.done $0x0;
	(pc) =	sbr.rel @p0 .LBB2_10-.Ltmp8, $4  }
0x2a8: {  	s18 =	sadd.s32 $0x4E0, s17;
	[sflag:s9] =	ssyncadd.s32 $0xFFFFCE00  }
0x2a9: {  	[tilespmem:s31], [sflag:$0x3] =	stream.indirect.gather [hbm4b:s4+s21], $0x40, s18, s21, $0xb8;
	[tilespmem:$0x16200] =	vst v63  }
0x2aa: {  	s20 =	sadd.s32 $0x548, s17  }
0x2ab: {  	[tilespmem:s0], [sflag:$0x3] =	stream.indirect.gather [hbm4b:s4+s21], $0x40, s20, s21, $0xb8;
	[tilespmem:$0x16200] =	vst v63  }
0x2ac: {  	_ =	swait.ge [sflag:s19], $0x3200  }
0x2ad: {  	[sflag:s19] =	ssyncset.done $0x0  }
0x2ae: {  	s14 =	simm.s32 $0x6880;
	[sflag:s19] =	ssyncadd.s32 $0xFFFFCE00  }
0x2af: {  	s15 =	simm.s32 $0x13080;
	v0 =	vld [tilespmem:s14+$0x40]  }
0x2b0: {  	v1 =	vld [tilespmem:s15+$0x40]  }
0x2b1: {  	v2 =	vld [tilespmem:s14+$0xFFFFFFC0]  }
0x2b2: {  	v3 =	vld [tilespmem:s15+$0xFFFFFFC0]  }
0x2b3: {  	v4 =	vld [tilespmem:s14+$0x0]  }
0x2b4: {  	v5 =	vld [tilespmem:s15+$0x0]  }
0x2b5: {  	v6 =	vld [tilespmem:s14+$0xFFFFFF80];
	v0 =	vadd.f32 v1, v0  }
0x2b6: {  	v1 =	vld [tilespmem:s15+$0xFFFFFF80]  }
0x2b7: {  	[tilespmem:s14+$0x40] =	vst v0;
	v0 =	vld [tilespmem:s14+$0x50]  }
0x2b8: {  	v2 =	vadd.f32 v3, v2;
	v3 =	vld [tilespmem:s15+$0x50]  }
0x2b9: {  	v7 =	vld [tilespmem:s14+$0xFFFFFF90]  }
0x2ba: {  	[tilespmem:s14+$0xFFFFFFC0] =	vst v2;
	v2 =	vadd.f32 v5, v4;
	v4 =	vld [tilespmem:s14+$0xFFFFFFD0]  }
0x2bb: {  	v5 =	vld [tilespmem:s15+$0xFFFFFFD0];
	v1 =	vadd.f32 v1, v6  }
0x2bc: {  	[tilespmem:s14+$0x0] =	vst v2;
	v2 =	vld [tilespmem:s14+$0x10]  }
0x2bd: {  	v6 =	vld [tilespmem:s15+$0x10];
	[tilespmem:s14+$0xFFFFFF80] =	vst v1;
	v0 =	vadd.f32 v3, v0  }
0x2be: {  	v1 =	vld [tilespmem:s15+$0xFFFFFF90]  }
0x2bf: {  	[tilespmem:s14+$0x50] =	vst v0;
	v0 =	vld [tilespmem:s14+$0x60]  }
0x2c0: {  	v3 =	vadd.f32 v5, v4;
	v4 =	vld [tilespmem:s15+$0x60]  }
0x2c1: {  	v5 =	vld [tilespmem:s14+$0xFFFFFFA0]  }
0x2c2: {  	[tilespmem:s14+$0xFFFFFFD0] =	vst v3;
	v2 =	vadd.f32 v6, v2;
	v3 =	vld [tilespmem:s14+$0xFFFFFFE0]  }
0x2c3: {  	v6 =	vld [tilespmem:s15+$0xFFFFFFE0];
	v1 =	vadd.f32 v1, v7  }
0x2c4: {  	[tilespmem:s14+$0x10] =	vst v2;
	v2 =	vld [tilespmem:s14+$0x20]  }
0x2c5: {  	v7 =	vld [tilespmem:s15+$0x20];
	[tilespmem:s14+$0xFFFFFF90] =	vst v1;
	v0 =	vadd.f32 v4, v0  }
0x2c6: {  	v4 =	vld [tilespmem:s15+$0xFFFFFFA0]  }
0x2c7: {  	v8 =	vld [tilespmem:s14+$0x70];
	[tilespmem:s14+$0x60] =	vst v0  }
0x2c8: {  	v1 =	vadd.f32 v6, v3;
	v6 =	vld [tilespmem:s15+$0x70]  }
0x2c9: {  	v0 =	vld [tilespmem:s14+$0xFFFFFFB0]  }
0x2ca: {  	[tilespmem:s14+$0xFFFFFFE0] =	vst v1;
	v2 =	vadd.f32 v7, v2;
	v1 =	vld [tilespmem:s14+$0xFFFFFFF0]  }
0x2cb: {  	v3 =	vld [tilespmem:s15+$0xFFFFFFF0];
	v4 =	vadd.f32 v4, v5  }
0x2cc: {  	[tilespmem:s14+$0x20] =	vst v2;
	v2 =	vld [tilespmem:s14+$0x30]  }
0x2cd: {  	[tilespmem:s14+$0xFFFFFFA0] =	vst v4;
	v4 =	vld [tilespmem:s15+$0x30];
	v6 =	vadd.f32 v6, v8  }
0x2ce: {  	s7 =	simm.s32 $0x0;
	s16 =	simm.s32 $0x6980;
	v5 =	vld [tilespmem:s15+$0xFFFFFFB0]  }
.LBB2_20:
0x2cf: {  	v7 =	vld [tilespmem:s16+$0x40];
	[tilespmem:s14+$0x70] =	vst v6;
	s15 =	sadd.s32 $0x100, s15  }
0x2d0: {  	s7 =	sadd.s32 $0x4, s7;
	v6 =	vld [tilespmem:s15+$0x40];
	v1 =	vadd.f32 v3, v1  }
0x2d1: {  	p0 =	slt.u32 s7, $0xC4;
	v3 =	vld [tilespmem:s15+$0xFFFFFF80]  }
0x2d2: {  	v8 =	vld [tilespmem:s16+$0xFFFFFFC0];
	[tilespmem:s14+$0xFFFFFFF0] =	vst v1;
	v1 =	vadd.f32 v4, v2  }
0x2d3: {  	v2 =	vld [tilespmem:s15+$0xFFFFFFC0];
	v0 =	vadd.f32 v5, v0  }
0x2d4: {  	v4 =	vld [tilespmem:s16+$0x0];
	[tilespmem:s14+$0x30] =	vst v1  }
0x2d5: {  	v1 =	vld [tilespmem:s15+$0x0];
	v5 =	vadd.f32 v6, v7;
	[tilespmem:s14+$0xFFFFFFB0] =	vst v0;
	s14 =	smov.u32 s16  }
0x2d6: {  	v0 =	vld [tilespmem:s16+$0xFFFFFF80]  }
0x2d7: {  	[tilespmem:s16+$0x40] =	vst v5;
	v5 =	vld [tilespmem:s16+$0x50]  }
0x2d8: {  	v2 =	vadd.f32 v2, v8;
	v6 =	vld [tilespmem:s15+$0x50]  }
0x2d9: {  	v7 =	vld [tilespmem:s16+$0xFFFFFF90]  }
0x2da: {  	[tilespmem:s16+$0xFFFFFFC0] =	vst v2;
	v2 =	vld [tilespmem:s16+$0xFFFFFFD0];
	v1 =	vadd.f32 v1, v4  }
0x2db: {  	v0 =	vadd.f32 v3, v0;
	v3 =	vld [tilespmem:s15+$0xFFFFFFD0]  }
0x2dc: {  	[tilespmem:s16+$0x0] =	vst v1;
	v1 =	vld [tilespmem:s16+$0x10]  }
0x2dd: {  	[tilespmem:s16+$0xFFFFFF80] =	vst v0;
	v0 =	vld [tilespmem:s15+$0x10];
	v4 =	vadd.f32 v6, v5  }
0x2de: {  	v5 =	vld [tilespmem:s15+$0xFFFFFF90]  }
0x2df: {  	[tilespmem:s16+$0x50] =	vst v4;
	v4 =	vld [tilespmem:s16+$0x60]  }
0x2e0: {  	v2 =	vadd.f32 v3, v2;
	v3 =	vld [tilespmem:s15+$0x60]  }
0x2e1: {  	v6 =	vld [tilespmem:s16+$0xFFFFFFA0]  }
0x2e2: {  	[tilespmem:s16+$0xFFFFFFD0] =	vst v2;
	v2 =	vld [tilespmem:s16+$0xFFFFFFE0];
	v0 =	vadd.f32 v0, v1  }
0x2e3: {  	v1 =	vadd.f32 v5, v7;
	v5 =	vld [tilespmem:s15+$0xFFFFFFE0]  }
0x2e4: {  	[tilespmem:s16+$0x10] =	vst v0;
	v7 =	vld [tilespmem:s16+$0x20]  }
0x2e5: {  	[tilespmem:s16+$0xFFFFFF90] =	vst v1;
	v8 =	vld [tilespmem:s15+$0x20];
	v0 =	vadd.f32 v3, v4  }
0x2e6: {  	v3 =	vld [tilespmem:s15+$0xFFFFFFA0]  }
0x2e7: {  	[tilespmem:s16+$0x60] =	vst v0;
	v9 =	vld [tilespmem:s16+$0x70]  }
0x2e8: {  	v1 =	vadd.f32 v5, v2;
	v5 =	vld [tilespmem:s15+$0x70]  }
0x2e9: {  	v0 =	vld [tilespmem:s16+$0xFFFFFFB0]  }
.Ltmp9:
0x2ea: {  	[tilespmem:s16+$0xFFFFFFE0] =	vst v1;
	v1 =	vld [tilespmem:s16+$0xFFFFFFF0];
	v2 =	vadd.f32 v8, v7;
	(pc) =	sbr.rel @p0 .LBB2_20-.Ltmp9, $4  }
0x2eb: {  	v4 =	vadd.f32 v3, v6;
	v3 =	vld [tilespmem:s15+$0xFFFFFFF0]  }
0x2ec: {  	[tilespmem:s16+$0x20] =	vst v2;
	v2 =	vld [tilespmem:s16+$0x30]  }
0x2ed: {  	[tilespmem:s16+$0xFFFFFFA0] =	vst v4;
	v4 =	vld [tilespmem:s15+$0x30];
	v6 =	vadd.f32 v5, v9  }
0x2ee: {  	s16 =	sadd.s32 $0x100, s16;
	v5 =	vld [tilespmem:s15+$0xFFFFFFB0]  }
0x2ef: {  	_ =	sdelay $0x1  }
0x2f0: {  	v1 =	vadd.f32 v3, v1  }
0x2f1: {  	[tilespmem:s14+$0x70] =	vst v6;
	v2 =	vadd.f32 v4, v2  }
0x2f2: {  	[tilespmem:s14+$0xFFFFFFF0] =	vst v1;
	v0 =	vadd.f32 v5, v0  }
0x2f3: {  	[tilespmem:s14+$0x30] =	vst v2  }
0x2f4: {  	[tilespmem:s14+$0xFFFFFFB0] =	vst v0  }
0x2f5: {  	s7 =	rddreg [dreg:$0x9]  }
0x2f6: {  	[hbm4b:s7+s3] =	stream.linear.scatter [tilespmem:s22], [sflag:$0x5], $0x3200, $0x38;
	[tilespmem:$0x16200] =	vst v63  }
0x2f7: {  	_ =	swait.ge [sflag:s10], $0x3200  }
0x2f8: {  	[sflag:s10] =	ssyncset.done $0x0  }
0x2f9: {  	s18 =	simm.s32 $0x6730;
	[sflag:s10] =	ssyncadd.s32 $0xFFFFCE00  }
0x2fa: {  	[tilespmem:s25], [sflag:$0x4] =	stream.indirect.gather [hbm4b:s4+s21], $0x40, s18, s21, $0xb8;
	[tilespmem:$0x16200] =	vst v63  }
0x2fb: {  	s20 =	simm.s32 $0x6798  }
0x2fc: {  	[tilespmem:s30], [sflag:$0x4] =	stream.indirect.gather [hbm4b:s4+s21], $0x40, s20, s21, $0xb8;
	[tilespmem:$0x16200] =	vst v63  }
0x2fd: {  	_ =	swait.ge [sflag:s1], $0x3200  }
0x2fe: {  	[sflag:s1] =	ssyncset.done $0x0  }
0x2ff: {  	s14 =	simm.s32 $0x9AF0;
	[sflag:s1] =	ssyncadd.s32 $0xFFFFCE00  }
0x300: {  	s15 =	simm.s32 $0x13080;
	v0 =	vld [tilespmem:s14+$0xFFFFFFD0]  }
0x301: {  	v1 =	vld [tilespmem:s15+$0x40]  }
0x302: {  	v2 =	vld [tilespmem:s14+$0xFFFFFF50]  }
0x303: {  	v3 =	vld [tilespmem:s15+$0xFFFFFFC0]  }
0x304: {  	v4 =	vld [tilespmem:s14+$0xFFFFFF90]  }
0x305: {  	v5 =	vld [tilespmem:s15+$0x0]  }
0x306: {  	v6 =	vld [tilespmem:s14+$0xFFFFFF10];
	v0 =	vadd.f32 v1, v0  }
0x307: {  	v1 =	vld [tilespmem:s15+$0xFFFFFF80]  }
0x308: {  	[tilespmem:s14+$0xFFFFFFD0] =	vst v0;
	v0 =	vld [tilespmem:s14+$0xFFFFFFE0]  }
0x309: {  	v2 =	vadd.f32 v3, v2;
	v3 =	vld [tilespmem:s15+$0x50]  }
0x30a: {  	v7 =	vld [tilespmem:s14+$0xFFFFFF20]  }
0x30b: {  	[tilespmem:s14+$0xFFFFFF50] =	vst v2;
	v2 =	vadd.f32 v5, v4;
	v4 =	vld [tilespmem:s14+$0xFFFFFF60]  }
0x30c: {  	v5 =	vld [tilespmem:s15+$0xFFFFFFD0];
	v1 =	vadd.f32 v1, v6  }
0x30d: {  	[tilespmem:s14+$0xFFFFFF90] =	vst v2;
	v2 =	vld [tilespmem:s14+$0xFFFFFFA0]  }
0x30e: {  	v6 =	vld [tilespmem:s15+$0x10];
	[tilespmem:s14+$0xFFFFFF10] =	vst v1;
	v0 =	vadd.f32 v3, v0  }
0x30f: {  	v1 =	vld [tilespmem:s15+$0xFFFFFF90]  }
0x310: {  	[tilespmem:s14+$0xFFFFFFE0] =	vst v0;
	v0 =	vld [tilespmem:s14+$0xFFFFFFF0]  }
0x311: {  	v3 =	vadd.f32 v5, v4;
	v4 =	vld [tilespmem:s15+$0x60]  }
0x312: {  	v5 =	vld [tilespmem:s14+$0xFFFFFF30]  }
0x313: {  	[tilespmem:s14+$0xFFFFFF60] =	vst v3;
	v2 =	vadd.f32 v6, v2;
	v3 =	vld [tilespmem:s14+$0xFFFFFF70]  }
0x314: {  	v6 =	vld [tilespmem:s15+$0xFFFFFFE0];
	v1 =	vadd.f32 v1, v7  }
0x315: {  	[tilespmem:s14+$0xFFFFFFA0] =	vst v2;
	v2 =	vld [tilespmem:s14+$0xFFFFFFB0]  }
0x316: {  	v7 =	vld [tilespmem:s15+$0x20];
	[tilespmem:s14+$0xFFFFFF20] =	vst v1;
	v0 =	vadd.f32 v4, v0  }
0x317: {  	v4 =	vld [tilespmem:s15+$0xFFFFFFA0]  }
0x318: {  	v8 =	vld [tilespmem:s14+$0x0];
	[tilespmem:s14+$0xFFFFFFF0] =	vst v0  }
0x319: {  	v1 =	vadd.f32 v6, v3;
	v6 =	vld [tilespmem:s15+$0x70]  }
0x31a: {  	v0 =	vld [tilespmem:s14+$0xFFFFFF40]  }
0x31b: {  	[tilespmem:s14+$0xFFFFFF70] =	vst v1;
	v2 =	vadd.f32 v7, v2;
	v1 =	vld [tilespmem:s14+$0xFFFFFF80]  }
0x31c: {  	v3 =	vld [tilespmem:s15+$0xFFFFFFF0];
	v4 =	vadd.f32 v4, v5  }
0x31d: {  	[tilespmem:s14+$0xFFFFFFB0] =	vst v2;
	v2 =	vld [tilespmem:s14+$0xFFFFFFC0]  }
0x31e: {  	[tilespmem:s14+$0xFFFFFF30] =	vst v4;
	v4 =	vld [tilespmem:s15+$0x30];
	v6 =	vadd.f32 v6, v8  }
0x31f: {  	s16 =	simm.s32 $0x9BF0;
	s7 =	simm.s32 $0x0;
	v5 =	vld [tilespmem:s15+$0xFFFFFFB0]  }
.LBB2_22:
0x320: {  	v7 =	vld [tilespmem:s16+$0xFFFFFFD0];
	[tilespmem:s14+$0x0] =	vst v6;
	s15 =	sadd.s32 $0x100, s15  }
0x321: {  	s7 =	sadd.s32 $0x4, s7;
	v6 =	vld [tilespmem:s15+$0x40];
	v1 =	vadd.f32 v3, v1  }
0x322: {  	p0 =	slt.u32 s7, $0xC4;
	v3 =	vld [tilespmem:s15+$0xFFFFFF80]  }
0x323: {  	v8 =	vld [tilespmem:s16+$0xFFFFFF50];
	[tilespmem:s14+$0xFFFFFF80] =	vst v1;
	v1 =	vadd.f32 v4, v2  }
0x324: {  	v2 =	vld [tilespmem:s15+$0xFFFFFFC0];
	v0 =	vadd.f32 v5, v0  }
0x325: {  	v4 =	vld [tilespmem:s16+$0xFFFFFF90];
	[tilespmem:s14+$0xFFFFFFC0] =	vst v1  }
0x326: {  	v1 =	vld [tilespmem:s15+$0x0];
	v5 =	vadd.f32 v6, v7;
	[tilespmem:s14+$0xFFFFFF40] =	vst v0;
	s14 =	smov.u32 s16  }
0x327: {  	v0 =	vld [tilespmem:s16+$0xFFFFFF10]  }
0x328: {  	[tilespmem:s16+$0xFFFFFFD0] =	vst v5;
	v5 =	vld [tilespmem:s16+$0xFFFFFFE0]  }
0x329: {  	v2 =	vadd.f32 v2, v8;
	v6 =	vld [tilespmem:s15+$0x50]  }
0x32a: {  	v7 =	vld [tilespmem:s16+$0xFFFFFF20]  }
0x32b: {  	[tilespmem:s16+$0xFFFFFF50] =	vst v2;
	v2 =	vld [tilespmem:s16+$0xFFFFFF60];
	v1 =	vadd.f32 v1, v4  }
0x32c: {  	v0 =	vadd.f32 v3, v0;
	v3 =	vld [tilespmem:s15+$0xFFFFFFD0]  }
0x32d: {  	[tilespmem:s16+$0xFFFFFF90] =	vst v1;
	v1 =	vld [tilespmem:s16+$0xFFFFFFA0]  }
0x32e: {  	[tilespmem:s16+$0xFFFFFF10] =	vst v0;
	v0 =	vld [tilespmem:s15+$0x10];
	v4 =	vadd.f32 v6, v5  }
0x32f: {  	v5 =	vld [tilespmem:s15+$0xFFFFFF90]  }
0x330: {  	[tilespmem:s16+$0xFFFFFFE0] =	vst v4;
	v4 =	vld [tilespmem:s16+$0xFFFFFFF0]  }
0x331: {  	v2 =	vadd.f32 v3, v2;
	v3 =	vld [tilespmem:s15+$0x60]  }
0x332: {  	v6 =	vld [tilespmem:s16+$0xFFFFFF30]  }
0x333: {  	[tilespmem:s16+$0xFFFFFF60] =	vst v2;
	v2 =	vld [tilespmem:s16+$0xFFFFFF70];
	v0 =	vadd.f32 v0, v1  }
0x334: {  	v1 =	vadd.f32 v5, v7;
	v5 =	vld [tilespmem:s15+$0xFFFFFFE0]  }
0x335: {  	[tilespmem:s16+$0xFFFFFFA0] =	vst v0;
	v7 =	vld [tilespmem:s16+$0xFFFFFFB0]  }
0x336: {  	[tilespmem:s16+$0xFFFFFF20] =	vst v1;
	v8 =	vld [tilespmem:s15+$0x20];
	v0 =	vadd.f32 v3, v4  }
0x337: {  	v3 =	vld [tilespmem:s15+$0xFFFFFFA0]  }
0x338: {  	[tilespmem:s16+$0xFFFFFFF0] =	vst v0;
	v9 =	vld [tilespmem:s16+$0x0]  }
0x339: {  	v1 =	vadd.f32 v5, v2;
	v5 =	vld [tilespmem:s15+$0x70]  }
0x33a: {  	v0 =	vld [tilespmem:s16+$0xFFFFFF40]  }
.Ltmp10:
0x33b: {  	[tilespmem:s16+$0xFFFFFF70] =	vst v1;
	v1 =	vld [tilespmem:s16+$0xFFFFFF80];
	v2 =	vadd.f32 v8, v7;
	(pc) =	sbr.rel @p0 .LBB2_22-.Ltmp10, $4  }
0x33c: {  	v4 =	vadd.f32 v3, v6;
	v3 =	vld [tilespmem:s15+$0xFFFFFFF0]  }
0x33d: {  	[tilespmem:s16+$0xFFFFFFB0] =	vst v2;
	v2 =	vld [tilespmem:s16+$0xFFFFFFC0]  }
0x33e: {  	[tilespmem:s16+$0xFFFFFF30] =	vst v4;
	v4 =	vld [tilespmem:s15+$0x30];
	v6 =	vadd.f32 v5, v9  }
0x33f: {  	s16 =	sadd.s32 $0x100, s16;
	v5 =	vld [tilespmem:s15+$0xFFFFFFB0]  }
0x340: {  	_ =	sdelay $0x1  }
0x341: {  	v1 =	vadd.f32 v3, v1  }
0x342: {  	[tilespmem:s14+$0x0] =	vst v6;
	v2 =	vadd.f32 v4, v2  }
0x343: {  	[tilespmem:s14+$0xFFFFFF80] =	vst v1;
	v0 =	vadd.f32 v5, v0  }
0x344: {  	[tilespmem:s14+$0xFFFFFFC0] =	vst v2  }
0x345: {  	[tilespmem:s14+$0xFFFFFF40] =	vst v0  }
0x346: {  	s7 =	simm.s32 $0x0;
	s11 =	rddreg [dreg:$0xa]  }
0x347: {  	[hbm4b:s11+s7] =	stream.linear.scatter [tilespmem:s26], [sflag:$0x6], $0x3200, $0x38;
	[tilespmem:$0x16200] =	vst v63  }
0x348: {  	_ =	swait.ge [sflag:s28], $0x3200  }
0x349: {  	[sflag:s28] =	ssyncset.done $0x0  }
0x34a: {  	s14 =	simm.s32 $0x0;
	[sflag:s28] =	ssyncadd.s32 $0xFFFFCE00  }
0x34b: {  	v0 =	vld [tilespmem:s14+$0xCCF0]  }
0x34c: {  	v1 =	vld [tilespmem:s14+$0x130F0]  }
0x34d: {  	v2 =	vld [tilespmem:s14+$0xCC00]  }
0x34e: {  	v3 =	vld [tilespmem:s14+$0x13000]  }
0x34f: {  	v4 =	vld [tilespmem:s14+$0xCC10]  }
0x350: {  	v5 =	vld [tilespmem:s14+$0x13010]  }
0x351: {  	v6 =	vld [tilespmem:s14+$0xCC20]  }
0x352: {  	v7 =	vld [tilespmem:s14+$0x13020]  }
0x353: {  	v8 =	vld [tilespmem:s14+$0xCC30]  }
0x354: {  	v9 =	vld [tilespmem:s14+$0x13030]  }
0x355: {  	v10 =	vld [tilespmem:s14+$0xCC40]  }
0x356: {  	v11 =	vld [tilespmem:s14+$0x13040]  }
0x357: {  	v12 =	vld [tilespmem:s14+$0xCC50]  }
0x358: {  	v13 =	vld [tilespmem:s14+$0x13050]  }
0x359: {  	v14 =	vld [tilespmem:s14+$0xCC60]  }
0x35a: {  	v15 =	vld [tilespmem:s14+$0x13060]  }
0x35b: {  	v16 =	vld [tilespmem:s14+$0xCC70]  }
0x35c: {  	v61 =	vld [tilespmem:s14+$0x130A0];
	v0 =	vadd.f32 v1, v0  }
0x35d: {  	v1 =	vld [tilespmem:s14+$0x13070];
	v2 =	vadd.f32 v3, v2  }
0x35e: {  	v3 =	vld [tilespmem:s14+$0xCC80];
	[tilespmem:s14+$0xCCF0] =	vst v0;
	v0 =	vadd.f32 v5, v4  }
0x35f: {  	v4 =	vld [tilespmem:s14+$0x13080];
	[tilespmem:s14+$0xCC00] =	vst v2;
	v2 =	vadd.f32 v7, v6  }
0x360: {  	v5 =	vld [tilespmem:s14+$0xCC90];
	[tilespmem:s14+$0xCC10] =	vst v0;
	v0 =	vadd.f32 v9, v8  }
0x361: {  	v6 =	vld [tilespmem:s14+$0x13090];
	[tilespmem:s14+$0xCC20] =	vst v2;
	v2 =	vadd.f32 v11, v10  }
0x362: {  	v7 =	vld [tilespmem:s14+$0xCCA0];
	v1 =	vadd.f32 v1, v16;
	[tilespmem:s14+$0xCC30] =	vst v0  }
0x363: {  	v62 =	vld [tilespmem:s14+$0xCCB0];
	v0 =	vadd.f32 v13, v12;
	[tilespmem:s14+$0xCC40] =	vst v2  }
0x364: {  	v63 =	vld [tilespmem:s14+$0x130B0];
	v2 =	vadd.f32 v15, v14;
	[tilespmem:s14+$0xCC70] =	vst v1  }
0x365: {  	v3 =	vadd.f32 v4, v3;
	[tilespmem:s14+$0xCC50] =	vst v0;
	v0 =	vld [tilespmem:s14+$0xCCC0]  }
0x366: {  	v4 =	vadd.f32 v6, v5;
	[tilespmem:s14+$0xCC60] =	vst v2;
	v2 =	vld [tilespmem:s14+$0x130C0]  }
0x367: {  	v5 =	vadd.f32 v61, v7;
	v1 =	vld [tilespmem:s14+$0xCCD0];
	[tilespmem:s14+$0xCC80] =	vst v3  }
0x368: {  	[tilespmem:s14+$0xCC90] =	vst v4;
	v3 =	vld [tilespmem:s14+$0x130D0]  }
0x369: {  	s15 =	simm.s32 $0x400;
	s7 =	simm.s32 $0x0;
	[tilespmem:s14+$0xCCA0] =	vst v5;
	v5 =	vadd.f32 v63, v62;
	v4 =	vld [tilespmem:s14+$0xCCE0]  }
.LBB2_24:
0x36a: {  	s11 =	sshra.s32 s15, $0x2;
	v6 =	vld [tilespmem:s14+$0x130E0]  }
0x36b: {  	s7 =	sadd.s32 $0x4, s7;
	v7 =	vld [tilespmem:s11+$0xCCF0];
	[tilespmem:s14+$0xCCB0] =	vst v5;
	v0 =	vadd.f32 v2, v0  }
0x36c: {  	p0 =	slt.u32 s7, $0xC4;
	v2 =	vld [tilespmem:s11+$0x130F0]  }
0x36d: {  	v5 =	vld [tilespmem:s11+$0xCC00];
	[tilespmem:s14+$0xCCC0] =	vst v0;
	v0 =	vadd.f32 v3, v1  }
0x36e: {  	v1 =	vld [tilespmem:s11+$0x13000]  }
0x36f: {  	v3 =	vld [tilespmem:s11+$0xCC10];
	[tilespmem:s14+$0xCCD0] =	vst v0;
	v0 =	vadd.f32 v6, v4  }
0x370: {  	v4 =	vld [tilespmem:s11+$0x13010]  }
0x371: {  	v6 =	vld [tilespmem:s11+$0xCC20];
	v2 =	vadd.f32 v2, v7;
	[tilespmem:s14+$0xCCE0] =	vst v0;
	s14 =	smov.u32 s11  }
0x372: {  	v0 =	vld [tilespmem:s14+$0x13020]  }
0x373: {  	v1 =	vadd.f32 v1, v5;
	v5 =	vld [tilespmem:s14+$0xCC30];
	[tilespmem:s14+$0xCCF0] =	vst v2  }
0x374: {  	v2 =	vld [tilespmem:s14+$0x13030]  }
0x375: {  	[tilespmem:s14+$0xCC00] =	vst v1;
	v1 =	vadd.f32 v4, v3;
	v3 =	vld [tilespmem:s14+$0xCC40]  }
0x376: {  	v4 =	vld [tilespmem:s14+$0x13040]  }
0x377: {  	[tilespmem:s14+$0xCC10] =	vst v1;
	v0 =	vadd.f32 v0, v6;
	v1 =	vld [tilespmem:s14+$0xCC50]  }
0x378: {  	v6 =	vld [tilespmem:s14+$0x13050]  }
0x379: {  	[tilespmem:s14+$0xCC20] =	vst v0;
	v0 =	vadd.f32 v2, v5;
	v2 =	vld [tilespmem:s14+$0xCC60]  }
0x37a: {  	v5 =	vld [tilespmem:s14+$0x13060]  }
0x37b: {  	[tilespmem:s14+$0xCC30] =	vst v0;
	v0 =	vadd.f32 v4, v3;
	v3 =	vld [tilespmem:s14+$0xCC70]  }
0x37c: {  	v4 =	vld [tilespmem:s14+$0x13070]  }
0x37d: {  	[tilespmem:s14+$0xCC40] =	vst v0;
	v0 =	vadd.f32 v6, v1;
	v1 =	vld [tilespmem:s14+$0xCC80]  }
0x37e: {  	v6 =	vld [tilespmem:s14+$0x13080]  }
0x37f: {  	[tilespmem:s14+$0xCC50] =	vst v0;
	v0 =	vadd.f32 v5, v2;
	v2 =	vld [tilespmem:s14+$0xCC90]  }
0x380: {  	v5 =	vld [tilespmem:s14+$0x13090]  }
0x381: {  	[tilespmem:s14+$0xCC60] =	vst v0;
	v0 =	vadd.f32 v4, v3;
	v3 =	vld [tilespmem:s14+$0xCCA0]  }
0x382: {  	v4 =	vld [tilespmem:s14+$0x130A0]  }
0x383: {  	[tilespmem:s14+$0xCC70] =	vst v0;
	v0 =	vadd.f32 v6, v1;
	v6 =	vld [tilespmem:s14+$0xCCB0]  }
0x384: {  	v7 =	vld [tilespmem:s14+$0x130B0]  }
.Ltmp11:
0x385: {  	[tilespmem:s14+$0xCC80] =	vst v0;
	v1 =	vadd.f32 v5, v2;
	v0 =	vld [tilespmem:s14+$0xCCC0];
	(pc) =	sbr.rel @p0 .LBB2_24-.Ltmp11, $4  }
0x386: {  	v2 =	vld [tilespmem:s14+$0x130C0]  }
0x387: {  	[tilespmem:s14+$0xCC90] =	vst v1;
	v4 =	vadd.f32 v4, v3;
	v1 =	vld [tilespmem:s14+$0xCCD0]  }
0x388: {  	v3 =	vld [tilespmem:s14+$0x130D0]  }
0x389: {  	s15 =	sadd.s32 $0x400, s15;
	[tilespmem:s14+$0xCCA0] =	vst v4;
	v5 =	vadd.f32 v7, v6;
	v4 =	vld [tilespmem:s14+$0xCCE0]  }
0x38a: {  	v6 =	vld [tilespmem:s14+$0x130E0];
	_ =	sdelay $0x2  }
0x38b: {  	v0 =	vadd.f32 v2, v0  }
0x38c: {  	[tilespmem:s14+$0xCCB0] =	vst v5;
	v1 =	vadd.f32 v3, v1  }
0x38d: {  	[tilespmem:s14+$0xCCC0] =	vst v0;
	v0 =	vadd.f32 v6, v4  }
0x38e: {  	[tilespmem:s14+$0xCCD0] =	vst v1  }
0x38f: {  	[tilespmem:s14+$0xCCE0] =	vst v0  }
0x390: {  	s7 =	simm.s32 $0x0;
	s11 =	rddreg [dreg:$0xb]  }
0x391: {  	[hbm4b:s11+s7] =	stream.linear.scatter [tilespmem:s31], [sflag:$0x7], $0x3200, $0x38;
	[tilespmem:$0x16200] =	vst v63  }
0x392: {  	_ =	swait.ge [sflag:s6], $0x3200  }
0x393: {  	[sflag:s6] =	ssyncset.done $0x0  }
0x394: {  	s14 =	simm.s32 $0x0;
	[sflag:s6] =	ssyncadd.s32 $0xFFFFCE00  }
0x395: {  	v0 =	vld [tilespmem:s14+$0xFEF0]  }
0x396: {  	v1 =	vld [tilespmem:s14+$0x130F0]  }
0x397: {  	v2 =	vld [tilespmem:s14+$0xFE00]  }
0x398: {  	v3 =	vld [tilespmem:s14+$0x13000]  }
0x399: {  	v4 =	vld [tilespmem:s14+$0xFE10]  }
0x39a: {  	v5 =	vld [tilespmem:s14+$0x13010]  }
0x39b: {  	v6 =	vld [tilespmem:s14+$0xFE20]  }
0x39c: {  	v7 =	vld [tilespmem:s14+$0x13020]  }
0x39d: {  	v8 =	vld [tilespmem:s14+$0xFE30]  }
0x39e: {  	v9 =	vld [tilespmem:s14+$0x13030]  }
0x39f: {  	v10 =	vld [tilespmem:s14+$0xFE40]  }
0x3a0: {  	v11 =	vld [tilespmem:s14+$0x13040]  }
0x3a1: {  	v12 =	vld [tilespmem:s14+$0xFE50]  }
0x3a2: {  	v13 =	vld [tilespmem:s14+$0x13050]  }
0x3a3: {  	v14 =	vld [tilespmem:s14+$0xFE60]  }
0x3a4: {  	v15 =	vld [tilespmem:s14+$0x13060]  }
0x3a5: {  	v16 =	vld [tilespmem:s14+$0xFE70]  }
0x3a6: {  	v61 =	vld [tilespmem:s14+$0x130A0];
	v0 =	vadd.f32 v1, v0  }
0x3a7: {  	v1 =	vld [tilespmem:s14+$0x13070];
	v2 =	vadd.f32 v3, v2  }
0x3a8: {  	v3 =	vld [tilespmem:s14+$0xFE80];
	[tilespmem:s14+$0xFEF0] =	vst v0;
	v0 =	vadd.f32 v5, v4  }
0x3a9: {  	v4 =	vld [tilespmem:s14+$0x13080];
	[tilespmem:s14+$0xFE00] =	vst v2;
	v2 =	vadd.f32 v7, v6  }
0x3aa: {  	v5 =	vld [tilespmem:s14+$0xFE90];
	[tilespmem:s14+$0xFE10] =	vst v0;
	v0 =	vadd.f32 v9, v8  }
0x3ab: {  	v6 =	vld [tilespmem:s14+$0x13090];
	[tilespmem:s14+$0xFE20] =	vst v2;
	v2 =	vadd.f32 v11, v10  }
0x3ac: {  	v7 =	vld [tilespmem:s14+$0xFEA0];
	v1 =	vadd.f32 v1, v16;
	[tilespmem:s14+$0xFE30] =	vst v0  }
0x3ad: {  	v62 =	vld [tilespmem:s14+$0xFEB0];
	v0 =	vadd.f32 v13, v12;
	[tilespmem:s14+$0xFE40] =	vst v2  }
0x3ae: {  	v63 =	vld [tilespmem:s14+$0x130B0];
	v2 =	vadd.f32 v15, v14;
	[tilespmem:s14+$0xFE70] =	vst v1  }
0x3af: {  	v3 =	vadd.f32 v4, v3;
	[tilespmem:s14+$0xFE50] =	vst v0;
	v0 =	vld [tilespmem:s14+$0xFEC0]  }
0x3b0: {  	v4 =	vadd.f32 v6, v5;
	[tilespmem:s14+$0xFE60] =	vst v2;
	v2 =	vld [tilespmem:s14+$0x130C0]  }
0x3b1: {  	v5 =	vadd.f32 v61, v7;
	v1 =	vld [tilespmem:s14+$0xFED0];
	[tilespmem:s14+$0xFE80] =	vst v3  }
0x3b2: {  	[tilespmem:s14+$0xFE90] =	vst v4;
	v3 =	vld [tilespmem:s14+$0x130D0]  }
0x3b3: {  	s15 =	simm.s32 $0x400;
	s7 =	simm.s32 $0x0;
	[tilespmem:s14+$0xFEA0] =	vst v5;
	v5 =	vadd.f32 v63, v62;
	v4 =	vld [tilespmem:s14+$0xFEE0]  }
.LBB2_26:
0x3b4: {  	s11 =	sshra.s32 s15, $0x2;
	v6 =	vld [tilespmem:s14+$0x130E0]  }
0x3b5: {  	s7 =	sadd.s32 $0x4, s7;
	v7 =	vld [tilespmem:s11+$0xFEF0];
	[tilespmem:s14+$0xFEB0] =	vst v5;
	v0 =	vadd.f32 v2, v0  }
0x3b6: {  	p0 =	slt.u32 s7, $0xC4;
	v2 =	vld [tilespmem:s11+$0x130F0]  }
0x3b7: {  	v5 =	vld [tilespmem:s11+$0xFE00];
	[tilespmem:s14+$0xFEC0] =	vst v0;
	v0 =	vadd.f32 v3, v1  }
0x3b8: {  	v1 =	vld [tilespmem:s11+$0x13000]  }
0x3b9: {  	v3 =	vld [tilespmem:s11+$0xFE10];
	[tilespmem:s14+$0xFED0] =	vst v0;
	v0 =	vadd.f32 v6, v4  }
0x3ba: {  	v4 =	vld [tilespmem:s11+$0x13010]  }
0x3bb: {  	v6 =	vld [tilespmem:s11+$0xFE20];
	v2 =	vadd.f32 v2, v7;
	[tilespmem:s14+$0xFEE0] =	vst v0;
	s14 =	smov.u32 s11  }
0x3bc: {  	v0 =	vld [tilespmem:s14+$0x13020]  }
0x3bd: {  	v1 =	vadd.f32 v1, v5;
	v5 =	vld [tilespmem:s14+$0xFE30];
	[tilespmem:s14+$0xFEF0] =	vst v2  }
0x3be: {  	v2 =	vld [tilespmem:s14+$0x13030]  }
0x3bf: {  	[tilespmem:s14+$0xFE00] =	vst v1;
	v1 =	vadd.f32 v4, v3;
	v3 =	vld [tilespmem:s14+$0xFE40]  }
0x3c0: {  	v4 =	vld [tilespmem:s14+$0x13040]  }
0x3c1: {  	[tilespmem:s14+$0xFE10] =	vst v1;
	v0 =	vadd.f32 v0, v6;
	v1 =	vld [tilespmem:s14+$0xFE50]  }
0x3c2: {  	v6 =	vld [tilespmem:s14+$0x13050]  }
0x3c3: {  	[tilespmem:s14+$0xFE20] =	vst v0;
	v0 =	vadd.f32 v2, v5;
	v2 =	vld [tilespmem:s14+$0xFE60]  }
0x3c4: {  	v5 =	vld [tilespmem:s14+$0x13060]  }
0x3c5: {  	[tilespmem:s14+$0xFE30] =	vst v0;
	v0 =	vadd.f32 v4, v3;
	v3 =	vld [tilespmem:s14+$0xFE70]  }
0x3c6: {  	v4 =	vld [tilespmem:s14+$0x13070]  }
0x3c7: {  	[tilespmem:s14+$0xFE40] =	vst v0;
	v0 =	vadd.f32 v6, v1;
	v1 =	vld [tilespmem:s14+$0xFE80]  }
0x3c8: {  	v6 =	vld [tilespmem:s14+$0x13080]  }
0x3c9: {  	[tilespmem:s14+$0xFE50] =	vst v0;
	v0 =	vadd.f32 v5, v2;
	v2 =	vld [tilespmem:s14+$0xFE90]  }
0x3ca: {  	v5 =	vld [tilespmem:s14+$0x13090]  }
0x3cb: {  	[tilespmem:s14+$0xFE60] =	vst v0;
	v0 =	vadd.f32 v4, v3;
	v3 =	vld [tilespmem:s14+$0xFEA0]  }
0x3cc: {  	v4 =	vld [tilespmem:s14+$0x130A0]  }
0x3cd: {  	[tilespmem:s14+$0xFE70] =	vst v0;
	v0 =	vadd.f32 v6, v1;
	v6 =	vld [tilespmem:s14+$0xFEB0]  }
0x3ce: {  	v7 =	vld [tilespmem:s14+$0x130B0]  }
.Ltmp12:
0x3cf: {  	[tilespmem:s14+$0xFE80] =	vst v0;
	v1 =	vadd.f32 v5, v2;
	v0 =	vld [tilespmem:s14+$0xFEC0];
	(pc) =	sbr.rel @p0 .LBB2_26-.Ltmp12, $4  }
0x3d0: {  	v2 =	vld [tilespmem:s14+$0x130C0]  }
0x3d1: {  	[tilespmem:s14+$0xFE90] =	vst v1;
	v4 =	vadd.f32 v4, v3;
	v1 =	vld [tilespmem:s14+$0xFED0]  }
0x3d2: {  	v3 =	vld [tilespmem:s14+$0x130D0]  }
0x3d3: {  	s15 =	sadd.s32 $0x400, s15;
	[tilespmem:s14+$0xFEA0] =	vst v4;
	v5 =	vadd.f32 v7, v6;
	v4 =	vld [tilespmem:s14+$0xFEE0]  }
0x3d4: {  	v6 =	vld [tilespmem:s14+$0x130E0];
	_ =	sdelay $0x2  }
0x3d5: {  	v0 =	vadd.f32 v2, v0  }
0x3d6: {  	[tilespmem:s14+$0xFEB0] =	vst v5;
	v1 =	vadd.f32 v3, v1  }
0x3d7: {  	[tilespmem:s14+$0xFEC0] =	vst v0;
	v63 =	vadd.f32 v6, v4  }
0x3d8: {  	[tilespmem:s14+$0xFED0] =	vst v1  }
0x3d9: {  	[tilespmem:s14+$0xFEE0] =	vst v63  }
0x3da: {  	s7 =	rddreg [dreg:$0xc]  }
0x3db: {  	[hbm4b:s7+s3] =	stream.linear.scatter [tilespmem:s25], [sflag:$0x8], $0x3200, $0x38;
	[tilespmem:$0x16200] =	vst v63  }
0x3dc: {  	_ =	swait.ge [sflag:s23], $0x3200  }
0x3dd: {  	[sflag:s23] =	ssyncset.done $0x0  }
0x3de: {  	[sflag:s23] =	ssyncadd.s32 $0xFFFFCE00  }
0x3df: {  	_ =	swait.ge [sflag:s5], $0x3200  }
0x3e0: {  	[sflag:s5] =	ssyncset.done $0x0  }
0x3e1: {  	[sflag:s5] =	ssyncadd.s32 $0xFFFFCE00  }
0x3e2: {  	_ =	swait.ge [sflag:s9], $0x3200  }
0x3e3: {  	[sflag:s9] =	ssyncset.done $0x0  }
0x3e4: {  	[sflag:s9] =	ssyncadd.s32 $0xFFFFCE00  }
0x3e5: {  	_ =	swait.ge [sflag:s10], $0x3200  }
0x3e6: {  	s11 =	rddreg [dreg:$0xe]  }
0x3e7: {  	s20 =	rddreg [dreg:$0xd];
	s11 =	sadd.s32 $0x1, s11  }
0x3e8: {  	p0 =	sne.s32 s11, s20  }
.Ltmp13:
0x3e9: {  	_ = 	snop;
	(pc) =	sbr.rel @p0 .LBB2_1-.Ltmp13, $3  }
0x3ea: {  	_ =	sdelay $0x1  }
0x3eb: {  	[sflag:s10] =	ssyncset.done $0x0  }
0x3ec: {  	[sflag:s10] =	ssyncadd.s32 $0xFFFFCE00  }
0x3ed: {  	_ =	sfence.sel $0x180000  }
0x3ee: {  	[bflag:$0x0] =	sbarrier.arrive $0xFFFF  }
0x3ef: {  	_ =	strace $0x90000047  }
0x3f0: {  	s0 =	stileid.u32;
	[bflag:$0x2] =	sbarrier.arrive $0xFFFF  }
0x3f1: {  	p0 =	sne.s32 s0, $0x0;
	s0 =	rddreg [dreg:$0x2]  }
0x3f2: {  	s0 =	sadd.s32 @!p0 $0x100000, s0  }
0x3f3: {  	[sflag:s0] =	ssyncadd.tile.s32 @!p0 $0x1;
	_ =	shalt  }
.Lfunc_end2:
_tile_overlayer_lowered:
.L_overlay_start_2:
0x3f4: {  	(tag) =	ssettag $0x2  }
0x3f5: {  	s0 =	rddreg [dreg:$0x0];
	s2 =	stileid.u32  }
0x3f6: {  	s1 =	rddreg [dreg:$0x1];
	p0 =	sne.s32 s2, $0x0  }
0x3f7: {  	s3 =	rddreg [dreg:$0x2];
	[bflag:$0x3] =	sbarrier.arrive $0xFFFF;
	s2 =	simm.s32 @!p0 $0x1C09  }
0x3f8: {  	[timem:s3], [sflag:s2] =	dma.local @!p0 [hbm:s0], s1  }
0x3f9: {  	s0 =	simm.s32 @!p0 $0x9  }
0x3fa: {  	_ =	swait.ge @!p0 [sflag:s0], s1  }
0x3fb: {  	s1 =	ssub.s32 @!p0 $0x0, s1;
	[sflag:s0] =	ssyncset.done @!p0 $0x0  }
0x3fc: {  	[sflag:s0] =	ssyncadd.s32 @!p0 s1  }
0x3fd: {  	[bflag:$0x3] =	sbarrier.arrive $0xFFFF  }
0x3fe: {  	_ =	shalt  }

// kernel: sparse-core-data-format-call.cloned.1.call-start
scs
called_computation_lowered:
.L_overlay_start_0:
0x0: {  	s2 =	sld [smem:$0x3FD9]  }
0x1: {  	s3 =	sld [smem:$0x3FFE];
	_ =	sdelay $0x1  }
0x2: {  	s1 =	srdreg.scid  }
0x3: {  	s0 =	sand.u32 $0x1, s1  }
0x4: {  	s18 =	sshll.u32 s0, $0xA;
	s2 =	sadd.s32 s3, s2  }
0x5: {  	s2 =	sadd.s32 s2, s18  }
0x6: {  	[smem:$0x3FC5] =	sst s2  }
0x7: {  	_ = 	snop  }
0x8: {  	s2 =	sld [smem:$0x3FD0];
	(tm) =	ssettm $0x1  }
0x9: {  	s19 =	sld [smem:$0x3FFB];
	_ =	sdelay $0x3  }
0xa: {  	_ =	strace s19  }
0xb: {  	s3 =	sld [smem:$0x3FFC];
	_ =	sdelay $0x3  }
0xc: {  	_ =	strace s3  }
0xd: {  	s3 =	sld [smem:$0x3FFD];
	_ =	sdelay $0x3  }
0xe: {  	_ =	strace s3  }
0xf: {  	_ =	strace $0x8FFFFFFF  }
0x10: {  	s20 =	sld [smem:$0x3FDB];
	_ =	sdelay $0x1  }
0x11: {  	s4 =	simm.s32 $_scs_section_size  }
0x12: {  	s5 =	simm.s32 $_size__tile_overlayer_lowered;
	s6 =	simm.s32 $_tile_overlayer_lowered  }
0x13: {  	s23 =	simm.s32 $0x1BFF;
	s22 =	sshll.u32 s6, $0x1;
	s3 =	sadd.s32 s4, s20  }
0x14: {  	s7 =	simm.s32 $0x0;
	s21 =	sshll.u32 s5, $0x1;
	s5 =	sadd.s32 s22, s3  }
0x15: {  	[timem:s7], [sflag:s23] =	dma.local [hbm:s5], s21  }
0x16: {  	_ =	swait.ge [sflag:s23], s21  }
0x17: {  	s4 =	ssub.s32 $0x0, s21;
	[sflag:s23] =	ssyncset.done $0x0  }
0x18: {  	[sflag:s23] =	ssyncadd.s32 s4;
	_ =	sdelay $0x1  }
0x19: {  	s24 =	simm.s32 $0x1B8B  }
0x1a: {  	_ =	swait.ge [sflag:s24], $0x1  }
0x1b: {  	[sflag:s24] =	ssyncset.done $0x0  }
0x1c: {  	s26 =	simm.s32 $0x1B8E;
	s25 =	sld [smem:$0x3FFE];
	[sflag:s24] =	ssyncadd.s32 $0xFFFFFFFF  }
0x1d: {  	s27 =	simm.s32 $execute0_lowered;
	[smem:$0x3FD2] =	sst s26  }
0x1e: {  	s5 =	sshll.u32 s27, $0x1;
	_ =	strace $0x80000049;
	[dreg:$0x1] =	wrdreg $0xFFFFFFFF  }
0x1f: {  	s28 =	simm.s32 $_size_execute0_lowered;
	s3 =	sadd.s32 s3, s5;
	[dreg:$0x0] =	wrdreg $0x0  }
0x20: {  	s5 =	sshll.u32 s28, $0x1;
	[dreg:$0x2] =	wrdreg s3  }
0x21: {  	[dreg:$0x3] =	wrdreg s5  }
0x22: {  	[dreg:$0x4] =	wrdreg $0xC0  }
0x23: {  	_ =	task [dreg:s7], $0x5FFFF  }
0x24: {  	[dreg:$0x1] =	wrdreg $0xFFFFFFFF  }
0x25: {  	[dreg:$0x0] =	wrdreg $0x60  }
0x26: {  	[dreg:$0x2] =	wrdreg s25  }
0x27: {  	[dreg:$0x3] =	wrdreg s2  }
0x28: {  	[dreg:$0x4] =	wrdreg $0x9  }
0x29: {  	_ =	task.clear_ibuf [dreg:s7], $0x5FFFF;
	_ =	strace $0x90000049  }
0x2a: {  	s29 =	simm.s32 $0x9;
	_ =	strace $0x8000004B  }
0x2b: {  	_ =	swait.ge [sflag:s29], $0x1  }
0x2c: {  	[sflag:s29] =	ssyncadd.s32 $0xFFFFFFFF  }
0x2d: {  	_ =	strace $0x9000004B  }
0x2e: {  	_ =	sfence  }
0x2f: {  	s30 =	sld [smem:$0x0];
	_ =	sdelay $0x2  }
0x30: {  	s31 =	sshll.u32 s1, $0xD;
	s1 =	sshrl.u32 s1, $0x2  }
0x31: {  	s3 =	sand.u32 $0x4000, s31;
	s1 =	sadd.s32 s1, s30  }
0x32: {  	s0 =	sor.u32 s3, s0;
	s1 =	sshll.u32 s1, $0x11  }
0x33: {  	s0 =	sor.u32 s1, s0  }
0x34: {  	s0 =	sadd.s32 $0x8F2B, s0  }
0x35: {  	[sflag:s0] =	ssyncadd.remote.s32 $0x1  }
0x36: {  	_ =	sfence.sel $0xFFFF  }
0x37: {  	[dreg:$0x0] =	wrdreg $0xFFFFFFFF;
	(pc) =	sbr.abs _section_cstart, $3  }
0x38: {  	[dreg:$0x1] =	wrdreg $0xFFFFFFFF  }
0x39: {  	_ =	task.clear_ibuf [dreg:s7], $0x2FFFF;
	_ =	strace $0x9FFFFFFF  }
0x3a: {  	(tm) =	ssettm $0x7FFFFFFF  }
0x3b: {  	_ =	shalt  }
tec
execute0_lowered:
.L_overlay_start_1:
0x0: {  	(tag) =	ssettag $0x1  }
0x1: {  	s0 =	srdreg.scid  }
0x2: {  	s1 =	sshll.u32 s0, $0x4  }
0x3: {  	s0 =	stileid.u32;
	s1 =	sand.u32 $0x10, s1  }
0x4: {  	s1 =	sor.u32 s0, s1  }
0x5: {  	s6 =	rddreg [dreg:$0x0];
	s4 =	simm.s32 $0x1;
	s2 =	sshll.u32 s1, $0x7  }
0x6: {  	s7 =	simm.s32 $0x2;
	s12 =	simm.s32 $0x0;
	s1 =	ssub.s32 $0x1000, s2  }
0x7: {  	s8 =	simm.s32 $0x8000;
	s13 =	simm.s32 $0x0;
	s3 =	sand.u32 $0xF80, s1  }
0x8: {  	s9 =	simm.s32 $0x0;
	s5 =	sshrl.u32 s1, $0xC;
	p0 =	sne.s32 s3, $0x0  }
.Ltmp0:
0x9: {  	s1 =	rddreg [dreg:$0x2];
	s4 =	simm.s32 @!p0 $0x0;
	(pc) =	sbr.rel .LBB1_1-.Ltmp0, $4  }
0xa: {  	s11 =	simm.s32 $0x0;
	s3 =	rddreg [dreg:$0x1];
	s5 =	sadd.s32 s4, s5  }
0xb: {  	_ =	strace $0x8000004A;
	s4 =	simm.s32 $0x1;
	s5 =	smul.u32 $0xC8, s5  }
0xc: {  	s6 =	sadd.s32 $0xC00, s6;
	s10 =	smov.u32 s2;
	[sflag:s4] =	ssyncpa.u1 $0x0  }
0xd: {  	p0 =	por $0x0, $0x0;
	[sflag:s7] =	ssyncpa.u1 $0x0;
	s7 =	sor.u32 $0x1, s5  }
.LBB1_4:
0xe: {  	s16 =	sshll.u32 s13, $0x3;
	s17 =	sand.u32 $0x78, s13  }
0xf: {  	s30 =	sand.u32 $0x7E00, s13;
	s12 =	sshll.u32 s12, $0xF;
	s16 =	sand.u32 $0xC00, s16  }
0x10: {  	[tilespmem:s15+$0x810 ss:$0x81] =	vst.msk $0xffff, v2;
	s31 =	sand.u32 $0x7, s13;
	s16 =	sor.u32 s17, s16;
	s17 =	sadd.s32 s3, s30  }
0x11: {  	[tilespmem:s15+$0x1020 ss:$0x81] =	vst.msk $0xffff, v0;
	s13 =	sshll.u32 s31, $0x12;
	s12 =	sadd.s32 s12, s17;
	s16 =	sshrl.u32 s16, $0x3  }
0x12: {  	[tilespmem:s15+$0x0 ss:$0x81] =	vst.msk $0xffff, v1;
	s13 =	sor.u32 $0x400, s13;
	s12 =	sadd.s32 s16, s12  }
0x13: {  	[hbm4b:s12+s13] =	stream.strided.scatter [tilespmem:s14], [sflag:$0x2], $0x2000, s8, s13, $0x20;
	[tilespmem:$0x8080] =	vst v63  }
.LBB1_5:
0x14: {  	s14 =	sadd.s32 $0x1, s9  }
0x15: {  	s12 =	sadd.s32 $0x1000, s10;
	s16 =	smov.u32 s10;
	p2 =	sgt.s32 s14, $0xC7  }
0x16: {  	s16 =	smov.u32 @p2 s12  }
0x17: {  	s14 =	simm.s32 @p2 $0x0;
	p2 =	sgt.s32 s16, $0xFFF  }
0x18: {  	s16 =	smov.u32 @p2 s2;
	p2 =	sne.s32 s11, s7  }
.Ltmp1:
0x19: {  	p1 =	slt.u32 s11, $0x2;
	(pc) =	sbr.rel @!p2 .LBB1_6-.Ltmp1, $4  }
0x1a: {  	s15 =	simm.s32 @!p1 $0x2  }
0x1b: {  	s13 =	smov.u32 s10;
	p0 =	por !p0, !p0;
	_ =	swait.ge @!p1 [sflag:s15], $0x2000  }
0x1c: {  	s12 =	smov.u32 s9;
	[sflag:s15] =	ssyncset.done @!p1 $0x0;
	s9 =	smov.u32 s14  }
0x1d: {  	s11 =	sadd.s32 $0x1, s11;
	[sflag:s15] =	ssyncadd.s32 @!p1 $0xFFFFE000;
	s10 =	smov.u32 s16  }
.LBB1_1:
0x1e: {  	p1 =	sge.u32 s11, s5  }
0x1f: {  	s14 =	sand.u32 @!p1 $0x1FFFFFF, s9  }
0x20: {  	s15 =	smulhi.u32 @!p1 $0x147AE15, s14;
	_ =	sdelay $0x1  }
0x21: {  	s15 =	smul.u32 @!p1 $0xC8, s15  }
0x22: {  	s16 =	sxor.u32 @!p1 $0xFFFFFFFF, s11;
	s17 =	smul.u32 @!p1 $0xC80, s10  }
0x23: {  	s31 =	sadd.s32 $0xFFFFFFFF, s11;
	s16 =	sshll.u32 @!p1 s16, $0xD;
	s14 =	ssub.s32 @!p1 s14, s15  }
0x24: {  	s15 =	sand.u32 @!p1 $0x2000, s16;
	s16 =	sadd.s32 @!p1 s6, s17;
	s14 =	sshll.u32 @!p1 s14, $0x4  }
0x25: {  	s17 =	simm.s32 @!p1 $0x6400;
	s14 =	sadd.s32 @!p1 s14, s16;
	s16 =	simm.s32 @!p1 $0x40  }
0x26: {  	[tilespmem:s15], [sflag:$0x1] =	stream.strided.gather @!p1 [hbm4b:s14+s16], $0x2000, s17, s16, $0x38;
	[tilespmem:$0x8080] =	vst v63  }
0x27: {  	p1 =	sge.u32 s31, s5  }
.Ltmp2:
0x28: {  	_ = 	snop;
	(pc) =	sbr.rel @p1 .LBB1_5-.Ltmp2, $1  }
0x29: {  	_ =	sdelay $0x3  }
0x2a: {  	s14 =	simm.s32 $0x1  }
0x2b: {  	_ =	swait.ge [sflag:s4], $0x2000;
	s14 =	simm.s32 @!p0 $0x0  }
0x2c: {  	[sflag:s4] =	ssyncset.done $0x0;
	s15 =	sshll.u32 s14, $0xD  }
0x2d: {  	[sflag:s4] =	ssyncadd.s32 $0xFFFFE000;
	s18 =	sor.u32 $0x20, s15  }
0x2e: {  	s14 =	smul.u32 $0x8100, s14;
	v3 =	vld [tilespmem:s18+$0x10]  }
0x2f: {  	s30 =	sand.u32 $0x1, s11;
	v2 =	vld [tilespmem:s18+$0xFFFFFFF0]  }
0x30: {  	s15 =	smul.u32 $0x8100, s30;
	s14 =	sshrl.u32 s14, $0x2;
	v0 =	vld [tilespmem:s18+$0x0]  }
0x31: {  	v1 =	vld [tilespmem:s18+$0xFFFFFFE0];
	s16 =	sor.u32 $0x4000, s14  }
0x32: {  	s31 =	sshrl.u32 s15, $0x2;
	s15 =	sadd.s32 $0x0, s16  }
0x33: {  	s17 =	simm.s32 $0x4;
	s18 =	sadd.s32 $0x40, s18;
	s14 =	sor.u32 $0x4000, s31;
	[tilespmem:s15+$0x1830 ss:$0x81] =	vst.msk $0xffff, v3  }
.LBB1_3:
0x34: {  	v3 =	vld [tilespmem:s18+$0x10];
	p1 =	sne.s32 s17, $0x1FC;
	[tilespmem:s15+$0x810 ss:$0x81] =	vst.msk $0xffff, v2;
	s19 =	smov.u32 s17;
	s17 =	sadd.s32 $0x4, s17  }
.Ltmp3:
0x35: {  	v2 =	vld [tilespmem:s18+$0xFFFFFFF0];
	[tilespmem:s15+$0x1020 ss:$0x81] =	vst.msk $0xffff, v0;
	(pc) =	sbr.rel @p1 .LBB1_3-.Ltmp3, $4  }
0x36: {  	v0 =	vld [tilespmem:s18+$0x0];
	[tilespmem:s15+$0x0 ss:$0x81] =	vst.msk $0xffff, v1  }
0x37: {  	s15 =	sshra.s32 s19, $0x2;
	v1 =	vld [tilespmem:s18+$0xFFFFFFE0]  }
0x38: {  	s15 =	sadd.s32 s15, s16  }
0x39: {  	s18 =	sadd.s32 $0x40, s18;
	[tilespmem:s15+$0x1830 ss:$0x81] =	vst.msk $0xffff, v3  }
.Ltmp4:
0x3a: {  	_ = 	snop;
	(pc) =	sbr.rel .LBB1_4-.Ltmp4, $1  }
0x3b: {  	_ =	sdelay $0x3  }
.LBB1_6:
0x3c: {  	_ =	sfence.sel $0x180000  }
0x3d: {  	s2 =	simm.s32 $0x1;
	[bflag:$0x0] =	sbarrier.arrive $0xFFFF  }
0x3e: {  	s31 =	simm.s32 $0x2;
	[sflag:s2] =	ssyncpa.u1 $0x1  }
0x3f: {  	[sflag:s31] =	ssyncpa.u1 $0x1  }
0x40: {  	p0 =	sne.s32 s0, $0x0;
	_ =	strace $0x9000004A  }
0x41: {  	s0 =	sadd.s32 @!p0 $0x100000, s1;
	[bflag:$0x2] =	sbarrier.arrive $0xFFFF  }
0x42: {  	[sflag:s0] =	ssyncadd.tile.s32 @!p0 $0x1;
	_ =	shalt  }
.Lfunc_end1:
_tile_overlayer_lowered:
.L_overlay_start_2:
0x43: {  	(tag) =	ssettag $0x2  }
0x44: {  	s0 =	rddreg [dreg:$0x0];
	s2 =	stileid.u32  }
0x45: {  	s1 =	rddreg [dreg:$0x1];
	p0 =	sne.s32 s2, $0x0  }
0x46: {  	s3 =	rddreg [dreg:$0x2];
	[bflag:$0x3] =	sbarrier.arrive $0xFFFF;
	s2 =	simm.s32 @!p0 $0x1C01  }
0x47: {  	[timem:s3], [sflag:s2] =	dma.local @!p0 [hbm:s0], s1  }
0x48: {  	s0 =	simm.s32 @!p0 $0x1  }
0x49: {  	_ =	swait.ge @!p0 [sflag:s0], s1  }
0x4a: {  	s1 =	ssub.s32 @!p0 $0x0, s1;
	[sflag:s0] =	ssyncset.done @!p0 $0x0  }
0x4b: {  	[sflag:s0] =	ssyncadd.s32 @!p0 s1  }
0x4c: {  	[bflag:$0x3] =	sbarrier.arrive $0xFFFF  }
0x4d: {  	_ =	shalt  }

</sc_bundles>
